<compile_context>
chip_gen: v7x
topology: tpu7x:2x2x1
jax: 0.10.2.dev20260603
libtpu: 0.0.44.dev20260713+nightly
codegen_flags: <defaults>
</compile_context>

<pallas_src>
import functools

import jax
import jax.numpy as jnp
from jax import lax
from jax.experimental import pallas as pl
from jax.experimental.pallas import tpu as pltpu
from jax.experimental.pallas import tpu_sc as plsc

NUM_ITEMS = 100000
D = 256
K = 100
B = 1024
NPAD = 100352
NT = 2048
BT = 8

_sc_info = plsc.get_sparse_core_info()
_NW = _sc_info.num_cores * _sc_info.num_subcores


def _make_sc_gather(nrows, chunk):
  assert nrows % (8 * _NW) == 0
  b_per_w = nrows // _NW
  assert b_per_w % chunk == 0
  nchunks = b_per_w // chunk
  mesh = plsc.VectorSubcoreMesh(core_axis_name="c", subcore_axis_name="s")

  @functools.partial(
      pl.kernel,
      mesh=mesh,
      out_type=jax.ShapeDtypeStruct((nrows, D), jnp.float32),
      scratch_types=[
          pltpu.VMEM((chunk,), jnp.int32),
          pltpu.VMEM((chunk, D), jnp.float32),
          pltpu.SemaphoreType.DMA,
      ],
  )
  def gather_kernel(table_hbm, idx_hbm, out_hbm, idx_v, rows_v, sem):
    wid = lax.axis_index("s") * _sc_info.num_cores + lax.axis_index("c")
    base = wid * b_per_w
    for c in range(nchunks):
      off = base + c * chunk
      pltpu.sync_copy(idx_hbm.at[pl.ds(off, chunk)], idx_v)
      pltpu.async_copy(table_hbm.at[idx_v], rows_v, sem).wait()
      pltpu.sync_copy(rows_v, out_hbm.at[pl.ds(off, chunk)])

  return gather_kernel


_gather_z = _make_sc_gather(B, 32)
_gather_nn = _make_sc_gather(B * K, 128)


def _dist_kernel(z_ref, lat_ref, out_ref):
  z = z_ref[...]
  latt = lat_ref[...]
  z2 = jnp.sum(z * z, axis=1, keepdims=True)
  l2 = jnp.sum(latt * latt, axis=1)[None, :]
  mm = lax.dot_general(z, latt, (((1,), (1,)), ((), ())),
                       preferred_element_type=jnp.float32)
  out_ref[...] = z2 + l2 - 2.0 * mm


def _distances(z, lat_pad):
  grid = NPAD // NT
  return pl.pallas_call(
      _dist_kernel,
      grid=(grid,),
      in_specs=[
          pl.BlockSpec((B, D), lambda j: (0, 0)),
          pl.BlockSpec((NT, D), lambda j: (j, 0)),
      ],
      out_specs=pl.BlockSpec((B, NT), lambda j: (0, j)),
      out_shape=jax.ShapeDtypeStruct((B, NPAD), jnp.float32),
  )(z, lat_pad)


_NSEL = K + 1


_G = NPAD // 128


def _topk_kernel(d_ref, out_ref, s3_ref):
  d3 = d_ref[...].reshape(BT, _G, 128)
  s3_ref[...] = d3
  gm0 = jnp.min(d3, axis=2)
  giota = lax.broadcasted_iota(jnp.int32, (BT, _G), 1)
  lane = lax.broadcasted_iota(jnp.int32, (BT, 128), 1)
  lane1 = lax.broadcasted_iota(jnp.int32, (1, 128), 1)
  rowi = lax.broadcasted_iota(jnp.int32, (BT, 1), 0)

  def body(k, carry):
    gm, acc = carry
    m = jnp.min(gm, axis=1, keepdims=True)
    gi = jnp.min(jnp.where(gm <= m, giota, _G), axis=1, keepdims=True)
    li_all = jnp.zeros((BT, 1), jnp.int32)
    ngm_all = jnp.zeros((BT, 1), jnp.float32)
    for r in range(BT):
      gir = gi[r, 0]
      slab = s3_ref[r, pl.ds(gir, 1), :]
      mv = jnp.min(slab, axis=1, keepdims=True)
      li = jnp.min(jnp.where(slab <= mv, lane1, 128), axis=1, keepdims=True)
      ns = jnp.where(lane1 == li, jnp.inf, slab)
      s3_ref[r, pl.ds(gir, 1), :] = ns
      nm = jnp.min(ns, axis=1, keepdims=True)
      rsel = rowi == r
      li_all = jnp.where(rsel, jnp.broadcast_to(li, (BT, 1)), li_all)
      ngm_all = jnp.where(rsel, jnp.broadcast_to(nm, (BT, 1)), ngm_all)
    gm = jnp.where(giota == gi, ngm_all, gm)
    gidx = gi * 128 + li_all
    acc = jnp.where(lane == k, jnp.broadcast_to(gidx, (BT, 128)), acc)
    return gm, acc

  _, acc = lax.fori_loop(
      0, _NSEL, body, (gm0, jnp.zeros((BT, 128), jnp.int32)))
  out_ref[...] = acc


def _topk(d2):
  grid = B // BT
  return pl.pallas_call(
      _topk_kernel,
      grid=(grid,),
      in_specs=[pl.BlockSpec((BT, NPAD), lambda i: (i, 0))],
      out_specs=pl.BlockSpec((BT, 128), lambda i: (i, 0)),
      out_shape=jax.ShapeDtypeStruct((B, 128), jnp.int32),
      scratch_shapes=[pltpu.VMEM((BT, _G, 128), jnp.float32)],
  )(d2)


def _tail_kernel(s_ref, z_ref, t_ref, f_ref, out_ref):
  z = z_ref[...]
  t = t_ref[...]
  f = f_ref[...]
  s_all = s_ref[...]
  smax = jnp.max(s_all, axis=1)
  smin = jnp.min(s_all, axis=1)
  diff = smax - smin
  zp = z + t * diff / 16.0 * f

  rowi = lax.broadcasted_iota(jnp.int32, (1, K, K + 1), 1)
  lanei = lax.broadcasted_iota(jnp.int32, (1, K, K + 1), 2)

  augs = []
  for i in range(BT):
    srow = s_all[i]
    g = lax.dot_general(srow, srow, (((1,), (1,)), ((), ())),
                        preferred_element_type=jnp.float32)
    zpi = zp[i][None, :]
    rhs = lax.dot_general(srow, zpi, (((1,), (1,)), ((), ())),
                          preferred_element_type=jnp.float32)
    augs.append(jnp.concatenate([g, rhs], axis=1)[None])
  a0 = jnp.concatenate(augs, axis=0)

  def gj_step(j, a):
    rmask = (rowi == j).astype(jnp.float32)
    lmask = (lanei == j).astype(jnp.float32)
    r = jnp.sum(a * rmask, axis=1, keepdims=True)
    pivot = jnp.sum(r * lmask[:, 0:1, :], axis=2, keepdims=True)
    rn = r / pivot
    c = jnp.sum(a * lmask, axis=2, keepdims=True)
    return a - c * rn + rmask * rn

  a = lax.fori_loop(0, K, gj_step, a0)
  w = jnp.sum(a * (lanei == K).astype(jnp.float32), axis=2, keepdims=True)
  for i in range(BT):
    outrow = lax.dot_general(w[i], s_all[i], (((0,), (0,)), ((), ())),
                             preferred_element_type=jnp.float32)
    out_ref[i, :] = outrow[0]


def _tail(s, z, t, f):
  grid = B // BT
  return pl.pallas_call(
      _tail_kernel,
      grid=(grid,),
      in_specs=[
          pl.BlockSpec((BT, K, D), lambda i: (i, 0, 0)),
          pl.BlockSpec((BT, D), lambda i: (i, 0)),
          pl.BlockSpec((BT, D), lambda i: (i, 0)),
          pl.BlockSpec((BT, D), lambda i: (i, 0)),
      ],
      out_specs=pl.BlockSpec((BT, D), lambda i: (i, 0)),
      out_shape=jax.ShapeDtypeStruct((B, D), jnp.float32),
  )(s, z, t, f)


def kernel(latents, idx):
  idx = idx.astype(jnp.int32)
  lat_pad = jnp.pad(latents, ((0, NPAD - NUM_ITEMS), (0, 0)),
                    constant_values=1000.0)

  rk = jax.random.key(42)
  rk1, rk2 = jax.random.split(rk)
  flip = (jnp.where(jax.random.uniform(rk1, (B, D)) > 0.5, 1.0, 0.0) - 0.5) * 2.0
  tscale = 10.0 + jax.random.uniform(rk2, (B, D)) * 1.2

  z = _gather_z(latents, idx)
  d2 = _distances(z, lat_pad)
  sel = _topk(d2)
  nn_idx = sel[:, 1:_NSEL]
  s_flat = _gather_nn(latents, nn_idx.reshape(-1))
  s = s_flat.reshape(B, K, D)
  return _tail(s, z, tscale, flip)

# --- scband reference (transcript-rebuilt; emitter-appended) ---
"""Pipeline reference for scband-siren-implicit-gan-66941360276143 (READ-ONLY COPY).

The authoritative reference and input builder live on the scoring server;
editing this copy changes nothing except your own understanding.
"""

import jax, jax.numpy as jnp
import numpy as np

NUM_ITEMS = 100000
LATENT_DIM = 256
MANIFOLD_K = 100
BATCH = 1024


def setup_inputs(seed: int = 0) -> dict:
    key = jax.random.key(seed)
    k1, k2 = jax.random.split(key)
    # nn.Embedding weight initialized as randn * 0.01 in the torch module
    latents = jax.random.normal(k1, (NUM_ITEMS, LATENT_DIM), dtype=jnp.float32) * 0.01
    idx = jax.random.randint(k2, (BATCH,), 0, NUM_ITEMS, dtype=jnp.int64 if jax.config.jax_enable_x64 else jnp.int32)
    return {"latents": latents, "idx": idx}


def reference(latents, idx):
    # z = self.latents(idx)
    z = jnp.take(latents, idx, axis=0)  # [B, D]
    # pairwise fro-norm distances ||z_i - latents_j|| (math identical to torch.norm(diff, 'fro', -1))
    z2 = jnp.sum(z * z, axis=1, keepdims=True)          # [B, 1]
    l2 = jnp.sum(latents * latents, axis=1)[None, :]     # [1, N]
    d2 = z2 + l2 - 2.0 * (z @ latents.T)                 # [B, N]
    dist = jnp.sqrt(jnp.maximum(d2, 0.0))
    # topk(..., 101, largest=False) -> smallest distances via top_k of negative
    _, nn_idx = jax.lax.top_k(-dist, MANIFOLD_K + 1)     # [B, K+1]
    nn_idx = nn_idx[:, 1:]                               # drop self
    # latents_select = torch.gather(latents, 0, idx_expanded)
    latents_select = jnp.take(latents, nn_idx, axis=0)   # [B, K, D]
    latents_max = latents_select.max(axis=1)
    latents_min = latents_select.min(axis=1)
    latents_diff = latents_max - latents_min             # [B, D]
    # deterministic stand-ins for rand_like noise
    rk = jax.random.key(42)
    rk1, rk2 = jax.random.split(rk)
    flip_mask = (jnp.where(jax.random.uniform(rk1, z.shape) > 0.5, 1.0, 0.0) - 0.5) * 2.0
    z_perturb = z + (10.0 + jax.random.uniform(rk2, z.shape) * 1.2) * latents_diff / 16.0 * flip_mask
    # weights = (S S^T)^{-1} (S z_perturb); latents_linear = (weights * S).sum(1)
    dot_matrix = jnp.einsum('bkd,bjd->bkj', latents_select, latents_select)  # [B, K, K]
    latents_map = jnp.einsum('bkd,bd->bk', latents_select, z_perturb)[..., None]  # [B, K, 1]
    dot_matrix_inv = jnp.linalg.inv(dot_matrix)
    weights = jnp.matmul(dot_matrix_inv, latents_map)    # [B, K, 1]
    latents_linear = (weights * latents_select).sum(axis=1)  # [B, D]
    return latents_linear

if __name__ == "__main__":
    import jax
    _d = setup_inputs()
    print(jax.jit(kernel)(*tuple(_d.values())))

</pallas_src>

<mosaic_0001>
#map = affine_map<(d0, d1) -> (0, 0)>
#map1 = affine_map<(d0, d1) -> (0)>
module attributes {stable_mosaic.version = 14 : i64} {
  func.func @gather_kernel(%arg0: i32, %arg1: i32, %arg2: memref<100000x256xf32, #tpu.memory_space<hbm>>, %arg3: memref<1024xi32, #tpu.memory_space<hbm>>, %arg4: memref<1024x256xf32, #tpu.memory_space<hbm>>, %arg5: memref<32xi32, #tpu.memory_space<vmem>>, %arg6: memref<32x256xf32, #tpu.memory_space<vmem>>, %arg7: memref<!tpu.dma_semaphore, #tpu.memory_space<semaphore_mem>>) attributes {dimension_semantics = [#tpu.dimension_semantics<core_parallel>, #tpu.dimension_semantics<subcore_parallel>], iteration_bounds = array<i64: 2, 16>, scalar_prefetch = 0 : i64, scratch_operands = 3 : i64, tpu.core_type = #tpu.core_type<sc_vector_subcore>, window_params = [{transform_indices = #map}, {transform_indices = #map1}, {transform_indices = #map}]} {
    %mul3A = arith.constant 2 : i32
    %mul3A_0 = arith.muli %arg1, %mul3A : i32
    %add3A = arith.addi %mul3A_0, %arg0 : i32
    %mul3A_1 = arith.constant 32 : i32
    %mul3A_2 = arith.muli %add3A, %mul3A_1 : i32
    %add3A_3 = arith.constant 0 : i32
    %add3A_4 = arith.addi %mul3A_2, %add3A_3 : i32
    "tpu.region"() ({
      %run_scoped3A = tpu.sem_alloc : memref<!tpu.dma_semaphore, #tpu.memory_space<semaphore_mem>>
      %dma_start3A_9 = tpu.memref_slice %arg3[%add3A_4] : memref<1024xi32, #tpu.memory_space<hbm>> -> memref<32xi32, #tpu.memory_space<hbm>>
      %dma_start3A_10 = tpu.memref_slice %arg3[%add3A_4] : memref<1024xi32, #tpu.memory_space<hbm>> -> memref<32xi32, #tpu.memory_space<hbm>>
      tpu.enqueue_dma source(%dma_start3A_10 : memref<32xi32, #tpu.memory_space<hbm>>) target(%arg5 : memref<32xi32, #tpu.memory_space<vmem>>) target_semaphore(%run_scoped3A : memref<!tpu.dma_semaphore, #tpu.memory_space<semaphore_mem>>)
      %dma_wait3A_11 = tpu.memref_slice %arg3[%add3A_4] : memref<1024xi32, #tpu.memory_space<hbm>> -> memref<32xi32, #tpu.memory_space<hbm>>
      %dma_wait3A_12 = tpu.memref_slice %arg3[%add3A_4] : memref<1024xi32, #tpu.memory_space<hbm>> -> memref<32xi32, #tpu.memory_space<hbm>>
      tpu.wait_dma2 semaphore(%run_scoped3A : memref<!tpu.dma_semaphore, #tpu.memory_space<semaphore_mem>>) src(%dma_wait3A_12 : memref<32xi32, #tpu.memory_space<hbm>>) dst(%arg5 : memref<32xi32, #tpu.memory_space<vmem>>)
      tpu.yield
    }) : () -> ()
    %dma_start3A = arith.constant 0 : i32
    %dma_start3A_5 = arith.constant 0 : i32
    %dma_start3A_6 = tpu.memref_slice %arg2[%dma_start3A, %dma_start3A_5] : memref<100000x256xf32, #tpu.memory_space<hbm>> -> memref<100000x256xf32, #tpu.memory_space<hbm>>
    tpu.enqueue_indirect_dma source(%dma_start3A_6 : memref<100000x256xf32, #tpu.memory_space<hbm>>) target(%arg6 : memref<32x256xf32, #tpu.memory_space<vmem>>) offsets(%arg5 : memref<32xi32, #tpu.memory_space<vmem>>) semaphore(%arg7 : memref<!tpu.dma_semaphore, #tpu.memory_space<semaphore_mem>>)
    %dma_wait3A = arith.constant 0 : i32
    %dma_wait3A_7 = arith.constant 0 : i32
    %dma_wait3A_8 = tpu.memref_slice %arg2[%dma_wait3A, %dma_wait3A_7] : memref<100000x256xf32, #tpu.memory_space<hbm>> -> memref<100000x256xf32, #tpu.memory_space<hbm>>
    tpu.wait_indirect_dma semaphore(%arg7 : memref<!tpu.dma_semaphore, #tpu.memory_space<semaphore_mem>>) src(%dma_wait3A_8 : memref<100000x256xf32, #tpu.memory_space<hbm>>) dst(%arg6 : memref<32x256xf32, #tpu.memory_space<vmem>>)
    "tpu.region"() ({
      %run_scoped3A = tpu.sem_alloc : memref<!tpu.dma_semaphore, #tpu.memory_space<semaphore_mem>>
      %dma_start3A_9 = arith.constant 0 : i32
      %dma_start3A_10 = tpu.memref_slice %arg4[%add3A_4, %dma_start3A_9] : memref<1024x256xf32, #tpu.memory_space<hbm>> -> memref<32x256xf32, #tpu.memory_space<hbm>>
      %dma_start3A_11 = arith.constant 0 : i32
      %dma_start3A_12 = tpu.memref_slice %arg4[%add3A_4, %dma_start3A_11] : memref<1024x256xf32, #tpu.memory_space<hbm>> -> memref<32x256xf32, #tpu.memory_space<hbm>>
      tpu.enqueue_dma source(%arg6 : memref<32x256xf32, #tpu.memory_space<vmem>>) target(%dma_start3A_12 : memref<32x256xf32, #tpu.memory_space<hbm>>) target_semaphore(%run_scoped3A : memref<!tpu.dma_semaphore, #tpu.memory_space<semaphore_mem>>)
      %dma_wait3A_13 = arith.constant 0 : i32
      %dma_wait3A_14 = tpu.memref_slice %arg4[%add3A_4, %dma_wait3A_13] : memref<1024x256xf32, #tpu.memory_space<hbm>> -> memref<32x256xf32, #tpu.memory_space<hbm>>
      %dma_wait3A_15 = arith.constant 0 : i32
      %dma_wait3A_16 = tpu.memref_slice %arg4[%add3A_4, %dma_wait3A_15] : memref<1024x256xf32, #tpu.memory_space<hbm>> -> memref<32x256xf32, #tpu.memory_space<hbm>>
      tpu.wait_dma2 semaphore(%run_scoped3A : memref<!tpu.dma_semaphore, #tpu.memory_space<semaphore_mem>>) src(%arg6 : memref<32x256xf32, #tpu.memory_space<vmem>>) dst(%dma_wait3A_16 : memref<32x256xf32, #tpu.memory_space<hbm>>)
      tpu.yield
    }) : () -> ()
    return
  }
}

#map = affine_map<(d0, d1) -> (0, 0)>
#map1 = affine_map<(d0, d1) -> (0)>
module attributes {stable_mosaic.version = 14 : i64} {
  func.func @gather_kernel(%arg0: i32, %arg1: i32, %arg2: memref<100000x256xf32, #tpu.memory_space<hbm>>, %arg3: memref<102400xi32, #tpu.memory_space<hbm>>, %arg4: memref<102400x256xf32, #tpu.memory_space<hbm>>, %arg5: memref<128xi32, #tpu.memory_space<vmem>>, %arg6: memref<128x256xf32, #tpu.memory_space<vmem>>, %arg7: memref<!tpu.dma_semaphore, #tpu.memory_space<semaphore_mem>>) attributes {dimension_semantics = [#tpu.dimension_semantics<core_parallel>, #tpu.dimension_semantics<subcore_parallel>], iteration_bounds = array<i64: 2, 16>, scalar_prefetch = 0 : i64, scratch_operands = 3 : i64, tpu.core_type = #tpu.core_type<sc_vector_subcore>, window_params = [{transform_indices = #map}, {transform_indices = #map1}, {transform_indices = #map}]} {
    %mul3A = arith.constant 2 : i32
    %mul3A_0 = arith.muli %arg1, %mul3A : i32
    %add3A = arith.addi %mul3A_0, %arg0 : i32
    %mul3A_1 = arith.constant 3200 : i32
    %mul3A_2 = arith.muli %add3A, %mul3A_1 : i32
    %add3A_3 = arith.constant 0 : i32
    %add3A_4 = arith.addi %mul3A_2, %add3A_3 : i32
    "tpu.region"() ({
      %run_scoped3A = tpu.sem_alloc : memref<!tpu.dma_semaphore, #tpu.memory_space<semaphore_mem>>
      %dma_start3A_201 = tpu.memref_slice %arg3[%add3A_4] : memref<102400xi32, #tpu.memory_space<hbm>> -> memref<128xi32, #tpu.memory_space<hbm>>
      %dma_start3A_202 = tpu.memref_slice %arg3[%add3A_4] : memref<102400xi32, #tpu.memory_space<hbm>> -> memref<128xi32, #tpu.memory_space<hbm>>
      tpu.enqueue_dma source(%dma_start3A_202 : memref<128xi32, #tpu.memory_space<hbm>>) target(%arg5 : memref<128xi32, #tpu.memory_space<vmem>>) target_semaphore(%run_scoped3A : memref<!tpu.dma_semaphore, #tpu.memory_space<semaphore_mem>>)
      %dma_wait3A_203 = tpu.memref_slice %arg3[%add3A_4] : memref<102400xi32, #tpu.memory_space<hbm>> -> memref<128xi32, #tpu.memory_space<hbm>>
      %dma_wait3A_204 = tpu.memref_slice %arg3[%add3A_4] : memref<102400xi32, #tpu.memory_space<hbm>> -> memref<128xi32, #tpu.memory_space<hbm>>
      tpu.wait_dma2 semaphore(%run_scoped3A : memref<!tpu.dma_semaphore, #tpu.memory_space<semaphore_mem>>) src(%dma_wait3A_204 : memref<128xi32, #tpu.memory_space<hbm>>) dst(%arg5 : memref<128xi32, #tpu.memory_space<vmem>>)
      tpu.yield
    }) : () -> ()
    %dma_start3A = arith.constant 0 : i32
    %dma_start3A_5 = arith.constant 0 : i32
    %dma_start3A_6 = tpu.memref_slice %arg2[%dma_start3A, %dma_start3A_5] : memref<100000x256xf32, #tpu.memory_space<hbm>> -> memref<100000x256xf32, #tpu.memory_space<hbm>>
    tpu.enqueue_indirect_dma source(%dma_start3A_6 : memref<100000x256xf32, #tpu.memory_space<hbm>>) target(%arg6 : memref<128x256xf32, #tpu.memory_space<vmem>>) offsets(%arg5 : memref<128xi32, #tpu.memory_space<vmem>>) semaphore(%arg7 : memref<!tpu.dma_semaphore, #tpu.memory_space<semaphore_mem>>)
    %dma_wait3A = arith.constant 0 : i32
    %dma_wait3A_7 = arith.constant 0 : i32
    %dma_wait3A_8 = tpu.memref_slice %arg2[%dma_wait3A, %dma_wait3A_7] : memref<100000x256xf32, #tpu.memory_space<hbm>> -> memref<100000x256xf32, #tpu.memory_space<hbm>>
    tpu.wait_indirect_dma semaphore(%arg7 : memref<!tpu.dma_semaphore, #tpu.memory_space<semaphore_mem>>) src(%dma_wait3A_8 : memref<100000x256xf32, #tpu.memory_space<hbm>>) dst(%arg6 : memref<128x256xf32, #tpu.memory_space<vmem>>)
    "tpu.region"() ({
      %run_scoped3A = tpu.sem_alloc : memref<!tpu.dma_semaphore, #tpu.memory_space<semaphore_mem>>
      %dma_start3A_201 = arith.constant 0 : i32
      %dma_start3A_202 = tpu.memref_slice %arg4[%add3A_4, %dma_start3A_201] : memref<102400x256xf32, #tpu.memory_space<hbm>> -> memref<128x256xf32, #tpu.memory_space<hbm>>
      %dma_start3A_203 = arith.constant 0 : i32
      %dma_start3A_204 = tpu.memref_slice %arg4[%add3A_4, %dma_start3A_203] : memref<102400x256xf32, #tpu.memory_space<hbm>> -> memref<128x256xf32, #tpu.memory_space<hbm>>
      tpu.enqueue_dma source(%arg6 : memref<128x256xf32, #tpu.memory_space<vmem>>) target(%dma_start3A_204 : memref<128x256xf32, #tpu.memory_space<hbm>>) target_semaphore(%run_scoped3A : memref<!tpu.dma_semaphore, #tpu.memory_space<semaphore_mem>>)
      %dma_wait3A_205 = arith.constant 0 : i32
      %dma_wait3A_206 = tpu.memref_slice %arg4[%add3A_4, %dma_wait3A_205] : memref<102400x256xf32, #tpu.memory_space<hbm>> -> memref<128x256xf32, #tpu.memory_space<hbm>>
      %dma_wait3A_207 = arith.constant 0 : i32
      %dma_wait3A_208 = tpu.memref_slice %arg4[%add3A_4, %dma_wait3A_207] : memref<102400x256xf32, #tpu.memory_space<hbm>> -> memref<128x256xf32, #tpu.memory_space<hbm>>
      tpu.wait_dma2 semaphore(%run_scoped3A : memref<!tpu.dma_semaphore, #tpu.memory_space<semaphore_mem>>) src(%arg6 : memref<128x256xf32, #tpu.memory_space<vmem>>) dst(%dma_wait3A_208 : memref<128x256xf32, #tpu.memory_space<hbm>>)
      tpu.yield
    }) : () -> ()
    %add3A_9 = arith.constant 128 : i32
    %add3A_10 = arith.addi %mul3A_2, %add3A_9 : i32
    "tpu.region"() ({
      %run_scoped3A = tpu.sem_alloc : memref<!tpu.dma_semaphore, #tpu.memory_space<semaphore_mem>>
      %dma_start3A_201 = tpu.memref_slice %arg3[%add3A_10] : memref<102400xi32, #tpu.memory_space<hbm>> -> memref<128xi32, #tpu.memory_space<hbm>>
      %dma_start3A_202 = tpu.memref_slice %arg3[%add3A_10] : memref<102400xi32, #tpu.memory_space<hbm>> -> memref<128xi32, #tpu.memory_space<hbm>>
      tpu.enqueue_dma source(%dma_start3A_202 : memref<128xi32, #tpu.memory_space<hbm>>) target(%arg5 : memref<128xi32, #tpu.memory_space<vmem>>) target_semaphore(%run_scoped3A : memref<!tpu.dma_semaphore, #tpu.memory_space<semaphore_mem>>)
      %dma_wait3A_203 = tpu.memref_slice %arg3[%add3A_10] : memref<102400xi32, #tpu.memory_space<hbm>> -> memref<128xi32, #tpu.memory_space<hbm>>
      %dma_wait3A_204 = tpu.memref_slice %arg3[%add3A_10] : memref<102400xi32, #tpu.memory_space<hbm>> -> memref<128xi32, #tpu.memory_space<hbm>>
      tpu.wait_dma2 semaphore(%run_scoped3A : memref<!tpu.dma_semaphore, #tpu.memory_space<semaphore_mem>>) src(%dma_wait3A_204 : memref<128xi32, #tpu.memory_space<hbm>>) dst(%arg5 : memref<128xi32, #tpu.memory_space<vmem>>)
      tpu.yield
    }) : () -> ()
    %dma_start3A_11 = arith.constant 0 : i32
    %dma_start3A_12 = arith.constant 0 : i32
    %dma_start3A_13 = tpu.memref_slice %arg2[%dma_start3A_11, %dma_start3A_12] : memref<100000x256xf32, #tpu.memory_space<hbm>> -> memref<100000x256xf32, #tpu.memory_space<hbm>>
    tpu.enqueue_indirect_dma source(%dma_start3A_13 : memref<100000x256xf32, #tpu.memory_space<hbm>>) target(%arg6 : memref<128x256xf32, #tpu.memory_space<vmem>>) offsets(%arg5 : memref<128xi32, #tpu.memory_space<vmem>>) semaphore(%arg7 : memref<!tpu.dma_semaphore, #tpu.memory_space<semaphore_mem>>)
    %dma_wait3A_14 = arith.constant 0 : i32
    %dma_wait3A_15 = arith.constant 0 : i32
    %dma_wait3A_16 = tpu.memref_slice %arg2[%dma_wait3A_14, %dma_wait3A_15] : memref<100000x256xf32, #tpu.memory_space<hbm>> -> memref<100000x256xf32, #tpu.memory_space<hbm>>
    tpu.wait_indirect_dma semaphore(%arg7 : memref<!tpu.dma_semaphore, #tpu.memory_space<semaphore_mem>>) src(%dma_wait3A_16 : memref<100000x256xf32, #tpu.memory_space<hbm>>) dst(%arg6 : memref<128x256xf32, #tpu.memory_space<vmem>>)
    "tpu.region"() ({
      %run_scoped3A = tpu.sem_alloc : memref<!tpu.dma_semaphore, #tpu.memory_space<semaphore_mem>>
      %dma_start3A_201 = arith.constant 0 : i32
      %dma_start3A_202 = tpu.memref_slice %arg4[%add3A_10, %dma_start3A_201] : memref<102400x256xf32, #tpu.memory_space<hbm>> -> memref<128x256xf32, #tpu.memory_space<hbm>>
      %dma_start3A_203 = arith.constant 0 : i32
      %dma_start3A_204 = tpu.memref_slice %arg4[%add3A_10, %dma_start3A_203] : memref<102400x256xf32, #tpu.memory_space<hbm>> -> memref<128x256xf32, #tpu.memory_space<hbm>>
      tpu.enqueue_dma source(%arg6 : memref<128x256xf32, #tpu.memory_space<vmem>>) target(%dma_start3A_204 : memref<128x256xf32, #tpu.memory_space<hbm>>) target_semaphore(%run_scoped3A : memref<!tpu.dma_semaphore, #tpu.memory_space<semaphore_mem>>)
      %dma_wait3A_205 = arith.constant 0 : i32
      %dma_wait3A_206 = tpu.memref_slice %arg4[%add3A_10, %dma_wait3A_205] : memref<102400x256xf32, #tpu.memory_space<hbm>> -> memref<128x256xf32, #tpu.memory_space<hbm>>
      %dma_wait3A_207 = arith.constant 0 : i32
      %dma_wait3A_208 = tpu.memref_slice %arg4[%add3A_10, %dma_wait3A_207] : memref<102400x256xf32, #tpu.memory_space<hbm>> -> memref<128x256xf32, #tpu.memory_space<hbm>>
      tpu.wait_dma2 semaphore(%run_scoped3A : memref<!tpu.dma_semaphore, #tpu.memory_space<semaphore_mem>>) src(%arg6 : memref<128x256xf32, #tpu.memory_space<vmem>>) dst(%dma_wait3A_208 : memref<128x256xf32, #tpu.memory_space<hbm>>)
      tpu.yield
    }) : () -> ()
    %add3A_17 = arith.constant 256 : i32
    %add3A_18 = arith.addi %mul3A_2, %add3A_17 : i32
    "tpu.region"() ({
      %run_scoped3A = tpu.sem_alloc : memref<!tpu.dma_semaphore, #tpu.memory_space<semaphore_mem>>
      %dma_start3A_201 = tpu.memref_slice %arg3[%add3A_18] : memref<102400xi32, #tpu.memory_space<hbm>> -> memref<128xi32, #tpu.memory_space<hbm>>
      %dma_start3A_202 = tpu.memref_slice %arg3[%add3A_18] : memref<102400xi32, #tpu.memory_space<hbm>> -> memref<128xi32, #tpu.memory_space<hbm>>
      tpu.enqueue_dma source(%dma_start3A_202 : memref<128xi32, #tpu.memory_space<hbm>>) target(%arg5 : memref<128xi32, #tpu.memory_space<vmem>>) target_semaphore(%run_scoped3A : memref<!tpu.dma_semaphore, #tpu.memory_space<semaphore_mem>>)
      %dma_wait3A_203 = tpu.memref_slice %arg3[%add3A_18] : memref<102400xi32, #tpu.memory_space<hbm>> -> memref<128xi32, #tpu.memory_space<hbm>>
      %dma_wait3A_204 = tpu.memref_slice %arg3[%add3A_18] : memref<102400xi32, #tpu.memory_space<hbm>> -> memref<128xi32, #tpu.memory_space<hbm>>
      tpu.wait_dma2 semaphore(%run_scoped3A : memref<!tpu.dma_semaphore, #tpu.memory_space<semaphore_mem>>) src(%dma_wait3A_204 : memref<128xi32, #tpu.memory_space<hbm>>) dst(%arg5 : memref<128xi32, #tpu.memory_space<vmem>>)
      tpu.yield
    }) : () -> ()
    %dma_start3A_19 = arith.constant 0 : i32
    %dma_start3A_20 = arith.constant 0 : i32
    %dma_start3A_21 = tpu.memref_slice %arg2[%dma_start3A_19, %dma_start3A_20] : memref<100000x256xf32, #tpu.memory_space<hbm>> -> memref<100000x256xf32, #tpu.memory_space<hbm>>
    tpu.enqueue_indirect_dma source(%dma_start3A_21 : memref<100000x256xf32, #tpu.memory_space<hbm>>) target(%arg6 : memref<128x256xf32, #tpu.memory_space<vmem>>) offsets(%arg5 : memref<128xi32, #tpu.memory_space<vmem>>) semaphore(%arg7 : memref<!tpu.dma_semaphore, #tpu.memory_space<semaphore_mem>>)
    %dma_wait3A_22 = arith.constant 0 : i32
    %dma_wait3A_23 = arith.constant 0 : i32
    %dma_wait3A_24 = tpu.memref_slice %arg2[%dma_wait3A_22, %dma_wait3A_23] : memref<100000x256xf32, #tpu.memory_space<hbm>> -> memref<100000x256xf32, #tpu.memory_space<hbm>>
    tpu.wait_indirect_dma semaphore(%arg7 : memref<!tpu.dma_semaphore, #tpu.memory_space<semaphore_mem>>) src(%dma_wait3A_24 : memref<100000x256xf32, #tpu.memory_space<hbm>>) dst(%arg6 : memref<128x256xf32, #tpu.memory_space<vmem>>)
    "tpu.region"() ({
      %run_scoped3A = tpu.sem_alloc : memref<!tpu.dma_semaphore, #tpu.memory_space<semaphore_mem>>
      %dma_start3A_201 = arith.constant 0 : i32
      %dma_start3A_202 = tpu.memref_slice %arg4[%add3A_18, %dma_start3A_201] : memref<102400x256xf32, #tpu.memory_space<hbm>> -> memref<128x256xf32, #tpu.memory_space<hbm>>
      %dma_start3A_203 = arith.constant 0 : i32
      %dma_start3A_204 = tpu.memref_slice %arg4[%add3A_18, %dma_start3A_203] : memref<102400x256xf32, #tpu.memory_space<hbm>> -> memref<128x256xf32, #tpu.memory_space<hbm>>
      tpu.enqueue_dma source(%arg6 : memref<128x256xf32, #tpu.memory_space<vmem>>) target(%dma_start3A_204 : memref<128x256xf32, #tpu.memory_space<hbm>>) target_semaphore(%run_scoped3A : memref<!tpu.dma_semaphore, #tpu.memory_space<semaphore_mem>>)
      %dma_wait3A_205 = arith.constant 0 : i32
      %dma_wait3A_206 = tpu.memref_slice %arg4[%add3A_18, %dma_wait3A_205] : memref<102400x256xf32, #tpu.memory_space<hbm>> -> memref<128x256xf32, #tpu.memory_space<hbm>>
      %dma_wait3A_207 = arith.constant 0 : i32
      %dma_wait3A_208 = tpu.memref_slice %arg4[%add3A_18, %dma_wait3A_207] : memref<102400x256xf32, #tpu.memory_space<hbm>> -> memref<128x256xf32, #tpu.memory_space<hbm>>
      tpu.wait_dma2 semaphore(%run_scoped3A : memref<!tpu.dma_semaphore, #tpu.memory_space<semaphore_mem>>) src(%arg6 : memref<128x256xf32, #tpu.memory_space<vmem>>) dst(%dma_wait3A_208 : memref<128x256xf32, #tpu.memory_space<hbm>>)
      tpu.yield
    }) : () -> ()
    %add3A_25 = arith.constant 384 : i32
    %add3A_26 = arith.addi %mul3A_2, %add3A_25 : i32
    "tpu.region"() ({
      %run_scoped3A = tpu.sem_alloc : memref<!tpu.dma_semaphore, #tpu.memory_space<semaphore_mem>>
      %dma_start3A_201 = tpu.memref_slice %arg3[%add3A_26] : memref<102400xi32, #tpu.memory_space<hbm>> -> memref<128xi32, #tpu.memory_space<hbm>>
      %dma_start3A_202 = tpu.memref_slice %arg3[%add3A_26] : memref<102400xi32, #tpu.memory_space<hbm>> -> memref<128xi32, #tpu.memory_space<hbm>>
      tpu.enqueue_dma source(%dma_start3A_202 : memref<128xi32, #tpu.memory_space<hbm>>) target(%arg5 : memref<128xi32, #tpu.memory_space<vmem>>) target_semaphore(%run_scoped3A : memref<!tpu.dma_semaphore, #tpu.memory_space<semaphore_mem>>)
      %dma_wait3A_203 = tpu.memref_slice %arg3[%add3A_26] : memref<102400xi32, #tpu.memory_space<hbm>> -> memref<128xi32, #tpu.memory_space<hbm>>
      %dma_wait3A_204 = tpu.memref_slice %arg3[%add3A_26] : memref<102400xi32, #tpu.memory_space<hbm>> -> memref<128xi32, #tpu.memory_space<hbm>>
      tpu.wait_dma2 semaphore(%run_scoped3A : memref<!tpu.dma_semaphore, #tpu.memory_space<semaphore_mem>>) src(%dma_wait3A_204 : memref<128xi32, #tpu.memory_space<hbm>>) dst(%arg5 : memref<128xi32, #tpu.memory_space<vmem>>)
      tpu.yield
    }) : () -> ()
    %dma_start3A_27 = arith.constant 0 : i32
    %dma_start3A_28 = arith.constant 0 : i32
    %dma_start3A_29 = tpu.memref_slice %arg2[%dma_start3A_27, %dma_start3A_28] : memref<100000x256xf32, #tpu.memory_space<hbm>> -> memref<100000x256xf32, #tpu.memory_space<hbm>>
    tpu.enqueue_indirect_dma source(%dma_start3A_29 : memref<100000x256xf32, #tpu.memory_space<hbm>>) target(%arg6 : memref<128x256xf32, #tpu.memory_space<vmem>>) offsets(%arg5 : memref<128xi32, #tpu.memory_space<vmem>>) semaphore(%arg7 : memref<!tpu.dma_semaphore, #tpu.memory_space<semaphore_mem>>)
    %dma_wait3A_30 = arith.constant 0 : i32
    %dma_wait3A_31 = arith.constant 0 : i32
    %dma_wait3A_32 = tpu.memref_slice %arg2[%dma_wait3A_30, %dma_wait3A_31] : memref<100000x256xf32, #tpu.memory_space<hbm>> -> memref<100000x256xf32, #tpu.memory_space<hbm>>
    tpu.wait_indirect_dma semaphore(%arg7 : memref<!tpu.dma_semaphore, #tpu.memory_space<semaphore_mem>>) src(%dma_wait3A_32 : memref<100000x256xf32, #tpu.memory_space<hbm>>) dst(%arg6 : memref<128x256xf32, #tpu.memory_space<vmem>>)
    "tpu.region"() ({
      %run_scoped3A = tpu.sem_alloc : memref<!tpu.dma_semaphore, #tpu.memory_space<semaphore_mem>>
      %dma_start3A_201 = arith.constant 0 : i32
      %dma_start3A_202 = tpu.memref_slice %arg4[%add3A_26, %dma_start3A_201] : memref<102400x256xf32, #tpu.memory_space<hbm>> -> memref<128x256xf32, #tpu.memory_space<hbm>>
      %dma_start3A_203 = arith.constant 0 : i32
      %dma_start3A_204 = tpu.memref_slice %arg4[%add3A_26, %dma_start3A_203] : memref<102400x256xf32, #tpu.memory_space<hbm>> -> memref<128x256xf32, #tpu.memory_space<hbm>>
      tpu.enqueue_dma source(%arg6 : memref<128x256xf32, #tpu.memory_space<vmem>>) target(%dma_start3A_204 : memref<128x256xf32, #tpu.memory_space<hbm>>) target_semaphore(%run_scoped3A : memref<!tpu.dma_semaphore, #tpu.memory_space<semaphore_mem>>)
      %dma_wait3A_205 = arith.constant 0 : i32
      %dma_wait3A_206 = tpu.memref_slice %arg4[%add3A_26, %dma_wait3A_205] : memref<102400x256xf32, #tpu.memory_space<hbm>> -> memref<128x256xf32, #tpu.memory_space<hbm>>
      %dma_wait3A_207 = arith.constant 0 : i32
      %dma_wait3A_208 = tpu.memref_slice %arg4[%add3A_26, %dma_wait3A_207] : memref<102400x256xf32, #tpu.memory_space<hbm>> -> memref<128x256xf32, #tpu.memory_space<hbm>>
      tpu.wait_dma2 semaphore(%run_scoped3A : memref<!tpu.dma_semaphore, #tpu.memory_space<semaphore_mem>>) src(%arg6 : memref<128x256xf32, #tpu.memory_space<vmem>>) dst(%dma_wait3A_208 : memref<128x256xf32, #tpu.memory_space<hbm>>)
      tpu.yield
    }) : () -> ()
    %add3A_33 = arith.constant 512 : i32
    %add3A_34 = arith.addi %mul3A_2, %add3A_33 : i32
    "tpu.region"() ({
      %run_scoped3A = tpu.sem_alloc : memref<!tpu.dma_semaphore, #tpu.memory_space<semaphore_mem>>
      %dma_start3A_201 = tpu.memref_slice %arg3[%add3A_34] : memref<102400xi32, #tpu.memory_space<hbm>> -> memref<128xi32, #tpu.memory_space<hbm>>
      %dma_start3A_202 = tpu.memref_slice %arg3[%add3A_34] : memref<102400xi32, #tpu.memory_space<hbm>> -> memref<128xi32, #tpu.memory_space<hbm>>
      tpu.enqueue_dma source(%dma_start3A_202 : memref<128xi32, #tpu.memory_space<hbm>>) target(%arg5 : memref<128xi32, #tpu.memory_space<vmem>>) target_semaphore(%run_scoped3A : memref<!tpu.dma_semaphore, #tpu.memory_space<semaphore_mem>>)
      %dma_wait3A_203 = tpu.memref_slice %arg3[%add3A_34] : memref<102400xi32, #tpu.memory_space<hbm>> -> memref<128xi32, #tpu.memory_space<hbm>>
      %dma_wait3A_204 = tpu.memref_slice %arg3[%add3A_34] : memref<102400xi32, #tpu.memory_space<hbm>> -> memref<128xi32, #tpu.memory_space<hbm>>
      tpu.wait_dma2 semaphore(%run_scoped3A : memref<!tpu.dma_semaphore, #tpu.memory_space<semaphore_mem>>) src(%dma_wait3A_204 : memref<128xi32, #tpu.memory_space<hbm>>) dst(%arg5 : memref<128xi32, #tpu.memory_space<vmem>>)
      tpu.yield
    }) : () -> ()
    %dma_start3A_35 = arith.constant 0 : i32
    %dma_start3A_36 = arith.constant 0 : i32
    %dma_start3A_37 = tpu.memref_slice %arg2[%dma_start3A_35, %dma_start3A_36] : memref<100000x256xf32, #tpu.memory_space<hbm>> -> memref<100000x256xf32, #tpu.memory_space<hbm>>
    tpu.enqueue_indirect_dma source(%dma_start3A_37 : memref<100000x256xf32, #tpu.memory_space<hbm>>) target(%arg6 : memref<128x256xf32, #tpu.memory_space<vmem>>) offsets(%arg5 : memref<128xi32, #tpu.memory_space<vmem>>) semaphore(%arg7 : memref<!tpu.dma_semaphore, #tpu.memory_space<semaphore_mem>>)
    %dma_wait3A_38 = arith.constant 0 : i32
    %dma_wait3A_39 = arith.constant 0 : i32
    %dma_wait3A_40 = tpu.memref_slice %arg2[%dma_wait3A_38, %dma_wait3A_39] : memref<100000x256xf32, #tpu.memory_space<hbm>> -> memref<100000x256xf32, #tpu.memory_space<hbm>>
    tpu.wait_indirect_dma semaphore(%arg7 : memref<!tpu.dma_semaphore, #tpu.memory_space<semaphore_mem>>) src(%dma_wait3A_40 : memref<100000x256xf32, #tpu.memory_space<hbm>>) dst(%arg6 : memref<128x256xf32, #tpu.memory_space<vmem>>)
    "tpu.region"() ({
      %run_scoped3A = tpu.sem_alloc : memref<!tpu.dma_semaphore, #tpu.memory_space<semaphore_mem>>
      %dma_start3A_201 = arith.constant 0 : i32
      %dma_start3A_202 = tpu.memref_slice %arg4[%add3A_34, %dma_start3A_201] : memref<102400x256xf32, #tpu.memory_space<hbm>> -> memref<128x256xf32, #tpu.memory_space<hbm>>
      %dma_start3A_203 = arith.constant 0 : i32
      %dma_start3A_204 = tpu.memref_slice %arg4[%add3A_34, %dma_start3A_203] : memref<102400x256xf32, #tpu.memory_space<hbm>> -> memref<128x256xf32, #tpu.memory_space<hbm>>
      tpu.enqueue_dma source(%arg6 : memref<128x256xf32, #tpu.memory_space<vmem>>) target(%dma_start3A_204 : memref<128x256xf32, #tpu.memory_space<hbm>>) target_semaphore(%run_scoped3A : memref<!tpu.dma_semaphore, #tpu.memory_space<semaphore_mem>>)
      %dma_wait3A_205 = arith.constant 0 : i32
      %dma_wait3A_206 = tpu.memref_slice %arg4[%add3A_34, %dma_wait3A_205] : memref<102400x256xf32, #tpu.memory_space<hbm>> -> memref<128x256xf32, #tpu.memory_space<hbm>>
      %dma_wait3A_207 = arith.constant 0 : i32
      %dma_wait3A_208 = tpu.memref_slice %arg4[%add3A_34, %dma_wait3A_207] : memref<102400x256xf32, #tpu.memory_space<hbm>> -> memref<128x256xf32, #tpu.memory_space<hbm>>
      tpu.wait_dma2 semaphore(%run_scoped3A : memref<!tpu.dma_semaphore, #tpu.memory_space<semaphore_mem>>) src(%arg6 : memref<128x256xf32, #tpu.memory_space<vmem>>) dst(%dma_wait3A_208 : memref<128x256xf32, #tpu.memory_space<hbm>>)
      tpu.yield
    }) : () -> ()
    %add3A_41 = arith.constant 640 : i32
    %add3A_42 = arith.addi %mul3A_2, %add3A_41 : i32
    "tpu.region"() ({
      %run_scoped3A = tpu.sem_alloc : memref<!tpu.dma_semaphore, #tpu.memory_space<semaphore_mem>>
      %dma_start3A_201 = tpu.memref_slice %arg3[%add3A_42] : memref<102400xi32, #tpu.memory_space<hbm>> -> memref<128xi32, #tpu.memory_space<hbm>>
      %dma_start3A_202 = tpu.memref_slice %arg3[%add3A_42] : memref<102400xi32, #tpu.memory_space<hbm>> -> memref<128xi32, #tpu.memory_space<hbm>>
      tpu.enqueue_dma source(%dma_start3A_202 : memref<128xi32, #tpu.memory_space<hbm>>) target(%arg5 : memref<128xi32, #tpu.memory_space<vmem>>) target_semaphore(%run_scoped3A : memref<!tpu.dma_semaphore, #tpu.memory_space<semaphore_mem>>)
      %dma_wait3A_203 = tpu.memref_slice %arg3[%add3A_42] : memref<102400xi32, #tpu.memory_space<hbm>> -> memref<128xi32, #tpu.memory_space<hbm>>
      %dma_wait3A_204 = tpu.memref_slice %arg3[%add3A_42] : memref<102400xi32, #tpu.memory_space<hbm>> -> memref<128xi32, #tpu.memory_space<hbm>>
      tpu.wait_dma2 semaphore(%run_scoped3A : memref<!tpu.dma_semaphore, #tpu.memory_space<semaphore_mem>>) src(%dma_wait3A_204 : memref<128xi32, #tpu.memory_space<hbm>>) dst(%arg5 : memref<128xi32, #tpu.memory_space<vmem>>)
      tpu.yield
    }) : () -> ()
    %dma_start3A_43 = arith.constant 0 : i32
    %dma_start3A_44 = arith.constant 0 : i32
    %dma_start3A_45 = tpu.memref_slice %arg2[%dma_start3A_43, %dma_start3A_44] : memref<100000x256xf32, #tpu.memory_space<hbm>> -> memref<100000x256xf32, #tpu.memory_space<hbm>>
    tpu.enqueue_indirect_dma source(%dma_start3A_45 : memref<100000x256xf32, #tpu.memory_space<hbm>>) target(%arg6 : memref<128x256xf32, #tpu.memory_space<vmem>>) offsets(%arg5 : memref<128xi32, #tpu.memory_space<vmem>>) semaphore(%arg7 : memref<!tpu.dma_semaphore, #tpu.memory_space<semaphore_mem>>)
    %dma_wait3A_46 = arith.constant 0 : i32
    %dma_wait3A_47 = arith.constant 0 : i32
    %dma_wait3A_48 = tpu.memref_slice %arg2[%dma_wait3A_46, %dma_wait3A_47] : memref<100000x256xf32, #tpu.memory_space<hbm>> -> memref<100000x256xf32, #tpu.memory_space<hbm>>
    tpu.wait_indirect_dma semaphore(%arg7 : memref<!tpu.dma_semaphore, #tpu.memory_space<semaphore_mem>>) src(%dma_wait3A_48 : memref<100000x256xf32, #tpu.memory_space<hbm>>) dst(%arg6 : memref<128x256xf32, #tpu.memory_space<vmem>>)
    "tpu.region"() ({
      %run_scoped3A = tpu.sem_alloc : memref<!tpu.dma_semaphore, #tpu.memory_space<semaphore_mem>>
      %dma_start3A_201 = arith.constant 0 : i32
      %dma_start3A_202 = tpu.memref_slice %arg4[%add3A_42, %dma_start3A_201] : memref<102400x256xf32, #tpu.memory_space<hbm>> -> memref<128x256xf32, #tpu.memory_space<hbm>>
      %dma_start3A_203 = arith.constant 0 : i32
      %dma_start3A_204 = tpu.memref_slice %arg4[%add3A_42, %dma_start3A_203] : memref<102400x256xf32, #tpu.memory_space<hbm>> -> memref<128x256xf32, #tpu.memory_space<hbm>>
      tpu.enqueue_dma source(%arg6 : memref<128x256xf32, #tpu.memory_space<vmem>>) target(%dma_start3A_204 : memref<128x256xf32, #tpu.memory_space<hbm>>) target_semaphore(%run_scoped3A : memref<!tpu.dma_semaphore, #tpu.memory_space<semaphore_mem>>)
      %dma_wait3A_205 = arith.constant 0 : i32
      %dma_wait3A_206 = tpu.memref_slice %arg4[%add3A_42, %dma_wait3A_205] : memref<102400x256xf32, #tpu.memory_space<hbm>> -> memref<128x256xf32, #tpu.memory_space<hbm>>
      %dma_wait3A_207 = arith.constant 0 : i32
      %dma_wait3A_208 = tpu.memref_slice %arg4[%add3A_42, %dma_wait3A_207] : memref<102400x256xf32, #tpu.memory_space<hbm>> -> memref<128x256xf32, #tpu.memory_space<hbm>>
      tpu.wait_dma2 semaphore(%run_scoped3A : memref<!tpu.dma_semaphore, #tpu.memory_space<semaphore_mem>>) src(%arg6 : memref<128x256xf32, #tpu.memory_space<vmem>>) dst(%dma_wait3A_208 : memref<128x256xf32, #tpu.memory_space<hbm>>)
      tpu.yield
    }) : () -> ()
    %add3A_49 = arith.constant 768 : i32
    %add3A_50 = arith.addi %mul3A_2, %add3A_49 : i32
    "tpu.region"() ({
      %run_scoped3A = tpu.sem_alloc : memref<!tpu.dma_semaphore, #tpu.memory_space<semaphore_mem>>
      %dma_start3A_201 = tpu.memref_slice %arg3[%add3A_50] : memref<102400xi32, #tpu.memory_space<hbm>> -> memref<128xi32, #tpu.memory_space<hbm>>
      %dma_start3A_202 = tpu.memref_slice %arg3[%add3A_50] : memref<102400xi32, #tpu.memory_space<hbm>> -> memref<128xi32, #tpu.memory_space<hbm>>
      tpu.enqueue_dma source(%dma_start3A_202 : memref<128xi32, #tpu.memory_space<hbm>>) target(%arg5 : memref<128xi32, #tpu.memory_space<vmem>>) target_semaphore(%run_scoped3A : memref<!tpu.dma_semaphore, #tpu.memory_space<semaphore_mem>>)
      %dma_wait3A_203 = tpu.memref_slice %arg3[%add3A_50] : memref<102400xi32, #tpu.memory_space<hbm>> -> memref<128xi32, #tpu.memory_space<hbm>>
      %dma_wait3A_204 = tpu.memref_slice %arg3[%add3A_50] : memref<102400xi32, #tpu.memory_space<hbm>> -> memref<128xi32, #tpu.memory_space<hbm>>
      tpu.wait_dma2 semaphore(%run_scoped3A : memref<!tpu.dma_semaphore, #tpu.memory_space<semaphore_mem>>) src(%dma_wait3A_204 : memref<128xi32, #tpu.memory_space<hbm>>) dst(%arg5 : memref<128xi32, #tpu.memory_space<vmem>>)
      tpu.yield
    }) : () -> ()
    %dma_start3A_51 = arith.constant 0 : i32
    %dma_start3A_52 = arith.constant 0 : i32
    %dma_start3A_53 = tpu.memref_slice %arg2[%dma_start3A_51, %dma_start3A_52] : memref<100000x256xf32, #tpu.memory_space<hbm>> -> memref<100000x256xf32, #tpu.memory_space<hbm>>
    tpu.enqueue_indirect_dma source(%dma_start3A_53 : memref<100000x256xf32, #tpu.memory_space<hbm>>) target(%arg6 : memref<128x256xf32, #tpu.memory_space<vmem>>) offsets(%arg5 : memref<128xi32, #tpu.memory_space<vmem>>) semaphore(%arg7 : memref<!tpu.dma_semaphore, #tpu.memory_space<semaphore_mem>>)
    %dma_wait3A_54 = arith.constant 0 : i32
    %dma_wait3A_55 = arith.constant 0 : i32
    %dma_wait3A_56 = tpu.memref_slice %arg2[%dma_wait3A_54, %dma_wait3A_55] : memref<100000x256xf32, #tpu.memory_space<hbm>> -> memref<100000x256xf32, #tpu.memory_space<hbm>>
    tpu.wait_indirect_dma semaphore(%arg7 : memref<!tpu.dma_semaphore, #tpu.memory_space<semaphore_mem>>) src(%dma_wait3A_56 : memref<100000x256xf32, #tpu.memory_space<hbm>>) dst(%arg6 : memref<128x256xf32, #tpu.memory_space<vmem>>)
    "tpu.region"() ({
      %run_scoped3A = tpu.sem_alloc : memref<!tpu.dma_semaphore, #tpu.memory_space<semaphore_mem>>
      %dma_start3A_201 = arith.constant 0 : i32
      %dma_start3A_202 = tpu.memref_slice %arg4[%add3A_50, %dma_start3A_201] : memref<102400x256xf32, #tpu.memory_space<hbm>> -> memref<128x256xf32, #tpu.memory_space<hbm>>
      %dma_start3A_203 = arith.constant 0 : i32
      %dma_start3A_204 = tpu.memref_slice %arg4[%add3A_50, %dma_start3A_203] : memref<102400x256xf32, #tpu.memory_space<hbm>> -> memref<128x256xf32, #tpu.memory_space<hbm>>
      tpu.enqueue_dma source(%arg6 : memref<128x256xf32, #tpu.memory_space<vmem>>) target(%dma_start3A_204 : memref<128x256xf32, #tpu.memory_space<hbm>>) target_semaphore(%run_scoped3A : memref<!tpu.dma_semaphore, #tpu.memory_space<semaphore_mem>>)
      %dma_wait3A_205 = arith.constant 0 : i32
      %dma_wait3A_206 = tpu.memref_slice %arg4[%add3A_50, %dma_wait3A_205] : memref<102400x256xf32, #tpu.memory_space<hbm>> -> memref<128x256xf32, #tpu.memory_space<hbm>>
      %dma_wait3A_207 = arith.constant 0 : i32
      %dma_wait3A_208 = tpu.memref_slice %arg4[%add3A_50, %dma_wait3A_207] : memref<102400x256xf32, #tpu.memory_space<hbm>> -> memref<128x256xf32, #tpu.memory_space<hbm>>
      tpu.wait_dma2 semaphore(%run_scoped3A : memref<!tpu.dma_semaphore, #tpu.memory_space<semaphore_mem>>) src(%arg6 : memref<128x256xf32, #tpu.memory_space<vmem>>) dst(%dma_wait3A_208 : memref<128x256xf32, #tpu.memory_space<hbm>>)
      tpu.yield
    }) : () -> ()
    %add3A_57 = arith.constant 896 : i32
    %add3A_58 = arith.addi %mul3A_2, %add3A_57 : i32
    "tpu.region"() ({
      %run_scoped3A = tpu.sem_alloc : memref<!tpu.dma_semaphore, #tpu.memory_space<semaphore_mem>>
      %dma_start3A_201 = tpu.memref_slice %arg3[%add3A_58] : memref<102400xi32, #tpu.memory_space<hbm>> -> memref<128xi32, #tpu.memory_space<hbm>>
      %dma_start3A_202 = tpu.memref_slice %arg3[%add3A_58] : memref<102400xi32, #tpu.memory_space<hbm>> -> memref<128xi32, #tpu.memory_space<hbm>>
      tpu.enqueue_dma source(%dma_start3A_202 : memref<128xi32, #tpu.memory_space<hbm>>) target(%arg5 : memref<128xi32, #tpu.memory_space<vmem>>) target_semaphore(%run_scoped3A : memref<!tpu.dma_semaphore, #tpu.memory_space<semaphore_mem>>)
      %dma_wait3A_203 = tpu.memref_slice %arg3[%add3A_58] : memref<102400xi32, #tpu.memory_space<hbm>> -> memref<128xi32, #tpu.memory_space<hbm>>
      %dma_wait3A_204 = tpu.memref_slice %arg3[%add3A_58] : memref<102400xi32, #tpu.memory_space<hbm>> -> memref<128xi32, #tpu.memory_space<hbm>>
      tpu.wait_dma2 semaphore(%run_scoped3A : memref<!tpu.dma_semaphore, #tpu.memory_space<semaphore_mem>>) src(%dma_wait3A_204 : memref<128xi32, #tpu.memory_space<hbm>>) dst(%arg5 : memref<128xi32, #tpu.memory_space<vmem>>)
      tpu.yield
    }) : () -> ()
    %dma_start3A_59 = arith.constant 0 : i32
    %dma_start3A_60 = arith.constant 0 : i32
    %dma_start3A_61 = tpu.memref_slice %arg2[%dma_start3A_59, %dma_start3A_60] : memref<100000x256xf32, #tpu.memory_space<hbm>> -> memref<100000x256xf32, #tpu.memory_space<hbm>>
    tpu.enqueue_indirect_dma source(%dma_start3A_61 : memref<100000x256xf32, #tpu.memory_space<hbm>>) target(%arg6 : memref<128x256xf32, #tpu.memory_space<vmem>>) offsets(%arg5 : memref<128xi32, #tpu.memory_space<vmem>>) semaphore(%arg7 : memref<!tpu.dma_semaphore, #tpu.memory_space<semaphore_mem>>)
    %dma_wait3A_62 = arith.constant 0 : i32
    %dma_wait3A_63 = arith.constant 0 : i32
    %dma_wait3A_64 = tpu.memref_slice %arg2[%dma_wait3A_62, %dma_wait3A_63] : memref<100000x256xf32, #tpu.memory_space<hbm>> -> memref<100000x256xf32, #tpu.memory_space<hbm>>
    tpu.wait_indirect_dma semaphore(%arg7 : memref<!tpu.dma_semaphore, #tpu.memory_space<semaphore_mem>>) src(%dma_wait3A_64 : memref<100000x256xf32, #tpu.memory_space<hbm>>) dst(%arg6 : memref<128x256xf32, #tpu.memory_space<vmem>>)
    "tpu.region"() ({
      %run_scoped3A = tpu.sem_alloc : memref<!tpu.dma_semaphore, #tpu.memory_space<semaphore_mem>>
      %dma_start3A_201 = arith.constant 0 : i32
      %dma_start3A_202 = tpu.memref_slice %arg4[%add3A_58, %dma_start3A_201] : memref<102400x256xf32, #tpu.memory_space<hbm>> -> memref<128x256xf32, #tpu.memory_space<hbm>>
      %dma_start3A_203 = arith.constant 0 : i32
      %dma_start3A_204 = tpu.memref_slice %arg4[%add3A_58, %dma_start3A_203] : memref<102400x256xf32, #tpu.memory_space<hbm>> -> memref<128x256xf32, #tpu.memory_space<hbm>>
      tpu.enqueue_dma source(%arg6 : memref<128x256xf32, #tpu.memory_space<vmem>>) target(%dma_start3A_204 : memref<128x256xf32, #tpu.memory_space<hbm>>) target_semaphore(%run_scoped3A : memref<!tpu.dma_semaphore, #tpu.memory_space<semaphore_mem>>)
      %dma_wait3A_205 = arith.constant 0 : i32
      %dma_wait3A_206 = tpu.memref_slice %arg4[%add3A_58, %dma_wait3A_205] : memref<102400x256xf32, #tpu.memory_space<hbm>> -> memref<128x256xf32, #tpu.memory_space<hbm>>
      %dma_wait3A_207 = arith.constant 0 : i32
      %dma_wait3A_208 = tpu.memref_slice %arg4[%add3A_58, %dma_wait3A_207] : memref<102400x256xf32, #tpu.memory_space<hbm>> -> memref<128x256xf32, #tpu.memory_space<hbm>>
      tpu.wait_dma2 semaphore(%run_scoped3A : memref<!tpu.dma_semaphore, #tpu.memory_space<semaphore_mem>>) src(%arg6 : memref<128x256xf32, #tpu.memory_space<vmem>>) dst(%dma_wait3A_208 : memref<128x256xf32, #tpu.memory_space<hbm>>)
      tpu.yield
    }) : () -> ()
    %add3A_65 = arith.constant 1024 : i32
    %add3A_66 = arith.addi %mul3A_2, %add3A_65 : i32
    "tpu.region"() ({
      %run_scoped3A = tpu.sem_alloc : memref<!tpu.dma_semaphore, #tpu.memory_space<semaphore_mem>>
      %dma_start3A_201 = tpu.memref_slice %arg3[%add3A_66] : memref<102400xi32, #tpu.memory_space<hbm>> -> memref<128xi32, #tpu.memory_space<hbm>>
      %dma_start3A_202 = tpu.memref_slice %arg3[%add3A_66] : memref<102400xi32, #tpu.memory_space<hbm>> -> memref<128xi32, #tpu.memory_space<hbm>>
      tpu.enqueue_dma source(%dma_start3A_202 : memref<128xi32, #tpu.memory_space<hbm>>) target(%arg5 : memref<128xi32, #tpu.memory_space<vmem>>) target_semaphore(%run_scoped3A : memref<!tpu.dma_semaphore, #tpu.memory_space<semaphore_mem>>)
      %dma_wait3A_203 = tpu.memref_slice %arg3[%add3A_66] : memref<102400xi32, #tpu.memory_space<hbm>> -> memref<128xi32, #tpu.memory_space<hbm>>
      %dma_wait3A_204 = tpu.memref_slice %arg3[%add3A_66] : memref<102400xi32, #tpu.memory_space<hbm>> -> memref<128xi32, #tpu.memory_space<hbm>>
      tpu.wait_dma2 semaphore(%run_scoped3A : memref<!tpu.dma_semaphore, #tpu.memory_space<semaphore_mem>>) src(%dma_wait3A_204 : memref<128xi32, #tpu.memory_space<hbm>>) dst(%arg5 : memref<128xi32, #tpu.memory_space<vmem>>)
      tpu.yield
    }) : () -> ()
    %dma_start3A_67 = arith.constant 0 : i32
    %dma_start3A_68 = arith.constant 0 : i32
    %dma_start3A_69 = tpu.memref_slice %arg2[%dma_start3A_67, %dma_start3A_68] : memref<100000x256xf32, #tpu.memory_space<hbm>> -> memref<100000x256xf32, #tpu.memory_space<hbm>>
    tpu.enqueue_indirect_dma source(%dma_start3A_69 : memref<100000x256xf32, #tpu.memory_space<hbm>>) target(%arg6 : memref<128x256xf32, #tpu.memory_space<vmem>>) offsets(%arg5 : memref<128xi32, #tpu.memory_space<vmem>>) semaphore(%arg7 : memref<!tpu.dma_semaphore, #tpu.memory_space<semaphore_mem>>)
    %dma_wait3A_70 = arith.constant 0 : i32
    %dma_wait3A_71 = arith.constant 0 : i32
    %dma_wait3A_72 = tpu.memref_slice %arg2[%dma_wait3A_70, %dma_wait3A_71] : memref<100000x256xf32, #tpu.memory_space<hbm>> -> memref<100000x256xf32, #tpu.memory_space<hbm>>
    tpu.wait_indirect_dma semaphore(%arg7 : memref<!tpu.dma_semaphore, #tpu.memory_space<semaphore_mem>>) src(%dma_wait3A_72 : memref<100000x256xf32, #tpu.memory_space<hbm>>) dst(%arg6 : memref<128x256xf32, #tpu.memory_space<vmem>>)
    "tpu.region"() ({
      %run_scoped3A = tpu.sem_alloc : memref<!tpu.dma_semaphore, #tpu.memory_space<semaphore_mem>>
      %dma_start3A_201 = arith.constant 0 : i32
      %dma_start3A_202 = tpu.memref_slice %arg4[%add3A_66, %dma_start3A_201] : memref<102400x256xf32, #tpu.memory_space<hbm>> -> memref<128x256xf32, #tpu.memory_space<hbm>>
      %dma_start3A_203 = arith.constant 0 : i32
      %dma_start3A_204 = tpu.memref_slice %arg4[%add3A_66, %dma_start3A_203] : memref<102400x256xf32, #tpu.memory_space<hbm>> -> memref<128x256xf32, #tpu.memory_space<hbm>>
      tpu.enqueue_dma source(%arg6 : memref<128x256xf32, #tpu.memory_space<vmem>>) target(%dma_start3A_204 : memref<128x256xf32, #tpu.memory_space<hbm>>) target_semaphore(%run_scoped3A : memref<!tpu.dma_semaphore, #tpu.memory_space<semaphore_mem>>)
      %dma_wait3A_205 = arith.constant 0 : i32
      %dma_wait3A_206 = tpu.memref_slice %arg4[%add3A_66, %dma_wait3A_205] : memref<102400x256xf32, #tpu.memory_space<hbm>> -> memref<128x256xf32, #tpu.memory_space<hbm>>
      %dma_wait3A_207 = arith.constant 0 : i32
      %dma_wait3A_208 = tpu.memref_slice %arg4[%add3A_66, %dma_wait3A_207] : memref<102400x256xf32, #tpu.memory_space<hbm>> -> memref<128x256xf32, #tpu.memory_space<hbm>>
      tpu.wait_dma2 semaphore(%run_scoped3A : memref<!tpu.dma_semaphore, #tpu.memory_space<semaphore_mem>>) src(%arg6 : memref<128x256xf32, #tpu.memory_space<vmem>>) dst(%dma_wait3A_208 : memref<128x256xf32, #tpu.memory_space<hbm>>)
      tpu.yield
    }) : () -> ()
    %add3A_73 = arith.constant 1152 : i32
    %add3A_74 = arith.addi %mul3A_2, %add3A_73 : i32
    "tpu.region"() ({
      %run_scoped3A = tpu.sem_alloc : memref<!tpu.dma_semaphore, #tpu.memory_space<semaphore_mem>>
      %dma_start3A_201 = tpu.memref_slice %arg3[%add3A_74] : memref<102400xi32, #tpu.memory_space<hbm>> -> memref<128xi32, #tpu.memory_space<hbm>>
      %dma_start3A_202 = tpu.memref_slice %arg3[%add3A_74] : memref<102400xi32, #tpu.memory_space<hbm>> -> memref<128xi32, #tpu.memory_space<hbm>>
      tpu.enqueue_dma source(%dma_start3A_202 : memref<128xi32, #tpu.memory_space<hbm>>) target(%arg5 : memref<128xi32, #tpu.memory_space<vmem>>) target_semaphore(%run_scoped3A : memref<!tpu.dma_semaphore, #tpu.memory_space<semaphore_mem>>)
      %dma_wait3A_203 = tpu.memref_slice %arg3[%add3A_74] : memref<102400xi32, #tpu.memory_space<hbm>> -> memref<128xi32, #tpu.memory_space<hbm>>
      %dma_wait3A_204 = tpu.memref_slice %arg3[%add3A_74] : memref<102400xi32, #tpu.memory_space<hbm>> -> memref<128xi32, #tpu.memory_space<hbm>>
      tpu.wait_dma2 semaphore(%run_scoped3A : memref<!tpu.dma_semaphore, #tpu.memory_space<semaphore_mem>>) src(%dma_wait3A_204 : memref<128xi32, #tpu.memory_space<hbm>>) dst(%arg5 : memref<128xi32, #tpu.memory_space<vmem>>)
      tpu.yield
    }) : () -> ()
    %dma_start3A_75 = arith.constant 0 : i32
    %dma_start3A_76 = arith.constant 0 : i32
    %dma_start3A_77 = tpu.memref_slice %arg2[%dma_start3A_75, %dma_start3A_76] : memref<100000x256xf32, #tpu.memory_space<hbm>> -> memref<100000x256xf32, #tpu.memory_space<hbm>>
    tpu.enqueue_indirect_dma source(%dma_start3A_77 : memref<100000x256xf32, #tpu.memory_space<hbm>>) target(%arg6 : memref<128x256xf32, #tpu.memory_space<vmem>>) offsets(%arg5 : memref<128xi32, #tpu.memory_space<vmem>>) semaphore(%arg7 : memref<!tpu.dma_semaphore, #tpu.memory_space<semaphore_mem>>)
    %dma_wait3A_78 = arith.constant 0 : i32
    %dma_wait3A_79 = arith.constant 0 : i32
    %dma_wait3A_80 = tpu.memref_slice %arg2[%dma_wait3A_78, %dma_wait3A_79] : memref<100000x256xf32, #tpu.memory_space<hbm>> -> memref<100000x256xf32, #tpu.memory_space<hbm>>
    tpu.wait_indirect_dma semaphore(%arg7 : memref<!tpu.dma_semaphore, #tpu.memory_space<semaphore_mem>>) src(%dma_wait3A_80 : memref<100000x256xf32, #tpu.memory_space<hbm>>) dst(%arg6 : memref<128x256xf32, #tpu.memory_space<vmem>>)
    "tpu.region"() ({
      %run_scoped3A = tpu.sem_alloc : memref<!tpu.dma_semaphore, #tpu.memory_space<semaphore_mem>>
      %dma_start3A_201 = arith.constant 0 : i32
      %dma_start3A_202 = tpu.memref_slice %arg4[%add3A_74, %dma_start3A_201] : memref<102400x256xf32, #tpu.memory_space<hbm>> -> memref<128x256xf32, #tpu.memory_space<hbm>>
      %dma_start3A_203 = arith.constant 0 : i32
      %dma_start3A_204 = tpu.memref_slice %arg4[%add3A_74, %dma_start3A_203] : memref<102400x256xf32, #tpu.memory_space<hbm>> -> memref<128x256xf32, #tpu.memory_space<hbm>>
      tpu.enqueue_dma source(%arg6 : memref<128x256xf32, #tpu.memory_space<vmem>>) target(%dma_start3A_204 : memref<128x256xf32, #tpu.memory_space<hbm>>) target_semaphore(%run_scoped3A : memref<!tpu.dma_semaphore, #tpu.memory_space<semaphore_mem>>)
      %dma_wait3A_205 = arith.constant 0 : i32
      %dma_wait3A_206 = tpu.memref_slice %arg4[%add3A_74, %dma_wait3A_205] : memref<102400x256xf32, #tpu.memory_space<hbm>> -> memref<128x256xf32, #tpu.memory_space<hbm>>
      %dma_wait3A_207 = arith.constant 0 : i32
      %dma_wait3A_208 = tpu.memref_slice %arg4[%add3A_74, %dma_wait3A_207] : memref<102400x256xf32, #tpu.memory_space<hbm>> -> memref<128x256xf32, #tpu.memory_space<hbm>>
      tpu.wait_dma2 semaphore(%run_scoped3A : memref<!tpu.dma_semaphore, #tpu.memory_space<semaphore_mem>>) src(%arg6 : memref<128x256xf32, #tpu.memory_space<vmem>>) dst(%dma_wait3A_208 : memref<128x256xf32, #tpu.memory_space<hbm>>)
      tpu.yield
    }) : () -> ()
    %add3A_81 = arith.constant 1280 : i32
    %add3A_82 = arith.addi %mul3A_2, %add3A_81 : i32
    "tpu.region"() ({
      %run_scoped3A = tpu.sem_alloc : memref<!tpu.dma_semaphore, #tpu.memory_space<semaphore_mem>>
      %dma_start3A_201 = tpu.memref_slice %arg3[%add3A_82] : memref<102400xi32, #tpu.memory_space<hbm>> -> memref<128xi32, #tpu.memory_space<hbm>>
      %dma_start3A_202 = tpu.memref_slice %arg3[%add3A_82] : memref<102400xi32, #tpu.memory_space<hbm>> -> memref<128xi32, #tpu.memory_space<hbm>>
      tpu.enqueue_dma source(%dma_start3A_202 : memref<128xi32, #tpu.memory_space<hbm>>) target(%arg5 : memref<128xi32, #tpu.memory_space<vmem>>) target_semaphore(%run_scoped3A : memref<!tpu.dma_semaphore, #tpu.memory_space<semaphore_mem>>)
      %dma_wait3A_203 = tpu.memref_slice %arg3[%add3A_82] : memref<102400xi32, #tpu.memory_space<hbm>> -> memref<128xi32, #tpu.memory_space<hbm>>
      %dma_wait3A_204 = tpu.memref_slice %arg3[%add3A_82] : memref<102400xi32, #tpu.memory_space<hbm>> -> memref<128xi32, #tpu.memory_space<hbm>>
      tpu.wait_dma2 semaphore(%run_scoped3A : memref<!tpu.dma_semaphore, #tpu.memory_space<semaphore_mem>>) src(%dma_wait3A_204 : memref<128xi32, #tpu.memory_space<hbm>>) dst(%arg5 : memref<128xi32, #tpu.memory_space<vmem>>)
      tpu.yield
    }) : () -> ()
    %dma_start3A_83 = arith.constant 0 : i32
    %dma_start3A_84 = arith.constant 0 : i32
    %dma_start3A_85 = tpu.memref_slice %arg2[%dma_start3A_83, %dma_start3A_84] : memref<100000x256xf32, #tpu.memory_space<hbm>> -> memref<100000x256xf32, #tpu.memory_space<hbm>>
    tpu.enqueue_indirect_dma source(%dma_start3A_85 : memref<100000x256xf32, #tpu.memory_space<hbm>>) target(%arg6 : memref<128x256xf32, #tpu.memory_space<vmem>>) offsets(%arg5 : memref<128xi32, #tpu.memory_space<vmem>>) semaphore(%arg7 : memref<!tpu.dma_semaphore, #tpu.memory_space<semaphore_mem>>)
    %dma_wait3A_86 = arith.constant 0 : i32
    %dma_wait3A_87 = arith.constant 0 : i32
    %dma_wait3A_88 = tpu.memref_slice %arg2[%dma_wait3A_86, %dma_wait3A_87] : memref<100000x256xf32, #tpu.memory_space<hbm>> -> memref<100000x256xf32, #tpu.memory_space<hbm>>
    tpu.wait_indirect_dma semaphore(%arg7 : memref<!tpu.dma_semaphore, #tpu.memory_space<semaphore_mem>>) src(%dma_wait3A_88 : memref<100000x256xf32, #tpu.memory_space<hbm>>) dst(%arg6 : memref<128x256xf32, #tpu.memory_space<vmem>>)
    "tpu.region"() ({
      %run_scoped3A = tpu.sem_alloc : memref<!tpu.dma_semaphore, #tpu.memory_space<semaphore_mem>>
      %dma_start3A_201 = arith.constant 0 : i32
      %dma_start3A_202 = tpu.memref_slice %arg4[%add3A_82, %dma_start3A_201] : memref<102400x256xf32, #tpu.memory_space<hbm>> -> memref<128x256xf32, #tpu.memory_space<hbm>>
      %dma_start3A_203 = arith.constant 0 : i32
      %dma_start3A_204 = tpu.memref_slice %arg4[%add3A_82, %dma_start3A_203] : memref<102400x256xf32, #tpu.memory_space<hbm>> -> memref<128x256xf32, #tpu.memory_space<hbm>>
      tpu.enqueue_dma source(%arg6 : memref<128x256xf32, #tpu.memory_space<vmem>>) target(%dma_start3A_204 : memref<128x256xf32, #tpu.memory_space<hbm>>) target_semaphore(%run_scoped3A : memref<!tpu.dma_semaphore, #tpu.memory_space<semaphore_mem>>)
      %dma_wait3A_205 = arith.constant 0 : i32
      %dma_wait3A_206 = tpu.memref_slice %arg4[%add3A_82, %dma_wait3A_205] : memref<102400x256xf32, #tpu.memory_space<hbm>> -> memref<128x256xf32, #tpu.memory_space<hbm>>
      %dma_wait3A_207 = arith.constant 0 : i32
      %dma_wait3A_208 = tpu.memref_slice %arg4[%add3A_82, %dma_wait3A_207] : memref<102400x256xf32, #tpu.memory_space<hbm>> -> memref<128x256xf32, #tpu.memory_space<hbm>>
      tpu.wait_dma2 semaphore(%run_scoped3A : memref<!tpu.dma_semaphore, #tpu.memory_space<semaphore_mem>>) src(%arg6 : memref<128x256xf32, #tpu.memory_space<vmem>>) dst(%dma_wait3A_208 : memref<128x256xf32, #tpu.memory_space<hbm>>)
      tpu.yield
    }) : () -> ()
    %add3A_89 = arith.constant 1408 : i32
    %add3A_90 = arith.addi %mul3A_2, %add3A_89 : i32
    "tpu.region"() ({
      %run_scoped3A = tpu.sem_alloc : memref<!tpu.dma_semaphore, #tpu.memory_space<semaphore_mem>>
      %dma_start3A_201 = tpu.memref_slice %arg3[%add3A_90] : memref<102400xi32, #tpu.memory_space<hbm>> -> memref<128xi32, #tpu.memory_space<hbm>>
      %dma_start3A_202 = tpu.memref_slice %arg3[%add3A_90] : memref<102400xi32, #tpu.memory_space<hbm>> -> memref<128xi32, #tpu.memory_space<hbm>>
      tpu.enqueue_dma source(%dma_start3A_202 : memref<128xi32, #tpu.memory_space<hbm>>) target(%arg5 : memref<128xi32, #tpu.memory_space<vmem>>) target_semaphore(%run_scoped3A : memref<!tpu.dma_semaphore, #tpu.memory_space<semaphore_mem>>)
      %dma_wait3A_203 = tpu.memref_slice %arg3[%add3A_90] : memref<102400xi32, #tpu.memory_space<hbm>> -> memref<128xi32, #tpu.memory_space<hbm>>
      %dma_wait3A_204 = tpu.memref_slice %arg3[%add3A_90] : memref<102400xi32, #tpu.memory_space<hbm>> -> memref<128xi32, #tpu.memory_space<hbm>>
      tpu.wait_dma2 semaphore(%run_scoped3A : memref<!tpu.dma_semaphore, #tpu.memory_space<semaphore_mem>>) src(%dma_wait3A_204 : memref<128xi32, #tpu.memory_space<hbm>>) dst(%arg5 : memref<128xi32, #tpu.memory_space<vmem>>)
      tpu.yield
    }) : () -> ()
    %dma_start3A_91 = arith.constant 0 : i32
    %dma_start3A_92 = arith.constant 0 : i32
    %dma_start3A_93 = tpu.memref_slice %arg2[%dma_start3A_91, %dma_start3A_92] : memref<100000x256xf32, #tpu.memory_space<hbm>> -> memref<100000x256xf32, #tpu.memory_space<hbm>>
    tpu.enqueue_indirect_dma source(%dma_start3A_93 : memref<100000x256xf32, #tpu.memory_space<hbm>>) target(%arg6 : memref<128x256xf32, #tpu.memory_space<vmem>>) offsets(%arg5 : memref<128xi32, #tpu.memory_space<vmem>>) semaphore(%arg7 : memref<!tpu.dma_semaphore, #tpu.memory_space<semaphore_mem>>)
    %dma_wait3A_94 = arith.constant 0 : i32
    %dma_wait3A_95 = arith.constant 0 : i32
    %dma_wait3A_96 = tpu.memref_slice %arg2[%dma_wait3A_94, %dma_wait3A_95] : memref<100000x256xf32, #tpu.memory_space<hbm>> -> memref<100000x256xf32, #tpu.memory_space<hbm>>
    tpu.wait_indirect_dma semaphore(%arg7 : memref<!tpu.dma_semaphore, #tpu.memory_space<semaphore_mem>>) src(%dma_wait3A_96 : memref<100000x256xf32, #tpu.memory_space<hbm>>) dst(%arg6 : memref<128x256xf32, #tpu.memory_space<vmem>>)
    "tpu.region"() ({
      %run_scoped3A = tpu.sem_alloc : memref<!tpu.dma_semaphore, #tpu.memory_space<semaphore_mem>>
      %dma_start3A_201 = arith.constant 0 : i32
      %dma_start3A_202 = tpu.memref_slice %arg4[%add3A_90, %dma_start3A_201] : memref<102400x256xf32, #tpu.memory_space<hbm>> -> memref<128x256xf32, #tpu.memory_space<hbm>>
      %dma_start3A_203 = arith.constant 0 : i32
      %dma_start3A_204 = tpu.memref_slice %arg4[%add3A_90, %dma_start3A_203] : memref<102400x256xf32, #tpu.memory_space<hbm>> -> memref<128x256xf32, #tpu.memory_space<hbm>>
      tpu.enqueue_dma source(%arg6 : memref<128x256xf32, #tpu.memory_space<vmem>>) target(%dma_start3A_204 : memref<128x256xf32, #tpu.memory_space<hbm>>) target_semaphore(%run_scoped3A : memref<!tpu.dma_semaphore, #tpu.memory_space<semaphore_mem>>)
      %dma_wait3A_205 = arith.constant 0 : i32
      %dma_wait3A_206 = tpu.memref_slice %arg4[%add3A_90, %dma_wait3A_205] : memref<102400x256xf32, #tpu.memory_space<hbm>> -> memref<128x256xf32, #tpu.memory_space<hbm>>
      %dma_wait3A_207 = arith.constant 0 : i32
      %dma_wait3A_208 = tpu.memref_slice %arg4[%add3A_90, %dma_wait3A_207] : memref<102400x256xf32, #tpu.memory_space<hbm>> -> memref<128x256xf32, #tpu.memory_space<hbm>>
      tpu.wait_dma2 semaphore(%run_scoped3A : memref<!tpu.dma_semaphore, #tpu.memory_space<semaphore_mem>>) src(%arg6 : memref<128x256xf32, #tpu.memory_space<vmem>>) dst(%dma_wait3A_208 : memref<128x256xf32, #tpu.memory_space<hbm>>)
      tpu.yield
    }) : () -> ()
    %add3A_97 = arith.constant 1536 : i32
    %add3A_98 = arith.addi %mul3A_2, %add3A_97 : i32
    "tpu.region"() ({
      %run_scoped3A = tpu.sem_alloc : memref<!tpu.dma_semaphore, #tpu.memory_space<semaphore_mem>>
      %dma_start3A_201 = tpu.memref_slice %arg3[%add3A_98] : memref<102400xi32, #tpu.memory_space<hbm>> -> memref<128xi32, #tpu.memory_space<hbm>>
      %dma_start3A_202 = tpu.memref_slice %arg3[%add3A_98] : memref<102400xi32, #tpu.memory_space<hbm>> -> memref<128xi32, #tpu.memory_space<hbm>>
      tpu.enqueue_dma source(%dma_start3A_202 : memref<128xi32, #tpu.memory_space<hbm>>) target(%arg5 : memref<128xi32, #tpu.memory_space<vmem>>) target_semaphore(%run_scoped3A : memref<!tpu.dma_semaphore, #tpu.memory_space<semaphore_mem>>)
      %dma_wait3A_203 = tpu.memref_slice %arg3[%add3A_98] : memref<102400xi32, #tpu.memory_space<hbm>> -> memref<128xi32, #tpu.memory_space<hbm>>
      %dma_wait3A_204 = tpu.memref_slice %arg3[%add3A_98] : memref<102400xi32, #tpu.memory_space<hbm>> -> memref<128xi32, #tpu.memory_space<hbm>>
      tpu.wait_dma2 semaphore(%run_scoped3A : memref<!tpu.dma_semaphore, #tpu.memory_space<semaphore_mem>>) src(%dma_wait3A_204 : memref<128xi32, #tpu.memory_space<hbm>>) dst(%arg5 : memref<128xi32, #tpu.memory_space<vmem>>)
      tpu.yield
    }) : () -> ()
    %dma_start3A_99 = arith.constant 0 : i32
    %dma_start3A_100 = arith.constant 0 : i32
    %dma_start3A_101 = tpu.memref_slice %arg2[%dma_start3A_99, %dma_start3A_100] : memref<100000x256xf32, #tpu.memory_space<hbm>> -> memref<100000x256xf32, #tpu.memory_space<hbm>>
    tpu.enqueue_indirect_dma source(%dma_start3A_101 : memref<100000x256xf32, #tpu.memory_space<hbm>>) target(%arg6 : memref<128x256xf32, #tpu.memory_space<vmem>>) offsets(%arg5 : memref<128xi32, #tpu.memory_space<vmem>>) semaphore(%arg7 : memref<!tpu.dma_semaphore, #tpu.memory_space<semaphore_mem>>)
    %dma_wait3A_102 = arith.constant 0 : i32
    %dma_wait3A_103 = arith.constant 0 : i32
    %dma_wait3A_104 = tpu.memref_slice %arg2[%dma_wait3A_102, %dma_wait3A_103] : memref<100000x256xf32, #tpu.memory_space<hbm>> -> memref<100000x256xf32, #tpu.memory_space<hbm>>
    tpu.wait_indirect_dma semaphore(%arg7 : memref<!tpu.dma_semaphore, #tpu.memory_space<semaphore_mem>>) src(%dma_wait3A_104 : memref<100000x256xf32, #tpu.memory_space<hbm>>) dst(%arg6 : memref<128x256xf32, #tpu.memory_space<vmem>>)
    "tpu.region"() ({
      %run_scoped3A = tpu.sem_alloc : memref<!tpu.dma_semaphore, #tpu.memory_space<semaphore_mem>>
      %dma_start3A_201 = arith.constant 0 : i32
      %dma_start3A_202 = tpu.memref_slice %arg4[%add3A_98, %dma_start3A_201] : memref<102400x256xf32, #tpu.memory_space<hbm>> -> memref<128x256xf32, #tpu.memory_space<hbm>>
      %dma_start3A_203 = arith.constant 0 : i32
      %dma_start3A_204 = tpu.memref_slice %arg4[%add3A_98, %dma_start3A_203] : memref<102400x256xf32, #tpu.memory_space<hbm>> -> memref<128x256xf32, #tpu.memory_space<hbm>>
      tpu.enqueue_dma source(%arg6 : memref<128x256xf32, #tpu.memory_space<vmem>>) target(%dma_start3A_204 : memref<128x256xf32, #tpu.memory_space<hbm>>) target_semaphore(%run_scoped3A : memref<!tpu.dma_semaphore, #tpu.memory_space<semaphore_mem>>)
      %dma_wait3A_205 = arith.constant 0 : i32
      %dma_wait3A_206 = tpu.memref_slice %arg4[%add3A_98, %dma_wait3A_205] : memref<102400x256xf32, #tpu.memory_space<hbm>> -> memref<128x256xf32, #tpu.memory_space<hbm>>
      %dma_wait3A_207 = arith.constant 0 : i32
      %dma_wait3A_208 = tpu.memref_slice %arg4[%add3A_98, %dma_wait3A_207] : memref<102400x256xf32, #tpu.memory_space<hbm>> -> memref<128x256xf32, #tpu.memory_space<hbm>>
      tpu.wait_dma2 semaphore(%run_scoped3A : memref<!tpu.dma_semaphore, #tpu.memory_space<semaphore_mem>>) src(%arg6 : memref<128x256xf32, #tpu.memory_space<vmem>>) dst(%dma_wait3A_208 : memref<128x256xf32, #tpu.memory_space<hbm>>)
      tpu.yield
    }) : () -> ()
    %add3A_105 = arith.constant 1664 : i32
    %add3A_106 = arith.addi %mul3A_2, %add3A_105 : i32
    "tpu.region"() ({
      %run_scoped3A = tpu.sem_alloc : memref<!tpu.dma_semaphore, #tpu.memory_space<semaphore_mem>>
      %dma_start3A_201 = tpu.memref_slice %arg3[%add3A_106] : memref<102400xi32, #tpu.memory_space<hbm>> -> memref<128xi32, #tpu.memory_space<hbm>>
      %dma_start3A_202 = tpu.memref_slice %arg3[%add3A_106] : memref<102400xi32, #tpu.memory_space<hbm>> -> memref<128xi32, #tpu.memory_space<hbm>>
      tpu.enqueue_dma source(%dma_start3A_202 : memref<128xi32, #tpu.memory_space<hbm>>) target(%arg5 : memref<128xi32, #tpu.memory_space<vmem>>) target_semaphore(%run_scoped3A : memref<!tpu.dma_semaphore, #tpu.memory_space<semaphore_mem>>)
      %dma_wait3A_203 = tpu.memref_slice %arg3[%add3A_106] : memref<102400xi32, #tpu.memory_space<hbm>> -> memref<128xi32, #tpu.memory_space<hbm>>
      %dma_wait3A_204 = tpu.memref_slice %arg3[%add3A_106] : memref<102400xi32, #tpu.memory_space<hbm>> -> memref<128xi32, #tpu.memory_space<hbm>>
      tpu.wait_dma2 semaphore(%run_scoped3A : memref<!tpu.dma_semaphore, #tpu.memory_space<semaphore_mem>>) src(%dma_wait3A_204 : memref<128xi32, #tpu.memory_space<hbm>>) dst(%arg5 : memref<128xi32, #tpu.memory_space<vmem>>)
      tpu.yield
    }) : () -> ()
    %dma_start3A_107 = arith.constant 0 : i32
    %dma_start3A_108 = arith.constant 0 : i32
    %dma_start3A_109 = tpu.memref_slice %arg2[%dma_start3A_107, %dma_start3A_108] : memref<100000x256xf32, #tpu.memory_space<hbm>> -> memref<100000x256xf32, #tpu.memory_space<hbm>>
    tpu.enqueue_indirect_dma source(%dma_start3A_109 : memref<100000x256xf32, #tpu.memory_space<hbm>>) target(%arg6 : memref<128x256xf32, #tpu.memory_space<vmem>>) offsets(%arg5 : memref<128xi32, #tpu.memory_space<vmem>>) semaphore(%arg7 : memref<!tpu.dma_semaphore, #tpu.memory_space<semaphore_mem>>)
    %dma_wait3A_110 = arith.constant 0 : i32
    %dma_wait3A_111 = arith.constant 0 : i32
    %dma_wait3A_112 = tpu.memref_slice %arg2[%dma_wait3A_110, %dma_wait3A_111] : memref<100000x256xf32, #tpu.memory_space<hbm>> -> memref<100000x256xf32, #tpu.memory_space<hbm>>
    tpu.wait_indirect_dma semaphore(%arg7 : memref<!tpu.dma_semaphore, #tpu.memory_space<semaphore_mem>>) src(%dma_wait3A_112 : memref<100000x256xf32, #tpu.memory_space<hbm>>) dst(%arg6 : memref<128x256xf32, #tpu.memory_space<vmem>>)
    "tpu.region"() ({
      %run_scoped3A = tpu.sem_alloc : memref<!tpu.dma_semaphore, #tpu.memory_space<semaphore_mem>>
      %dma_start3A_201 = arith.constant 0 : i32
      %dma_start3A_202 = tpu.memref_slice %arg4[%add3A_106, %dma_start3A_201] : memref<102400x256xf32, #tpu.memory_space<hbm>> -> memref<128x256xf32, #tpu.memory_space<hbm>>
      %dma_start3A_203 = arith.constant 0 : i32
      %dma_start3A_204 = tpu.memref_slice %arg4[%add3A_106, %dma_start3A_203] : memref<102400x256xf32, #tpu.memory_space<hbm>> -> memref<128x256xf32, #tpu.memory_space<hbm>>
      tpu.enqueue_dma source(%arg6 : memref<128x256xf32, #tpu.memory_space<vmem>>) target(%dma_start3A_204 : memref<128x256xf32, #tpu.memory_space<hbm>>) target_semaphore(%run_scoped3A : memref<!tpu.dma_semaphore, #tpu.memory_space<semaphore_mem>>)
      %dma_wait3A_205 = arith.constant 0 : i32
      %dma_wait3A_206 = tpu.memref_slice %arg4[%add3A_106, %dma_wait3A_205] : memref<102400x256xf32, #tpu.memory_space<hbm>> -> memref<128x256xf32, #tpu.memory_space<hbm>>
      %dma_wait3A_207 = arith.constant 0 : i32
      %dma_wait3A_208 = tpu.memref_slice %arg4[%add3A_106, %dma_wait3A_207] : memref<102400x256xf32, #tpu.memory_space<hbm>> -> memref<128x256xf32, #tpu.memory_space<hbm>>
      tpu.wait_dma2 semaphore(%run_scoped3A : memref<!tpu.dma_semaphore, #tpu.memory_space<semaphore_mem>>) src(%arg6 : memref<128x256xf32, #tpu.memory_space<vmem>>) dst(%dma_wait3A_208 : memref<128x256xf32, #tpu.memory_space<hbm>>)
      tpu.yield
    }) : () -> ()
    %add3A_113 = arith.constant 1792 : i32
    %add3A_114 = arith.addi %mul3A_2, %add3A_113 : i32
    "tpu.region"() ({
      %run_scoped3A = tpu.sem_alloc : memref<!tpu.dma_semaphore, #tpu.memory_space<semaphore_mem>>
      %dma_start3A_201 = tpu.memref_slice %arg3[%add3A_114] : memref<102400xi32, #tpu.memory_space<hbm>> -> memref<128xi32, #tpu.memory_space<hbm>>
      %dma_start3A_202 = tpu.memref_slice %arg3[%add3A_114] : memref<102400xi32, #tpu.memory_space<hbm>> -> memref<128xi32, #tpu.memory_space<hbm>>
      tpu.enqueue_dma source(%dma_start3A_202 : memref<128xi32, #tpu.memory_space<hbm>>) target(%arg5 : memref<128xi32, #tpu.memory_space<vmem>>) target_semaphore(%run_scoped3A : memref<!tpu.dma_semaphore, #tpu.memory_space<semaphore_mem>>)
      %dma_wait3A_203 = tpu.memref_slice %arg3[%add3A_114] : memref<102400xi32, #tpu.memory_space<hbm>> -> memref<128xi32, #tpu.memory_space<hbm>>
      %dma_wait3A_204 = tpu.memref_slice %arg3[%add3A_114] : memref<102400xi32, #tpu.memory_space<hbm>> -> memref<128xi32, #tpu.memory_space<hbm>>
      tpu.wait_dma2 semaphore(%run_scoped3A : memref<!tpu.dma_semaphore, #tpu.memory_space<semaphore_mem>>) src(%dma_wait3A_204 : memref<128xi32, #tpu.memory_space<hbm>>) dst(%arg5 : memref<128xi32, #tpu.memory_space<vmem>>)
      tpu.yield
    }) : () -> ()
    %dma_start3A_115 = arith.constant 0 : i32
    %dma_start3A_116 = arith.constant 0 : i32
    %dma_start3A_117 = tpu.memref_slice %arg2[%dma_start3A_115, %dma_start3A_116] : memref<100000x256xf32, #tpu.memory_space<hbm>> -> memref<100000x256xf32, #tpu.memory_space<hbm>>
    tpu.enqueue_indirect_dma source(%dma_start3A_117 : memref<100000x256xf32, #tpu.memory_space<hbm>>) target(%arg6 : memref<128x256xf32, #tpu.memory_space<vmem>>) offsets(%arg5 : memref<128xi32, #tpu.memory_space<vmem>>) semaphore(%arg7 : memref<!tpu.dma_semaphore, #tpu.memory_space<semaphore_mem>>)
    %dma_wait3A_118 = arith.constant 0 : i32
    %dma_wait3A_119 = arith.constant 0 : i32
    %dma_wait3A_120 = tpu.memref_slice %arg2[%dma_wait3A_118, %dma_wait3A_119] : memref<100000x256xf32, #tpu.memory_space<hbm>> -> memref<100000x256xf32, #tpu.memory_space<hbm>>
    tpu.wait_indirect_dma semaphore(%arg7 : memref<!tpu.dma_semaphore, #tpu.memory_space<semaphore_mem>>) src(%dma_wait3A_120 : memref<100000x256xf32, #tpu.memory_space<hbm>>) dst(%arg6 : memref<128x256xf32, #tpu.memory_space<vmem>>)
    "tpu.region"() ({
      %run_scoped3A = tpu.sem_alloc : memref<!tpu.dma_semaphore, #tpu.memory_space<semaphore_mem>>
      %dma_start3A_201 = arith.constant 0 : i32
      %dma_start3A_202 = tpu.memref_slice %arg4[%add3A_114, %dma_start3A_201] : memref<102400x256xf32, #tpu.memory_space<hbm>> -> memref<128x256xf32, #tpu.memory_space<hbm>>
      %dma_start3A_203 = arith.constant 0 : i32
      %dma_start3A_204 = tpu.memref_slice %arg4[%add3A_114, %dma_start3A_203] : memref<102400x256xf32, #tpu.memory_space<hbm>> -> memref<128x256xf32, #tpu.memory_space<hbm>>
      tpu.enqueue_dma source(%arg6 : memref<128x256xf32, #tpu.memory_space<vmem>>) target(%dma_start3A_204 : memref<128x256xf32, #tpu.memory_space<hbm>>) target_semaphore(%run_scoped3A : memref<!tpu.dma_semaphore, #tpu.memory_space<semaphore_mem>>)
      %dma_wait3A_205 = arith.constant 0 : i32
      %dma_wait3A_206 = tpu.memref_slice %arg4[%add3A_114, %dma_wait3A_205] : memref<102400x256xf32, #tpu.memory_space<hbm>> -> memref<128x256xf32, #tpu.memory_space<hbm>>
      %dma_wait3A_207 = arith.constant 0 : i32
      %dma_wait3A_208 = tpu.memref_slice %arg4[%add3A_114, %dma_wait3A_207] : memref<102400x256xf32, #tpu.memory_space<hbm>> -> memref<128x256xf32, #tpu.memory_space<hbm>>
      tpu.wait_dma2 semaphore(%run_scoped3A : memref<!tpu.dma_semaphore, #tpu.memory_space<semaphore_mem>>) src(%arg6 : memref<128x256xf32, #tpu.memory_space<vmem>>) dst(%dma_wait3A_208 : memref<128x256xf32, #tpu.memory_space<hbm>>)
      tpu.yield
    }) : () -> ()
    %add3A_121 = arith.constant 1920 : i32
    %add3A_122 = arith.addi %mul3A_2, %add3A_121 : i32
    "tpu.region"() ({
      %run_scoped3A = tpu.sem_alloc : memref<!tpu.dma_semaphore, #tpu.memory_space<semaphore_mem>>
      %dma_start3A_201 = tpu.memref_slice %arg3[%add3A_122] : memref<102400xi32, #tpu.memory_space<hbm>> -> memref<128xi32, #tpu.memory_space<hbm>>
      %dma_start3A_202 = tpu.memref_slice %arg3[%add3A_122] : memref<102400xi32, #tpu.memory_space<hbm>> -> memref<128xi32, #tpu.memory_space<hbm>>
      tpu.enqueue_dma source(%dma_start3A_202 : memref<128xi32, #tpu.memory_space<hbm>>) target(%arg5 : memref<128xi32, #tpu.memory_space<vmem>>) target_semaphore(%run_scoped3A : memref<!tpu.dma_semaphore, #tpu.memory_space<semaphore_mem>>)
      %dma_wait3A_203 = tpu.memref_slice %arg3[%add3A_122] : memref<102400xi32, #tpu.memory_space<hbm>> -> memref<128xi32, #tpu.memory_space<hbm>>
      %dma_wait3A_204 = tpu.memref_slice %arg3[%add3A_122] : memref<102400xi32, #tpu.memory_space<hbm>> -> memref<128xi32, #tpu.memory_space<hbm>>
      tpu.wait_dma2 semaphore(%run_scoped3A : memref<!tpu.dma_semaphore, #tpu.memory_space<semaphore_mem>>) src(%dma_wait3A_204 : memref<128xi32, #tpu.memory_space<hbm>>) dst(%arg5 : memref<128xi32, #tpu.memory_space<vmem>>)
      tpu.yield
    }) : () -> ()
    %dma_start3A_123 = arith.constant 0 : i32
    %dma_start3A_124 = arith.constant 0 : i32
    %dma_start3A_125 = tpu.memref_slice %arg2[%dma_start3A_123, %dma_start3A_124] : memref<100000x256xf32, #tpu.memory_space<hbm>> -> memref<100000x256xf32, #tpu.memory_space<hbm>>
    tpu.enqueue_indirect_dma source(%dma_start3A_125 : memref<100000x256xf32, #tpu.memory_space<hbm>>) target(%arg6 : memref<128x256xf32, #tpu.memory_space<vmem>>) offsets(%arg5 : memref<128xi32, #tpu.memory_space<vmem>>) semaphore(%arg7 : memref<!tpu.dma_semaphore, #tpu.memory_space<semaphore_mem>>)
    %dma_wait3A_126 = arith.constant 0 : i32
    %dma_wait3A_127 = arith.constant 0 : i32
    %dma_wait3A_128 = tpu.memref_slice %arg2[%dma_wait3A_126, %dma_wait3A_127] : memref<100000x256xf32, #tpu.memory_space<hbm>> -> memref<100000x256xf32, #tpu.memory_space<hbm>>
    tpu.wait_indirect_dma semaphore(%arg7 : memref<!tpu.dma_semaphore, #tpu.memory_space<semaphore_mem>>) src(%dma_wait3A_128 : memref<100000x256xf32, #tpu.memory_space<hbm>>) dst(%arg6 : memref<128x256xf32, #tpu.memory_space<vmem>>)
    "tpu.region"() ({
      %run_scoped3A = tpu.sem_alloc : memref<!tpu.dma_semaphore, #tpu.memory_space<semaphore_mem>>
      %dma_start3A_201 = arith.constant 0 : i32
      %dma_start3A_202 = tpu.memref_slice %arg4[%add3A_122, %dma_start3A_201] : memref<102400x256xf32, #tpu.memory_space<hbm>> -> memref<128x256xf32, #tpu.memory_space<hbm>>
      %dma_start3A_203 = arith.constant 0 : i32
      %dma_start3A_204 = tpu.memref_slice %arg4[%add3A_122, %dma_start3A_203] : memref<102400x256xf32, #tpu.memory_space<hbm>> -> memref<128x256xf32, #tpu.memory_space<hbm>>
      tpu.enqueue_dma source(%arg6 : memref<128x256xf32, #tpu.memory_space<vmem>>) target(%dma_start3A_204 : memref<128x256xf32, #tpu.memory_space<hbm>>) target_semaphore(%run_scoped3A : memref<!tpu.dma_semaphore, #tpu.memory_space<semaphore_mem>>)
      %dma_wait3A_205 = arith.constant 0 : i32
      %dma_wait3A_206 = tpu.memref_slice %arg4[%add3A_122, %dma_wait3A_205] : memref<102400x256xf32, #tpu.memory_space<hbm>> -> memref<128x256xf32, #tpu.memory_space<hbm>>
      %dma_wait3A_207 = arith.constant 0 : i32
      %dma_wait3A_208 = tpu.memref_slice %arg4[%add3A_122, %dma_wait3A_207] : memref<102400x256xf32, #tpu.memory_space<hbm>> -> memref<128x256xf32, #tpu.memory_space<hbm>>
      tpu.wait_dma2 semaphore(%run_scoped3A : memref<!tpu.dma_semaphore, #tpu.memory_space<semaphore_mem>>) src(%arg6 : memref<128x256xf32, #tpu.memory_space<vmem>>) dst(%dma_wait3A_208 : memref<128x256xf32, #tpu.memory_space<hbm>>)
      tpu.yield
    }) : () -> ()
    %add3A_129 = arith.constant 2048 : i32
    %add3A_130 = arith.addi %mul3A_2, %add3A_129 : i32
    "tpu.region"() ({
      %run_scoped3A = tpu.sem_alloc : memref<!tpu.dma_semaphore, #tpu.memory_space<semaphore_mem>>
      %dma_start3A_201 = tpu.memref_slice %arg3[%add3A_130] : memref<102400xi32, #tpu.memory_space<hbm>> -> memref<128xi32, #tpu.memory_space<hbm>>
      %dma_start3A_202 = tpu.memref_slice %arg3[%add3A_130] : memref<102400xi32, #tpu.memory_space<hbm>> -> memref<128xi32, #tpu.memory_space<hbm>>
      tpu.enqueue_dma source(%dma_start3A_202 : memref<128xi32, #tpu.memory_space<hbm>>) target(%arg5 : memref<128xi32, #tpu.memory_space<vmem>>) target_semaphore(%run_scoped3A : memref<!tpu.dma_semaphore, #tpu.memory_space<semaphore_mem>>)
      %dma_wait3A_203 = tpu.memref_slice %arg3[%add3A_130] : memref<102400xi32, #tpu.memory_space<hbm>> -> memref<128xi32, #tpu.memory_space<hbm>>
      %dma_wait3A_204 = tpu.memref_slice %arg3[%add3A_130] : memref<102400xi32, #tpu.memory_space<hbm>> -> memref<128xi32, #tpu.memory_space<hbm>>
      tpu.wait_dma2 semaphore(%run_scoped3A : memref<!tpu.dma_semaphore, #tpu.memory_space<semaphore_mem>>) src(%dma_wait3A_204 : memref<128xi32, #tpu.memory_space<hbm>>) dst(%arg5 : memref<128xi32, #tpu.memory_space<vmem>>)
      tpu.yield
    }) : () -> ()
    %dma_start3A_131 = arith.constant 0 : i32
    %dma_start3A_132 = arith.constant 0 : i32
    %dma_start3A_133 = tpu.memref_slice %arg2[%dma_start3A_131, %dma_start3A_132] : memref<100000x256xf32, #tpu.memory_space<hbm>> -> memref<100000x256xf32, #tpu.memory_space<hbm>>
    tpu.enqueue_indirect_dma source(%dma_start3A_133 : memref<100000x256xf32, #tpu.memory_space<hbm>>) target(%arg6 : memref<128x256xf32, #tpu.memory_space<vmem>>) offsets(%arg5 : memref<128xi32, #tpu.memory_space<vmem>>) semaphore(%arg7 : memref<!tpu.dma_semaphore, #tpu.memory_space<semaphore_mem>>)
    %dma_wait3A_134 = arith.constant 0 : i32
    %dma_wait3A_135 = arith.constant 0 : i32
    %dma_wait3A_136 = tpu.memref_slice %arg2[%dma_wait3A_134, %dma_wait3A_135] : memref<100000x256xf32, #tpu.memory_space<hbm>> -> memref<100000x256xf32, #tpu.memory_space<hbm>>
    tpu.wait_indirect_dma semaphore(%arg7 : memref<!tpu.dma_semaphore, #tpu.memory_space<semaphore_mem>>) src(%dma_wait3A_136 : memref<100000x256xf32, #tpu.memory_space<hbm>>) dst(%arg6 : memref<128x256xf32, #tpu.memory_space<vmem>>)
    "tpu.region"() ({
      %run_scoped3A = tpu.sem_alloc : memref<!tpu.dma_semaphore, #tpu.memory_space<semaphore_mem>>
      %dma_start3A_201 = arith.constant 0 : i32
      %dma_start3A_202 = tpu.memref_slice %arg4[%add3A_130, %dma_start3A_201] : memref<102400x256xf32, #tpu.memory_space<hbm>> -> memref<128x256xf32, #tpu.memory_space<hbm>>
      %dma_start3A_203 = arith.constant 0 : i32
      %dma_start3A_204 = tpu.memref_slice %arg4[%add3A_130, %dma_start3A_203] : memref<102400x256xf32, #tpu.memory_space<hbm>> -> memref<128x256xf32, #tpu.memory_space<hbm>>
      tpu.enqueue_dma source(%arg6 : memref<128x256xf32, #tpu.memory_space<vmem>>) target(%dma_start3A_204 : memref<128x256xf32, #tpu.memory_space<hbm>>) target_semaphore(%run_scoped3A : memref<!tpu.dma_semaphore, #tpu.memory_space<semaphore_mem>>)
      %dma_wait3A_205 = arith.constant 0 : i32
      %dma_wait3A_206 = tpu.memref_slice %arg4[%add3A_130, %dma_wait3A_205] : memref<102400x256xf32, #tpu.memory_space<hbm>> -> memref<128x256xf32, #tpu.memory_space<hbm>>
      %dma_wait3A_207 = arith.constant 0 : i32
      %dma_wait3A_208 = tpu.memref_slice %arg4[%add3A_130, %dma_wait3A_207] : memref<102400x256xf32, #tpu.memory_space<hbm>> -> memref<128x256xf32, #tpu.memory_space<hbm>>
      tpu.wait_dma2 semaphore(%run_scoped3A : memref<!tpu.dma_semaphore, #tpu.memory_space<semaphore_mem>>) src(%arg6 : memref<128x256xf32, #tpu.memory_space<vmem>>) dst(%dma_wait3A_208 : memref<128x256xf32, #tpu.memory_space<hbm>>)
      tpu.yield
    }) : () -> ()
    %add3A_137 = arith.constant 2176 : i32
    %add3A_138 = arith.addi %mul3A_2, %add3A_137 : i32
    "tpu.region"() ({
      %run_scoped3A = tpu.sem_alloc : memref<!tpu.dma_semaphore, #tpu.memory_space<semaphore_mem>>
      %dma_start3A_201 = tpu.memref_slice %arg3[%add3A_138] : memref<102400xi32, #tpu.memory_space<hbm>> -> memref<128xi32, #tpu.memory_space<hbm>>
      %dma_start3A_202 = tpu.memref_slice %arg3[%add3A_138] : memref<102400xi32, #tpu.memory_space<hbm>> -> memref<128xi32, #tpu.memory_space<hbm>>
      tpu.enqueue_dma source(%dma_start3A_202 : memref<128xi32, #tpu.memory_space<hbm>>) target(%arg5 : memref<128xi32, #tpu.memory_space<vmem>>) target_semaphore(%run_scoped3A : memref<!tpu.dma_semaphore, #tpu.memory_space<semaphore_mem>>)
      %dma_wait3A_203 = tpu.memref_slice %arg3[%add3A_138] : memref<102400xi32, #tpu.memory_space<hbm>> -> memref<128xi32, #tpu.memory_space<hbm>>
      %dma_wait3A_204 = tpu.memref_slice %arg3[%add3A_138] : memref<102400xi32, #tpu.memory_space<hbm>> -> memref<128xi32, #tpu.memory_space<hbm>>
      tpu.wait_dma2 semaphore(%run_scoped3A : memref<!tpu.dma_semaphore, #tpu.memory_space<semaphore_mem>>) src(%dma_wait3A_204 : memref<128xi32, #tpu.memory_space<hbm>>) dst(%arg5 : memref<128xi32, #tpu.memory_space<vmem>>)
      tpu.yield
    }) : () -> ()
    %dma_start3A_139 = arith.constant 0 : i32
    %dma_start3A_140 = arith.constant 0 : i32
    %dma_start3A_141 = tpu.memref_slice %arg2[%dma_start3A_139, %dma_start3A_140] : memref<100000x256xf32, #tpu.memory_space<hbm>> -> memref<100000x256xf32, #tpu.memory_space<hbm>>
    tpu.enqueue_indirect_dma source(%dma_start3A_141 : memref<100000x256xf32, #tpu.memory_space<hbm>>) target(%arg6 : memref<128x256xf32, #tpu.memory_space<vmem>>) offsets(%arg5 : memref<128xi32, #tpu.memory_space<vmem>>) semaphore(%arg7 : memref<!tpu.dma_semaphore, #tpu.memory_space<semaphore_mem>>)
    %dma_wait3A_142 = arith.constant 0 : i32
    %dma_wait3A_143 = arith.constant 0 : i32
    %dma_wait3A_144 = tpu.memref_slice %arg2[%dma_wait3A_142, %dma_wait3A_143] : memref<100000x256xf32, #tpu.memory_space<hbm>> -> memref<100000x256xf32, #tpu.memory_space<hbm>>
    tpu.wait_indirect_dma semaphore(%arg7 : memref<!tpu.dma_semaphore, #tpu.memory_space<semaphore_mem>>) src(%dma_wait3A_144 : memref<100000x256xf32, #tpu.memory_space<hbm>>) dst(%arg6 : memref<128x256xf32, #tpu.memory_space<vmem>>)
    "tpu.region"() ({
      %run_scoped3A = tpu.sem_alloc : memref<!tpu.dma_semaphore, #tpu.memory_space<semaphore_mem>>
      %dma_start3A_201 = arith.constant 0 : i32
      %dma_start3A_202 = tpu.memref_slice %arg4[%add3A_138, %dma_start3A_201] : memref<102400x256xf32, #tpu.memory_space<hbm>> -> memref<128x256xf32, #tpu.memory_space<hbm>>
      %dma_start3A_203 = arith.constant 0 : i32
      %dma_start3A_204 = tpu.memref_slice %arg4[%add3A_138, %dma_start3A_203] : memref<102400x256xf32, #tpu.memory_space<hbm>> -> memref<128x256xf32, #tpu.memory_space<hbm>>
      tpu.enqueue_dma source(%arg6 : memref<128x256xf32, #tpu.memory_space<vmem>>) target(%dma_start3A_204 : memref<128x256xf32, #tpu.memory_space<hbm>>) target_semaphore(%run_scoped3A : memref<!tpu.dma_semaphore, #tpu.memory_space<semaphore_mem>>)
      %dma_wait3A_205 = arith.constant 0 : i32
      %dma_wait3A_206 = tpu.memref_slice %arg4[%add3A_138, %dma_wait3A_205] : memref<102400x256xf32, #tpu.memory_space<hbm>> -> memref<128x256xf32, #tpu.memory_space<hbm>>
      %dma_wait3A_207 = arith.constant 0 : i32
      %dma_wait3A_208 = tpu.memref_slice %arg4[%add3A_138, %dma_wait3A_207] : memref<102400x256xf32, #tpu.memory_space<hbm>> -> memref<128x256xf32, #tpu.memory_space<hbm>>
      tpu.wait_dma2 semaphore(%run_scoped3A : memref<!tpu.dma_semaphore, #tpu.memory_space<semaphore_mem>>) src(%arg6 : memref<128x256xf32, #tpu.memory_space<vmem>>) dst(%dma_wait3A_208 : memref<128x256xf32, #tpu.memory_space<hbm>>)
      tpu.yield
    }) : () -> ()
    %add3A_145 = arith.constant 2304 : i32
    %add3A_146 = arith.addi %mul3A_2, %add3A_145 : i32
    "tpu.region"() ({
      %run_scoped3A = tpu.sem_alloc : memref<!tpu.dma_semaphore, #tpu.memory_space<semaphore_mem>>
      %dma_start3A_201 = tpu.memref_slice %arg3[%add3A_146] : memref<102400xi32, #tpu.memory_space<hbm>> -> memref<128xi32, #tpu.memory_space<hbm>>
      %dma_start3A_202 = tpu.memref_slice %arg3[%add3A_146] : memref<102400xi32, #tpu.memory_space<hbm>> -> memref<128xi32, #tpu.memory_space<hbm>>
      tpu.enqueue_dma source(%dma_start3A_202 : memref<128xi32, #tpu.memory_space<hbm>>) target(%arg5 : memref<128xi32, #tpu.memory_space<vmem>>) target_semaphore(%run_scoped3A : memref<!tpu.dma_semaphore, #tpu.memory_space<semaphore_mem>>)
      %dma_wait3A_203 = tpu.memref_slice %arg3[%add3A_146] : memref<102400xi32, #tpu.memory_space<hbm>> -> memref<128xi32, #tpu.memory_space<hbm>>
      %dma_wait3A_204 = tpu.memref_slice %arg3[%add3A_146] : memref<102400xi32, #tpu.memory_space<hbm>> -> memref<128xi32, #tpu.memory_space<hbm>>
      tpu.wait_dma2 semaphore(%run_scoped3A : memref<!tpu.dma_semaphore, #tpu.memory_space<semaphore_mem>>) src(%dma_wait3A_204 : memref<128xi32, #tpu.memory_space<hbm>>) dst(%arg5 : memref<128xi32, #tpu.memory_space<vmem>>)
      tpu.yield
    }) : () -> ()
    %dma_start3A_147 = arith.constant 0 : i32
    %dma_start3A_148 = arith.constant 0 : i32
    %dma_start3A_149 = tpu.memref_slice %arg2[%dma_start3A_147, %dma_start3A_148] : memref<100000x256xf32, #tpu.memory_space<hbm>> -> memref<100000x256xf32, #tpu.memory_space<hbm>>
    tpu.enqueue_indirect_dma source(%dma_start3A_149 : memref<100000x256xf32, #tpu.memory_space<hbm>>) target(%arg6 : memref<128x256xf32, #tpu.memory_space<vmem>>) offsets(%arg5 : memref<128xi32, #tpu.memory_space<vmem>>) semaphore(%arg7 : memref<!tpu.dma_semaphore, #tpu.memory_space<semaphore_mem>>)
    %dma_wait3A_150 = arith.constant 0 : i32
    %dma_wait3A_151 = arith.constant 0 : i32
    %dma_wait3A_152 = tpu.memref_slice %arg2[%dma_wait3A_150, %dma_wait3A_151] : memref<100000x256xf32, #tpu.memory_space<hbm>> -> memref<100000x256xf32, #tpu.memory_space<hbm>>
    tpu.wait_indirect_dma semaphore(%arg7 : memref<!tpu.dma_semaphore, #tpu.memory_space<semaphore_mem>>) src(%dma_wait3A_152 : memref<100000x256xf32, #tpu.memory_space<hbm>>) dst(%arg6 : memref<128x256xf32, #tpu.memory_space<vmem>>)
    "tpu.region"() ({
      %run_scoped3A = tpu.sem_alloc : memref<!tpu.dma_semaphore, #tpu.memory_space<semaphore_mem>>
      %dma_start3A_201 = arith.constant 0 : i32
      %dma_start3A_202 = tpu.memref_slice %arg4[%add3A_146, %dma_start3A_201] : memref<102400x256xf32, #tpu.memory_space<hbm>> -> memref<128x256xf32, #tpu.memory_space<hbm>>
      %dma_start3A_203 = arith.constant 0 : i32
      %dma_start3A_204 = tpu.memref_slice %arg4[%add3A_146, %dma_start3A_203] : memref<102400x256xf32, #tpu.memory_space<hbm>> -> memref<128x256xf32, #tpu.memory_space<hbm>>
      tpu.enqueue_dma source(%arg6 : memref<128x256xf32, #tpu.memory_space<vmem>>) target(%dma_start3A_204 : memref<128x256xf32, #tpu.memory_space<hbm>>) target_semaphore(%run_scoped3A : memref<!tpu.dma_semaphore, #tpu.memory_space<semaphore_mem>>)
      %dma_wait3A_205 = arith.constant 0 : i32
      %dma_wait3A_206 = tpu.memref_slice %arg4[%add3A_146, %dma_wait3A_205] : memref<102400x256xf32, #tpu.memory_space<hbm>> -> memref<128x256xf32, #tpu.memory_space<hbm>>
      %dma_wait3A_207 = arith.constant 0 : i32
      %dma_wait3A_208 = tpu.memref_slice %arg4[%add3A_146, %dma_wait3A_207] : memref<102400x256xf32, #tpu.memory_space<hbm>> -> memref<128x256xf32, #tpu.memory_space<hbm>>
      tpu.wait_dma2 semaphore(%run_scoped3A : memref<!tpu.dma_semaphore, #tpu.memory_space<semaphore_mem>>) src(%arg6 : memref<128x256xf32, #tpu.memory_space<vmem>>) dst(%dma_wait3A_208 : memref<128x256xf32, #tpu.memory_space<hbm>>)
      tpu.yield
    }) : () -> ()
    %add3A_153 = arith.constant 2432 : i32
    %add3A_154 = arith.addi %mul3A_2, %add3A_153 : i32
    "tpu.region"() ({
      %run_scoped3A = tpu.sem_alloc : memref<!tpu.dma_semaphore, #tpu.memory_space<semaphore_mem>>
      %dma_start3A_201 = tpu.memref_slice %arg3[%add3A_154] : memref<102400xi32, #tpu.memory_space<hbm>> -> memref<128xi32, #tpu.memory_space<hbm>>
      %dma_start3A_202 = tpu.memref_slice %arg3[%add3A_154] : memref<102400xi32, #tpu.memory_space<hbm>> -> memref<128xi32, #tpu.memory_space<hbm>>
      tpu.enqueue_dma source(%dma_start3A_202 : memref<128xi32, #tpu.memory_space<hbm>>) target(%arg5 : memref<128xi32, #tpu.memory_space<vmem>>) target_semaphore(%run_scoped3A : memref<!tpu.dma_semaphore, #tpu.memory_space<semaphore_mem>>)
      %dma_wait3A_203 = tpu.memref_slice %arg3[%add3A_154] : memref<102400xi32, #tpu.memory_space<hbm>> -> memref<128xi32, #tpu.memory_space<hbm>>
      %dma_wait3A_204 = tpu.memref_slice %arg3[%add3A_154] : memref<102400xi32, #tpu.memory_space<hbm>> -> memref<128xi32, #tpu.memory_space<hbm>>
      tpu.wait_dma2 semaphore(%run_scoped3A : memref<!tpu.dma_semaphore, #tpu.memory_space<semaphore_mem>>) src(%dma_wait3A_204 : memref<128xi32, #tpu.memory_space<hbm>>) dst(%arg5 : memref<128xi32, #tpu.memory_space<vmem>>)
      tpu.yield
    }) : () -> ()
    %dma_start3A_155 = arith.constant 0 : i32
    %dma_start3A_156 = arith.constant 0 : i32
    %dma_start3A_157 = tpu.memref_slice %arg2[%dma_start3A_155, %dma_start3A_156] : memref<100000x256xf32, #tpu.memory_space<hbm>> -> memref<100000x256xf32, #tpu.memory_space<hbm>>
    tpu.enqueue_indirect_dma source(%dma_start3A_157 : memref<100000x256xf32, #tpu.memory_space<hbm>>) target(%arg6 : memref<128x256xf32, #tpu.memory_space<vmem>>) offsets(%arg5 : memref<128xi32, #tpu.memory_space<vmem>>) semaphore(%arg7 : memref<!tpu.dma_semaphore, #tpu.memory_space<semaphore_mem>>)
    %dma_wait3A_158 = arith.constant 0 : i32
    %dma_wait3A_159 = arith.constant 0 : i32
    %dma_wait3A_160 = tpu.memref_slice %arg2[%dma_wait3A_158, %dma_wait3A_159] : memref<100000x256xf32, #tpu.memory_space<hbm>> -> memref<100000x256xf32, #tpu.memory_space<hbm>>
    tpu.wait_indirect_dma semaphore(%arg7 : memref<!tpu.dma_semaphore, #tpu.memory_space<semaphore_mem>>) src(%dma_wait3A_160 : memref<100000x256xf32, #tpu.memory_space<hbm>>) dst(%arg6 : memref<128x256xf32, #tpu.memory_space<vmem>>)
    "tpu.region"() ({
      %run_scoped3A = tpu.sem_alloc : memref<!tpu.dma_semaphore, #tpu.memory_space<semaphore_mem>>
      %dma_start3A_201 = arith.constant 0 : i32
      %dma_start3A_202 = tpu.memref_slice %arg4[%add3A_154, %dma_start3A_201] : memref<102400x256xf32, #tpu.memory_space<hbm>> -> memref<128x256xf32, #tpu.memory_space<hbm>>
      %dma_start3A_203 = arith.constant 0 : i32
      %dma_start3A_204 = tpu.memref_slice %arg4[%add3A_154, %dma_start3A_203] : memref<102400x256xf32, #tpu.memory_space<hbm>> -> memref<128x256xf32, #tpu.memory_space<hbm>>
      tpu.enqueue_dma source(%arg6 : memref<128x256xf32, #tpu.memory_space<vmem>>) target(%dma_start3A_204 : memref<128x256xf32, #tpu.memory_space<hbm>>) target_semaphore(%run_scoped3A : memref<!tpu.dma_semaphore, #tpu.memory_space<semaphore_mem>>)
      %dma_wait3A_205 = arith.constant 0 : i32
      %dma_wait3A_206 = tpu.memref_slice %arg4[%add3A_154, %dma_wait3A_205] : memref<102400x256xf32, #tpu.memory_space<hbm>> -> memref<128x256xf32, #tpu.memory_space<hbm>>
      %dma_wait3A_207 = arith.constant 0 : i32
      %dma_wait3A_208 = tpu.memref_slice %arg4[%add3A_154, %dma_wait3A_207] : memref<102400x256xf32, #tpu.memory_space<hbm>> -> memref<128x256xf32, #tpu.memory_space<hbm>>
      tpu.wait_dma2 semaphore(%run_scoped3A : memref<!tpu.dma_semaphore, #tpu.memory_space<semaphore_mem>>) src(%arg6 : memref<128x256xf32, #tpu.memory_space<vmem>>) dst(%dma_wait3A_208 : memref<128x256xf32, #tpu.memory_space<hbm>>)
      tpu.yield
    }) : () -> ()
    %add3A_161 = arith.constant 2560 : i32
    %add3A_162 = arith.addi %mul3A_2, %add3A_161 : i32
    "tpu.region"() ({
      %run_scoped3A = tpu.sem_alloc : memref<!tpu.dma_semaphore, #tpu.memory_space<semaphore_mem>>
      %dma_start3A_201 = tpu.memref_slice %arg3[%add3A_162] : memref<102400xi32, #tpu.memory_space<hbm>> -> memref<128xi32, #tpu.memory_space<hbm>>
      %dma_start3A_202 = tpu.memref_slice %arg3[%add3A_162] : memref<102400xi32, #tpu.memory_space<hbm>> -> memref<128xi32, #tpu.memory_space<hbm>>
      tpu.enqueue_dma source(%dma_start3A_202 : memref<128xi32, #tpu.memory_space<hbm>>) target(%arg5 : memref<128xi32, #tpu.memory_space<vmem>>) target_semaphore(%run_scoped3A : memref<!tpu.dma_semaphore, #tpu.memory_space<semaphore_mem>>)
      %dma_wait3A_203 = tpu.memref_slice %arg3[%add3A_162] : memref<102400xi32, #tpu.memory_space<hbm>> -> memref<128xi32, #tpu.memory_space<hbm>>
      %dma_wait3A_204 = tpu.memref_slice %arg3[%add3A_162] : memref<102400xi32, #tpu.memory_space<hbm>> -> memref<128xi32, #tpu.memory_space<hbm>>
      tpu.wait_dma2 semaphore(%run_scoped3A : memref<!tpu.dma_semaphore, #tpu.memory_space<semaphore_mem>>) src(%dma_wait3A_204 : memref<128xi32, #tpu.memory_space<hbm>>) dst(%arg5 : memref<128xi32, #tpu.memory_space<vmem>>)
      tpu.yield
    }) : () -> ()
    %dma_start3A_163 = arith.constant 0 : i32
    %dma_start3A_164 = arith.constant 0 : i32
    %dma_start3A_165 = tpu.memref_slice %arg2[%dma_start3A_163, %dma_start3A_164] : memref<100000x256xf32, #tpu.memory_space<hbm>> -> memref<100000x256xf32, #tpu.memory_space<hbm>>
    tpu.enqueue_indirect_dma source(%dma_start3A_165 : memref<100000x256xf32, #tpu.memory_space<hbm>>) target(%arg6 : memref<128x256xf32, #tpu.memory_space<vmem>>) offsets(%arg5 : memref<128xi32, #tpu.memory_space<vmem>>) semaphore(%arg7 : memref<!tpu.dma_semaphore, #tpu.memory_space<semaphore_mem>>)
    %dma_wait3A_166 = arith.constant 0 : i32
    %dma_wait3A_167 = arith.constant 0 : i32
    %dma_wait3A_168 = tpu.memref_slice %arg2[%dma_wait3A_166, %dma_wait3A_167] : memref<100000x256xf32, #tpu.memory_space<hbm>> -> memref<100000x256xf32, #tpu.memory_space<hbm>>
    tpu.wait_indirect_dma semaphore(%arg7 : memref<!tpu.dma_semaphore, #tpu.memory_space<semaphore_mem>>) src(%dma_wait3A_168 : memref<100000x256xf32, #tpu.memory_space<hbm>>) dst(%arg6 : memref<128x256xf32, #tpu.memory_space<vmem>>)
    "tpu.region"() ({
      %run_scoped3A = tpu.sem_alloc : memref<!tpu.dma_semaphore, #tpu.memory_space<semaphore_mem>>
      %dma_start3A_201 = arith.constant 0 : i32
      %dma_start3A_202 = tpu.memref_slice %arg4[%add3A_162, %dma_start3A_201] : memref<102400x256xf32, #tpu.memory_space<hbm>> -> memref<128x256xf32, #tpu.memory_space<hbm>>
      %dma_start3A_203 = arith.constant 0 : i32
      %dma_start3A_204 = tpu.memref_slice %arg4[%add3A_162, %dma_start3A_203] : memref<102400x256xf32, #tpu.memory_space<hbm>> -> memref<128x256xf32, #tpu.memory_space<hbm>>
      tpu.enqueue_dma source(%arg6 : memref<128x256xf32, #tpu.memory_space<vmem>>) target(%dma_start3A_204 : memref<128x256xf32, #tpu.memory_space<hbm>>) target_semaphore(%run_scoped3A : memref<!tpu.dma_semaphore, #tpu.memory_space<semaphore_mem>>)
      %dma_wait3A_205 = arith.constant 0 : i32
      %dma_wait3A_206 = tpu.memref_slice %arg4[%add3A_162, %dma_wait3A_205] : memref<102400x256xf32, #tpu.memory_space<hbm>> -> memref<128x256xf32, #tpu.memory_space<hbm>>
      %dma_wait3A_207 = arith.constant 0 : i32
      %dma_wait3A_208 = tpu.memref_slice %arg4[%add3A_162, %dma_wait3A_207] : memref<102400x256xf32, #tpu.memory_space<hbm>> -> memref<128x256xf32, #tpu.memory_space<hbm>>
      tpu.wait_dma2 semaphore(%run_scoped3A : memref<!tpu.dma_semaphore, #tpu.memory_space<semaphore_mem>>) src(%arg6 : memref<128x256xf32, #tpu.memory_space<vmem>>) dst(%dma_wait3A_208 : memref<128x256xf32, #tpu.memory_space<hbm>>)
      tpu.yield
    }) : () -> ()
    %add3A_169 = arith.constant 2688 : i32
    %add3A_170 = arith.addi %mul3A_2, %add3A_169 : i32
    "tpu.region"() ({
      %run_scoped3A = tpu.sem_alloc : memref<!tpu.dma_semaphore, #tpu.memory_space<semaphore_mem>>
      %dma_start3A_201 = tpu.memref_slice %arg3[%add3A_170] : memref<102400xi32, #tpu.memory_space<hbm>> -> memref<128xi32, #tpu.memory_space<hbm>>
      %dma_start3A_202 = tpu.memref_slice %arg3[%add3A_170] : memref<102400xi32, #tpu.memory_space<hbm>> -> memref<128xi32, #tpu.memory_space<hbm>>
      tpu.enqueue_dma source(%dma_start3A_202 : memref<128xi32, #tpu.memory_space<hbm>>) target(%arg5 : memref<128xi32, #tpu.memory_space<vmem>>) target_semaphore(%run_scoped3A : memref<!tpu.dma_semaphore, #tpu.memory_space<semaphore_mem>>)
      %dma_wait3A_203 = tpu.memref_slice %arg3[%add3A_170] : memref<102400xi32, #tpu.memory_space<hbm>> -> memref<128xi32, #tpu.memory_space<hbm>>
      %dma_wait3A_204 = tpu.memref_slice %arg3[%add3A_170] : memref<102400xi32, #tpu.memory_space<hbm>> -> memref<128xi32, #tpu.memory_space<hbm>>
      tpu.wait_dma2 semaphore(%run_scoped3A : memref<!tpu.dma_semaphore, #tpu.memory_space<semaphore_mem>>) src(%dma_wait3A_204 : memref<128xi32, #tpu.memory_space<hbm>>) dst(%arg5 : memref<128xi32, #tpu.memory_space<vmem>>)
      tpu.yield
    }) : () -> ()
    %dma_start3A_171 = arith.constant 0 : i32
    %dma_start3A_172 = arith.constant 0 : i32
    %dma_start3A_173 = tpu.memref_slice %arg2[%dma_start3A_171, %dma_start3A_172] : memref<100000x256xf32, #tpu.memory_space<hbm>> -> memref<100000x256xf32, #tpu.memory_space<hbm>>
    tpu.enqueue_indirect_dma source(%dma_start3A_173 : memref<100000x256xf32, #tpu.memory_space<hbm>>) target(%arg6 : memref<128x256xf32, #tpu.memory_space<vmem>>) offsets(%arg5 : memref<128xi32, #tpu.memory_space<vmem>>) semaphore(%arg7 : memref<!tpu.dma_semaphore, #tpu.memory_space<semaphore_mem>>)
    %dma_wait3A_174 = arith.constant 0 : i32
    %dma_wait3A_175 = arith.constant 0 : i32
    %dma_wait3A_176 = tpu.memref_slice %arg2[%dma_wait3A_174, %dma_wait3A_175] : memref<100000x256xf32, #tpu.memory_space<hbm>> -> memref<100000x256xf32, #tpu.memory_space<hbm>>
    tpu.wait_indirect_dma semaphore(%arg7 : memref<!tpu.dma_semaphore, #tpu.memory_space<semaphore_mem>>) src(%dma_wait3A_176 : memref<100000x256xf32, #tpu.memory_space<hbm>>) dst(%arg6 : memref<128x256xf32, #tpu.memory_space<vmem>>)
    "tpu.region"() ({
      %run_scoped3A = tpu.sem_alloc : memref<!tpu.dma_semaphore, #tpu.memory_space<semaphore_mem>>
      %dma_start3A_201 = arith.constant 0 : i32
      %dma_start3A_202 = tpu.memref_slice %arg4[%add3A_170, %dma_start3A_201] : memref<102400x256xf32, #tpu.memory_space<hbm>> -> memref<128x256xf32, #tpu.memory_space<hbm>>
      %dma_start3A_203 = arith.constant 0 : i32
      %dma_start3A_204 = tpu.memref_slice %arg4[%add3A_170, %dma_start3A_203] : memref<102400x256xf32, #tpu.memory_space<hbm>> -> memref<128x256xf32, #tpu.memory_space<hbm>>
      tpu.enqueue_dma source(%arg6 : memref<128x256xf32, #tpu.memory_space<vmem>>) target(%dma_start3A_204 : memref<128x256xf32, #tpu.memory_space<hbm>>) target_semaphore(%run_scoped3A : memref<!tpu.dma_semaphore, #tpu.memory_space<semaphore_mem>>)
      %dma_wait3A_205 = arith.constant 0 : i32
      %dma_wait3A_206 = tpu.memref_slice %arg4[%add3A_170, %dma_wait3A_205] : memref<102400x256xf32, #tpu.memory_space<hbm>> -> memref<128x256xf32, #tpu.memory_space<hbm>>
      %dma_wait3A_207 = arith.constant 0 : i32
      %dma_wait3A_208 = tpu.memref_slice %arg4[%add3A_170, %dma_wait3A_207] : memref<102400x256xf32, #tpu.memory_space<hbm>> -> memref<128x256xf32, #tpu.memory_space<hbm>>
      tpu.wait_dma2 semaphore(%run_scoped3A : memref<!tpu.dma_semaphore, #tpu.memory_space<semaphore_mem>>) src(%arg6 : memref<128x256xf32, #tpu.memory_space<vmem>>) dst(%dma_wait3A_208 : memref<128x256xf32, #tpu.memory_space<hbm>>)
      tpu.yield
    }) : () -> ()
    %add3A_177 = arith.constant 2816 : i32
    %add3A_178 = arith.addi %mul3A_2, %add3A_177 : i32
    "tpu.region"() ({
      %run_scoped3A = tpu.sem_alloc : memref<!tpu.dma_semaphore, #tpu.memory_space<semaphore_mem>>
      %dma_start3A_201 = tpu.memref_slice %arg3[%add3A_178] : memref<102400xi32, #tpu.memory_space<hbm>> -> memref<128xi32, #tpu.memory_space<hbm>>
      %dma_start3A_202 = tpu.memref_slice %arg3[%add3A_178] : memref<102400xi32, #tpu.memory_space<hbm>> -> memref<128xi32, #tpu.memory_space<hbm>>
      tpu.enqueue_dma source(%dma_start3A_202 : memref<128xi32, #tpu.memory_space<hbm>>) target(%arg5 : memref<128xi32, #tpu.memory_space<vmem>>) target_semaphore(%run_scoped3A : memref<!tpu.dma_semaphore, #tpu.memory_space<semaphore_mem>>)
      %dma_wait3A_203 = tpu.memref_slice %arg3[%add3A_178] : memref<102400xi32, #tpu.memory_space<hbm>> -> memref<128xi32, #tpu.memory_space<hbm>>
      %dma_wait3A_204 = tpu.memref_slice %arg3[%add3A_178] : memref<102400xi32, #tpu.memory_space<hbm>> -> memref<128xi32, #tpu.memory_space<hbm>>
      tpu.wait_dma2 semaphore(%run_scoped3A : memref<!tpu.dma_semaphore, #tpu.memory_space<semaphore_mem>>) src(%dma_wait3A_204 : memref<128xi32, #tpu.memory_space<hbm>>) dst(%arg5 : memref<128xi32, #tpu.memory_space<vmem>>)
      tpu.yield
    }) : () -> ()
    %dma_start3A_179 = arith.constant 0 : i32
    %dma_start3A_180 = arith.constant 0 : i32
    %dma_start3A_181 = tpu.memref_slice %arg2[%dma_start3A_179, %dma_start3A_180] : memref<100000x256xf32, #tpu.memory_space<hbm>> -> memref<100000x256xf32, #tpu.memory_space<hbm>>
    tpu.enqueue_indirect_dma source(%dma_start3A_181 : memref<100000x256xf32, #tpu.memory_space<hbm>>) target(%arg6 : memref<128x256xf32, #tpu.memory_space<vmem>>) offsets(%arg5 : memref<128xi32, #tpu.memory_space<vmem>>) semaphore(%arg7 : memref<!tpu.dma_semaphore, #tpu.memory_space<semaphore_mem>>)
    %dma_wait3A_182 = arith.constant 0 : i32
    %dma_wait3A_183 = arith.constant 0 : i32
    %dma_wait3A_184 = tpu.memref_slice %arg2[%dma_wait3A_182, %dma_wait3A_183] : memref<100000x256xf32, #tpu.memory_space<hbm>> -> memref<100000x256xf32, #tpu.memory_space<hbm>>
    tpu.wait_indirect_dma semaphore(%arg7 : memref<!tpu.dma_semaphore, #tpu.memory_space<semaphore_mem>>) src(%dma_wait3A_184 : memref<100000x256xf32, #tpu.memory_space<hbm>>) dst(%arg6 : memref<128x256xf32, #tpu.memory_space<vmem>>)
    "tpu.region"() ({
      %run_scoped3A = tpu.sem_alloc : memref<!tpu.dma_semaphore, #tpu.memory_space<semaphore_mem>>
      %dma_start3A_201 = arith.constant 0 : i32
      %dma_start3A_202 = tpu.memref_slice %arg4[%add3A_178, %dma_start3A_201] : memref<102400x256xf32, #tpu.memory_space<hbm>> -> memref<128x256xf32, #tpu.memory_space<hbm>>
      %dma_start3A_203 = arith.constant 0 : i32
      %dma_start3A_204 = tpu.memref_slice %arg4[%add3A_178, %dma_start3A_203] : memref<102400x256xf32, #tpu.memory_space<hbm>> -> memref<128x256xf32, #tpu.memory_space<hbm>>
      tpu.enqueue_dma source(%arg6 : memref<128x256xf32, #tpu.memory_space<vmem>>) target(%dma_start3A_204 : memref<128x256xf32, #tpu.memory_space<hbm>>) target_semaphore(%run_scoped3A : memref<!tpu.dma_semaphore, #tpu.memory_space<semaphore_mem>>)
      %dma_wait3A_205 = arith.constant 0 : i32
      %dma_wait3A_206 = tpu.memref_slice %arg4[%add3A_178, %dma_wait3A_205] : memref<102400x256xf32, #tpu.memory_space<hbm>> -> memref<128x256xf32, #tpu.memory_space<hbm>>
      %dma_wait3A_207 = arith.constant 0 : i32
      %dma_wait3A_208 = tpu.memref_slice %arg4[%add3A_178, %dma_wait3A_207] : memref<102400x256xf32, #tpu.memory_space<hbm>> -> memref<128x256xf32, #tpu.memory_space<hbm>>
      tpu.wait_dma2 semaphore(%run_scoped3A : memref<!tpu.dma_semaphore, #tpu.memory_space<semaphore_mem>>) src(%arg6 : memref<128x256xf32, #tpu.memory_space<vmem>>) dst(%dma_wait3A_208 : memref<128x256xf32, #tpu.memory_space<hbm>>)
      tpu.yield
    }) : () -> ()
    %add3A_185 = arith.constant 2944 : i32
    %add3A_186 = arith.addi %mul3A_2, %add3A_185 : i32
    "tpu.region"() ({
      %run_scoped3A = tpu.sem_alloc : memref<!tpu.dma_semaphore, #tpu.memory_space<semaphore_mem>>
      %dma_start3A_201 = tpu.memref_slice %arg3[%add3A_186] : memref<102400xi32, #tpu.memory_space<hbm>> -> memref<128xi32, #tpu.memory_space<hbm>>
      %dma_start3A_202 = tpu.memref_slice %arg3[%add3A_186] : memref<102400xi32, #tpu.memory_space<hbm>> -> memref<128xi32, #tpu.memory_space<hbm>>
      tpu.enqueue_dma source(%dma_start3A_202 : memref<128xi32, #tpu.memory_space<hbm>>) target(%arg5 : memref<128xi32, #tpu.memory_space<vmem>>) target_semaphore(%run_scoped3A : memref<!tpu.dma_semaphore, #tpu.memory_space<semaphore_mem>>)
      %dma_wait3A_203 = tpu.memref_slice %arg3[%add3A_186] : memref<102400xi32, #tpu.memory_space<hbm>> -> memref<128xi32, #tpu.memory_space<hbm>>
      %dma_wait3A_204 = tpu.memref_slice %arg3[%add3A_186] : memref<102400xi32, #tpu.memory_space<hbm>> -> memref<128xi32, #tpu.memory_space<hbm>>
      tpu.wait_dma2 semaphore(%run_scoped3A : memref<!tpu.dma_semaphore, #tpu.memory_space<semaphore_mem>>) src(%dma_wait3A_204 : memref<128xi32, #tpu.memory_space<hbm>>) dst(%arg5 : memref<128xi32, #tpu.memory_space<vmem>>)
      tpu.yield
    }) : () -> ()
    %dma_start3A_187 = arith.constant 0 : i32
    %dma_start3A_188 = arith.constant 0 : i32
    %dma_start3A_189 = tpu.memref_slice %arg2[%dma_start3A_187, %dma_start3A_188] : memref<100000x256xf32, #tpu.memory_space<hbm>> -> memref<100000x256xf32, #tpu.memory_space<hbm>>
    tpu.enqueue_indirect_dma source(%dma_start3A_189 : memref<100000x256xf32, #tpu.memory_space<hbm>>) target(%arg6 : memref<128x256xf32, #tpu.memory_space<vmem>>) offsets(%arg5 : memref<128xi32, #tpu.memory_space<vmem>>) semaphore(%arg7 : memref<!tpu.dma_semaphore, #tpu.memory_space<semaphore_mem>>)
    %dma_wait3A_190 = arith.constant 0 : i32
    %dma_wait3A_191 = arith.constant 0 : i32
    %dma_wait3A_192 = tpu.memref_slice %arg2[%dma_wait3A_190, %dma_wait3A_191] : memref<100000x256xf32, #tpu.memory_space<hbm>> -> memref<100000x256xf32, #tpu.memory_space<hbm>>
    tpu.wait_indirect_dma semaphore(%arg7 : memref<!tpu.dma_semaphore, #tpu.memory_space<semaphore_mem>>) src(%dma_wait3A_192 : memref<100000x256xf32, #tpu.memory_space<hbm>>) dst(%arg6 : memref<128x256xf32, #tpu.memory_space<vmem>>)
    "tpu.region"() ({
      %run_scoped3A = tpu.sem_alloc : memref<!tpu.dma_semaphore, #tpu.memory_space<semaphore_mem>>
      %dma_start3A_201 = arith.constant 0 : i32
      %dma_start3A_202 = tpu.memref_slice %arg4[%add3A_186, %dma_start3A_201] : memref<102400x256xf32, #tpu.memory_space<hbm>> -> memref<128x256xf32, #tpu.memory_space<hbm>>
      %dma_start3A_203 = arith.constant 0 : i32
      %dma_start3A_204 = tpu.memref_slice %arg4[%add3A_186, %dma_start3A_203] : memref<102400x256xf32, #tpu.memory_space<hbm>> -> memref<128x256xf32, #tpu.memory_space<hbm>>
      tpu.enqueue_dma source(%arg6 : memref<128x256xf32, #tpu.memory_space<vmem>>) target(%dma_start3A_204 : memref<128x256xf32, #tpu.memory_space<hbm>>) target_semaphore(%run_scoped3A : memref<!tpu.dma_semaphore, #tpu.memory_space<semaphore_mem>>)
      %dma_wait3A_205 = arith.constant 0 : i32
      %dma_wait3A_206 = tpu.memref_slice %arg4[%add3A_186, %dma_wait3A_205] : memref<102400x256xf32, #tpu.memory_space<hbm>> -> memref<128x256xf32, #tpu.memory_space<hbm>>
      %dma_wait3A_207 = arith.constant 0 : i32
      %dma_wait3A_208 = tpu.memref_slice %arg4[%add3A_186, %dma_wait3A_207] : memref<102400x256xf32, #tpu.memory_space<hbm>> -> memref<128x256xf32, #tpu.memory_space<hbm>>
      tpu.wait_dma2 semaphore(%run_scoped3A : memref<!tpu.dma_semaphore, #tpu.memory_space<semaphore_mem>>) src(%arg6 : memref<128x256xf32, #tpu.memory_space<vmem>>) dst(%dma_wait3A_208 : memref<128x256xf32, #tpu.memory_space<hbm>>)
      tpu.yield
    }) : () -> ()
    %add3A_193 = arith.constant 3072 : i32
    %add3A_194 = arith.addi %mul3A_2, %add3A_193 : i32
    "tpu.region"() ({
      %run_scoped3A = tpu.sem_alloc : memref<!tpu.dma_semaphore, #tpu.memory_space<semaphore_mem>>
      %dma_start3A_201 = tpu.memref_slice %arg3[%add3A_194] : memref<102400xi32, #tpu.memory_space<hbm>> -> memref<128xi32, #tpu.memory_space<hbm>>
      %dma_start3A_202 = tpu.memref_slice %arg3[%add3A_194] : memref<102400xi32, #tpu.memory_space<hbm>> -> memref<128xi32, #tpu.memory_space<hbm>>
      tpu.enqueue_dma source(%dma_start3A_202 : memref<128xi32, #tpu.memory_space<hbm>>) target(%arg5 : memref<128xi32, #tpu.memory_space<vmem>>) target_semaphore(%run_scoped3A : memref<!tpu.dma_semaphore, #tpu.memory_space<semaphore_mem>>)
      %dma_wait3A_203 = tpu.memref_slice %arg3[%add3A_194] : memref<102400xi32, #tpu.memory_space<hbm>> -> memref<128xi32, #tpu.memory_space<hbm>>
      %dma_wait3A_204 = tpu.memref_slice %arg3[%add3A_194] : memref<102400xi32, #tpu.memory_space<hbm>> -> memref<128xi32, #tpu.memory_space<hbm>>
      tpu.wait_dma2 semaphore(%run_scoped3A : memref<!tpu.dma_semaphore, #tpu.memory_space<semaphore_mem>>) src(%dma_wait3A_204 : memref<128xi32, #tpu.memory_space<hbm>>) dst(%arg5 : memref<128xi32, #tpu.memory_space<vmem>>)
      tpu.yield
    }) : () -> ()
    %dma_start3A_195 = arith.constant 0 : i32
    %dma_start3A_196 = arith.constant 0 : i32
    %dma_start3A_197 = tpu.memref_slice %arg2[%dma_start3A_195, %dma_start3A_196] : memref<100000x256xf32, #tpu.memory_space<hbm>> -> memref<100000x256xf32, #tpu.memory_space<hbm>>
    tpu.enqueue_indirect_dma source(%dma_start3A_197 : memref<100000x256xf32, #tpu.memory_space<hbm>>) target(%arg6 : memref<128x256xf32, #tpu.memory_space<vmem>>) offsets(%arg5 : memref<128xi32, #tpu.memory_space<vmem>>) semaphore(%arg7 : memref<!tpu.dma_semaphore, #tpu.memory_space<semaphore_mem>>)
    %dma_wait3A_198 = arith.constant 0 : i32
    %dma_wait3A_199 = arith.constant 0 : i32
    %dma_wait3A_200 = tpu.memref_slice %arg2[%dma_wait3A_198, %dma_wait3A_199] : memref<100000x256xf32, #tpu.memory_space<hbm>> -> memref<100000x256xf32, #tpu.memory_space<hbm>>
    tpu.wait_indirect_dma semaphore(%arg7 : memref<!tpu.dma_semaphore, #tpu.memory_space<semaphore_mem>>) src(%dma_wait3A_200 : memref<100000x256xf32, #tpu.memory_space<hbm>>) dst(%arg6 : memref<128x256xf32, #tpu.memory_space<vmem>>)
    "tpu.region"() ({
      %run_scoped3A = tpu.sem_alloc : memref<!tpu.dma_semaphore, #tpu.memory_space<semaphore_mem>>
      %dma_start3A_201 = arith.constant 0 : i32
      %dma_start3A_202 = tpu.memref_slice %arg4[%add3A_194, %dma_start3A_201] : memref<102400x256xf32, #tpu.memory_space<hbm>> -> memref<128x256xf32, #tpu.memory_space<hbm>>
      %dma_start3A_203 = arith.constant 0 : i32
      %dma_start3A_204 = tpu.memref_slice %arg4[%add3A_194, %dma_start3A_203] : memref<102400x256xf32, #tpu.memory_space<hbm>> -> memref<128x256xf32, #tpu.memory_space<hbm>>
      tpu.enqueue_dma source(%arg6 : memref<128x256xf32, #tpu.memory_space<vmem>>) target(%dma_start3A_204 : memref<128x256xf32, #tpu.memory_space<hbm>>) target_semaphore(%run_scoped3A : memref<!tpu.dma_semaphore, #tpu.memory_space<semaphore_mem>>)
      %dma_wait3A_205 = arith.constant 0 : i32
      %dma_wait3A_206 = tpu.memref_slice %arg4[%add3A_194, %dma_wait3A_205] : memref<102400x256xf32, #tpu.memory_space<hbm>> -> memref<128x256xf32, #tpu.memory_space<hbm>>
      %dma_wait3A_207 = arith.constant 0 : i32
      %dma_wait3A_208 = tpu.memref_slice %arg4[%add3A_194, %dma_wait3A_207] : memref<102400x256xf32, #tpu.memory_space<hbm>> -> memref<128x256xf32, #tpu.memory_space<hbm>>
      tpu.wait_dma2 semaphore(%run_scoped3A : memref<!tpu.dma_semaphore, #tpu.memory_space<semaphore_mem>>) src(%arg6 : memref<128x256xf32, #tpu.memory_space<vmem>>) dst(%dma_wait3A_208 : memref<128x256xf32, #tpu.memory_space<hbm>>)
      tpu.yield
    }) : () -> ()
    return
  }
}

module attributes {stable_mosaic.version = 14 : i64} {
  func.func @_dist_kernel(%arg0: i32, %arg1: memref<1024x256xf32, #tpu.memory_space<vmem>>, %arg2: memref<2048x256xf32, #tpu.memory_space<vmem>>, %arg3: memref<1024x2048xf32, #tpu.memory_space<vmem>>) attributes {dimension_semantics = [#tpu.dimension_semantics<arbitrary>], iteration_bounds = array<i64: 49>, scalar_prefetch = 0 : i64, scratch_operands = 0 : i64, tpu.core_type = #tpu.core_type<tc>, window_params = [{pipeline_mode = #tpu.pipeline_mode<synchronous>, transform_indices = @transform_0, window_bounds = array<i64: 1024, 256>}, {transform_indices = @transform_1, window_bounds = array<i64: 2048, 256>}, {transform_indices = @transform_2, window_bounds = array<i64: 1024, 2048>}]} {
    %get3A = arith.constant 0 : index
    %get3A_0 = arith.constant 0 : index
    %get3A_1 = vector.load %arg1[%get3A, %get3A_0] : memref<1024x256xf32, #tpu.memory_space<vmem>>, vector<1024x256xf32>
    %get3A_2 = arith.constant 0 : index
    %get3A_3 = arith.constant 0 : index
    %get3A_4 = vector.load %arg2[%get3A_2, %get3A_3] : memref<2048x256xf32, #tpu.memory_space<vmem>>, vector<2048x256xf32>
    %mul3A = arith.mulf %get3A_1, %get3A_1 : vector<1024x256xf32>
    %reduce_sum3A = arith.constant dense<0.000000e+00> : vector<1024xf32>
    %reduce_sum3A_5 = vector.multi_reduction <add>, %mul3A, %reduce_sum3A [1] : vector<1024x256xf32> to vector<1024xf32>
    %broadcast_in_dim3A = vector.shape_cast %reduce_sum3A_5 : vector<1024xf32> to vector<1024x1xf32>
    %mul3A_6 = arith.mulf %get3A_4, %get3A_4 : vector<2048x256xf32>
    %reduce_sum3A_7 = arith.constant dense<0.000000e+00> : vector<2048xf32>
    %reduce_sum3A_8 = vector.multi_reduction <add>, %mul3A_6, %reduce_sum3A_7 [1] : vector<2048x256xf32> to vector<2048xf32>
    %broadcast_in_dim3A_9 = vector.shape_cast %reduce_sum3A_8 : vector<2048xf32> to vector<1x2048xf32>
    %dot_general3A = arith.constant dense<0.000000e+00> : vector<1024x2048xf32>
    %dot_general3A_10 = tpu.matmul %get3A_1, %get3A_4, %dot_general3A {dimension_numbers = #tpu.dot_dimension_numbers<[1], [1], [0], [0], [0, 0, 1, 0], [], []>, transpose_lhs_hint = false} : vector<1024x256xf32>, vector<2048x256xf32>, vector<1024x2048xf32> -> vector<1024x2048xf32>
    %add3A = vector.broadcast %broadcast_in_dim3A : vector<1024x1xf32> to vector<1024x2048xf32>
    %add3A_11 = vector.broadcast %broadcast_in_dim3A_9 : vector<1x2048xf32> to vector<1024x2048xf32>
    %add3A_12 = arith.addf %add3A, %add3A_11 : vector<1024x2048xf32>
    %mul3A_13 = arith.constant 2.000000e+00 : f32
    %mul3A_14 = vector.broadcast %mul3A_13 : f32 to vector<1024x2048xf32>
    %mul3A_15 = arith.mulf %mul3A_14, %dot_general3A_10 : vector<1024x2048xf32>
    %sub3A = arith.subf %add3A_12, %mul3A_15 : vector<1024x2048xf32>
    %swap3A = arith.constant 0 : index
    %swap3A_16 = arith.constant 0 : index
    %swap3A_17 = vector.load %arg3[%swap3A, %swap3A_16] : memref<1024x2048xf32, #tpu.memory_space<vmem>>, vector<1024x2048xf32>
    tpu.vector_store %arg3[%swap3A, %swap3A_16], %sub3A {strides = array<i32>} : memref<1024x2048xf32, #tpu.memory_space<vmem>>, vector<1024x2048xf32>,
    return
  }
  func.func @transform_0(%arg0: i32) -> (i32, i32) {
    %c0_i32 = arith.constant 0 : i32
    %c0_i32_0 = arith.constant 0 : i32
    %c0_i32_1 = arith.constant 0 : i32
    return %c0_i32, %c0_i32_0 : i32, i32
  }
  func.func @transform_1(%arg0: i32) -> (i32, i32) {
    %c0_i32 = arith.constant 0 : i32
    %c0_i32_0 = arith.constant 0 : i32
    return %arg0, %c0_i32 : i32, i32
  }
  func.func @transform_2(%arg0: i32) -> (i32, i32) {
    %c0_i32 = arith.constant 0 : i32
    %c0_i32_0 = arith.constant 0 : i32
    return %c0_i32, %arg0 : i32, i32
  }
}

module attributes {stable_mosaic.version = 14 : i64} {
  func.func @_topk_kernel(%arg0: i32, %arg1: memref<8x100352xf32, #tpu.memory_space<vmem>>, %arg2: memref<8x128xi32, #tpu.memory_space<vmem>>, %arg3: memref<8x784x128xf32, #tpu.memory_space<vmem>>) attributes {dimension_semantics = [#tpu.dimension_semantics<arbitrary>], iteration_bounds = array<i64: 128>, scalar_prefetch = 0 : i64, scratch_operands = 1 : i64, tpu.core_type = #tpu.core_type<tc>, window_params = [{transform_indices = @transform_0, window_bounds = array<i64: 8, 100352>}, {transform_indices = @transform_1, window_bounds = array<i64: 8, 128>}]} {
    %get3A = arith.constant 0 : index
    %get3A_0 = arith.constant 0 : index
    %get3A_1 = vector.load %arg1[%get3A, %get3A_0] : memref<8x100352xf32, #tpu.memory_space<vmem>>, vector<8x100352xf32>
    %reshape3A = vector.shape_cast %get3A_1 : vector<8x100352xf32> to vector<8x784x128xf32>
    %swap3A = arith.constant 0 : index
    %swap3A_2 = arith.constant 0 : index
    %swap3A_3 = arith.constant 0 : index
    %swap3A_4 = vector.load %arg3[%swap3A, %swap3A_2, %swap3A_3] : memref<8x784x128xf32, #tpu.memory_space<vmem>>, vector<8x784x128xf32>
    tpu.vector_store %arg3[%swap3A, %swap3A_2, %swap3A_3], %reshape3A {strides = array<i32>} : memref<8x784x128xf32, #tpu.memory_space<vmem>>, vector<8x784x128xf32>,
    %reduce_min3A = arith.constant dense<0x7F800000> : vector<8x784xf32>
    %reduce_min3A_5 = vector.multi_reduction <minimumf>, %reshape3A, %reduce_min3A [2] : vector<8x784x128xf32> to vector<8x784xf32>
    %iota3A = tpu.iota {dimensions = array<i32: 1>} : vector<8x784xi32>
    %iota3A_6 = tpu.iota {dimensions = array<i32: 1>} : vector<8x128xi32>
    %iota3A_7 = tpu.iota {dimensions = array<i32: 1>} : vector<1x128xi32>
    %iota3A_8 = tpu.iota {dimensions = array<i32: 0>} : vector<8x1xi32>
    %broadcast_in_dim3A = arith.constant 0 : i32
    %broadcast_in_dim3A_9 = vector.broadcast %broadcast_in_dim3A : i32 to vector<8x128xi32>
    %scan3A = arith.constant 0 : i32
    %scan3A_10 = arith.constant 101 : i32
    %scan3A_11 = arith.addi %scan3A, %scan3A_10 : i32
    %scan3A_12 = arith.constant 1 : i32
    %scan3A_13:2 = scf.for %scan3A_18 = %scan3A to %scan3A_11 step %scan3A_12 iter_args(%scan3A_19 = %reduce_min3A_5, %scan3A_20 = %broadcast_in_dim3A_9) -> (vector<8x784xf32>, vector<8x128xi32>)  : i32 {
      %reduce_min3A_21 = arith.constant dense<0x7F800000> : vector<8xf32>
      %reduce_min3A_22 = vector.multi_reduction <minimumf>, %scan3A_19, %reduce_min3A_21 [1] : vector<8x784xf32> to vector<8xf32>
      %broadcast_in_dim3A_23 = vector.shape_cast %reduce_min3A_22 : vector<8xf32> to vector<8x1xf32>
      %le3A = vector.broadcast %broadcast_in_dim3A_23 : vector<8x1xf32> to vector<8x784xf32>
      %le3A_24 = arith.cmpf ole, %scan3A_19, %le3A : vector<8x784xf32>
      %jit3A = arith.constant 784 : i32
      %broadcast_in_dim3A_25 = vector.broadcast %jit3A : i32 to vector<8x784xi32>
      %select_n3A = arith.select %le3A_24, %iota3A, %broadcast_in_dim3A_25 : vector<8x784xi1>, vector<8x784xi32>
      %reduce_min3A_26 = arith.constant dense<2147483647> : vector<8xi32>
      %reduce_min3A_27 = vector.multi_reduction <minsi>, %select_n3A, %reduce_min3A_26 [1] : vector<8x784xi32> to vector<8xi32>
      %broadcast_in_dim3A_28 = vector.shape_cast %reduce_min3A_27 : vector<8xi32> to vector<8x1xi32>
      %broadcast_in_dim3A_29 = arith.constant 0 : i32
      %broadcast_in_dim3A_30 = vector.broadcast %broadcast_in_dim3A_29 : i32 to vector<8x1xi32>
      %broadcast_in_dim3A_31 = arith.constant 0.000000e+00 : f32
      %broadcast_in_dim3A_32 = vector.broadcast %broadcast_in_dim3A_31 : f32 to vector<8x1xf32>
      %slice3A = vector.extract_strided_slice %broadcast_in_dim3A_28 {offsets = [0, 0], sizes = [1, 1], strides = [1, 1]} : vector<8x1xi32> to vector<1x1xi32>
      %squeeze3A = vector.extract %slice3A[0, 0] : i32 from vector<1x1xi32>
      %get3A_33 = arith.constant 0 : index
      %get3A_34 = arith.index_cast %squeeze3A : i32 to index
      %get3A_35 = arith.constant 0 : index
      %get3A_36 = vector.load %arg3[%get3A_33, %get3A_34, %get3A_35] : memref<8x784x128xf32, #tpu.memory_space<vmem>>, vector<1x1x128xf32>
      %get3A_37 = vector.shape_cast %get3A_36 : vector<1x1x128xf32> to vector<1x128xf32>
      %reduce_min3A_38 = arith.constant dense<0x7F800000> : vector<1xf32>
      %reduce_min3A_39 = vector.multi_reduction <minimumf>, %get3A_37, %reduce_min3A_38 [1] : vector<1x128xf32> to vector<1xf32>
      %broadcast_in_dim3A_40 = vector.shape_cast %reduce_min3A_39 : vector<1xf32> to vector<1x1xf32>
      %le3A_41 = vector.broadcast %broadcast_in_dim3A_40 : vector<1x1xf32> to vector<1x128xf32>
      %le3A_42 = arith.cmpf ole, %get3A_37, %le3A_41 : vector<1x128xf32>
      %jit3A_43 = arith.constant 128 : i32
      %broadcast_in_dim3A_44 = vector.broadcast %jit3A_43 : i32 to vector<1x128xi32>
      %select_n3A_45 = arith.select %le3A_42, %iota3A_7, %broadcast_in_dim3A_44 : vector<1x128xi1>, vector<1x128xi32>
      %reduce_min3A_46 = arith.constant dense<2147483647> : vector<1xi32>
      %reduce_min3A_47 = vector.multi_reduction <minsi>, %select_n3A_45, %reduce_min3A_46 [1] : vector<1x128xi32> to vector<1xi32>
      %broadcast_in_dim3A_48 = vector.shape_cast %reduce_min3A_47 : vector<1xi32> to vector<1x1xi32>
      %eq3A = vector.broadcast %broadcast_in_dim3A_48 : vector<1x1xi32> to vector<1x128xi32>
      %eq3A_49 = arith.cmpi eq, %iota3A_7, %eq3A : vector<1x128xi32>
      %jit3A_50 = arith.constant 0x7F800000 : f32
      %broadcast_in_dim3A_51 = vector.broadcast %jit3A_50 : f32 to vector<1x128xf32>
      %select_n3A_52 = arith.select %eq3A_49, %broadcast_in_dim3A_51, %get3A_37 : vector<1x128xi1>, vector<1x128xf32>
      %swap3A_53 = arith.constant 0 : index
      %swap3A_54 = arith.index_cast %squeeze3A : i32 to index
      %swap3A_55 = arith.constant 0 : index
      %swap3A_56 = vector.load %arg3[%swap3A_53, %swap3A_54, %swap3A_55] : memref<8x784x128xf32, #tpu.memory_space<vmem>>, vector<1x1x128xf32>
      %swap3A_57 = vector.shape_cast %swap3A_56 : vector<1x1x128xf32> to vector<1x128xf32>
      %swap3A_58 = vector.shape_cast %select_n3A_52 : vector<1x128xf32> to vector<1x1x128xf32>
      tpu.vector_store %arg3[%swap3A_53, %swap3A_54, %swap3A_55], %swap3A_58 {strides = array<i32>} : memref<8x784x128xf32, #tpu.memory_space<vmem>>, vector<1x1x128xf32>,
      %reduce_min3A_59 = arith.constant dense<0x7F800000> : vector<1xf32>
      %reduce_min3A_60 = vector.multi_reduction <minimumf>, %select_n3A_52, %reduce_min3A_59 [1] : vector<1x128xf32> to vector<1xf32>
      %broadcast_in_dim3A_61 = vector.shape_cast %reduce_min3A_60 : vector<1xf32> to vector<1x1xf32>
      %eq3A_62 = arith.constant 0 : i32
      %eq3A_63 = vector.broadcast %eq3A_62 : i32 to vector<8x1xi32>
      %eq3A_64 = arith.cmpi eq, %iota3A_8, %eq3A_63 : vector<8x1xi32>
      %broadcast_in_dim3A_65 = vector.shape_cast %broadcast_in_dim3A_48 : vector<1x1xi32> to vector<1x1xi32>
      %broadcast_in_dim3A_66 = vector.broadcast %broadcast_in_dim3A_65 : vector<1x1xi32> to vector<8x1xi32>
      %select_n3A_67 = arith.select %eq3A_64, %broadcast_in_dim3A_66, %broadcast_in_dim3A_30 : vector<8x1xi1>, vector<8x1xi32>
      %broadcast_in_dim3A_68 = vector.shape_cast %broadcast_in_dim3A_61 : vector<1x1xf32> to vector<1x1xf32>
      %broadcast_in_dim3A_69 = vector.broadcast %broadcast_in_dim3A_68 : vector<1x1xf32> to vector<8x1xf32>
      %select_n3A_70 = arith.select %eq3A_64, %broadcast_in_dim3A_69, %broadcast_in_dim3A_32 : vector<8x1xi1>, vector<8x1xf32>
      %slice3A_71 = vector.extract_strided_slice %broadcast_in_dim3A_28 {offsets = [1, 0], sizes = [1, 1], strides = [1, 1]} : vector<8x1xi32> to vector<1x1xi32>
      %squeeze3A_72 = vector.extract %slice3A_71[0, 0] : i32 from vector<1x1xi32>
      %get3A_73 = arith.constant 1 : index
      %get3A_74 = arith.index_cast %squeeze3A_72 : i32 to index
      %get3A_75 = arith.constant 0 : index
      %get3A_76 = vector.load %arg3[%get3A_73, %get3A_74, %get3A_75] : memref<8x784x128xf32, #tpu.memory_space<vmem>>, vector<1x1x128xf32>
      %get3A_77 = vector.shape_cast %get3A_76 : vector<1x1x128xf32> to vector<1x128xf32>
      %reduce_min3A_78 = arith.constant dense<0x7F800000> : vector<1xf32>
      %reduce_min3A_79 = vector.multi_reduction <minimumf>, %get3A_77, %reduce_min3A_78 [1] : vector<1x128xf32> to vector<1xf32>
      %broadcast_in_dim3A_80 = vector.shape_cast %reduce_min3A_79 : vector<1xf32> to vector<1x1xf32>
      %le3A_81 = vector.broadcast %broadcast_in_dim3A_80 : vector<1x1xf32> to vector<1x128xf32>
      %le3A_82 = arith.cmpf ole, %get3A_77, %le3A_81 : vector<1x128xf32>
      %jit3A_83 = arith.constant 128 : i32
      %broadcast_in_dim3A_84 = vector.broadcast %jit3A_83 : i32 to vector<1x128xi32>
      %select_n3A_85 = arith.select %le3A_82, %iota3A_7, %broadcast_in_dim3A_84 : vector<1x128xi1>, vector<1x128xi32>
      %reduce_min3A_86 = arith.constant dense<2147483647> : vector<1xi32>
      %reduce_min3A_87 = vector.multi_reduction <minsi>, %select_n3A_85, %reduce_min3A_86 [1] : vector<1x128xi32> to vector<1xi32>
      %broadcast_in_dim3A_88 = vector.shape_cast %reduce_min3A_87 : vector<1xi32> to vector<1x1xi32>
      %eq3A_89 = vector.broadcast %broadcast_in_dim3A_88 : vector<1x1xi32> to vector<1x128xi32>
      %eq3A_90 = arith.cmpi eq, %iota3A_7, %eq3A_89 : vector<1x128xi32>
      %jit3A_91 = arith.constant 0x7F800000 : f32
      %broadcast_in_dim3A_92 = vector.broadcast %jit3A_91 : f32 to vector<1x128xf32>
      %select_n3A_93 = arith.select %eq3A_90, %broadcast_in_dim3A_92, %get3A_77 : vector<1x128xi1>, vector<1x128xf32>
      %swap3A_94 = arith.constant 1 : index
      %swap3A_95 = arith.index_cast %squeeze3A_72 : i32 to index
      %swap3A_96 = arith.constant 0 : index
      %swap3A_97 = vector.load %arg3[%swap3A_94, %swap3A_95, %swap3A_96] : memref<8x784x128xf32, #tpu.memory_space<vmem>>, vector<1x1x128xf32>
      %swap3A_98 = vector.shape_cast %swap3A_97 : vector<1x1x128xf32> to vector<1x128xf32>
      %swap3A_99 = vector.shape_cast %select_n3A_93 : vector<1x128xf32> to vector<1x1x128xf32>
      tpu.vector_store %arg3[%swap3A_94, %swap3A_95, %swap3A_96], %swap3A_99 {strides = array<i32>} : memref<8x784x128xf32, #tpu.memory_space<vmem>>, vector<1x1x128xf32>,
      %reduce_min3A_100 = arith.constant dense<0x7F800000> : vector<1xf32>
      %reduce_min3A_101 = vector.multi_reduction <minimumf>, %select_n3A_93, %reduce_min3A_100 [1] : vector<1x128xf32> to vector<1xf32>
      %broadcast_in_dim3A_102 = vector.shape_cast %reduce_min3A_101 : vector<1xf32> to vector<1x1xf32>
      %eq3A_103 = arith.constant 1 : i32
      %eq3A_104 = vector.broadcast %eq3A_103 : i32 to vector<8x1xi32>
      %eq3A_105 = arith.cmpi eq, %iota3A_8, %eq3A_104 : vector<8x1xi32>
      %broadcast_in_dim3A_106 = vector.shape_cast %broadcast_in_dim3A_88 : vector<1x1xi32> to vector<1x1xi32>
      %broadcast_in_dim3A_107 = vector.broadcast %broadcast_in_dim3A_106 : vector<1x1xi32> to vector<8x1xi32>
      %select_n3A_108 = arith.select %eq3A_105, %broadcast_in_dim3A_107, %select_n3A_67 : vector<8x1xi1>, vector<8x1xi32>
      %broadcast_in_dim3A_109 = vector.shape_cast %broadcast_in_dim3A_102 : vector<1x1xf32> to vector<1x1xf32>
      %broadcast_in_dim3A_110 = vector.broadcast %broadcast_in_dim3A_109 : vector<1x1xf32> to vector<8x1xf32>
      %select_n3A_111 = arith.select %eq3A_105, %broadcast_in_dim3A_110, %select_n3A_70 : vector<8x1xi1>, vector<8x1xf32>
      %slice3A_112 = vector.extract_strided_slice %broadcast_in_dim3A_28 {offsets = [2, 0], sizes = [1, 1], strides = [1, 1]} : vector<8x1xi32> to vector<1x1xi32>
      %squeeze3A_113 = vector.extract %slice3A_112[0, 0] : i32 from vector<1x1xi32>
      %get3A_114 = arith.constant 2 : index
      %get3A_115 = arith.index_cast %squeeze3A_113 : i32 to index
      %get3A_116 = arith.constant 0 : index
      %get3A_117 = vector.load %arg3[%get3A_114, %get3A_115, %get3A_116] : memref<8x784x128xf32, #tpu.memory_space<vmem>>, vector<1x1x128xf32>
      %get3A_118 = vector.shape_cast %get3A_117 : vector<1x1x128xf32> to vector<1x128xf32>
      %reduce_min3A_119 = arith.constant dense<0x7F800000> : vector<1xf32>
      %reduce_min3A_120 = vector.multi_reduction <minimumf>, %get3A_118, %reduce_min3A_119 [1] : vector<1x128xf32> to vector<1xf32>
      %broadcast_in_dim3A_121 = vector.shape_cast %reduce_min3A_120 : vector<1xf32> to vector<1x1xf32>
      %le3A_122 = vector.broadcast %broadcast_in_dim3A_121 : vector<1x1xf32> to vector<1x128xf32>
      %le3A_123 = arith.cmpf ole, %get3A_118, %le3A_122 : vector<1x128xf32>
      %jit3A_124 = arith.constant 128 : i32
      %broadcast_in_dim3A_125 = vector.broadcast %jit3A_124 : i32 to vector<1x128xi32>
      %select_n3A_126 = arith.select %le3A_123, %iota3A_7, %broadcast_in_dim3A_125 : vector<1x128xi1>, vector<1x128xi32>
      %reduce_min3A_127 = arith.constant dense<2147483647> : vector<1xi32>
      %reduce_min3A_128 = vector.multi_reduction <minsi>, %select_n3A_126, %reduce_min3A_127 [1] : vector<1x128xi32> to vector<1xi32>
      %broadcast_in_dim3A_129 = vector.shape_cast %reduce_min3A_128 : vector<1xi32> to vector<1x1xi32>
      %eq3A_130 = vector.broadcast %broadcast_in_dim3A_129 : vector<1x1xi32> to vector<1x128xi32>
      %eq3A_131 = arith.cmpi eq, %iota3A_7, %eq3A_130 : vector<1x128xi32>
      %jit3A_132 = arith.constant 0x7F800000 : f32
      %broadcast_in_dim3A_133 = vector.broadcast %jit3A_132 : f32 to vector<1x128xf32>
      %select_n3A_134 = arith.select %eq3A_131, %broadcast_in_dim3A_133, %get3A_118 : vector<1x128xi1>, vector<1x128xf32>
      %swap3A_135 = arith.constant 2 : index
      %swap3A_136 = arith.index_cast %squeeze3A_113 : i32 to index
      %swap3A_137 = arith.constant 0 : index
      %swap3A_138 = vector.load %arg3[%swap3A_135, %swap3A_136, %swap3A_137] : memref<8x784x128xf32, #tpu.memory_space<vmem>>, vector<1x1x128xf32>
      %swap3A_139 = vector.shape_cast %swap3A_138 : vector<1x1x128xf32> to vector<1x128xf32>
      %swap3A_140 = vector.shape_cast %select_n3A_134 : vector<1x128xf32> to vector<1x1x128xf32>
      tpu.vector_store %arg3[%swap3A_135, %swap3A_136, %swap3A_137], %swap3A_140 {strides = array<i32>} : memref<8x784x128xf32, #tpu.memory_space<vmem>>, vector<1x1x128xf32>,
      %reduce_min3A_141 = arith.constant dense<0x7F800000> : vector<1xf32>
      %reduce_min3A_142 = vector.multi_reduction <minimumf>, %select_n3A_134, %reduce_min3A_141 [1] : vector<1x128xf32> to vector<1xf32>
      %broadcast_in_dim3A_143 = vector.shape_cast %reduce_min3A_142 : vector<1xf32> to vector<1x1xf32>
      %eq3A_144 = arith.constant 2 : i32
      %eq3A_145 = vector.broadcast %eq3A_144 : i32 to vector<8x1xi32>
      %eq3A_146 = arith.cmpi eq, %iota3A_8, %eq3A_145 : vector<8x1xi32>
      %broadcast_in_dim3A_147 = vector.shape_cast %broadcast_in_dim3A_129 : vector<1x1xi32> to vector<1x1xi32>
      %broadcast_in_dim3A_148 = vector.broadcast %broadcast_in_dim3A_147 : vector<1x1xi32> to vector<8x1xi32>
      %select_n3A_149 = arith.select %eq3A_146, %broadcast_in_dim3A_148, %select_n3A_108 : vector<8x1xi1>, vector<8x1xi32>
      %broadcast_in_dim3A_150 = vector.shape_cast %broadcast_in_dim3A_143 : vector<1x1xf32> to vector<1x1xf32>
      %broadcast_in_dim3A_151 = vector.broadcast %broadcast_in_dim3A_150 : vector<1x1xf32> to vector<8x1xf32>
      %select_n3A_152 = arith.select %eq3A_146, %broadcast_in_dim3A_151, %select_n3A_111 : vector<8x1xi1>, vector<8x1xf32>
      %slice3A_153 = vector.extract_strided_slice %broadcast_in_dim3A_28 {offsets = [3, 0], sizes = [1, 1], strides = [1, 1]} : vector<8x1xi32> to vector<1x1xi32>
      %squeeze3A_154 = vector.extract %slice3A_153[0, 0] : i32 from vector<1x1xi32>
      %get3A_155 = arith.constant 3 : index
      %get3A_156 = arith.index_cast %squeeze3A_154 : i32 to index
      %get3A_157 = arith.constant 0 : index
      %get3A_158 = vector.load %arg3[%get3A_155, %get3A_156, %get3A_157] : memref<8x784x128xf32, #tpu.memory_space<vmem>>, vector<1x1x128xf32>
      %get3A_159 = vector.shape_cast %get3A_158 : vector<1x1x128xf32> to vector<1x128xf32>
      %reduce_min3A_160 = arith.constant dense<0x7F800000> : vector<1xf32>
      %reduce_min3A_161 = vector.multi_reduction <minimumf>, %get3A_159, %reduce_min3A_160 [1] : vector<1x128xf32> to vector<1xf32>
      %broadcast_in_dim3A_162 = vector.shape_cast %reduce_min3A_161 : vector<1xf32> to vector<1x1xf32>
      %le3A_163 = vector.broadcast %broadcast_in_dim3A_162 : vector<1x1xf32> to vector<1x128xf32>
      %le3A_164 = arith.cmpf ole, %get3A_159, %le3A_163 : vector<1x128xf32>
      %jit3A_165 = arith.constant 128 : i32
      %broadcast_in_dim3A_166 = vector.broadcast %jit3A_165 : i32 to vector<1x128xi32>
      %select_n3A_167 = arith.select %le3A_164, %iota3A_7, %broadcast_in_dim3A_166 : vector<1x128xi1>, vector<1x128xi32>
      %reduce_min3A_168 = arith.constant dense<2147483647> : vector<1xi32>
      %reduce_min3A_169 = vector.multi_reduction <minsi>, %select_n3A_167, %reduce_min3A_168 [1] : vector<1x128xi32> to vector<1xi32>
      %broadcast_in_dim3A_170 = vector.shape_cast %reduce_min3A_169 : vector<1xi32> to vector<1x1xi32>
      %eq3A_171 = vector.broadcast %broadcast_in_dim3A_170 : vector<1x1xi32> to vector<1x128xi32>
      %eq3A_172 = arith.cmpi eq, %iota3A_7, %eq3A_171 : vector<1x128xi32>
      %jit3A_173 = arith.constant 0x7F800000 : f32
      %broadcast_in_dim3A_174 = vector.broadcast %jit3A_173 : f32 to vector<1x128xf32>
      %select_n3A_175 = arith.select %eq3A_172, %broadcast_in_dim3A_174, %get3A_159 : vector<1x128xi1>, vector<1x128xf32>
      %swap3A_176 = arith.constant 3 : index
      %swap3A_177 = arith.index_cast %squeeze3A_154 : i32 to index
      %swap3A_178 = arith.constant 0 : index
      %swap3A_179 = vector.load %arg3[%swap3A_176, %swap3A_177, %swap3A_178] : memref<8x784x128xf32, #tpu.memory_space<vmem>>, vector<1x1x128xf32>
      %swap3A_180 = vector.shape_cast %swap3A_179 : vector<1x1x128xf32> to vector<1x128xf32>
      %swap3A_181 = vector.shape_cast %select_n3A_175 : vector<1x128xf32> to vector<1x1x128xf32>
      tpu.vector_store %arg3[%swap3A_176, %swap3A_177, %swap3A_178], %swap3A_181 {strides = array<i32>} : memref<8x784x128xf32, #tpu.memory_space<vmem>>, vector<1x1x128xf32>,
      %reduce_min3A_182 = arith.constant dense<0x7F800000> : vector<1xf32>
      %reduce_min3A_183 = vector.multi_reduction <minimumf>, %select_n3A_175, %reduce_min3A_182 [1] : vector<1x128xf32> to vector<1xf32>
      %broadcast_in_dim3A_184 = vector.shape_cast %reduce_min3A_183 : vector<1xf32> to vector<1x1xf32>
      %eq3A_185 = arith.constant 3 : i32
      %eq3A_186 = vector.broadcast %eq3A_185 : i32 to vector<8x1xi32>
      %eq3A_187 = arith.cmpi eq, %iota3A_8, %eq3A_186 : vector<8x1xi32>
      %broadcast_in_dim3A_188 = vector.shape_cast %broadcast_in_dim3A_170 : vector<1x1xi32> to vector<1x1xi32>
      %broadcast_in_dim3A_189 = vector.broadcast %broadcast_in_dim3A_188 : vector<1x1xi32> to vector<8x1xi32>
      %select_n3A_190 = arith.select %eq3A_187, %broadcast_in_dim3A_189, %select_n3A_149 : vector<8x1xi1>, vector<8x1xi32>
      %broadcast_in_dim3A_191 = vector.shape_cast %broadcast_in_dim3A_184 : vector<1x1xf32> to vector<1x1xf32>
      %broadcast_in_dim3A_192 = vector.broadcast %broadcast_in_dim3A_191 : vector<1x1xf32> to vector<8x1xf32>
      %select_n3A_193 = arith.select %eq3A_187, %broadcast_in_dim3A_192, %select_n3A_152 : vector<8x1xi1>, vector<8x1xf32>
      %slice3A_194 = vector.extract_strided_slice %broadcast_in_dim3A_28 {offsets = [4, 0], sizes = [1, 1], strides = [1, 1]} : vector<8x1xi32> to vector<1x1xi32>
      %squeeze3A_195 = vector.extract %slice3A_194[0, 0] : i32 from vector<1x1xi32>
      %get3A_196 = arith.constant 4 : index
      %get3A_197 = arith.index_cast %squeeze3A_195 : i32 to index
      %get3A_198 = arith.constant 0 : index
      %get3A_199 = vector.load %arg3[%get3A_196, %get3A_197, %get3A_198] : memref<8x784x128xf32, #tpu.memory_space<vmem>>, vector<1x1x128xf32>
      %get3A_200 = vector.shape_cast %get3A_199 : vector<1x1x128xf32> to vector<1x128xf32>
      %reduce_min3A_201 = arith.constant dense<0x7F800000> : vector<1xf32>
      %reduce_min3A_202 = vector.multi_reduction <minimumf>, %get3A_200, %reduce_min3A_201 [1] : vector<1x128xf32> to vector<1xf32>
      %broadcast_in_dim3A_203 = vector.shape_cast %reduce_min3A_202 : vector<1xf32> to vector<1x1xf32>
      %le3A_204 = vector.broadcast %broadcast_in_dim3A_203 : vector<1x1xf32> to vector<1x128xf32>
      %le3A_205 = arith.cmpf ole, %get3A_200, %le3A_204 : vector<1x128xf32>
      %jit3A_206 = arith.constant 128 : i32
      %broadcast_in_dim3A_207 = vector.broadcast %jit3A_206 : i32 to vector<1x128xi32>
      %select_n3A_208 = arith.select %le3A_205, %iota3A_7, %broadcast_in_dim3A_207 : vector<1x128xi1>, vector<1x128xi32>
      %reduce_min3A_209 = arith.constant dense<2147483647> : vector<1xi32>
      %reduce_min3A_210 = vector.multi_reduction <minsi>, %select_n3A_208, %reduce_min3A_209 [1] : vector<1x128xi32> to vector<1xi32>
      %broadcast_in_dim3A_211 = vector.shape_cast %reduce_min3A_210 : vector<1xi32> to vector<1x1xi32>
      %eq3A_212 = vector.broadcast %broadcast_in_dim3A_211 : vector<1x1xi32> to vector<1x128xi32>
      %eq3A_213 = arith.cmpi eq, %iota3A_7, %eq3A_212 : vector<1x128xi32>
      %jit3A_214 = arith.constant 0x7F800000 : f32
      %broadcast_in_dim3A_215 = vector.broadcast %jit3A_214 : f32 to vector<1x128xf32>
      %select_n3A_216 = arith.select %eq3A_213, %broadcast_in_dim3A_215, %get3A_200 : vector<1x128xi1>, vector<1x128xf32>
      %swap3A_217 = arith.constant 4 : index
      %swap3A_218 = arith.index_cast %squeeze3A_195 : i32 to index
      %swap3A_219 = arith.constant 0 : index
      %swap3A_220 = vector.load %arg3[%swap3A_217, %swap3A_218, %swap3A_219] : memref<8x784x128xf32, #tpu.memory_space<vmem>>, vector<1x1x128xf32>
      %swap3A_221 = vector.shape_cast %swap3A_220 : vector<1x1x128xf32> to vector<1x128xf32>
      %swap3A_222 = vector.shape_cast %select_n3A_216 : vector<1x128xf32> to vector<1x1x128xf32>
      tpu.vector_store %arg3[%swap3A_217, %swap3A_218, %swap3A_219], %swap3A_222 {strides = array<i32>} : memref<8x784x128xf32, #tpu.memory_space<vmem>>, vector<1x1x128xf32>,
      %reduce_min3A_223 = arith.constant dense<0x7F800000> : vector<1xf32>
      %reduce_min3A_224 = vector.multi_reduction <minimumf>, %select_n3A_216, %reduce_min3A_223 [1] : vector<1x128xf32> to vector<1xf32>
      %broadcast_in_dim3A_225 = vector.shape_cast %reduce_min3A_224 : vector<1xf32> to vector<1x1xf32>
      %eq3A_226 = arith.constant 4 : i32
      %eq3A_227 = vector.broadcast %eq3A_226 : i32 to vector<8x1xi32>
      %eq3A_228 = arith.cmpi eq, %iota3A_8, %eq3A_227 : vector<8x1xi32>
      %broadcast_in_dim3A_229 = vector.shape_cast %broadcast_in_dim3A_211 : vector<1x1xi32> to vector<1x1xi32>
      %broadcast_in_dim3A_230 = vector.broadcast %broadcast_in_dim3A_229 : vector<1x1xi32> to vector<8x1xi32>
      %select_n3A_231 = arith.select %eq3A_228, %broadcast_in_dim3A_230, %select_n3A_190 : vector<8x1xi1>, vector<8x1xi32>
      %broadcast_in_dim3A_232 = vector.shape_cast %broadcast_in_dim3A_225 : vector<1x1xf32> to vector<1x1xf32>
      %broadcast_in_dim3A_233 = vector.broadcast %broadcast_in_dim3A_232 : vector<1x1xf32> to vector<8x1xf32>
      %select_n3A_234 = arith.select %eq3A_228, %broadcast_in_dim3A_233, %select_n3A_193 : vector<8x1xi1>, vector<8x1xf32>
      %slice3A_235 = vector.extract_strided_slice %broadcast_in_dim3A_28 {offsets = [5, 0], sizes = [1, 1], strides = [1, 1]} : vector<8x1xi32> to vector<1x1xi32>
      %squeeze3A_236 = vector.extract %slice3A_235[0, 0] : i32 from vector<1x1xi32>
      %get3A_237 = arith.constant 5 : index
      %get3A_238 = arith.index_cast %squeeze3A_236 : i32 to index
      %get3A_239 = arith.constant 0 : index
      %get3A_240 = vector.load %arg3[%get3A_237, %get3A_238, %get3A_239] : memref<8x784x128xf32, #tpu.memory_space<vmem>>, vector<1x1x128xf32>
      %get3A_241 = vector.shape_cast %get3A_240 : vector<1x1x128xf32> to vector<1x128xf32>
      %reduce_min3A_242 = arith.constant dense<0x7F800000> : vector<1xf32>
      %reduce_min3A_243 = vector.multi_reduction <minimumf>, %get3A_241, %reduce_min3A_242 [1] : vector<1x128xf32> to vector<1xf32>
      %broadcast_in_dim3A_244 = vector.shape_cast %reduce_min3A_243 : vector<1xf32> to vector<1x1xf32>
      %le3A_245 = vector.broadcast %broadcast_in_dim3A_244 : vector<1x1xf32> to vector<1x128xf32>
      %le3A_246 = arith.cmpf ole, %get3A_241, %le3A_245 : vector<1x128xf32>
      %jit3A_247 = arith.constant 128 : i32
      %broadcast_in_dim3A_248 = vector.broadcast %jit3A_247 : i32 to vector<1x128xi32>
      %select_n3A_249 = arith.select %le3A_246, %iota3A_7, %broadcast_in_dim3A_248 : vector<1x128xi1>, vector<1x128xi32>
      %reduce_min3A_250 = arith.constant dense<2147483647> : vector<1xi32>
      %reduce_min3A_251 = vector.multi_reduction <minsi>, %select_n3A_249, %reduce_min3A_250 [1] : vector<1x128xi32> to vector<1xi32>
      %broadcast_in_dim3A_252 = vector.shape_cast %reduce_min3A_251 : vector<1xi32> to vector<1x1xi32>
      %eq3A_253 = vector.broadcast %broadcast_in_dim3A_252 : vector<1x1xi32> to vector<1x128xi32>
      %eq3A_254 = arith.cmpi eq, %iota3A_7, %eq3A_253 : vector<1x128xi32>
      %jit3A_255 = arith.constant 0x7F800000 : f32
      %broadcast_in_dim3A_256 = vector.broadcast %jit3A_255 : f32 to vector<1x128xf32>
      %select_n3A_257 = arith.select %eq3A_254, %broadcast_in_dim3A_256, %get3A_241 : vector<1x128xi1>, vector<1x128xf32>
      %swap3A_258 = arith.constant 5 : index
      %swap3A_259 = arith.index_cast %squeeze3A_236 : i32 to index
      %swap3A_260 = arith.constant 0 : index
      %swap3A_261 = vector.load %arg3[%swap3A_258, %swap3A_259, %swap3A_260] : memref<8x784x128xf32, #tpu.memory_space<vmem>>, vector<1x1x128xf32>
      %swap3A_262 = vector.shape_cast %swap3A_261 : vector<1x1x128xf32> to vector<1x128xf32>
      %swap3A_263 = vector.shape_cast %select_n3A_257 : vector<1x128xf32> to vector<1x1x128xf32>
      tpu.vector_store %arg3[%swap3A_258, %swap3A_259, %swap3A_260], %swap3A_263 {strides = array<i32>} : memref<8x784x128xf32, #tpu.memory_space<vmem>>, vector<1x1x128xf32>,
      %reduce_min3A_264 = arith.constant dense<0x7F800000> : vector<1xf32>
      %reduce_min3A_265 = vector.multi_reduction <minimumf>, %select_n3A_257, %reduce_min3A_264 [1] : vector<1x128xf32> to vector<1xf32>
      %broadcast_in_dim3A_266 = vector.shape_cast %reduce_min3A_265 : vector<1xf32> to vector<1x1xf32>
      %eq3A_267 = arith.constant 5 : i32
      %eq3A_268 = vector.broadcast %eq3A_267 : i32 to vector<8x1xi32>
      %eq3A_269 = arith.cmpi eq, %iota3A_8, %eq3A_268 : vector<8x1xi32>
      %broadcast_in_dim3A_270 = vector.shape_cast %broadcast_in_dim3A_252 : vector<1x1xi32> to vector<1x1xi32>
      %broadcast_in_dim3A_271 = vector.broadcast %broadcast_in_dim3A_270 : vector<1x1xi32> to vector<8x1xi32>
      %select_n3A_272 = arith.select %eq3A_269, %broadcast_in_dim3A_271, %select_n3A_231 : vector<8x1xi1>, vector<8x1xi32>
      %broadcast_in_dim3A_273 = vector.shape_cast %broadcast_in_dim3A_266 : vector<1x1xf32> to vector<1x1xf32>
      %broadcast_in_dim3A_274 = vector.broadcast %broadcast_in_dim3A_273 : vector<1x1xf32> to vector<8x1xf32>
      %select_n3A_275 = arith.select %eq3A_269, %broadcast_in_dim3A_274, %select_n3A_234 : vector<8x1xi1>, vector<8x1xf32>
      %slice3A_276 = vector.extract_strided_slice %broadcast_in_dim3A_28 {offsets = [6, 0], sizes = [1, 1], strides = [1, 1]} : vector<8x1xi32> to vector<1x1xi32>
      %squeeze3A_277 = vector.extract %slice3A_276[0, 0] : i32 from vector<1x1xi32>
      %get3A_278 = arith.constant 6 : index
      %get3A_279 = arith.index_cast %squeeze3A_277 : i32 to index
      %get3A_280 = arith.constant 0 : index
      %get3A_281 = vector.load %arg3[%get3A_278, %get3A_279, %get3A_280] : memref<8x784x128xf32, #tpu.memory_space<vmem>>, vector<1x1x128xf32>
      %get3A_282 = vector.shape_cast %get3A_281 : vector<1x1x128xf32> to vector<1x128xf32>
      %reduce_min3A_283 = arith.constant dense<0x7F800000> : vector<1xf32>
      %reduce_min3A_284 = vector.multi_reduction <minimumf>, %get3A_282, %reduce_min3A_283 [1] : vector<1x128xf32> to vector<1xf32>
      %broadcast_in_dim3A_285 = vector.shape_cast %reduce_min3A_284 : vector<1xf32> to vector<1x1xf32>
      %le3A_286 = vector.broadcast %broadcast_in_dim3A_285 : vector<1x1xf32> to vector<1x128xf32>
      %le3A_287 = arith.cmpf ole, %get3A_282, %le3A_286 : vector<1x128xf32>
      %jit3A_288 = arith.constant 128 : i32
      %broadcast_in_dim3A_289 = vector.broadcast %jit3A_288 : i32 to vector<1x128xi32>
      %select_n3A_290 = arith.select %le3A_287, %iota3A_7, %broadcast_in_dim3A_289 : vector<1x128xi1>, vector<1x128xi32>
      %reduce_min3A_291 = arith.constant dense<2147483647> : vector<1xi32>
      %reduce_min3A_292 = vector.multi_reduction <minsi>, %select_n3A_290, %reduce_min3A_291 [1] : vector<1x128xi32> to vector<1xi32>
      %broadcast_in_dim3A_293 = vector.shape_cast %reduce_min3A_292 : vector<1xi32> to vector<1x1xi32>
      %eq3A_294 = vector.broadcast %broadcast_in_dim3A_293 : vector<1x1xi32> to vector<1x128xi32>
      %eq3A_295 = arith.cmpi eq, %iota3A_7, %eq3A_294 : vector<1x128xi32>
      %jit3A_296 = arith.constant 0x7F800000 : f32
      %broadcast_in_dim3A_297 = vector.broadcast %jit3A_296 : f32 to vector<1x128xf32>
      %select_n3A_298 = arith.select %eq3A_295, %broadcast_in_dim3A_297, %get3A_282 : vector<1x128xi1>, vector<1x128xf32>
      %swap3A_299 = arith.constant 6 : index
      %swap3A_300 = arith.index_cast %squeeze3A_277 : i32 to index
      %swap3A_301 = arith.constant 0 : index
      %swap3A_302 = vector.load %arg3[%swap3A_299, %swap3A_300, %swap3A_301] : memref<8x784x128xf32, #tpu.memory_space<vmem>>, vector<1x1x128xf32>
      %swap3A_303 = vector.shape_cast %swap3A_302 : vector<1x1x128xf32> to vector<1x128xf32>
      %swap3A_304 = vector.shape_cast %select_n3A_298 : vector<1x128xf32> to vector<1x1x128xf32>
      tpu.vector_store %arg3[%swap3A_299, %swap3A_300, %swap3A_301], %swap3A_304 {strides = array<i32>} : memref<8x784x128xf32, #tpu.memory_space<vmem>>, vector<1x1x128xf32>,
      %reduce_min3A_305 = arith.constant dense<0x7F800000> : vector<1xf32>
      %reduce_min3A_306 = vector.multi_reduction <minimumf>, %select_n3A_298, %reduce_min3A_305 [1] : vector<1x128xf32> to vector<1xf32>
      %broadcast_in_dim3A_307 = vector.shape_cast %reduce_min3A_306 : vector<1xf32> to vector<1x1xf32>
      %eq3A_308 = arith.constant 6 : i32
      %eq3A_309 = vector.broadcast %eq3A_308 : i32 to vector<8x1xi32>
      %eq3A_310 = arith.cmpi eq, %iota3A_8, %eq3A_309 : vector<8x1xi32>
      %broadcast_in_dim3A_311 = vector.shape_cast %broadcast_in_dim3A_293 : vector<1x1xi32> to vector<1x1xi32>
      %broadcast_in_dim3A_312 = vector.broadcast %broadcast_in_dim3A_311 : vector<1x1xi32> to vector<8x1xi32>
      %select_n3A_313 = arith.select %eq3A_310, %broadcast_in_dim3A_312, %select_n3A_272 : vector<8x1xi1>, vector<8x1xi32>
      %broadcast_in_dim3A_314 = vector.shape_cast %broadcast_in_dim3A_307 : vector<1x1xf32> to vector<1x1xf32>
      %broadcast_in_dim3A_315 = vector.broadcast %broadcast_in_dim3A_314 : vector<1x1xf32> to vector<8x1xf32>
      %select_n3A_316 = arith.select %eq3A_310, %broadcast_in_dim3A_315, %select_n3A_275 : vector<8x1xi1>, vector<8x1xf32>
      %slice3A_317 = vector.extract_strided_slice %broadcast_in_dim3A_28 {offsets = [7, 0], sizes = [1, 1], strides = [1, 1]} : vector<8x1xi32> to vector<1x1xi32>
      %squeeze3A_318 = vector.extract %slice3A_317[0, 0] : i32 from vector<1x1xi32>
      %get3A_319 = arith.constant 7 : index
      %get3A_320 = arith.index_cast %squeeze3A_318 : i32 to index
      %get3A_321 = arith.constant 0 : index
      %get3A_322 = vector.load %arg3[%get3A_319, %get3A_320, %get3A_321] : memref<8x784x128xf32, #tpu.memory_space<vmem>>, vector<1x1x128xf32>
      %get3A_323 = vector.shape_cast %get3A_322 : vector<1x1x128xf32> to vector<1x128xf32>
      %reduce_min3A_324 = arith.constant dense<0x7F800000> : vector<1xf32>
      %reduce_min3A_325 = vector.multi_reduction <minimumf>, %get3A_323, %reduce_min3A_324 [1] : vector<1x128xf32> to vector<1xf32>
      %broadcast_in_dim3A_326 = vector.shape_cast %reduce_min3A_325 : vector<1xf32> to vector<1x1xf32>
      %le3A_327 = vector.broadcast %broadcast_in_dim3A_326 : vector<1x1xf32> to vector<1x128xf32>
      %le3A_328 = arith.cmpf ole, %get3A_323, %le3A_327 : vector<1x128xf32>
      %jit3A_329 = arith.constant 128 : i32
      %broadcast_in_dim3A_330 = vector.broadcast %jit3A_329 : i32 to vector<1x128xi32>
      %select_n3A_331 = arith.select %le3A_328, %iota3A_7, %broadcast_in_dim3A_330 : vector<1x128xi1>, vector<1x128xi32>
      %reduce_min3A_332 = arith.constant dense<2147483647> : vector<1xi32>
      %reduce_min3A_333 = vector.multi_reduction <minsi>, %select_n3A_331, %reduce_min3A_332 [1] : vector<1x128xi32> to vector<1xi32>
      %broadcast_in_dim3A_334 = vector.shape_cast %reduce_min3A_333 : vector<1xi32> to vector<1x1xi32>
      %eq3A_335 = vector.broadcast %broadcast_in_dim3A_334 : vector<1x1xi32> to vector<1x128xi32>
      %eq3A_336 = arith.cmpi eq, %iota3A_7, %eq3A_335 : vector<1x128xi32>
      %jit3A_337 = arith.constant 0x7F800000 : f32
      %broadcast_in_dim3A_338 = vector.broadcast %jit3A_337 : f32 to vector<1x128xf32>
      %select_n3A_339 = arith.select %eq3A_336, %broadcast_in_dim3A_338, %get3A_323 : vector<1x128xi1>, vector<1x128xf32>
      %swap3A_340 = arith.constant 7 : index
      %swap3A_341 = arith.index_cast %squeeze3A_318 : i32 to index
      %swap3A_342 = arith.constant 0 : index
      %swap3A_343 = vector.load %arg3[%swap3A_340, %swap3A_341, %swap3A_342] : memref<8x784x128xf32, #tpu.memory_space<vmem>>, vector<1x1x128xf32>
      %swap3A_344 = vector.shape_cast %swap3A_343 : vector<1x1x128xf32> to vector<1x128xf32>
      %swap3A_345 = vector.shape_cast %select_n3A_339 : vector<1x128xf32> to vector<1x1x128xf32>
      tpu.vector_store %arg3[%swap3A_340, %swap3A_341, %swap3A_342], %swap3A_345 {strides = array<i32>} : memref<8x784x128xf32, #tpu.memory_space<vmem>>, vector<1x1x128xf32>,
      %reduce_min3A_346 = arith.constant dense<0x7F800000> : vector<1xf32>
      %reduce_min3A_347 = vector.multi_reduction <minimumf>, %select_n3A_339, %reduce_min3A_346 [1] : vector<1x128xf32> to vector<1xf32>
      %broadcast_in_dim3A_348 = vector.shape_cast %reduce_min3A_347 : vector<1xf32> to vector<1x1xf32>
      %eq3A_349 = arith.constant 7 : i32
      %eq3A_350 = vector.broadcast %eq3A_349 : i32 to vector<8x1xi32>
      %eq3A_351 = arith.cmpi eq, %iota3A_8, %eq3A_350 : vector<8x1xi32>
      %broadcast_in_dim3A_352 = vector.shape_cast %broadcast_in_dim3A_334 : vector<1x1xi32> to vector<1x1xi32>
      %broadcast_in_dim3A_353 = vector.broadcast %broadcast_in_dim3A_352 : vector<1x1xi32> to vector<8x1xi32>
      %select_n3A_354 = arith.select %eq3A_351, %broadcast_in_dim3A_353, %select_n3A_313 : vector<8x1xi1>, vector<8x1xi32>
      %broadcast_in_dim3A_355 = vector.shape_cast %broadcast_in_dim3A_348 : vector<1x1xf32> to vector<1x1xf32>
      %broadcast_in_dim3A_356 = vector.broadcast %broadcast_in_dim3A_355 : vector<1x1xf32> to vector<8x1xf32>
      %select_n3A_357 = arith.select %eq3A_351, %broadcast_in_dim3A_356, %select_n3A_316 : vector<8x1xi1>, vector<8x1xf32>
      %eq3A_358 = vector.broadcast %broadcast_in_dim3A_28 : vector<8x1xi32> to vector<8x784xi32>
      %eq3A_359 = arith.cmpi eq, %iota3A, %eq3A_358 : vector<8x784xi32>
      %broadcast_in_dim3A_360 = vector.shape_cast %select_n3A_357 : vector<8x1xf32> to vector<8x1xf32>
      %broadcast_in_dim3A_361 = vector.broadcast %broadcast_in_dim3A_360 : vector<8x1xf32> to vector<8x784xf32>
      %select_n3A_362 = arith.select %eq3A_359, %broadcast_in_dim3A_361, %scan3A_19 : vector<8x784xi1>, vector<8x784xf32>
      %mul3A = arith.constant 128 : i32
      %mul3A_363 = vector.broadcast %mul3A : i32 to vector<8x1xi32>
      %mul3A_364 = arith.muli %broadcast_in_dim3A_28, %mul3A_363 : vector<8x1xi32>
      %add3A = arith.addi %mul3A_364, %select_n3A_354 : vector<8x1xi32>
      %eq3A_365 = vector.broadcast %scan3A_18 : i32 to vector<8x128xi32>
      %eq3A_366 = arith.cmpi eq, %iota3A_6, %eq3A_365 : vector<8x128xi32>
      %broadcast_in_dim3A_367 = vector.shape_cast %add3A : vector<8x1xi32> to vector<8x1xi32>
      %broadcast_in_dim3A_368 = vector.broadcast %broadcast_in_dim3A_367 : vector<8x1xi32> to vector<8x128xi32>
      %select_n3A_369 = arith.select %eq3A_366, %broadcast_in_dim3A_368, %scan3A_20 : vector<8x128xi1>, vector<8x128xi32>
      scf.yield %select_n3A_362, %select_n3A_369 : vector<8x784xf32>, vector<8x128xi32>
    }
    %scan3A_14 = arith.constant 101 : i32
    %swap3A_15 = arith.constant 0 : index
    %swap3A_16 = arith.constant 0 : index
    %swap3A_17 = vector.load %arg2[%swap3A_15, %swap3A_16] : memref<8x128xi32, #tpu.memory_space<vmem>>, vector<8x128xi32>
    tpu.vector_store %arg2[%swap3A_15, %swap3A_16], %scan3A_13#1 {strides = array<i32>} : memref<8x128xi32, #tpu.memory_space<vmem>>, vector<8x128xi32>,
    return
  }
  func.func @transform_0(%arg0: i32) -> (i32, i32) {
    %c0_i32 = arith.constant 0 : i32
    %c0_i32_0 = arith.constant 0 : i32
    return %arg0, %c0_i32 : i32, i32
  }
  func.func @transform_1(%arg0: i32) -> (i32, i32) {
    %c0_i32 = arith.constant 0 : i32
    %c0_i32_0 = arith.constant 0 : i32
    return %arg0, %c0_i32 : i32, i32
  }
}

module attributes {stable_mosaic.version = 14 : i64} {
  func.func @_tail_kernel(%arg0: i32, %arg1: memref<8x100x256xf32, #tpu.memory_space<vmem>>, %arg2: memref<8x256xf32, #tpu.memory_space<vmem>>, %arg3: memref<8x256xf32, #tpu.memory_space<vmem>>, %arg4: memref<8x256xf32, #tpu.memory_space<vmem>>, %arg5: memref<8x256xf32, #tpu.memory_space<vmem>>) attributes {dimension_semantics = [#tpu.dimension_semantics<arbitrary>], iteration_bounds = array<i64: 128>, scalar_prefetch = 0 : i64, scratch_operands = 0 : i64, tpu.core_type = #tpu.core_type<tc>, window_params = [{transform_indices = @transform_0, window_bounds = array<i64: 8, 100, 256>}, {transform_indices = @transform_1, window_bounds = array<i64: 8, 256>}, {transform_indices = @transform_2, window_bounds = array<i64: 8, 256>}, {transform_indices = @transform_3, window_bounds = array<i64: 8, 256>}, {transform_indices = @transform_4, window_bounds = array<i64: 8, 256>}]} {
    %get3A = arith.constant 0 : index
    %get3A_0 = arith.constant 0 : index
    %get3A_1 = vector.load %arg2[%get3A, %get3A_0] : memref<8x256xf32, #tpu.memory_space<vmem>>, vector<8x256xf32>
    %get3A_2 = arith.constant 0 : index
    %get3A_3 = arith.constant 0 : index
    %get3A_4 = vector.load %arg3[%get3A_2, %get3A_3] : memref<8x256xf32, #tpu.memory_space<vmem>>, vector<8x256xf32>
    %get3A_5 = arith.constant 0 : index
    %get3A_6 = arith.constant 0 : index
    %get3A_7 = vector.load %arg4[%get3A_5, %get3A_6] : memref<8x256xf32, #tpu.memory_space<vmem>>, vector<8x256xf32>
    %get3A_8 = vector.shape_cast %get3A_7 : vector<8x256xf32> to vector<8x256xf32>
    %get3A_9 = arith.constant 0 : index
    %get3A_10 = arith.constant 0 : index
    %get3A_11 = arith.constant 0 : index
    %get3A_12 = vector.load %arg1[%get3A_9, %get3A_10, %get3A_11] : memref<8x100x256xf32, #tpu.memory_space<vmem>>, vector<8x100x256xf32>
    %reduce_max3A = arith.constant dense<0xFF800000> : vector<8x256xf32>
    %reduce_max3A_13 = vector.multi_reduction <maximumf>, %get3A_12, %reduce_max3A [1] : vector<8x100x256xf32> to vector<8x256xf32>
    %reduce_min3A = arith.constant dense<0x7F800000> : vector<8x256xf32>
    %reduce_min3A_14 = vector.multi_reduction <minimumf>, %get3A_12, %reduce_min3A [1] : vector<8x100x256xf32> to vector<8x256xf32>
    %sub3A = arith.subf %reduce_max3A_13, %reduce_min3A_14 : vector<8x256xf32>
    %mul3A = arith.mulf %get3A_4, %sub3A : vector<8x256xf32>
    %div3A = arith.constant 1.600000e+01 : f32
    %div3A_15 = vector.broadcast %div3A : f32 to vector<8x256xf32>
    %div3A_16 = arith.divf %mul3A, %div3A_15 : vector<8x256xf32>
    %mul3A_17 = arith.mulf %div3A_16, %get3A_8 : vector<8x256xf32>
    %add3A = arith.addf %get3A_1, %mul3A_17 : vector<8x256xf32>
    %iota3A = tpu.iota {dimensions = array<i32: 1>} : vector<1x100x101xi32>
    %iota3A_18 = tpu.iota {dimensions = array<i32: 2>} : vector<1x100x101xi32>
    %slice3A = vector.extract_strided_slice %get3A_12 {offsets = [0, 0, 0], sizes = [1, 100, 256], strides = [1, 1, 1]} : vector<8x100x256xf32> to vector<1x100x256xf32>
    %squeeze3A = vector.shape_cast %slice3A : vector<1x100x256xf32> to vector<100x256xf32>
    %dot_general3A = arith.constant dense<0.000000e+00> : vector<100x100xf32>
    %dot_general3A_19 = tpu.matmul %squeeze3A, %squeeze3A, %dot_general3A {dimension_numbers = #tpu.dot_dimension_numbers<[1], [1], [0], [0], [0, 0, 1, 0], [], []>, transpose_lhs_hint = false} : vector<100x256xf32>, vector<100x256xf32>, vector<100x100xf32> -> vector<100x100xf32>
    %slice3A_20 = vector.extract_strided_slice %add3A {offsets = [0, 0], sizes = [1, 256], strides = [1, 1]} : vector<8x256xf32> to vector<1x256xf32>
    %squeeze3A_21 = vector.shape_cast %slice3A_20 : vector<1x256xf32> to vector<256xf32>
    %broadcast_in_dim3A = vector.shape_cast %squeeze3A_21 : vector<256xf32> to vector<1x256xf32>
    %dot_general3A_22 = arith.constant dense<0.000000e+00> : vector<100x1xf32>
    %dot_general3A_23 = tpu.matmul %squeeze3A, %broadcast_in_dim3A, %dot_general3A_22 {dimension_numbers = #tpu.dot_dimension_numbers<[1], [1], [0], [0], [0, 0, 1, 0], [], []>, transpose_lhs_hint = false} : vector<100x256xf32>, vector<1x256xf32>, vector<100x1xf32> -> vector<100x1xf32>
    %concatenate3A = tpu.concatenate %dot_general3A_19, %dot_general3A_23 in 1 : vector<100x100xf32>, vector<100x1xf32> -> vector<100x101xf32>
    %broadcast_in_dim3A_24 = vector.shape_cast %concatenate3A : vector<100x101xf32> to vector<1x100x101xf32>
    %slice3A_25 = vector.extract_strided_slice %get3A_12 {offsets = [1, 0, 0], sizes = [1, 100, 256], strides = [1, 1, 1]} : vector<8x100x256xf32> to vector<1x100x256xf32>
    %squeeze3A_26 = vector.shape_cast %slice3A_25 : vector<1x100x256xf32> to vector<100x256xf32>
    %dot_general3A_27 = arith.constant dense<0.000000e+00> : vector<100x100xf32>
    %dot_general3A_28 = tpu.matmul %squeeze3A_26, %squeeze3A_26, %dot_general3A_27 {dimension_numbers = #tpu.dot_dimension_numbers<[1], [1], [0], [0], [0, 0, 1, 0], [], []>, transpose_lhs_hint = false} : vector<100x256xf32>, vector<100x256xf32>, vector<100x100xf32> -> vector<100x100xf32>
    %slice3A_29 = vector.extract_strided_slice %add3A {offsets = [1, 0], sizes = [1, 256], strides = [1, 1]} : vector<8x256xf32> to vector<1x256xf32>
    %squeeze3A_30 = vector.shape_cast %slice3A_29 : vector<1x256xf32> to vector<256xf32>
    %broadcast_in_dim3A_31 = vector.shape_cast %squeeze3A_30 : vector<256xf32> to vector<1x256xf32>
    %dot_general3A_32 = arith.constant dense<0.000000e+00> : vector<100x1xf32>
    %dot_general3A_33 = tpu.matmul %squeeze3A_26, %broadcast_in_dim3A_31, %dot_general3A_32 {dimension_numbers = #tpu.dot_dimension_numbers<[1], [1], [0], [0], [0, 0, 1, 0], [], []>, transpose_lhs_hint = false} : vector<100x256xf32>, vector<1x256xf32>, vector<100x1xf32> -> vector<100x1xf32>
    %concatenate3A_34 = tpu.concatenate %dot_general3A_28, %dot_general3A_33 in 1 : vector<100x100xf32>, vector<100x1xf32> -> vector<100x101xf32>
    %broadcast_in_dim3A_35 = vector.shape_cast %concatenate3A_34 : vector<100x101xf32> to vector<1x100x101xf32>
    %slice3A_36 = vector.extract_strided_slice %get3A_12 {offsets = [2, 0, 0], sizes = [1, 100, 256], strides = [1, 1, 1]} : vector<8x100x256xf32> to vector<1x100x256xf32>
    %squeeze3A_37 = vector.shape_cast %slice3A_36 : vector<1x100x256xf32> to vector<100x256xf32>
    %dot_general3A_38 = arith.constant dense<0.000000e+00> : vector<100x100xf32>
    %dot_general3A_39 = tpu.matmul %squeeze3A_37, %squeeze3A_37, %dot_general3A_38 {dimension_numbers = #tpu.dot_dimension_numbers<[1], [1], [0], [0], [0, 0, 1, 0], [], []>, transpose_lhs_hint = false} : vector<100x256xf32>, vector<100x256xf32>, vector<100x100xf32> -> vector<100x100xf32>
    %slice3A_40 = vector.extract_strided_slice %add3A {offsets = [2, 0], sizes = [1, 256], strides = [1, 1]} : vector<8x256xf32> to vector<1x256xf32>
    %squeeze3A_41 = vector.shape_cast %slice3A_40 : vector<1x256xf32> to vector<256xf32>
    %broadcast_in_dim3A_42 = vector.shape_cast %squeeze3A_41 : vector<256xf32> to vector<1x256xf32>
    %dot_general3A_43 = arith.constant dense<0.000000e+00> : vector<100x1xf32>
    %dot_general3A_44 = tpu.matmul %squeeze3A_37, %broadcast_in_dim3A_42, %dot_general3A_43 {dimension_numbers = #tpu.dot_dimension_numbers<[1], [1], [0], [0], [0, 0, 1, 0], [], []>, transpose_lhs_hint = false} : vector<100x256xf32>, vector<1x256xf32>, vector<100x1xf32> -> vector<100x1xf32>
    %concatenate3A_45 = tpu.concatenate %dot_general3A_39, %dot_general3A_44 in 1 : vector<100x100xf32>, vector<100x1xf32> -> vector<100x101xf32>
    %broadcast_in_dim3A_46 = vector.shape_cast %concatenate3A_45 : vector<100x101xf32> to vector<1x100x101xf32>
    %slice3A_47 = vector.extract_strided_slice %get3A_12 {offsets = [3, 0, 0], sizes = [1, 100, 256], strides = [1, 1, 1]} : vector<8x100x256xf32> to vector<1x100x256xf32>
    %squeeze3A_48 = vector.shape_cast %slice3A_47 : vector<1x100x256xf32> to vector<100x256xf32>
    %dot_general3A_49 = arith.constant dense<0.000000e+00> : vector<100x100xf32>
    %dot_general3A_50 = tpu.matmul %squeeze3A_48, %squeeze3A_48, %dot_general3A_49 {dimension_numbers = #tpu.dot_dimension_numbers<[1], [1], [0], [0], [0, 0, 1, 0], [], []>, transpose_lhs_hint = false} : vector<100x256xf32>, vector<100x256xf32>, vector<100x100xf32> -> vector<100x100xf32>
    %slice3A_51 = vector.extract_strided_slice %add3A {offsets = [3, 0], sizes = [1, 256], strides = [1, 1]} : vector<8x256xf32> to vector<1x256xf32>
    %squeeze3A_52 = vector.shape_cast %slice3A_51 : vector<1x256xf32> to vector<256xf32>
    %broadcast_in_dim3A_53 = vector.shape_cast %squeeze3A_52 : vector<256xf32> to vector<1x256xf32>
    %dot_general3A_54 = arith.constant dense<0.000000e+00> : vector<100x1xf32>
    %dot_general3A_55 = tpu.matmul %squeeze3A_48, %broadcast_in_dim3A_53, %dot_general3A_54 {dimension_numbers = #tpu.dot_dimension_numbers<[1], [1], [0], [0], [0, 0, 1, 0], [], []>, transpose_lhs_hint = false} : vector<100x256xf32>, vector<1x256xf32>, vector<100x1xf32> -> vector<100x1xf32>
    %concatenate3A_56 = tpu.concatenate %dot_general3A_50, %dot_general3A_55 in 1 : vector<100x100xf32>, vector<100x1xf32> -> vector<100x101xf32>
    %broadcast_in_dim3A_57 = vector.shape_cast %concatenate3A_56 : vector<100x101xf32> to vector<1x100x101xf32>
    %slice3A_58 = vector.extract_strided_slice %get3A_12 {offsets = [4, 0, 0], sizes = [1, 100, 256], strides = [1, 1, 1]} : vector<8x100x256xf32> to vector<1x100x256xf32>
    %squeeze3A_59 = vector.shape_cast %slice3A_58 : vector<1x100x256xf32> to vector<100x256xf32>
    %dot_general3A_60 = arith.constant dense<0.000000e+00> : vector<100x100xf32>
    %dot_general3A_61 = tpu.matmul %squeeze3A_59, %squeeze3A_59, %dot_general3A_60 {dimension_numbers = #tpu.dot_dimension_numbers<[1], [1], [0], [0], [0, 0, 1, 0], [], []>, transpose_lhs_hint = false} : vector<100x256xf32>, vector<100x256xf32>, vector<100x100xf32> -> vector<100x100xf32>
    %slice3A_62 = vector.extract_strided_slice %add3A {offsets = [4, 0], sizes = [1, 256], strides = [1, 1]} : vector<8x256xf32> to vector<1x256xf32>
    %squeeze3A_63 = vector.shape_cast %slice3A_62 : vector<1x256xf32> to vector<256xf32>
    %broadcast_in_dim3A_64 = vector.shape_cast %squeeze3A_63 : vector<256xf32> to vector<1x256xf32>
    %dot_general3A_65 = arith.constant dense<0.000000e+00> : vector<100x1xf32>
    %dot_general3A_66 = tpu.matmul %squeeze3A_59, %broadcast_in_dim3A_64, %dot_general3A_65 {dimension_numbers = #tpu.dot_dimension_numbers<[1], [1], [0], [0], [0, 0, 1, 0], [], []>, transpose_lhs_hint = false} : vector<100x256xf32>, vector<1x256xf32>, vector<100x1xf32> -> vector<100x1xf32>
    %concatenate3A_67 = tpu.concatenate %dot_general3A_61, %dot_general3A_66 in 1 : vector<100x100xf32>, vector<100x1xf32> -> vector<100x101xf32>
    %broadcast_in_dim3A_68 = vector.shape_cast %concatenate3A_67 : vector<100x101xf32> to vector<1x100x101xf32>
    %slice3A_69 = vector.extract_strided_slice %get3A_12 {offsets = [5, 0, 0], sizes = [1, 100, 256], strides = [1, 1, 1]} : vector<8x100x256xf32> to vector<1x100x256xf32>
    %squeeze3A_70 = vector.shape_cast %slice3A_69 : vector<1x100x256xf32> to vector<100x256xf32>
    %dot_general3A_71 = arith.constant dense<0.000000e+00> : vector<100x100xf32>
    %dot_general3A_72 = tpu.matmul %squeeze3A_70, %squeeze3A_70, %dot_general3A_71 {dimension_numbers = #tpu.dot_dimension_numbers<[1], [1], [0], [0], [0, 0, 1, 0], [], []>, transpose_lhs_hint = false} : vector<100x256xf32>, vector<100x256xf32>, vector<100x100xf32> -> vector<100x100xf32>
    %slice3A_73 = vector.extract_strided_slice %add3A {offsets = [5, 0], sizes = [1, 256], strides = [1, 1]} : vector<8x256xf32> to vector<1x256xf32>
    %squeeze3A_74 = vector.shape_cast %slice3A_73 : vector<1x256xf32> to vector<256xf32>
    %broadcast_in_dim3A_75 = vector.shape_cast %squeeze3A_74 : vector<256xf32> to vector<1x256xf32>
    %dot_general3A_76 = arith.constant dense<0.000000e+00> : vector<100x1xf32>
    %dot_general3A_77 = tpu.matmul %squeeze3A_70, %broadcast_in_dim3A_75, %dot_general3A_76 {dimension_numbers = #tpu.dot_dimension_numbers<[1], [1], [0], [0], [0, 0, 1, 0], [], []>, transpose_lhs_hint = false} : vector<100x256xf32>, vector<1x256xf32>, vector<100x1xf32> -> vector<100x1xf32>
    %concatenate3A_78 = tpu.concatenate %dot_general3A_72, %dot_general3A_77 in 1 : vector<100x100xf32>, vector<100x1xf32> -> vector<100x101xf32>
    %broadcast_in_dim3A_79 = vector.shape_cast %concatenate3A_78 : vector<100x101xf32> to vector<1x100x101xf32>
    %slice3A_80 = vector.extract_strided_slice %get3A_12 {offsets = [6, 0, 0], sizes = [1, 100, 256], strides = [1, 1, 1]} : vector<8x100x256xf32> to vector<1x100x256xf32>
    %squeeze3A_81 = vector.shape_cast %slice3A_80 : vector<1x100x256xf32> to vector<100x256xf32>
    %dot_general3A_82 = arith.constant dense<0.000000e+00> : vector<100x100xf32>
    %dot_general3A_83 = tpu.matmul %squeeze3A_81, %squeeze3A_81, %dot_general3A_82 {dimension_numbers = #tpu.dot_dimension_numbers<[1], [1], [0], [0], [0, 0, 1, 0], [], []>, transpose_lhs_hint = false} : vector<100x256xf32>, vector<100x256xf32>, vector<100x100xf32> -> vector<100x100xf32>
    %slice3A_84 = vector.extract_strided_slice %add3A {offsets = [6, 0], sizes = [1, 256], strides = [1, 1]} : vector<8x256xf32> to vector<1x256xf32>
    %squeeze3A_85 = vector.shape_cast %slice3A_84 : vector<1x256xf32> to vector<256xf32>
    %broadcast_in_dim3A_86 = vector.shape_cast %squeeze3A_85 : vector<256xf32> to vector<1x256xf32>
    %dot_general3A_87 = arith.constant dense<0.000000e+00> : vector<100x1xf32>
    %dot_general3A_88 = tpu.matmul %squeeze3A_81, %broadcast_in_dim3A_86, %dot_general3A_87 {dimension_numbers = #tpu.dot_dimension_numbers<[1], [1], [0], [0], [0, 0, 1, 0], [], []>, transpose_lhs_hint = false} : vector<100x256xf32>, vector<1x256xf32>, vector<100x1xf32> -> vector<100x1xf32>
    %concatenate3A_89 = tpu.concatenate %dot_general3A_83, %dot_general3A_88 in 1 : vector<100x100xf32>, vector<100x1xf32> -> vector<100x101xf32>
    %broadcast_in_dim3A_90 = vector.shape_cast %concatenate3A_89 : vector<100x101xf32> to vector<1x100x101xf32>
    %slice3A_91 = vector.extract_strided_slice %get3A_12 {offsets = [7, 0, 0], sizes = [1, 100, 256], strides = [1, 1, 1]} : vector<8x100x256xf32> to vector<1x100x256xf32>
    %squeeze3A_92 = vector.shape_cast %slice3A_91 : vector<1x100x256xf32> to vector<100x256xf32>
    %dot_general3A_93 = arith.constant dense<0.000000e+00> : vector<100x100xf32>
    %dot_general3A_94 = tpu.matmul %squeeze3A_92, %squeeze3A_92, %dot_general3A_93 {dimension_numbers = #tpu.dot_dimension_numbers<[1], [1], [0], [0], [0, 0, 1, 0], [], []>, transpose_lhs_hint = false} : vector<100x256xf32>, vector<100x256xf32>, vector<100x100xf32> -> vector<100x100xf32>
    %slice3A_95 = vector.extract_strided_slice %add3A {offsets = [7, 0], sizes = [1, 256], strides = [1, 1]} : vector<8x256xf32> to vector<1x256xf32>
    %squeeze3A_96 = vector.shape_cast %slice3A_95 : vector<1x256xf32> to vector<256xf32>
    %broadcast_in_dim3A_97 = vector.shape_cast %squeeze3A_96 : vector<256xf32> to vector<1x256xf32>
    %dot_general3A_98 = arith.constant dense<0.000000e+00> : vector<100x1xf32>
    %dot_general3A_99 = tpu.matmul %squeeze3A_92, %broadcast_in_dim3A_97, %dot_general3A_98 {dimension_numbers = #tpu.dot_dimension_numbers<[1], [1], [0], [0], [0, 0, 1, 0], [], []>, transpose_lhs_hint = false} : vector<100x256xf32>, vector<1x256xf32>, vector<100x1xf32> -> vector<100x1xf32>
    %concatenate3A_100 = tpu.concatenate %dot_general3A_94, %dot_general3A_99 in 1 : vector<100x100xf32>, vector<100x1xf32> -> vector<100x101xf32>
    %broadcast_in_dim3A_101 = vector.shape_cast %concatenate3A_100 : vector<100x101xf32> to vector<1x100x101xf32>
    %concatenate3A_102 = tpu.concatenate %broadcast_in_dim3A_24, %broadcast_in_dim3A_35, %broadcast_in_dim3A_46, %broadcast_in_dim3A_57, %broadcast_in_dim3A_68, %broadcast_in_dim3A_79, %broadcast_in_dim3A_90, %broadcast_in_dim3A_101 in 0 : vector<1x100x101xf32>, vector<1x100x101xf32>, vector<1x100x101xf32>, vector<1x100x101xf32>, vector<1x100x101xf32>, vector<1x100x101xf32>, vector<1x100x101xf32>, vector<1x100x101xf32> -> vector<8x100x101xf32>
    %scan3A = arith.constant 0 : i32
    %scan3A_103 = arith.constant 100 : i32
    %scan3A_104 = arith.addi %scan3A, %scan3A_103 : i32
    %scan3A_105 = arith.constant 1 : i32
    %scan3A_106 = scf.for %scan3A_210 = %scan3A to %scan3A_104 step %scan3A_105 iter_args(%scan3A_211 = %concatenate3A_102) -> (vector<8x100x101xf32>)  : i32 {
      %eq3A_212 = vector.broadcast %scan3A_210 : i32 to vector<1x100x101xi32>
      %eq3A_213 = arith.cmpi eq, %iota3A, %eq3A_212 : vector<1x100x101xi32>
      %convert_element_type3A_214 = arith.extui %eq3A_213 : vector<1x100x101xi1> to vector<1x100x101xi32>
      %convert_element_type3A_215 = arith.sitofp %convert_element_type3A_214 : vector<1x100x101xi32> to vector<1x100x101xf32>
      %eq3A_216 = vector.broadcast %scan3A_210 : i32 to vector<1x100x101xi32>
      %eq3A_217 = arith.cmpi eq, %iota3A_18, %eq3A_216 : vector<1x100x101xi32>
      %convert_element_type3A_218 = arith.extui %eq3A_217 : vector<1x100x101xi1> to vector<1x100x101xi32>
      %convert_element_type3A_219 = arith.sitofp %convert_element_type3A_218 : vector<1x100x101xi32> to vector<1x100x101xf32>
      %mul3A_220 = vector.broadcast %convert_element_type3A_215 : vector<1x100x101xf32> to vector<8x100x101xf32>
      %mul3A_221 = arith.mulf %scan3A_211, %mul3A_220 : vector<8x100x101xf32>
      %reduce_sum3A_222 = arith.constant dense<0.000000e+00> : vector<8x101xf32>
      %reduce_sum3A_223 = vector.multi_reduction <add>, %mul3A_221, %reduce_sum3A_222 [1] : vector<8x100x101xf32> to vector<8x101xf32>
      %broadcast_in_dim3A_224 = vector.shape_cast %reduce_sum3A_223 : vector<8x101xf32> to vector<8x1x101xf32>
      %slice3A_225 = vector.extract_strided_slice %convert_element_type3A_219 {offsets = [0, 0, 0], sizes = [1, 1, 101], strides = [1, 1, 1]} : vector<1x100x101xf32> to vector<1x1x101xf32>
      %mul3A_226 = vector.broadcast %slice3A_225 : vector<1x1x101xf32> to vector<8x1x101xf32>
      %mul3A_227 = arith.mulf %broadcast_in_dim3A_224, %mul3A_226 : vector<8x1x101xf32>
      %reduce_sum3A_228 = arith.constant dense<0.000000e+00> : vector<8x1xf32>
      %reduce_sum3A_229 = vector.multi_reduction <add>, %mul3A_227, %reduce_sum3A_228 [2] : vector<8x1x101xf32> to vector<8x1xf32>
      %broadcast_in_dim3A_230 = vector.shape_cast %reduce_sum3A_229 : vector<8x1xf32> to vector<8x1x1xf32>
      %div3A_231 = vector.broadcast %broadcast_in_dim3A_230 : vector<8x1x1xf32> to vector<8x1x101xf32>
      %div3A_232 = arith.divf %broadcast_in_dim3A_224, %div3A_231 : vector<8x1x101xf32>
      %mul3A_233 = vector.broadcast %convert_element_type3A_219 : vector<1x100x101xf32> to vector<8x100x101xf32>
      %mul3A_234 = arith.mulf %scan3A_211, %mul3A_233 : vector<8x100x101xf32>
      %reduce_sum3A_235 = arith.constant dense<0.000000e+00> : vector<8x100xf32>
      %reduce_sum3A_236 = vector.multi_reduction <add>, %mul3A_234, %reduce_sum3A_235 [2] : vector<8x100x101xf32> to vector<8x100xf32>
      %broadcast_in_dim3A_237 = vector.shape_cast %reduce_sum3A_236 : vector<8x100xf32> to vector<8x100x1xf32>
      %mul3A_238 = vector.broadcast %broadcast_in_dim3A_237 : vector<8x100x1xf32> to vector<8x100x101xf32>
      %mul3A_239 = vector.broadcast %div3A_232 : vector<8x1x101xf32> to vector<8x100x101xf32>
      %mul3A_240 = arith.mulf %mul3A_238, %mul3A_239 : vector<8x100x101xf32>
      %sub3A_241 = arith.subf %scan3A_211, %mul3A_240 : vector<8x100x101xf32>
      %mul3A_242 = vector.broadcast %convert_element_type3A_215 : vector<1x100x101xf32> to vector<8x100x101xf32>
      %mul3A_243 = vector.broadcast %div3A_232 : vector<8x1x101xf32> to vector<8x100x101xf32>
      %mul3A_244 = arith.mulf %mul3A_242, %mul3A_243 : vector<8x100x101xf32>
      %add3A_245 = arith.addf %sub3A_241, %mul3A_244 : vector<8x100x101xf32>
      scf.yield %add3A_245 : vector<8x100x101xf32>
    }
    %scan3A_107 = arith.constant 100 : i32
    %eq3A = arith.constant 100 : i32
    %eq3A_108 = vector.broadcast %eq3A : i32 to vector<1x100x101xi32>
    %eq3A_109 = arith.cmpi eq, %iota3A_18, %eq3A_108 : vector<1x100x101xi32>
    %convert_element_type3A = arith.extui %eq3A_109 : vector<1x100x101xi1> to vector<1x100x101xi32>
    %convert_element_type3A_110 = arith.sitofp %convert_element_type3A : vector<1x100x101xi32> to vector<1x100x101xf32>
    %mul3A_111 = vector.broadcast %convert_element_type3A_110 : vector<1x100x101xf32> to vector<8x100x101xf32>
    %mul3A_112 = arith.mulf %scan3A_106, %mul3A_111 : vector<8x100x101xf32>
    %reduce_sum3A = arith.constant dense<0.000000e+00> : vector<8x100xf32>
    %reduce_sum3A_113 = vector.multi_reduction <add>, %mul3A_112, %reduce_sum3A [2] : vector<8x100x101xf32> to vector<8x100xf32>
    %broadcast_in_dim3A_114 = vector.shape_cast %reduce_sum3A_113 : vector<8x100xf32> to vector<8x100x1xf32>
    %slice3A_115 = vector.extract_strided_slice %broadcast_in_dim3A_114 {offsets = [0, 0, 0], sizes = [1, 100, 1], strides = [1, 1, 1]} : vector<8x100x1xf32> to vector<1x100x1xf32>
    %squeeze3A_116 = vector.shape_cast %slice3A_115 : vector<1x100x1xf32> to vector<100x1xf32>
    %slice3A_117 = vector.extract_strided_slice %get3A_12 {offsets = [0, 0, 0], sizes = [1, 100, 256], strides = [1, 1, 1]} : vector<8x100x256xf32> to vector<1x100x256xf32>
    %squeeze3A_118 = vector.shape_cast %slice3A_117 : vector<1x100x256xf32> to vector<100x256xf32>
    %dot_general3A_119 = arith.constant dense<0.000000e+00> : vector<1x256xf32>
    %dot_general3A_120 = tpu.matmul %squeeze3A_116, %squeeze3A_118, %dot_general3A_119 {dimension_numbers = #tpu.dot_dimension_numbers<[0], [0], [1], [1], [0, 1, 1, 1], [], []>, transpose_lhs_hint = false} : vector<100x1xf32>, vector<100x256xf32>, vector<1x256xf32> -> vector<1x256xf32>
    %squeeze3A_121 = vector.shape_cast %dot_general3A_120 : vector<1x256xf32> to vector<256xf32>
    %swap3A = arith.constant 0 : index
    %swap3A_122 = arith.constant 0 : index
    %swap3A_123 = vector.load %arg5[%swap3A, %swap3A_122] : memref<8x256xf32, #tpu.memory_space<vmem>>, vector<1x256xf32>
    %swap3A_124 = vector.shape_cast %swap3A_123 : vector<1x256xf32> to vector<256xf32>
    %swap3A_125 = vector.shape_cast %squeeze3A_121 : vector<256xf32> to vector<1x256xf32>
    tpu.vector_store %arg5[%swap3A, %swap3A_122], %swap3A_125 {strides = array<i32>} : memref<8x256xf32, #tpu.memory_space<vmem>>, vector<1x256xf32>,
    %slice3A_126 = vector.extract_strided_slice %broadcast_in_dim3A_114 {offsets = [1, 0, 0], sizes = [1, 100, 1], strides = [1, 1, 1]} : vector<8x100x1xf32> to vector<1x100x1xf32>
    %squeeze3A_127 = vector.shape_cast %slice3A_126 : vector<1x100x1xf32> to vector<100x1xf32>
    %slice3A_128 = vector.extract_strided_slice %get3A_12 {offsets = [1, 0, 0], sizes = [1, 100, 256], strides = [1, 1, 1]} : vector<8x100x256xf32> to vector<1x100x256xf32>
    %squeeze3A_129 = vector.shape_cast %slice3A_128 : vector<1x100x256xf32> to vector<100x256xf32>
    %dot_general3A_130 = arith.constant dense<0.000000e+00> : vector<1x256xf32>
    %dot_general3A_131 = tpu.matmul %squeeze3A_127, %squeeze3A_129, %dot_general3A_130 {dimension_numbers = #tpu.dot_dimension_numbers<[0], [0], [1], [1], [0, 1, 1, 1], [], []>, transpose_lhs_hint = false} : vector<100x1xf32>, vector<100x256xf32>, vector<1x256xf32> -> vector<1x256xf32>
    %squeeze3A_132 = vector.shape_cast %dot_general3A_131 : vector<1x256xf32> to vector<256xf32>
    %swap3A_133 = arith.constant 1 : index
    %swap3A_134 = arith.constant 0 : index
    %swap3A_135 = vector.load %arg5[%swap3A_133, %swap3A_134] : memref<8x256xf32, #tpu.memory_space<vmem>>, vector<1x256xf32>
    %swap3A_136 = vector.shape_cast %swap3A_135 : vector<1x256xf32> to vector<256xf32>
    %swap3A_137 = vector.shape_cast %squeeze3A_132 : vector<256xf32> to vector<1x256xf32>
    tpu.vector_store %arg5[%swap3A_133, %swap3A_134], %swap3A_137 {strides = array<i32>} : memref<8x256xf32, #tpu.memory_space<vmem>>, vector<1x256xf32>,
    %slice3A_138 = vector.extract_strided_slice %broadcast_in_dim3A_114 {offsets = [2, 0, 0], sizes = [1, 100, 1], strides = [1, 1, 1]} : vector<8x100x1xf32> to vector<1x100x1xf32>
    %squeeze3A_139 = vector.shape_cast %slice3A_138 : vector<1x100x1xf32> to vector<100x1xf32>
    %slice3A_140 = vector.extract_strided_slice %get3A_12 {offsets = [2, 0, 0], sizes = [1, 100, 256], strides = [1, 1, 1]} : vector<8x100x256xf32> to vector<1x100x256xf32>
    %squeeze3A_141 = vector.shape_cast %slice3A_140 : vector<1x100x256xf32> to vector<100x256xf32>
    %dot_general3A_142 = arith.constant dense<0.000000e+00> : vector<1x256xf32>
    %dot_general3A_143 = tpu.matmul %squeeze3A_139, %squeeze3A_141, %dot_general3A_142 {dimension_numbers = #tpu.dot_dimension_numbers<[0], [0], [1], [1], [0, 1, 1, 1], [], []>, transpose_lhs_hint = false} : vector<100x1xf32>, vector<100x256xf32>, vector<1x256xf32> -> vector<1x256xf32>
    %squeeze3A_144 = vector.shape_cast %dot_general3A_143 : vector<1x256xf32> to vector<256xf32>
    %swap3A_145 = arith.constant 2 : index
    %swap3A_146 = arith.constant 0 : index
    %swap3A_147 = vector.load %arg5[%swap3A_145, %swap3A_146] : memref<8x256xf32, #tpu.memory_space<vmem>>, vector<1x256xf32>
    %swap3A_148 = vector.shape_cast %swap3A_147 : vector<1x256xf32> to vector<256xf32>
    %swap3A_149 = vector.shape_cast %squeeze3A_144 : vector<256xf32> to vector<1x256xf32>
    tpu.vector_store %arg5[%swap3A_145, %swap3A_146], %swap3A_149 {strides = array<i32>} : memref<8x256xf32, #tpu.memory_space<vmem>>, vector<1x256xf32>,
    %slice3A_150 = vector.extract_strided_slice %broadcast_in_dim3A_114 {offsets = [3, 0, 0], sizes = [1, 100, 1], strides = [1, 1, 1]} : vector<8x100x1xf32> to vector<1x100x1xf32>
    %squeeze3A_151 = vector.shape_cast %slice3A_150 : vector<1x100x1xf32> to vector<100x1xf32>
    %slice3A_152 = vector.extract_strided_slice %get3A_12 {offsets = [3, 0, 0], sizes = [1, 100, 256], strides = [1, 1, 1]} : vector<8x100x256xf32> to vector<1x100x256xf32>
    %squeeze3A_153 = vector.shape_cast %slice3A_152 : vector<1x100x256xf32> to vector<100x256xf32>
    %dot_general3A_154 = arith.constant dense<0.000000e+00> : vector<1x256xf32>
    %dot_general3A_155 = tpu.matmul %squeeze3A_151, %squeeze3A_153, %dot_general3A_154 {dimension_numbers = #tpu.dot_dimension_numbers<[0], [0], [1], [1], [0, 1, 1, 1], [], []>, transpose_lhs_hint = false} : vector<100x1xf32>, vector<100x256xf32>, vector<1x256xf32> -> vector<1x256xf32>
    %squeeze3A_156 = vector.shape_cast %dot_general3A_155 : vector<1x256xf32> to vector<256xf32>
    %swap3A_157 = arith.constant 3 : index
    %swap3A_158 = arith.constant 0 : index
    %swap3A_159 = vector.load %arg5[%swap3A_157, %swap3A_158] : memref<8x256xf32, #tpu.memory_space<vmem>>, vector<1x256xf32>
    %swap3A_160 = vector.shape_cast %swap3A_159 : vector<1x256xf32> to vector<256xf32>
    %swap3A_161 = vector.shape_cast %squeeze3A_156 : vector<256xf32> to vector<1x256xf32>
    tpu.vector_store %arg5[%swap3A_157, %swap3A_158], %swap3A_161 {strides = array<i32>} : memref<8x256xf32, #tpu.memory_space<vmem>>, vector<1x256xf32>,
    %slice3A_162 = vector.extract_strided_slice %broadcast_in_dim3A_114 {offsets = [4, 0, 0], sizes = [1, 100, 1], strides = [1, 1, 1]} : vector<8x100x1xf32> to vector<1x100x1xf32>
    %squeeze3A_163 = vector.shape_cast %slice3A_162 : vector<1x100x1xf32> to vector<100x1xf32>
    %slice3A_164 = vector.extract_strided_slice %get3A_12 {offsets = [4, 0, 0], sizes = [1, 100, 256], strides = [1, 1, 1]} : vector<8x100x256xf32> to vector<1x100x256xf32>
    %squeeze3A_165 = vector.shape_cast %slice3A_164 : vector<1x100x256xf32> to vector<100x256xf32>
    %dot_general3A_166 = arith.constant dense<0.000000e+00> : vector<1x256xf32>
    %dot_general3A_167 = tpu.matmul %squeeze3A_163, %squeeze3A_165, %dot_general3A_166 {dimension_numbers = #tpu.dot_dimension_numbers<[0], [0], [1], [1], [0, 1, 1, 1], [], []>, transpose_lhs_hint = false} : vector<100x1xf32>, vector<100x256xf32>, vector<1x256xf32> -> vector<1x256xf32>
    %squeeze3A_168 = vector.shape_cast %dot_general3A_167 : vector<1x256xf32> to vector<256xf32>
    %swap3A_169 = arith.constant 4 : index
    %swap3A_170 = arith.constant 0 : index
    %swap3A_171 = vector.load %arg5[%swap3A_169, %swap3A_170] : memref<8x256xf32, #tpu.memory_space<vmem>>, vector<1x256xf32>
    %swap3A_172 = vector.shape_cast %swap3A_171 : vector<1x256xf32> to vector<256xf32>
    %swap3A_173 = vector.shape_cast %squeeze3A_168 : vector<256xf32> to vector<1x256xf32>
    tpu.vector_store %arg5[%swap3A_169, %swap3A_170], %swap3A_173 {strides = array<i32>} : memref<8x256xf32, #tpu.memory_space<vmem>>, vector<1x256xf32>,
    %slice3A_174 = vector.extract_strided_slice %broadcast_in_dim3A_114 {offsets = [5, 0, 0], sizes = [1, 100, 1], strides = [1, 1, 1]} : vector<8x100x1xf32> to vector<1x100x1xf32>
    %squeeze3A_175 = vector.shape_cast %slice3A_174 : vector<1x100x1xf32> to vector<100x1xf32>
    %slice3A_176 = vector.extract_strided_slice %get3A_12 {offsets = [5, 0, 0], sizes = [1, 100, 256], strides = [1, 1, 1]} : vector<8x100x256xf32> to vector<1x100x256xf32>
    %squeeze3A_177 = vector.shape_cast %slice3A_176 : vector<1x100x256xf32> to vector<100x256xf32>
    %dot_general3A_178 = arith.constant dense<0.000000e+00> : vector<1x256xf32>
    %dot_general3A_179 = tpu.matmul %squeeze3A_175, %squeeze3A_177, %dot_general3A_178 {dimension_numbers = #tpu.dot_dimension_numbers<[0], [0], [1], [1], [0, 1, 1, 1], [], []>, transpose_lhs_hint = false} : vector<100x1xf32>, vector<100x256xf32>, vector<1x256xf32> -> vector<1x256xf32>
    %squeeze3A_180 = vector.shape_cast %dot_general3A_179 : vector<1x256xf32> to vector<256xf32>
    %swap3A_181 = arith.constant 5 : index
    %swap3A_182 = arith.constant 0 : index
    %swap3A_183 = vector.load %arg5[%swap3A_181, %swap3A_182] : memref<8x256xf32, #tpu.memory_space<vmem>>, vector<1x256xf32>
    %swap3A_184 = vector.shape_cast %swap3A_183 : vector<1x256xf32> to vector<256xf32>
    %swap3A_185 = vector.shape_cast %squeeze3A_180 : vector<256xf32> to vector<1x256xf32>
    tpu.vector_store %arg5[%swap3A_181, %swap3A_182], %swap3A_185 {strides = array<i32>} : memref<8x256xf32, #tpu.memory_space<vmem>>, vector<1x256xf32>,
    %slice3A_186 = vector.extract_strided_slice %broadcast_in_dim3A_114 {offsets = [6, 0, 0], sizes = [1, 100, 1], strides = [1, 1, 1]} : vector<8x100x1xf32> to vector<1x100x1xf32>
    %squeeze3A_187 = vector.shape_cast %slice3A_186 : vector<1x100x1xf32> to vector<100x1xf32>
    %slice3A_188 = vector.extract_strided_slice %get3A_12 {offsets = [6, 0, 0], sizes = [1, 100, 256], strides = [1, 1, 1]} : vector<8x100x256xf32> to vector<1x100x256xf32>
    %squeeze3A_189 = vector.shape_cast %slice3A_188 : vector<1x100x256xf32> to vector<100x256xf32>
    %dot_general3A_190 = arith.constant dense<0.000000e+00> : vector<1x256xf32>
    %dot_general3A_191 = tpu.matmul %squeeze3A_187, %squeeze3A_189, %dot_general3A_190 {dimension_numbers = #tpu.dot_dimension_numbers<[0], [0], [1], [1], [0, 1, 1, 1], [], []>, transpose_lhs_hint = false} : vector<100x1xf32>, vector<100x256xf32>, vector<1x256xf32> -> vector<1x256xf32>
    %squeeze3A_192 = vector.shape_cast %dot_general3A_191 : vector<1x256xf32> to vector<256xf32>
    %swap3A_193 = arith.constant 6 : index
    %swap3A_194 = arith.constant 0 : index
    %swap3A_195 = vector.load %arg5[%swap3A_193, %swap3A_194] : memref<8x256xf32, #tpu.memory_space<vmem>>, vector<1x256xf32>
    %swap3A_196 = vector.shape_cast %swap3A_195 : vector<1x256xf32> to vector<256xf32>
    %swap3A_197 = vector.shape_cast %squeeze3A_192 : vector<256xf32> to vector<1x256xf32>
    tpu.vector_store %arg5[%swap3A_193, %swap3A_194], %swap3A_197 {strides = array<i32>} : memref<8x256xf32, #tpu.memory_space<vmem>>, vector<1x256xf32>,
    %slice3A_198 = vector.extract_strided_slice %broadcast_in_dim3A_114 {offsets = [7, 0, 0], sizes = [1, 100, 1], strides = [1, 1, 1]} : vector<8x100x1xf32> to vector<1x100x1xf32>
    %squeeze3A_199 = vector.shape_cast %slice3A_198 : vector<1x100x1xf32> to vector<100x1xf32>
    %slice3A_200 = vector.extract_strided_slice %get3A_12 {offsets = [7, 0, 0], sizes = [1, 100, 256], strides = [1, 1, 1]} : vector<8x100x256xf32> to vector<1x100x256xf32>
    %squeeze3A_201 = vector.shape_cast %slice3A_200 : vector<1x100x256xf32> to vector<100x256xf32>
    %dot_general3A_202 = arith.constant dense<0.000000e+00> : vector<1x256xf32>
    %dot_general3A_203 = tpu.matmul %squeeze3A_199, %squeeze3A_201, %dot_general3A_202 {dimension_numbers = #tpu.dot_dimension_numbers<[0], [0], [1], [1], [0, 1, 1, 1], [], []>, transpose_lhs_hint = false} : vector<100x1xf32>, vector<100x256xf32>, vector<1x256xf32> -> vector<1x256xf32>
    %squeeze3A_204 = vector.shape_cast %dot_general3A_203 : vector<1x256xf32> to vector<256xf32>
    %swap3A_205 = arith.constant 7 : index
    %swap3A_206 = arith.constant 0 : index
    %swap3A_207 = vector.load %arg5[%swap3A_205, %swap3A_206] : memref<8x256xf32, #tpu.memory_space<vmem>>, vector<1x256xf32>
    %swap3A_208 = vector.shape_cast %swap3A_207 : vector<1x256xf32> to vector<256xf32>
    %swap3A_209 = vector.shape_cast %squeeze3A_204 : vector<256xf32> to vector<1x256xf32>
    tpu.vector_store %arg5[%swap3A_205, %swap3A_206], %swap3A_209 {strides = array<i32>} : memref<8x256xf32, #tpu.memory_space<vmem>>, vector<1x256xf32>,
    return
  }
  func.func @transform_0(%arg0: i32) -> (i32, i32, i32) {
    %c0_i32 = arith.constant 0 : i32
    %c0_i32_0 = arith.constant 0 : i32
    %c0_i32_1 = arith.constant 0 : i32
    return %arg0, %c0_i32, %c0_i32_0 : i32, i32, i32
  }
  func.func @transform_1(%arg0: i32) -> (i32, i32) {
    %c0_i32 = arith.constant 0 : i32
    %c0_i32_0 = arith.constant 0 : i32
    return %arg0, %c0_i32 : i32, i32
  }
  func.func @transform_2(%arg0: i32) -> (i32, i32) {
    %c0_i32 = arith.constant 0 : i32
    %c0_i32_0 = arith.constant 0 : i32
    return %arg0, %c0_i32 : i32, i32
  }
  func.func @transform_3(%arg0: i32) -> (i32, i32) {
    %c0_i32 = arith.constant 0 : i32
    %c0_i32_0 = arith.constant 0 : i32
    return %arg0, %c0_i32 : i32, i32
  }
  func.func @transform_4(%arg0: i32) -> (i32, i32) {
    %c0_i32 = arith.constant 0 : i32
    %c0_i32_0 = arith.constant 0 : i32
    return %arg0, %c0_i32 : i32, i32
  }
}

</mosaic_0001>

<sc_bundles>
// kernel: kernel.10.cloned.1.call-start
scs
__scs_entry_jumppad:
0x0: {  	(pc) =	sbr.rel $0x88, $3  }
0x1: {  	(tag) =	ssettag $0x0;
	lr =	simm.s32 $0x1  }
0x2: {  	[smem:$0x3F9F] =	sst lr;
	_ =	strace $0xD0000000  }
0x3: {  	_ = 	snop  }
0x4: {  	_ = 	snop  }
0x5: {  	_ = 	snop  }
0x6: {  	_ = 	snop  }
0x7: {  	_ = 	snop  }
__scs_overlays_trampoline_lowered:
0x8: {  	[smem:$0x3FAE] =	sst s0  }
0x9: {  	[smem:$0x3FAF] =	sst s1  }
0xa: {  	[smem:$0x3FB0] =	sst s2  }
0xb: {  	[smem:$0x3FB1] =	sst s3  }
0xc: {  	[smem:$0x3FB2] =	sst s4  }
0xd: {  	[smem:$0x3FB3] =	sst s5  }
0xe: {  	[smem:$0x3FB4] =	sst s6  }
0xf: {  	[smem:$0x3FB5] =	sst s7  }
0x10: {  	[smem:$0x3FB6] =	sst s8  }
0x11: {  	[smem:$0x3FB7] =	sst s9;
	s0 =	simm.s32 @!p0 $0x0  }
0x12: {  	s1 =	sld [smem:$0x3F9D];
	s0 =	simm.s32 @p0 $0x1  }
0x13: {  	[smem:$0x3FB8] =	sst s0;
	s0 =	simm.s32 @!p1 $0x0  }
0x14: {  	s2 =	sld [smem:$0x3F9C];
	s0 =	simm.s32 @p1 $0x1  }
0x15: {  	[smem:$0x3FB9] =	sst s0;
	s0 =	simm.s32 @!p2 $0x0  }
0x16: {  	s3 =	sld [smem:$0x3FDB];
	s0 =	simm.s32 @p2 $0x1  }
0x17: {  	s4 =	simm.s32 $0x1BF5;
	[smem:$0x3FBB] =	sst s0  }
0x18: {  	s0 =	sld [smem:$0x3F9E];
	_ =	swait.ge [sflag:s4], $0x0  }
0x19: {  	s7 =	sld [smem:$0x3F9F]  }
0x1a: {  	s8 =	sadd.s32 $0xFFFFE003, lr  }
0x1b: {  	s9 =	sadd.s32 $0xFFFFFEF7, lr;
	s5 =	simm.s32 $0xFFFFFFFF;
	p2 =	slt.u32 s8, $0xFFFFF086  }
0x1c: {  	p1 =	slt.u32 s9, $0xF7A;
	s5 =	simm.s32 @!p2 $0x0  }
0x1d: {  	s5 =	simm.s32 @p1 $0x1;
	p0 =	seq.s32 s7, s2  }
0x1e: {  	s7 =	smul.u32 @!p0 $0xF7A, s2;
	p2 =	seq.s32 @!p0 s5, $0x0  }
0x1f: {  	s9 =	smul.u32 $0xF7A, s1;
	s8 =	simm.s32 @!p0 $0x1BF5;
	p2 =	por !p2, p0  }
0x20: {  	[sflag:s8] =	ssyncset.s32 @!p0 $0xFFFFF086;
	s6 =	sadd.s32 @!p0 s3, s7;
	s7 =	simm.s32 @!p0 $0x108  }
0x21: {  	s3 =	sadd.s32 s3, s9;
	s6 =	sadd.s32 @!p0 $0x88, s6;
	s7 =	simm.s32 @p2 $0x1082  }
0x22: {  	[simem:s7], [sflag:s8] =	dma.local @!p0 [hbm:s6], $0xF7A  }
0x23: {  	s9 =	sor.u32 $0xD0000000, s2;
	s6 =	simm.s32 $0x108;
	_ =	swait.ge @!p0 [sflag:s8], $0x0  }
0x24: {  	s3 =	sadd.s32 $0x88, s3;
	s6 =	simm.s32 @!p1 $0x1082;
	[sflag:s4] =	ssyncset.s32 $0xFFFFF086  }
0x25: {  	[simem:s6], [sflag:s4] =	dma.local [hbm:s3], $0xF7A  }
0x26: {  	[smem:$0x3F9F] =	sst s1;
	(tag) =	ssettag s2;
	_ =	strace s9  }
0x27: {  	s1 =	sld [smem:$0x3FAF]  }
0x28: {  	s2 =	sld [smem:$0x3FB0]  }
0x29: {  	s4 =	sld [smem:$0x3FB2]  }
0x2a: {  	p0 =	seq.s32 s5, $0x0;
	s5 =	sld [smem:$0x3FB3]  }
0x2b: {  	s6 =	sld [smem:$0x3FB4]  }
0x2c: {  	s7 =	sld [smem:$0x3FB5]  }
0x2d: {  	s3 =	simm.s32 $0x108;
	s8 =	sld [smem:$0x3FB6]  }
0x2e: {  	s3 =	simm.s32 @!p0 $0x1082;
	s9 =	sld [smem:$0x3FB7]  }
0x2f: {  	lr =	sadd.s32 s0, s3;
	s0 =	sld [smem:$0x3FAE]  }
0x30: {  	s3 =	sld [smem:$0x3FB1]  }
0x31: {  	[smem:$0x3FBA] =	sst s10  }
0x32: {  	s10 =	sld [smem:$0x3FB8];
	_ =	sdelay $0x3  }
0x33: {  	p0 =	seq.s32 s10, $0x1;
	s10 =	sld [smem:$0x3FBA];
	_ =	sdelay $0x3  }
0x34: {  	[smem:$0x3FBA] =	sst s10  }
0x35: {  	s10 =	sld [smem:$0x3FB9];
	_ =	sdelay $0x3  }
0x36: {  	p1 =	seq.s32 s10, $0x1;
	s10 =	sld [smem:$0x3FBA];
	_ =	sdelay $0x3  }
0x37: {  	[smem:$0x3FBA] =	sst s10  }
0x38: {  	s10 =	sld [smem:$0x3FBB]  }
0x39: {  	_ = 	snop;
	(pc) =	sbr.ind lr, $3  }
0x3a: {  	_ = 	snop  }
0x3b: {  	_ = 	snop  }
0x3c: {  	p2 =	seq.s32 s10, $0x1;
	s10 =	sld [smem:$0x3FBA]  }
0x3d: {  	_ =	shalt  }
0x3e: {  	_ =	shalt  }
0x3f: {  	_ =	shalt  }
0x40: {  	_ =	shalt  }
0x41: {  	_ =	shalt  }
0x42: {  	_ =	shalt  }
0x43: {  	_ =	shalt  }
0x44: {  	_ =	shalt  }
0x45: {  	_ =	shalt  }
0x46: {  	_ =	shalt  }
0x47: {  	_ =	shalt  }
0x48: {  	_ =	shalt  }
0x49: {  	_ =	shalt  }
0x4a: {  	_ =	shalt  }
0x4b: {  	_ =	shalt  }
0x4c: {  	_ =	shalt  }
0x4d: {  	_ =	shalt  }
0x4e: {  	_ =	shalt  }
0x4f: {  	_ =	shalt  }
0x50: {  	_ =	shalt  }
0x51: {  	_ =	shalt  }
0x52: {  	_ =	shalt  }
0x53: {  	_ =	shalt  }
0x54: {  	_ =	shalt  }
0x55: {  	_ =	shalt  }
0x56: {  	_ =	shalt  }
0x57: {  	_ =	shalt  }
0x58: {  	_ =	shalt  }
0x59: {  	_ =	shalt  }
0x5a: {  	_ =	shalt  }
0x5b: {  	_ =	shalt  }
0x5c: {  	_ =	shalt  }
0x5d: {  	_ =	shalt  }
0x5e: {  	_ =	shalt  }
0x5f: {  	_ =	shalt  }
0x60: {  	_ =	shalt  }
0x61: {  	_ =	shalt  }
0x62: {  	_ =	shalt  }
0x63: {  	_ =	shalt  }
0x64: {  	_ =	shalt  }
0x65: {  	_ =	shalt  }
0x66: {  	_ =	shalt  }
0x67: {  	_ =	shalt  }
0x68: {  	_ =	shalt  }
0x69: {  	_ =	shalt  }
0x6a: {  	_ =	shalt  }
0x6b: {  	_ =	shalt  }
0x6c: {  	_ =	shalt  }
0x6d: {  	_ =	shalt  }
0x6e: {  	_ =	shalt  }
0x6f: {  	_ =	shalt  }
0x70: {  	_ =	shalt  }
0x71: {  	_ =	shalt  }
0x72: {  	_ =	shalt  }
0x73: {  	_ =	shalt  }
0x74: {  	_ =	shalt  }
0x75: {  	_ =	shalt  }
0x76: {  	_ =	shalt  }
0x77: {  	_ =	shalt  }
0x78: {  	_ =	shalt  }
0x79: {  	_ =	shalt  }
0x7a: {  	_ =	shalt  }
0x7b: {  	_ =	shalt  }
0x7c: {  	_ =	shalt  }
0x7d: {  	_ =	shalt  }
0x7e: {  	_ =	shalt  }
0x7f: {  	_ =	shalt  }
0x80: {  	_ =	shalt  }
0x81: {  	_ =	shalt  }
0x82: {  	_ =	shalt  }
0x83: {  	_ =	shalt  }
0x84: {  	_ =	shalt  }
0x85: {  	_ =	shalt  }
0x86: {  	_ =	shalt  }
0x87: {  	_ =	shalt  }
.Lfunc_end0:
.L_simem_size_0:
called_computation.1_lowered:
.L_overlay_start_0:
0x88: {  	s2 =	sld [smem:$0x3FD9]  }
0x89: {  	s3 =	sld [smem:$0x3FFE];
	_ =	sdelay $0x1  }
0x8a: {  	s1 =	srdreg.scid  }
0x8b: {  	s0 =	sand.u32 $0x1, s1  }
0x8c: {  	s17 =	sshll.u32 s0, $0xA;
	s2 =	sadd.s32 s3, s2  }
0x8d: {  	s2 =	sadd.s32 s2, s17  }
0x8e: {  	[smem:$0x3FC6] =	sst s2  }
0x8f: {  	_ = 	snop  }
0x90: {  	s2 =	sld [smem:$0x3FC9];
	(tm) =	ssettm $0x1  }
0x91: {  	s18 =	sld [smem:$0x3FFB];
	_ =	sdelay $0x3  }
0x92: {  	_ =	strace s18  }
0x93: {  	s3 =	sld [smem:$0x3FFC];
	_ =	sdelay $0x3  }
0x94: {  	_ =	strace s3  }
0x95: {  	s3 =	sld [smem:$0x3FFD];
	_ =	sdelay $0x3  }
0x96: {  	_ =	strace s3  }
0x97: {  	_ =	strace $0x8FFFFFFF  }
0x98: {  	s19 =	sld [smem:$0x3FDB];
	_ =	sdelay $0x1  }
0x99: {  	s4 =	simm.s32 $_scs_section_size  }
0x9a: {  	s5 =	simm.s32 $_size__tile_overlayer_lowered;
	s6 =	simm.s32 $_tile_overlayer_lowered  }
0x9b: {  	s22 =	simm.s32 $0x1BFF;
	s21 =	sshll.u32 s6, $0x1;
	s3 =	sadd.s32 s4, s19  }
0x9c: {  	s7 =	simm.s32 $0x0;
	s20 =	sshll.u32 s5, $0x1;
	s5 =	sadd.s32 s21, s3  }
0x9d: {  	[timem:s7], [sflag:s22] =	dma.local [hbm:s5], s20  }
0x9e: {  	_ =	swait.ge [sflag:s22], s20  }
0x9f: {  	s4 =	ssub.s32 $0x0, s20;
	[sflag:s22] =	ssyncset.done $0x0  }
0xa0: {  	[sflag:s22] =	ssyncadd.s32 s4;
	_ =	sdelay $0x1  }
0xa1: {  	s23 =	simm.s32 $0x1B8B  }
0xa2: {  	_ =	swait.ge [sflag:s23], $0x1  }
0xa3: {  	[sflag:s23] =	ssyncset.done $0x0  }
0xa4: {  	s25 =	simm.s32 $0x1B8E;
	s24 =	sld [smem:$0x3FFE];
	[sflag:s23] =	ssyncadd.s32 $0xFFFFFFFF  }
0xa5: {  	s26 =	simm.s32 $execute0_lowered;
	[smem:$0x3FD2] =	sst s25  }
0xa6: {  	s5 =	sshll.u32 s26, $0x1;
	_ =	strace $0x80000049;
	[dreg:$0x1] =	wrdreg $0xFFFFFFFF  }
0xa7: {  	s28 =	simm.s32 $_size_execute0_lowered;
	s3 =	sadd.s32 s3, s5;
	[dreg:$0x0] =	wrdreg $0x0  }
0xa8: {  	s5 =	sshll.u32 s28, $0x1;
	[dreg:$0x2] =	wrdreg s3  }
0xa9: {  	[dreg:$0x3] =	wrdreg s5  }
0xaa: {  	[dreg:$0x4] =	wrdreg $0xC0  }
0xab: {  	_ =	task [dreg:s7], $0x5FFFF  }
0xac: {  	[dreg:$0x1] =	wrdreg $0xFFFFFFFF  }
0xad: {  	[dreg:$0x0] =	wrdreg $0x60  }
0xae: {  	[dreg:$0x2] =	wrdreg s2  }
0xaf: {  	[dreg:$0x3] =	wrdreg s24  }
0xb0: {  	[dreg:$0x4] =	wrdreg $0x9  }
0xb1: {  	_ =	task.clear_ibuf [dreg:s7], $0x5FFFF;
	_ =	strace $0x90000049  }
0xb2: {  	s29 =	simm.s32 $0x9;
	_ =	strace $0x8000004B  }
0xb3: {  	_ =	swait.ge [sflag:s29], $0x1  }
0xb4: {  	[sflag:s29] =	ssyncadd.s32 $0xFFFFFFFF  }
0xb5: {  	_ =	strace $0x9000004B  }
0xb6: {  	_ =	sfence  }
0xb7: {  	s30 =	sld [smem:$0x0];
	_ =	sdelay $0x2  }
0xb8: {  	s31 =	sshll.u32 s1, $0xD;
	s1 =	sshrl.u32 s1, $0x2  }
0xb9: {  	s3 =	sand.u32 $0x4000, s31;
	s1 =	sadd.s32 s1, s30  }
0xba: {  	s0 =	sor.u32 s3, s0;
	s1 =	sshll.u32 s1, $0x11  }
0xbb: {  	s0 =	sor.u32 s1, s0  }
0xbc: {  	s0 =	sadd.s32 $0x8F2B, s0  }
0xbd: {  	[sflag:s0] =	ssyncadd.remote.s32 $0x1  }
0xbe: {  	_ =	sfence.sel $0xFFFF  }
0xbf: {  	[dreg:$0x0] =	wrdreg $0xFFFFFFFF;
	(pc) =	sbr.abs _section_cstart, $3  }
0xc0: {  	[dreg:$0x1] =	wrdreg $0xFFFFFFFF  }
0xc1: {  	_ =	task.clear_ibuf [dreg:s7], $0x2FFFF;
	_ =	strace $0x9FFFFFFF  }
0xc2: {  	(tm) =	ssettm $0x7FFFFFFF  }
0xc3: {  	_ =	shalt  }
tec
execute0_lowered:
.L_overlay_start_1:
0x0: {  	(tag) =	ssettag $0x1  }
0x1: {  	s1 =	srdreg.scid;
	s2 =	rddreg [dreg:$0x0]  }
0x2: {  	s0 =	stileid.u32;
	s5 =	rddreg [dreg:$0x1];
	s3 =	simm.s32 $0x0  }
0x3: {  	s28 =	simm.s32 $0x6080;
	s4 =	sand.u32 $0x1, s1;
	s12 =	sshll.u32 s0, $0x1  }
0x4: {  	s29 =	simm.s32 $0x6880;
	s30 =	simm.s32 $0x7080;
	s6 =	sor.u32 s4, s12  }
0x5: {  	s31 =	simm.s32 $0x7880;
	[smem:$0x7FF] =	sst s3;
	s10 =	smul.u32 $0xC80, s6  }
0x6: {  	s1 =	sadd.s32 $0x1800, s5;
	_ =	strace $0x8000004A;
	s6 =	smul.u32 $0x19000, s6  }
0x7: {  	s12 =	sadd.s32 $0x4A00, s5;
	s4 =	ssub.s32 $0x2, s4;
	s7 =	sshrl.u32 s10, $0x3  }
0x8: {  	s14 =	sadd.s32 s12, s6;
	s15 =	sadd.s32 $0x80, s10;
	s17 =	sadd.s32 $0x100, s10  }
0x9: {  	s23 =	sadd.s32 $0x180, s10;
	s25 =	sadd.s32 $0x200, s10;
	s13 =	sadd.s32 s1, s7  }
0xa: {  	[dreg:$0x4] =	wrdreg s14;
	s16 =	sshrl.u32 s15, $0x3;
	s6 =	sshll.u32 s15, $0x5  }
0xb: {  	s19 =	sshrl.u32 s17, $0x3;
	s21 =	sshll.u32 s17, $0x5;
	s24 =	sshrl.u32 s23, $0x3  }
0xc: {  	s0 =	sshrl.u32 s25, $0x3;
	s9 =	sshll.u32 s25, $0x5;
	s15 =	sadd.s32 $0x300, s10  }
0xd: {  	s7 =	sadd.s32 $0x480, s10;
	[dreg:$0x3] =	wrdreg s13;
	s5 =	sadd.s32 s1, s16  }
0xe: {  	s18 =	sadd.s32 s12, s6;
	s20 =	sadd.s32 s1, s19;
	s22 =	sadd.s32 s12, s21  }
0xf: {  	s6 =	sshll.u32 s23, $0x5;
	s8 =	sadd.s32 s1, s0;
	[dreg:$0x5] =	wrdreg s5  }
0x10: {  	s11 =	sadd.s32 s12, s9;
	s13 =	sadd.s32 $0x280, s10;
	[dreg:$0x6] =	wrdreg s18  }
0x11: {  	s17 =	sshrl.u32 s15, $0x3;
	s19 =	sshll.u32 s15, $0x5;
	[dreg:$0x7] =	wrdreg s20  }
0x12: {  	s21 =	sadd.s32 $0x380, s10;
	s23 =	sadd.s32 $0x400, s10;
	[dreg:$0x8] =	wrdreg s22  }
0x13: {  	s9 =	sadd.s32 $0x500, s10;
	s5 =	sadd.s32 s1, s24;
	[dreg:$0xb] =	wrdreg s8  }
0x14: {  	s26 =	sadd.s32 s12, s6;
	[dreg:$0xc] =	wrdreg s11;
	s14 =	sshrl.u32 s13, $0x3  }
0x15: {  	s6 =	sshll.u32 s13, $0x5;
	s18 =	sadd.s32 s1, s17;
	s20 =	sadd.s32 s12, s19  }
0x16: {  	s22 =	sshrl.u32 s21, $0x3;
	s25 =	sshrl.u32 s23, $0x3;
	s0 =	sshll.u32 s23, $0x5  }
0x17: {  	s8 =	sshrl.u32 s7, $0x3;
	s13 =	sshrl.u32 s9, $0x3;
	[dreg:$0x9] =	wrdreg s5  }
0x18: {  	s15 =	sshll.u32 s9, $0x5;
	s17 =	sadd.s32 $0x580, s10;
	[dreg:$0xa] =	wrdreg s26  }
0x19: {  	s19 =	sadd.s32 $0x600, s10;
	s5 =	sadd.s32 s1, s14;
	[dreg:$0xf] =	wrdreg s18  }
0x1a: {  	s16 =	sadd.s32 s12, s6;
	[dreg:$0x10] =	wrdreg s20;
	s6 =	sshll.u32 s21, $0x5  }
0x1b: {  	s26 =	sadd.s32 s1, s25;
	s14 =	sadd.s32 s1, s13;
	[dreg:$0xd] =	wrdreg s5  }
0x1c: {  	s18 =	sshrl.u32 s17, $0x3;
	s21 =	sshrl.u32 s19, $0x3;
	[dreg:$0xe] =	wrdreg s16  }
0x1d: {  	s23 =	sshll.u32 s19, $0x5;
	s25 =	sadd.s32 $0x680, s10;
	[dreg:$0x13] =	wrdreg s26  }
0x1e: {  	s5 =	sadd.s32 s1, s22;
	s24 =	sadd.s32 s12, s6;
	[dreg:$0x17] =	wrdreg s14  }
0x1f: {  	s6 =	sadd.s32 s12, s0;
	s16 =	sadd.s32 s12, s15;
	[dreg:$0x11] =	wrdreg s5  }
0x20: {  	s22 =	sadd.s32 s1, s21;
	s26 =	sshrl.u32 s25, $0x3;
	[dreg:$0x12] =	wrdreg s24  }
0x21: {  	s0 =	sadd.s32 $0x700, s10;
	s15 =	sadd.s32 $0x780, s10;
	[dreg:$0x14] =	wrdreg s6  }
0x22: {  	s5 =	sadd.s32 s1, s8;
	s6 =	sshll.u32 s7, $0x5;
	[dreg:$0x18] =	wrdreg s16  }
0x23: {  	[dreg:$0x1b] =	wrdreg s22;
	s24 =	sadd.s32 s12, s23;
	s9 =	sshrl.u32 s0, $0x3  }
0x24: {  	s13 =	sshll.u32 s0, $0x5;
	s16 =	sshrl.u32 s15, $0x3;
	s23 =	sadd.s32 $0x880, s10  }
0x25: {  	[dreg:$0x15] =	wrdreg s5;
	s11 =	sadd.s32 s12, s6;
	s5 =	sadd.s32 s1, s18  }
0x26: {  	s6 =	sshll.u32 s17, $0x5;
	[dreg:$0x1c] =	wrdreg s24;
	s14 =	sadd.s32 s12, s13  }
0x27: {  	s17 =	sadd.s32 $0x800, s10;
	s24 =	sshrl.u32 s23, $0x3;
	[dreg:$0x16] =	wrdreg s11  }
0x28: {  	s13 =	sadd.s32 $0x980, s10;
	[dreg:$0x19] =	wrdreg s5;
	s20 =	sadd.s32 s12, s6  }
0x29: {  	s5 =	sadd.s32 s1, s26;
	s6 =	sshll.u32 s25, $0x5;
	[smem:$0x7F2] =	sst s14  }
0x2a: {  	s11 =	sadd.s32 s1, s9;
	s19 =	sshrl.u32 s17, $0x3;
	[dreg:$0x1a] =	wrdreg s20  }
0x2b: {  	s21 =	sshll.u32 s17, $0x5;
	s25 =	sadd.s32 $0x900, s10;
	[dreg:$0x1d] =	wrdreg s5  }
0x2c: {  	s14 =	sshrl.u32 s4, $0x1;
	s8 =	sadd.s32 s12, s6;
	[dreg:$0x1f] =	wrdreg s11  }
0x2d: {  	s5 =	sadd.s32 s1, s16;
	s6 =	sshll.u32 s15, $0x5;
	[dreg:$0x1e] =	wrdreg s8  }
0x2e: {  	s20 =	sadd.s32 s1, s19;
	s22 =	sadd.s32 s12, s21;
	[smem:$0x7F3] =	sst s5  }
0x2f: {  	s0 =	sshrl.u32 s25, $0x3;
	s9 =	sshll.u32 s25, $0x5;
	[smem:$0x7F5] =	sst s20  }
0x30: {  	s15 =	sshrl.u32 s13, $0x3;
	s18 =	sadd.s32 s12, s6;
	[smem:$0x7F6] =	sst s22  }
0x31: {  	s5 =	sadd.s32 s1, s24;
	s6 =	sshll.u32 s23, $0x5;
	[smem:$0x7F4] =	sst s18  }
0x32: {  	s8 =	sadd.s32 s1, s0;
	s11 =	sadd.s32 s12, s9;
	[smem:$0x7F7] =	sst s5  }
0x33: {  	s20 =	sadd.s32 $0xA80, s10;
	s23 =	sadd.s32 $0xB00, s10;
	[smem:$0x7F9] =	sst s8  }
0x34: {  	s26 =	sadd.s32 s12, s6;
	[smem:$0x7FA] =	sst s11;
	s5 =	sadd.s32 s1, s15  }
0x35: {  	s6 =	sshll.u32 s13, $0x5;
	s8 =	sadd.s32 $0xA00, s10;
	s13 =	ssub.s32 s4, s14  }
0x36: {  	s21 =	sshrl.u32 s20, $0x3;
	s22 =	sshll.u32 s20, $0x5;
	s24 =	sshrl.u32 s23, $0x3  }
0x37: {  	s9 =	sshll.u32 s23, $0x5;
	s11 =	sadd.s32 $0xB80, s10;
	s14 =	sadd.s32 $0xC00, s10  }
0x38: {  	s15 =	simm.s32 $0x80;
	s20 =	simm.s32 $0x2880;
	[smem:$0x7F8] =	sst s26  }
0x39: {  	s23 =	simm.s32 $0x4080;
	[smem:$0x7FB] =	sst s5;
	s16 =	sadd.s32 s12, s6  }
0x3a: {  	s17 =	sshrl.u32 s8, $0x3;
	s19 =	sshll.u32 s8, $0x5;
	s5 =	sadd.s32 s1, s21  }
0x3b: {  	s6 =	sadd.s32 s12, s22;
	s7 =	sadd.s32 s1, s24;
	s8 =	sadd.s32 s12, s9  }
0x3c: {  	s25 =	sshrl.u32 s11, $0x3;
	s11 =	sshll.u32 s11, $0x5;
	s26 =	sshrl.u32 s14, $0x3  }
0x3d: {  	s14 =	sshll.u32 s14, $0x5;
	s13 =	smax.u32 s13, $0x1;
	s21 =	simm.s32 $0x3080  }
0x3e: {  	s22 =	simm.s32 $0x3880;
	s24 =	simm.s32 $0x4880;
	[smem:$0x7FC] =	sst s16  }
0x3f: {  	s18 =	sadd.s32 s1, s17;
	s4 =	sadd.s32 s12, s19;
	s9 =	sadd.s32 s1, s25  }
0x40: {  	s10 =	sadd.s32 s12, s11;
	s11 =	sadd.s32 s1, s26;
	s12 =	sadd.s32 s12, s14  }
0x41: {  	v2 =	vlaneseq.u32;
	s14 =	simm.s32 $0x2;
	s16 =	simm.s32 $0x880;
	s17 =	simm.s32 $0x1080  }
0x42: {  	vm0 =	vmmov $0xffff;
	v1 =	vshrl.u32 v2, $0x3;
	s19 =	simm.s32 $0x2080;
	s25 =	simm.s32 $0x5080;
	s26 =	simm.s32 $0x5880  }
0x43: {  	v0 =	vand.u32 $0x7, v2;
	v2 =	vor.u32 $0x8, v2;
	v1 =	vmul.u32 $0x8, v1;
	s1 =	simm.s32 $0x1;
	[smem:$0x7FD] =	sst s18;
	s18 =	simm.s32 $0x1880  }
.LBB2_1:
0x44: {  	s0 =	rddreg [dreg:$0x3]  }
0x45: {  	[tilespmem:s3], [sflag:$0x2] =	stream.linear.gather [hbm4b:s0+s3], $0x80, $0x38;
	[tilespmem:$0x8080] =	vst v63  }
0x46: {  	_ =	swait.ge [sflag:s14], $0x80  }
0x47: {  	[sflag:s14] =	ssyncset.done $0x0  }
0x48: {  	[sflag:s14] =	ssyncadd.s32 $0xFFFFFF80  }
0x49: {  	v3 =	vld [tilespmem:$0x0];
	_ =	sdelay $0x4  }
0x4a: {  	v4 =	vshll.u32 v3, $0x1  }
0x4b: {  	v3 =	vand.u32 $0x7, v3;
	v4 =	vand.u32 $0xFFFFFFF0, v4  }
0x4c: {  	v3 =	vor.u32 v3, v4  }
0x4d: {  	v4 =	vperm.xlane v3, v0;
	_ =	sdelay $0x1  }
0x4e: {  	v3 =	vperm.xlane v3, v2;
	v4 =	vadd.s32 v1, v4;
	_ =	sdelay $0x1  }
0x4f: {  	v3 =	vadd.s32 v1, v3;
	_ =	sdelay $0x2  }
0x50: {  	[tilespmem:s15], [sflag:$0x1] =	stream.indirect_vreg.gather [hbm4b:s2+s3], $0x80, v4, vm0, $0xb8;
	[tilespmem:$0x8080] =	vst v63  }
0x51: {  	_ = 	snop  }
0x52: {  	[tilespmem:s16], [sflag:$0x1] =	stream.indirect_vreg.gather [hbm4b:s2+s3], $0x80, v3, vm0, $0xb8;
	[tilespmem:$0x8080] =	vst v63  }
0x53: {  	v3 =	vld [tilespmem:$0x10];
	_ =	sdelay $0x4  }
0x54: {  	v33 =	vshll.u32 v3, $0x1  }
0x55: {  	v3 =	vand.u32 $0x7, v3;
	v4 =	vand.u32 $0xFFFFFFF0, v33  }
0x56: {  	v3 =	vor.u32 v3, v4  }
0x57: {  	v4 =	vperm.xlane v3, v0;
	_ =	sdelay $0x1  }
0x58: {  	v3 =	vperm.xlane v3, v2;
	v4 =	vadd.s32 v1, v4;
	_ =	sdelay $0x1  }
0x59: {  	v3 =	vadd.s32 v1, v3;
	_ =	sdelay $0x2  }
0x5a: {  	[tilespmem:s17], [sflag:$0x1] =	stream.indirect_vreg.gather [hbm4b:s2+s3], $0x80, v4, vm0, $0xb8;
	[tilespmem:$0x8080] =	vst v63  }
0x5b: {  	_ = 	snop  }
0x5c: {  	[tilespmem:s18], [sflag:$0x1] =	stream.indirect_vreg.gather [hbm4b:s2+s3], $0x80, v3, vm0, $0xb8;
	[tilespmem:$0x8080] =	vst v63  }
0x5d: {  	v3 =	vld [tilespmem:$0x20];
	_ =	sdelay $0x4  }
0x5e: {  	v34 =	vshll.u32 v3, $0x1  }
0x5f: {  	v3 =	vand.u32 $0x7, v3;
	v4 =	vand.u32 $0xFFFFFFF0, v34  }
0x60: {  	v3 =	vor.u32 v3, v4  }
0x61: {  	v4 =	vperm.xlane v3, v0;
	_ =	sdelay $0x1  }
0x62: {  	v3 =	vperm.xlane v3, v2;
	v4 =	vadd.s32 v1, v4;
	_ =	sdelay $0x1  }
0x63: {  	v3 =	vadd.s32 v1, v3;
	_ =	sdelay $0x2  }
0x64: {  	[tilespmem:s19], [sflag:$0x1] =	stream.indirect_vreg.gather [hbm4b:s2+s3], $0x80, v4, vm0, $0xb8;
	[tilespmem:$0x8080] =	vst v63  }
0x65: {  	_ = 	snop  }
0x66: {  	[tilespmem:s20], [sflag:$0x1] =	stream.indirect_vreg.gather [hbm4b:s2+s3], $0x80, v3, vm0, $0xb8;
	[tilespmem:$0x8080] =	vst v63  }
0x67: {  	v3 =	vld [tilespmem:$0x30];
	_ =	sdelay $0x4  }
0x68: {  	v35 =	vshll.u32 v3, $0x1  }
0x69: {  	v3 =	vand.u32 $0x7, v3;
	v4 =	vand.u32 $0xFFFFFFF0, v35  }
0x6a: {  	v3 =	vor.u32 v3, v4  }
0x6b: {  	v4 =	vperm.xlane v3, v0;
	_ =	sdelay $0x1  }
0x6c: {  	v3 =	vperm.xlane v3, v2;
	v4 =	vadd.s32 v1, v4;
	_ =	sdelay $0x1  }
0x6d: {  	v3 =	vadd.s32 v1, v3;
	_ =	sdelay $0x2  }
0x6e: {  	[tilespmem:s21], [sflag:$0x1] =	stream.indirect_vreg.gather [hbm4b:s2+s3], $0x80, v4, vm0, $0xb8;
	[tilespmem:$0x8080] =	vst v63  }
0x6f: {  	_ = 	snop  }
0x70: {  	[tilespmem:s22], [sflag:$0x1] =	stream.indirect_vreg.gather [hbm4b:s2+s3], $0x80, v3, vm0, $0xb8;
	[tilespmem:$0x8080] =	vst v63  }
0x71: {  	v3 =	vld [tilespmem:$0x40];
	_ =	sdelay $0x4  }
0x72: {  	v36 =	vshll.u32 v3, $0x1  }
0x73: {  	v3 =	vand.u32 $0x7, v3;
	v4 =	vand.u32 $0xFFFFFFF0, v36  }
0x74: {  	v3 =	vor.u32 v3, v4  }
0x75: {  	v4 =	vperm.xlane v3, v0;
	_ =	sdelay $0x1  }
0x76: {  	v3 =	vperm.xlane v3, v2;
	v4 =	vadd.s32 v1, v4;
	_ =	sdelay $0x1  }
0x77: {  	v3 =	vadd.s32 v1, v3;
	_ =	sdelay $0x2  }
0x78: {  	[tilespmem:s23], [sflag:$0x1] =	stream.indirect_vreg.gather [hbm4b:s2+s3], $0x80, v4, vm0, $0xb8;
	[tilespmem:$0x8080] =	vst v63  }
0x79: {  	_ = 	snop  }
0x7a: {  	[tilespmem:s24], [sflag:$0x1] =	stream.indirect_vreg.gather [hbm4b:s2+s3], $0x80, v3, vm0, $0xb8;
	[tilespmem:$0x8080] =	vst v63  }
0x7b: {  	v3 =	vld [tilespmem:$0x50];
	_ =	sdelay $0x4  }
0x7c: {  	v37 =	vshll.u32 v3, $0x1  }
0x7d: {  	v3 =	vand.u32 $0x7, v3;
	v4 =	vand.u32 $0xFFFFFFF0, v37  }
0x7e: {  	v3 =	vor.u32 v3, v4  }
0x7f: {  	v4 =	vperm.xlane v3, v0;
	_ =	sdelay $0x1  }
0x80: {  	v3 =	vperm.xlane v3, v2;
	v4 =	vadd.s32 v1, v4;
	_ =	sdelay $0x1  }
0x81: {  	v3 =	vadd.s32 v1, v3;
	_ =	sdelay $0x2  }
0x82: {  	[tilespmem:s25], [sflag:$0x1] =	stream.indirect_vreg.gather [hbm4b:s2+s3], $0x80, v4, vm0, $0xb8;
	[tilespmem:$0x8080] =	vst v63  }
0x83: {  	_ = 	snop  }
0x84: {  	[tilespmem:s26], [sflag:$0x1] =	stream.indirect_vreg.gather [hbm4b:s2+s3], $0x80, v3, vm0, $0xb8;
	[tilespmem:$0x8080] =	vst v63  }
0x85: {  	v3 =	vld [tilespmem:$0x60];
	_ =	sdelay $0x4  }
0x86: {  	v38 =	vshll.u32 v3, $0x1  }
0x87: {  	v3 =	vand.u32 $0x7, v3;
	v4 =	vand.u32 $0xFFFFFFF0, v38  }
0x88: {  	v3 =	vor.u32 v3, v4  }
0x89: {  	v4 =	vperm.xlane v3, v0;
	_ =	sdelay $0x1  }
0x8a: {  	v3 =	vperm.xlane v3, v2;
	v4 =	vadd.s32 v1, v4;
	_ =	sdelay $0x1  }
0x8b: {  	v3 =	vadd.s32 v1, v3;
	_ =	sdelay $0x2  }
0x8c: {  	[tilespmem:s28], [sflag:$0x1] =	stream.indirect_vreg.gather [hbm4b:s2+s3], $0x80, v4, vm0, $0xb8;
	[tilespmem:$0x8080] =	vst v63  }
0x8d: {  	_ = 	snop  }
0x8e: {  	[tilespmem:s29], [sflag:$0x1] =	stream.indirect_vreg.gather [hbm4b:s2+s3], $0x80, v3, vm0, $0xb8;
	[tilespmem:$0x8080] =	vst v63  }
0x8f: {  	v3 =	vld [tilespmem:$0x70];
	_ =	sdelay $0x4  }
0x90: {  	v39 =	vshll.u32 v3, $0x1  }
0x91: {  	v3 =	vand.u32 $0x7, v3;
	v4 =	vand.u32 $0xFFFFFFF0, v39  }
0x92: {  	v3 =	vor.u32 v3, v4  }
0x93: {  	v4 =	vperm.xlane v3, v0;
	_ =	sdelay $0x1  }
0x94: {  	v3 =	vperm.xlane v3, v2;
	v4 =	vadd.s32 v1, v4;
	_ =	sdelay $0x1  }
0x95: {  	v3 =	vadd.s32 v1, v3;
	_ =	sdelay $0x2  }
0x96: {  	[tilespmem:s30], [sflag:$0x1] =	stream.indirect_vreg.gather [hbm4b:s2+s3], $0x80, v4, vm0, $0xb8;
	[tilespmem:$0x8080] =	vst v63  }
0x97: {  	_ = 	snop  }
0x98: {  	[tilespmem:s31], [sflag:$0x1] =	stream.indirect_vreg.gather [hbm4b:s2+s3], $0x80, v3, vm0, $0xb8;
	[tilespmem:$0x8080] =	vst v63  }
0x99: {  	_ =	swait.ge [sflag:s1], $0x8000  }
0x9a: {  	[sflag:s1] =	ssyncset.done $0x0  }
0x9b: {  	s0 =	rddreg [dreg:$0x4];
	[sflag:s1] =	ssyncadd.s32 $0xFFFF8000  }
0x9c: {  	[hbm4b:s0+s3] =	stream.linear.scatter [tilespmem:s15], [sflag:$0x2], $0x8000, $0x38;
	[tilespmem:$0x8080] =	vst v63  }
0x9d: {  	_ =	swait.ge [sflag:s14], $0x8000  }
0x9e: {  	[sflag:s14] =	ssyncset.done $0x0  }
0x9f: {  	s0 =	rddreg [dreg:$0x5];
	[sflag:s14] =	ssyncadd.s32 $0xFFFF8000  }
0xa0: {  	[tilespmem:s3], [sflag:$0x2] =	stream.linear.gather [hbm4b:s0+s3], $0x80, $0x38;
	[tilespmem:$0x8080] =	vst v63  }
0xa1: {  	_ =	swait.ge [sflag:s14], $0x80  }
0xa2: {  	[sflag:s14] =	ssyncset.done $0x0  }
0xa3: {  	[sflag:s14] =	ssyncadd.s32 $0xFFFFFF80  }
0xa4: {  	v3 =	vld [tilespmem:$0x0];
	_ =	sdelay $0x4  }
0xa5: {  	v40 =	vshll.u32 v3, $0x1  }
0xa6: {  	v3 =	vand.u32 $0x7, v3;
	v4 =	vand.u32 $0xFFFFFFF0, v40  }
0xa7: {  	v3 =	vor.u32 v3, v4  }
0xa8: {  	v4 =	vperm.xlane v3, v0;
	_ =	sdelay $0x1  }
0xa9: {  	v3 =	vperm.xlane v3, v2;
	v4 =	vadd.s32 v1, v4;
	_ =	sdelay $0x1  }
0xaa: {  	v3 =	vadd.s32 v1, v3;
	_ =	sdelay $0x2  }
0xab: {  	[tilespmem:s15], [sflag:$0x1] =	stream.indirect_vreg.gather [hbm4b:s2+s3], $0x80, v4, vm0, $0xb8;
	[tilespmem:$0x8080] =	vst v63  }
0xac: {  	_ = 	snop  }
0xad: {  	[tilespmem:s16], [sflag:$0x1] =	stream.indirect_vreg.gather [hbm4b:s2+s3], $0x80, v3, vm0, $0xb8;
	[tilespmem:$0x8080] =	vst v63  }
0xae: {  	v3 =	vld [tilespmem:$0x10];
	_ =	sdelay $0x4  }
0xaf: {  	v41 =	vshll.u32 v3, $0x1  }
0xb0: {  	v3 =	vand.u32 $0x7, v3;
	v4 =	vand.u32 $0xFFFFFFF0, v41  }
0xb1: {  	v3 =	vor.u32 v3, v4  }
0xb2: {  	v4 =	vperm.xlane v3, v0;
	_ =	sdelay $0x1  }
0xb3: {  	v3 =	vperm.xlane v3, v2;
	v4 =	vadd.s32 v1, v4;
	_ =	sdelay $0x1  }
0xb4: {  	v3 =	vadd.s32 v1, v3;
	_ =	sdelay $0x2  }
0xb5: {  	[tilespmem:s17], [sflag:$0x1] =	stream.indirect_vreg.gather [hbm4b:s2+s3], $0x80, v4, vm0, $0xb8;
	[tilespmem:$0x8080] =	vst v63  }
0xb6: {  	_ = 	snop  }
0xb7: {  	[tilespmem:s18], [sflag:$0x1] =	stream.indirect_vreg.gather [hbm4b:s2+s3], $0x80, v3, vm0, $0xb8;
	[tilespmem:$0x8080] =	vst v63  }
0xb8: {  	v3 =	vld [tilespmem:$0x20];
	_ =	sdelay $0x4  }
0xb9: {  	v42 =	vshll.u32 v3, $0x1  }
0xba: {  	v3 =	vand.u32 $0x7, v3;
	v4 =	vand.u32 $0xFFFFFFF0, v42  }
0xbb: {  	v3 =	vor.u32 v3, v4  }
0xbc: {  	v4 =	vperm.xlane v3, v0;
	_ =	sdelay $0x1  }
0xbd: {  	v3 =	vperm.xlane v3, v2;
	v4 =	vadd.s32 v1, v4;
	_ =	sdelay $0x1  }
0xbe: {  	v3 =	vadd.s32 v1, v3;
	_ =	sdelay $0x2  }
0xbf: {  	[tilespmem:s19], [sflag:$0x1] =	stream.indirect_vreg.gather [hbm4b:s2+s3], $0x80, v4, vm0, $0xb8;
	[tilespmem:$0x8080] =	vst v63  }
0xc0: {  	_ = 	snop  }
0xc1: {  	[tilespmem:s20], [sflag:$0x1] =	stream.indirect_vreg.gather [hbm4b:s2+s3], $0x80, v3, vm0, $0xb8;
	[tilespmem:$0x8080] =	vst v63  }
0xc2: {  	v3 =	vld [tilespmem:$0x30];
	_ =	sdelay $0x4  }
0xc3: {  	v43 =	vshll.u32 v3, $0x1  }
0xc4: {  	v3 =	vand.u32 $0x7, v3;
	v4 =	vand.u32 $0xFFFFFFF0, v43  }
0xc5: {  	v3 =	vor.u32 v3, v4  }
0xc6: {  	v4 =	vperm.xlane v3, v0;
	_ =	sdelay $0x1  }
0xc7: {  	v3 =	vperm.xlane v3, v2;
	v4 =	vadd.s32 v1, v4;
	_ =	sdelay $0x1  }
0xc8: {  	v3 =	vadd.s32 v1, v3;
	_ =	sdelay $0x2  }
0xc9: {  	[tilespmem:s21], [sflag:$0x1] =	stream.indirect_vreg.gather [hbm4b:s2+s3], $0x80, v4, vm0, $0xb8;
	[tilespmem:$0x8080] =	vst v63  }
0xca: {  	_ = 	snop  }
0xcb: {  	[tilespmem:s22], [sflag:$0x1] =	stream.indirect_vreg.gather [hbm4b:s2+s3], $0x80, v3, vm0, $0xb8;
	[tilespmem:$0x8080] =	vst v63  }
0xcc: {  	v3 =	vld [tilespmem:$0x40];
	_ =	sdelay $0x4  }
0xcd: {  	v44 =	vshll.u32 v3, $0x1  }
0xce: {  	v3 =	vand.u32 $0x7, v3;
	v4 =	vand.u32 $0xFFFFFFF0, v44  }
0xcf: {  	v3 =	vor.u32 v3, v4  }
0xd0: {  	v4 =	vperm.xlane v3, v0;
	_ =	sdelay $0x1  }
0xd1: {  	v3 =	vperm.xlane v3, v2;
	v4 =	vadd.s32 v1, v4;
	_ =	sdelay $0x1  }
0xd2: {  	v3 =	vadd.s32 v1, v3;
	_ =	sdelay $0x2  }
0xd3: {  	[tilespmem:s23], [sflag:$0x1] =	stream.indirect_vreg.gather [hbm4b:s2+s3], $0x80, v4, vm0, $0xb8;
	[tilespmem:$0x8080] =	vst v63  }
0xd4: {  	_ = 	snop  }
0xd5: {  	[tilespmem:s24], [sflag:$0x1] =	stream.indirect_vreg.gather [hbm4b:s2+s3], $0x80, v3, vm0, $0xb8;
	[tilespmem:$0x8080] =	vst v63  }
0xd6: {  	v3 =	vld [tilespmem:$0x50];
	_ =	sdelay $0x4  }
0xd7: {  	v45 =	vshll.u32 v3, $0x1  }
0xd8: {  	v3 =	vand.u32 $0x7, v3;
	v4 =	vand.u32 $0xFFFFFFF0, v45  }
0xd9: {  	v3 =	vor.u32 v3, v4  }
0xda: {  	v4 =	vperm.xlane v3, v0;
	_ =	sdelay $0x1  }
0xdb: {  	v3 =	vperm.xlane v3, v2;
	v4 =	vadd.s32 v1, v4;
	_ =	sdelay $0x1  }
0xdc: {  	v3 =	vadd.s32 v1, v3;
	_ =	sdelay $0x2  }
0xdd: {  	[tilespmem:s25], [sflag:$0x1] =	stream.indirect_vreg.gather [hbm4b:s2+s3], $0x80, v4, vm0, $0xb8;
	[tilespmem:$0x8080] =	vst v63  }
0xde: {  	_ = 	snop  }
0xdf: {  	[tilespmem:s26], [sflag:$0x1] =	stream.indirect_vreg.gather [hbm4b:s2+s3], $0x80, v3, vm0, $0xb8;
	[tilespmem:$0x8080] =	vst v63  }
0xe0: {  	v3 =	vld [tilespmem:$0x60];
	_ =	sdelay $0x4  }
0xe1: {  	v46 =	vshll.u32 v3, $0x1  }
0xe2: {  	v3 =	vand.u32 $0x7, v3;
	v4 =	vand.u32 $0xFFFFFFF0, v46  }
0xe3: {  	v3 =	vor.u32 v3, v4  }
0xe4: {  	v4 =	vperm.xlane v3, v0;
	_ =	sdelay $0x1  }
0xe5: {  	v3 =	vperm.xlane v3, v2;
	v4 =	vadd.s32 v1, v4;
	_ =	sdelay $0x1  }
0xe6: {  	v3 =	vadd.s32 v1, v3;
	_ =	sdelay $0x2  }
0xe7: {  	[tilespmem:s28], [sflag:$0x1] =	stream.indirect_vreg.gather [hbm4b:s2+s3], $0x80, v4, vm0, $0xb8;
	[tilespmem:$0x8080] =	vst v63  }
0xe8: {  	_ = 	snop  }
0xe9: {  	[tilespmem:s29], [sflag:$0x1] =	stream.indirect_vreg.gather [hbm4b:s2+s3], $0x80, v3, vm0, $0xb8;
	[tilespmem:$0x8080] =	vst v63  }
0xea: {  	v3 =	vld [tilespmem:$0x70];
	_ =	sdelay $0x4  }
0xeb: {  	v47 =	vshll.u32 v3, $0x1  }
0xec: {  	v3 =	vand.u32 $0x7, v3;
	v4 =	vand.u32 $0xFFFFFFF0, v47  }
0xed: {  	v3 =	vor.u32 v3, v4  }
0xee: {  	v4 =	vperm.xlane v3, v0;
	_ =	sdelay $0x1  }
0xef: {  	v3 =	vperm.xlane v3, v2;
	v4 =	vadd.s32 v1, v4;
	_ =	sdelay $0x1  }
0xf0: {  	v3 =	vadd.s32 v1, v3;
	_ =	sdelay $0x2  }
0xf1: {  	[tilespmem:s30], [sflag:$0x1] =	stream.indirect_vreg.gather [hbm4b:s2+s3], $0x80, v4, vm0, $0xb8;
	[tilespmem:$0x8080] =	vst v63  }
0xf2: {  	_ = 	snop  }
0xf3: {  	[tilespmem:s31], [sflag:$0x1] =	stream.indirect_vreg.gather [hbm4b:s2+s3], $0x80, v3, vm0, $0xb8;
	[tilespmem:$0x8080] =	vst v63  }
0xf4: {  	_ =	swait.ge [sflag:s1], $0x8000  }
0xf5: {  	[sflag:s1] =	ssyncset.done $0x0  }
0xf6: {  	s0 =	rddreg [dreg:$0x6];
	[sflag:s1] =	ssyncadd.s32 $0xFFFF8000  }
0xf7: {  	[hbm4b:s0+s3] =	stream.linear.scatter [tilespmem:s15], [sflag:$0x2], $0x8000, $0x38;
	[tilespmem:$0x8080] =	vst v63  }
0xf8: {  	_ =	swait.ge [sflag:s14], $0x8000  }
0xf9: {  	[sflag:s14] =	ssyncset.done $0x0  }
0xfa: {  	s0 =	rddreg [dreg:$0x7];
	[sflag:s14] =	ssyncadd.s32 $0xFFFF8000  }
0xfb: {  	[tilespmem:s3], [sflag:$0x2] =	stream.linear.gather [hbm4b:s0+s3], $0x80, $0x38;
	[tilespmem:$0x8080] =	vst v63  }
0xfc: {  	_ =	swait.ge [sflag:s14], $0x80  }
0xfd: {  	[sflag:s14] =	ssyncset.done $0x0  }
0xfe: {  	[sflag:s14] =	ssyncadd.s32 $0xFFFFFF80  }
0xff: {  	v3 =	vld [tilespmem:$0x0];
	_ =	sdelay $0x4  }
0x100: {  	v48 =	vshll.u32 v3, $0x1  }
0x101: {  	v3 =	vand.u32 $0x7, v3;
	v4 =	vand.u32 $0xFFFFFFF0, v48  }
0x102: {  	v3 =	vor.u32 v3, v4  }
0x103: {  	v4 =	vperm.xlane v3, v0;
	_ =	sdelay $0x1  }
0x104: {  	v3 =	vperm.xlane v3, v2;
	v4 =	vadd.s32 v1, v4;
	_ =	sdelay $0x1  }
0x105: {  	v3 =	vadd.s32 v1, v3;
	_ =	sdelay $0x2  }
0x106: {  	[tilespmem:s15], [sflag:$0x1] =	stream.indirect_vreg.gather [hbm4b:s2+s3], $0x80, v4, vm0, $0xb8;
	[tilespmem:$0x8080] =	vst v63  }
0x107: {  	_ = 	snop  }
0x108: {  	[tilespmem:s16], [sflag:$0x1] =	stream.indirect_vreg.gather [hbm4b:s2+s3], $0x80, v3, vm0, $0xb8;
	[tilespmem:$0x8080] =	vst v63  }
0x109: {  	v3 =	vld [tilespmem:$0x10];
	_ =	sdelay $0x4  }
0x10a: {  	v49 =	vshll.u32 v3, $0x1  }
0x10b: {  	v3 =	vand.u32 $0x7, v3;
	v4 =	vand.u32 $0xFFFFFFF0, v49  }
0x10c: {  	v3 =	vor.u32 v3, v4  }
0x10d: {  	v4 =	vperm.xlane v3, v0;
	_ =	sdelay $0x1  }
0x10e: {  	v3 =	vperm.xlane v3, v2;
	v4 =	vadd.s32 v1, v4;
	_ =	sdelay $0x1  }
0x10f: {  	v3 =	vadd.s32 v1, v3;
	_ =	sdelay $0x2  }
0x110: {  	[tilespmem:s17], [sflag:$0x1] =	stream.indirect_vreg.gather [hbm4b:s2+s3], $0x80, v4, vm0, $0xb8;
	[tilespmem:$0x8080] =	vst v63  }
0x111: {  	_ = 	snop  }
0x112: {  	[tilespmem:s18], [sflag:$0x1] =	stream.indirect_vreg.gather [hbm4b:s2+s3], $0x80, v3, vm0, $0xb8;
	[tilespmem:$0x8080] =	vst v63  }
0x113: {  	v3 =	vld [tilespmem:$0x20];
	_ =	sdelay $0x4  }
0x114: {  	v50 =	vshll.u32 v3, $0x1  }
0x115: {  	v3 =	vand.u32 $0x7, v3;
	v4 =	vand.u32 $0xFFFFFFF0, v50  }
0x116: {  	v3 =	vor.u32 v3, v4  }
0x117: {  	v4 =	vperm.xlane v3, v0;
	_ =	sdelay $0x1  }
0x118: {  	v3 =	vperm.xlane v3, v2;
	v4 =	vadd.s32 v1, v4;
	_ =	sdelay $0x1  }
0x119: {  	v3 =	vadd.s32 v1, v3;
	_ =	sdelay $0x2  }
0x11a: {  	[tilespmem:s19], [sflag:$0x1] =	stream.indirect_vreg.gather [hbm4b:s2+s3], $0x80, v4, vm0, $0xb8;
	[tilespmem:$0x8080] =	vst v63  }
0x11b: {  	_ = 	snop  }
0x11c: {  	[tilespmem:s20], [sflag:$0x1] =	stream.indirect_vreg.gather [hbm4b:s2+s3], $0x80, v3, vm0, $0xb8;
	[tilespmem:$0x8080] =	vst v63  }
0x11d: {  	v3 =	vld [tilespmem:$0x30];
	_ =	sdelay $0x4  }
0x11e: {  	v51 =	vshll.u32 v3, $0x1  }
0x11f: {  	v3 =	vand.u32 $0x7, v3;
	v4 =	vand.u32 $0xFFFFFFF0, v51  }
0x120: {  	v3 =	vor.u32 v3, v4  }
0x121: {  	v4 =	vperm.xlane v3, v0;
	_ =	sdelay $0x1  }
0x122: {  	v3 =	vperm.xlane v3, v2;
	v4 =	vadd.s32 v1, v4;
	_ =	sdelay $0x1  }
0x123: {  	v3 =	vadd.s32 v1, v3;
	_ =	sdelay $0x2  }
0x124: {  	[tilespmem:s21], [sflag:$0x1] =	stream.indirect_vreg.gather [hbm4b:s2+s3], $0x80, v4, vm0, $0xb8;
	[tilespmem:$0x8080] =	vst v63  }
0x125: {  	_ = 	snop  }
0x126: {  	[tilespmem:s22], [sflag:$0x1] =	stream.indirect_vreg.gather [hbm4b:s2+s3], $0x80, v3, vm0, $0xb8;
	[tilespmem:$0x8080] =	vst v63  }
0x127: {  	v3 =	vld [tilespmem:$0x40];
	_ =	sdelay $0x4  }
0x128: {  	v52 =	vshll.u32 v3, $0x1  }
0x129: {  	v3 =	vand.u32 $0x7, v3;
	v4 =	vand.u32 $0xFFFFFFF0, v52  }
0x12a: {  	v3 =	vor.u32 v3, v4  }
0x12b: {  	v4 =	vperm.xlane v3, v0;
	_ =	sdelay $0x1  }
0x12c: {  	v3 =	vperm.xlane v3, v2;
	v4 =	vadd.s32 v1, v4;
	_ =	sdelay $0x1  }
0x12d: {  	v3 =	vadd.s32 v1, v3;
	_ =	sdelay $0x2  }
0x12e: {  	[tilespmem:s23], [sflag:$0x1] =	stream.indirect_vreg.gather [hbm4b:s2+s3], $0x80, v4, vm0, $0xb8;
	[tilespmem:$0x8080] =	vst v63  }
0x12f: {  	_ = 	snop  }
0x130: {  	[tilespmem:s24], [sflag:$0x1] =	stream.indirect_vreg.gather [hbm4b:s2+s3], $0x80, v3, vm0, $0xb8;
	[tilespmem:$0x8080] =	vst v63  }
0x131: {  	v3 =	vld [tilespmem:$0x50];
	_ =	sdelay $0x4  }
0x132: {  	v53 =	vshll.u32 v3, $0x1  }
0x133: {  	v3 =	vand.u32 $0x7, v3;
	v4 =	vand.u32 $0xFFFFFFF0, v53  }
0x134: {  	v3 =	vor.u32 v3, v4  }
0x135: {  	v4 =	vperm.xlane v3, v0;
	_ =	sdelay $0x1  }
0x136: {  	v3 =	vperm.xlane v3, v2;
	v4 =	vadd.s32 v1, v4;
	_ =	sdelay $0x1  }
0x137: {  	v3 =	vadd.s32 v1, v3;
	_ =	sdelay $0x2  }
0x138: {  	[tilespmem:s25], [sflag:$0x1] =	stream.indirect_vreg.gather [hbm4b:s2+s3], $0x80, v4, vm0, $0xb8;
	[tilespmem:$0x8080] =	vst v63  }
0x139: {  	_ = 	snop  }
0x13a: {  	[tilespmem:s26], [sflag:$0x1] =	stream.indirect_vreg.gather [hbm4b:s2+s3], $0x80, v3, vm0, $0xb8;
	[tilespmem:$0x8080] =	vst v63  }
0x13b: {  	v3 =	vld [tilespmem:$0x60];
	_ =	sdelay $0x4  }
0x13c: {  	v54 =	vshll.u32 v3, $0x1  }
0x13d: {  	v3 =	vand.u32 $0x7, v3;
	v4 =	vand.u32 $0xFFFFFFF0, v54  }
0x13e: {  	v3 =	vor.u32 v3, v4  }
0x13f: {  	v4 =	vperm.xlane v3, v0;
	_ =	sdelay $0x1  }
0x140: {  	v3 =	vperm.xlane v3, v2;
	v4 =	vadd.s32 v1, v4;
	_ =	sdelay $0x1  }
0x141: {  	v3 =	vadd.s32 v1, v3;
	_ =	sdelay $0x2  }
0x142: {  	[tilespmem:s28], [sflag:$0x1] =	stream.indirect_vreg.gather [hbm4b:s2+s3], $0x80, v4, vm0, $0xb8;
	[tilespmem:$0x8080] =	vst v63  }
0x143: {  	_ = 	snop  }
0x144: {  	[tilespmem:s29], [sflag:$0x1] =	stream.indirect_vreg.gather [hbm4b:s2+s3], $0x80, v3, vm0, $0xb8;
	[tilespmem:$0x8080] =	vst v63  }
0x145: {  	v3 =	vld [tilespmem:$0x70];
	_ =	sdelay $0x4  }
0x146: {  	v55 =	vshll.u32 v3, $0x1  }
0x147: {  	v3 =	vand.u32 $0x7, v3;
	v4 =	vand.u32 $0xFFFFFFF0, v55  }
0x148: {  	v3 =	vor.u32 v3, v4  }
0x149: {  	v4 =	vperm.xlane v3, v0;
	_ =	sdelay $0x1  }
0x14a: {  	v3 =	vperm.xlane v3, v2;
	v4 =	vadd.s32 v1, v4;
	_ =	sdelay $0x1  }
0x14b: {  	v3 =	vadd.s32 v1, v3;
	_ =	sdelay $0x2  }
0x14c: {  	[tilespmem:s30], [sflag:$0x1] =	stream.indirect_vreg.gather [hbm4b:s2+s3], $0x80, v4, vm0, $0xb8;
	[tilespmem:$0x8080] =	vst v63  }
0x14d: {  	_ = 	snop  }
0x14e: {  	[tilespmem:s31], [sflag:$0x1] =	stream.indirect_vreg.gather [hbm4b:s2+s3], $0x80, v3, vm0, $0xb8;
	[tilespmem:$0x8080] =	vst v63  }
0x14f: {  	_ =	swait.ge [sflag:s1], $0x8000  }
0x150: {  	[sflag:s1] =	ssyncset.done $0x0  }
0x151: {  	s0 =	rddreg [dreg:$0x8];
	[sflag:s1] =	ssyncadd.s32 $0xFFFF8000  }
0x152: {  	[hbm4b:s0+s3] =	stream.linear.scatter [tilespmem:s15], [sflag:$0x2], $0x8000, $0x38;
	[tilespmem:$0x8080] =	vst v63  }
0x153: {  	_ =	swait.ge [sflag:s14], $0x8000  }
0x154: {  	[sflag:s14] =	ssyncset.done $0x0  }
0x155: {  	s0 =	rddreg [dreg:$0x9];
	[sflag:s14] =	ssyncadd.s32 $0xFFFF8000  }
0x156: {  	[tilespmem:s3], [sflag:$0x2] =	stream.linear.gather [hbm4b:s0+s3], $0x80, $0x38;
	[tilespmem:$0x8080] =	vst v63  }
0x157: {  	_ =	swait.ge [sflag:s14], $0x80  }
0x158: {  	[sflag:s14] =	ssyncset.done $0x0  }
0x159: {  	[sflag:s14] =	ssyncadd.s32 $0xFFFFFF80  }
0x15a: {  	v3 =	vld [tilespmem:$0x0];
	_ =	sdelay $0x4  }
0x15b: {  	v56 =	vshll.u32 v3, $0x1  }
0x15c: {  	v3 =	vand.u32 $0x7, v3;
	v4 =	vand.u32 $0xFFFFFFF0, v56  }
0x15d: {  	v3 =	vor.u32 v3, v4  }
0x15e: {  	v4 =	vperm.xlane v3, v0;
	_ =	sdelay $0x1  }
0x15f: {  	v3 =	vperm.xlane v3, v2;
	v4 =	vadd.s32 v1, v4;
	_ =	sdelay $0x1  }
0x160: {  	v3 =	vadd.s32 v1, v3;
	_ =	sdelay $0x2  }
0x161: {  	[tilespmem:s15], [sflag:$0x1] =	stream.indirect_vreg.gather [hbm4b:s2+s3], $0x80, v4, vm0, $0xb8;
	[tilespmem:$0x8080] =	vst v63  }
0x162: {  	_ = 	snop  }
0x163: {  	[tilespmem:s16], [sflag:$0x1] =	stream.indirect_vreg.gather [hbm4b:s2+s3], $0x80, v3, vm0, $0xb8;
	[tilespmem:$0x8080] =	vst v63  }
0x164: {  	v3 =	vld [tilespmem:$0x10];
	_ =	sdelay $0x4  }
0x165: {  	v57 =	vshll.u32 v3, $0x1  }
0x166: {  	v3 =	vand.u32 $0x7, v3;
	v4 =	vand.u32 $0xFFFFFFF0, v57  }
0x167: {  	v3 =	vor.u32 v3, v4  }
0x168: {  	v4 =	vperm.xlane v3, v0;
	_ =	sdelay $0x1  }
0x169: {  	v3 =	vperm.xlane v3, v2;
	v4 =	vadd.s32 v1, v4;
	_ =	sdelay $0x1  }
0x16a: {  	v3 =	vadd.s32 v1, v3;
	_ =	sdelay $0x2  }
0x16b: {  	[tilespmem:s17], [sflag:$0x1] =	stream.indirect_vreg.gather [hbm4b:s2+s3], $0x80, v4, vm0, $0xb8;
	[tilespmem:$0x8080] =	vst v63  }
0x16c: {  	_ = 	snop  }
0x16d: {  	[tilespmem:s18], [sflag:$0x1] =	stream.indirect_vreg.gather [hbm4b:s2+s3], $0x80, v3, vm0, $0xb8;
	[tilespmem:$0x8080] =	vst v63  }
0x16e: {  	v3 =	vld [tilespmem:$0x20];
	_ =	sdelay $0x4  }
0x16f: {  	v58 =	vshll.u32 v3, $0x1  }
0x170: {  	v3 =	vand.u32 $0x7, v3;
	v4 =	vand.u32 $0xFFFFFFF0, v58  }
0x171: {  	v3 =	vor.u32 v3, v4  }
0x172: {  	v4 =	vperm.xlane v3, v0;
	_ =	sdelay $0x1  }
0x173: {  	v3 =	vperm.xlane v3, v2;
	v4 =	vadd.s32 v1, v4;
	_ =	sdelay $0x1  }
0x174: {  	v3 =	vadd.s32 v1, v3;
	_ =	sdelay $0x2  }
0x175: {  	[tilespmem:s19], [sflag:$0x1] =	stream.indirect_vreg.gather [hbm4b:s2+s3], $0x80, v4, vm0, $0xb8;
	[tilespmem:$0x8080] =	vst v63  }
0x176: {  	_ = 	snop  }
0x177: {  	[tilespmem:s20], [sflag:$0x1] =	stream.indirect_vreg.gather [hbm4b:s2+s3], $0x80, v3, vm0, $0xb8;
	[tilespmem:$0x8080] =	vst v63  }
0x178: {  	v3 =	vld [tilespmem:$0x30];
	_ =	sdelay $0x4  }
0x179: {  	v59 =	vshll.u32 v3, $0x1  }
0x17a: {  	v3 =	vand.u32 $0x7, v3;
	v4 =	vand.u32 $0xFFFFFFF0, v59  }
0x17b: {  	v3 =	vor.u32 v3, v4  }
0x17c: {  	v4 =	vperm.xlane v3, v0;
	_ =	sdelay $0x1  }
0x17d: {  	v3 =	vperm.xlane v3, v2;
	v4 =	vadd.s32 v1, v4;
	_ =	sdelay $0x1  }
0x17e: {  	v3 =	vadd.s32 v1, v3;
	_ =	sdelay $0x2  }
0x17f: {  	[tilespmem:s21], [sflag:$0x1] =	stream.indirect_vreg.gather [hbm4b:s2+s3], $0x80, v4, vm0, $0xb8;
	[tilespmem:$0x8080] =	vst v63  }
0x180: {  	_ = 	snop  }
0x181: {  	[tilespmem:s22], [sflag:$0x1] =	stream.indirect_vreg.gather [hbm4b:s2+s3], $0x80, v3, vm0, $0xb8;
	[tilespmem:$0x8080] =	vst v63  }
0x182: {  	v3 =	vld [tilespmem:$0x40];
	_ =	sdelay $0x4  }
0x183: {  	v60 =	vshll.u32 v3, $0x1  }
0x184: {  	v3 =	vand.u32 $0x7, v3;
	v4 =	vand.u32 $0xFFFFFFF0, v60  }
0x185: {  	v3 =	vor.u32 v3, v4  }
0x186: {  	v4 =	vperm.xlane v3, v0;
	_ =	sdelay $0x1  }
0x187: {  	v3 =	vperm.xlane v3, v2;
	v4 =	vadd.s32 v1, v4;
	_ =	sdelay $0x1  }
0x188: {  	v3 =	vadd.s32 v1, v3;
	_ =	sdelay $0x2  }
0x189: {  	[tilespmem:s23], [sflag:$0x1] =	stream.indirect_vreg.gather [hbm4b:s2+s3], $0x80, v4, vm0, $0xb8;
	[tilespmem:$0x8080] =	vst v63  }
0x18a: {  	_ = 	snop  }
0x18b: {  	[tilespmem:s24], [sflag:$0x1] =	stream.indirect_vreg.gather [hbm4b:s2+s3], $0x80, v3, vm0, $0xb8;
	[tilespmem:$0x8080] =	vst v63  }
0x18c: {  	v3 =	vld [tilespmem:$0x50];
	_ =	sdelay $0x4  }
0x18d: {  	v61 =	vshll.u32 v3, $0x1  }
0x18e: {  	v3 =	vand.u32 $0x7, v3;
	v4 =	vand.u32 $0xFFFFFFF0, v61  }
0x18f: {  	v3 =	vor.u32 v3, v4  }
0x190: {  	v4 =	vperm.xlane v3, v0;
	_ =	sdelay $0x1  }
0x191: {  	v3 =	vperm.xlane v3, v2;
	v4 =	vadd.s32 v1, v4;
	_ =	sdelay $0x1  }
0x192: {  	v3 =	vadd.s32 v1, v3;
	_ =	sdelay $0x2  }
0x193: {  	[tilespmem:s25], [sflag:$0x1] =	stream.indirect_vreg.gather [hbm4b:s2+s3], $0x80, v4, vm0, $0xb8;
	[tilespmem:$0x8080] =	vst v63  }
0x194: {  	_ = 	snop  }
0x195: {  	[tilespmem:s26], [sflag:$0x1] =	stream.indirect_vreg.gather [hbm4b:s2+s3], $0x80, v3, vm0, $0xb8;
	[tilespmem:$0x8080] =	vst v63  }
0x196: {  	v3 =	vld [tilespmem:$0x60];
	_ =	sdelay $0x4  }
0x197: {  	v62 =	vshll.u32 v3, $0x1  }
0x198: {  	v3 =	vand.u32 $0x7, v3;
	v4 =	vand.u32 $0xFFFFFFF0, v62  }
0x199: {  	v3 =	vor.u32 v3, v4  }
0x19a: {  	v4 =	vperm.xlane v3, v0;
	_ =	sdelay $0x1  }
0x19b: {  	v3 =	vperm.xlane v3, v2;
	v4 =	vadd.s32 v1, v4;
	_ =	sdelay $0x1  }
0x19c: {  	v3 =	vadd.s32 v1, v3;
	_ =	sdelay $0x2  }
0x19d: {  	[tilespmem:s28], [sflag:$0x1] =	stream.indirect_vreg.gather [hbm4b:s2+s3], $0x80, v4, vm0, $0xb8;
	[tilespmem:$0x8080] =	vst v63  }
0x19e: {  	_ = 	snop  }
0x19f: {  	[tilespmem:s29], [sflag:$0x1] =	stream.indirect_vreg.gather [hbm4b:s2+s3], $0x80, v3, vm0, $0xb8;
	[tilespmem:$0x8080] =	vst v63  }
0x1a0: {  	v3 =	vld [tilespmem:$0x70];
	_ =	sdelay $0x4  }
0x1a1: {  	v63 =	vshll.u32 v3, $0x1  }
0x1a2: {  	v3 =	vand.u32 $0x7, v3;
	v4 =	vand.u32 $0xFFFFFFF0, v63  }
0x1a3: {  	v3 =	vor.u32 v3, v4  }
0x1a4: {  	v4 =	vperm.xlane v3, v0;
	_ =	sdelay $0x1  }
0x1a5: {  	v3 =	vperm.xlane v3, v2;
	v4 =	vadd.s32 v1, v4;
	_ =	sdelay $0x1  }
0x1a6: {  	v3 =	vadd.s32 v1, v3;
	_ =	sdelay $0x2  }
0x1a7: {  	[tilespmem:s30], [sflag:$0x1] =	stream.indirect_vreg.gather [hbm4b:s2+s3], $0x80, v4, vm0, $0xb8;
	[tilespmem:$0x8080] =	vst v63  }
0x1a8: {  	_ = 	snop  }
0x1a9: {  	[tilespmem:s31], [sflag:$0x1] =	stream.indirect_vreg.gather [hbm4b:s2+s3], $0x80, v3, vm0, $0xb8;
	[tilespmem:$0x8080] =	vst v63  }
0x1aa: {  	_ =	swait.ge [sflag:s1], $0x8000  }
0x1ab: {  	[sflag:s1] =	ssyncset.done $0x0  }
0x1ac: {  	s0 =	rddreg [dreg:$0xa];
	[sflag:s1] =	ssyncadd.s32 $0xFFFF8000  }
0x1ad: {  	[hbm4b:s0+s3] =	stream.linear.scatter [tilespmem:s15], [sflag:$0x2], $0x8000, $0x38;
	[tilespmem:$0x8080] =	vst v63  }
0x1ae: {  	_ =	swait.ge [sflag:s14], $0x8000  }
0x1af: {  	[sflag:s14] =	ssyncset.done $0x0  }
0x1b0: {  	s0 =	rddreg [dreg:$0xb];
	[sflag:s14] =	ssyncadd.s32 $0xFFFF8000  }
0x1b1: {  	[tilespmem:s3], [sflag:$0x2] =	stream.linear.gather [hbm4b:s0+s3], $0x80, $0x38;
	[tilespmem:$0x8080] =	vst v63  }
0x1b2: {  	_ =	swait.ge [sflag:s14], $0x80  }
0x1b3: {  	[sflag:s14] =	ssyncset.done $0x0  }
0x1b4: {  	[sflag:s14] =	ssyncadd.s32 $0xFFFFFF80  }
0x1b5: {  	v3 =	vld [tilespmem:$0x0];
	_ =	sdelay $0x4  }
0x1b6: {  	v8 =	vshll.u32 v3, $0x1  }
0x1b7: {  	v3 =	vand.u32 $0x7, v3;
	v4 =	vand.u32 $0xFFFFFFF0, v8  }
0x1b8: {  	v3 =	vor.u32 v3, v4  }
0x1b9: {  	v4 =	vperm.xlane v3, v0;
	_ =	sdelay $0x1  }
0x1ba: {  	v3 =	vperm.xlane v3, v2;
	v4 =	vadd.s32 v1, v4;
	_ =	sdelay $0x1  }
0x1bb: {  	v3 =	vadd.s32 v1, v3;
	_ =	sdelay $0x2  }
0x1bc: {  	[tilespmem:s15], [sflag:$0x1] =	stream.indirect_vreg.gather [hbm4b:s2+s3], $0x80, v4, vm0, $0xb8;
	[tilespmem:$0x8080] =	vst v63  }
0x1bd: {  	_ = 	snop  }
0x1be: {  	[tilespmem:s16], [sflag:$0x1] =	stream.indirect_vreg.gather [hbm4b:s2+s3], $0x80, v3, vm0, $0xb8;
	[tilespmem:$0x8080] =	vst v63  }
0x1bf: {  	v3 =	vld [tilespmem:$0x10];
	_ =	sdelay $0x4  }
0x1c0: {  	v9 =	vshll.u32 v3, $0x1  }
0x1c1: {  	v3 =	vand.u32 $0x7, v3;
	v4 =	vand.u32 $0xFFFFFFF0, v9  }
0x1c2: {  	v3 =	vor.u32 v3, v4  }
0x1c3: {  	v4 =	vperm.xlane v3, v0;
	_ =	sdelay $0x1  }
0x1c4: {  	v3 =	vperm.xlane v3, v2;
	v4 =	vadd.s32 v1, v4;
	_ =	sdelay $0x1  }
0x1c5: {  	v3 =	vadd.s32 v1, v3;
	_ =	sdelay $0x2  }
0x1c6: {  	[tilespmem:s17], [sflag:$0x1] =	stream.indirect_vreg.gather [hbm4b:s2+s3], $0x80, v4, vm0, $0xb8;
	[tilespmem:$0x8080] =	vst v63  }
0x1c7: {  	_ = 	snop  }
0x1c8: {  	[tilespmem:s18], [sflag:$0x1] =	stream.indirect_vreg.gather [hbm4b:s2+s3], $0x80, v3, vm0, $0xb8;
	[tilespmem:$0x8080] =	vst v63  }
0x1c9: {  	v3 =	vld [tilespmem:$0x20];
	_ =	sdelay $0x4  }
0x1ca: {  	v10 =	vshll.u32 v3, $0x1  }
0x1cb: {  	v3 =	vand.u32 $0x7, v3;
	v4 =	vand.u32 $0xFFFFFFF0, v10  }
0x1cc: {  	v3 =	vor.u32 v3, v4  }
0x1cd: {  	v4 =	vperm.xlane v3, v0;
	_ =	sdelay $0x1  }
0x1ce: {  	v3 =	vperm.xlane v3, v2;
	v4 =	vadd.s32 v1, v4;
	_ =	sdelay $0x1  }
0x1cf: {  	v3 =	vadd.s32 v1, v3;
	_ =	sdelay $0x2  }
0x1d0: {  	[tilespmem:s19], [sflag:$0x1] =	stream.indirect_vreg.gather [hbm4b:s2+s3], $0x80, v4, vm0, $0xb8;
	[tilespmem:$0x8080] =	vst v63  }
0x1d1: {  	_ = 	snop  }
0x1d2: {  	[tilespmem:s20], [sflag:$0x1] =	stream.indirect_vreg.gather [hbm4b:s2+s3], $0x80, v3, vm0, $0xb8;
	[tilespmem:$0x8080] =	vst v63  }
0x1d3: {  	v3 =	vld [tilespmem:$0x30];
	_ =	sdelay $0x4  }
0x1d4: {  	v11 =	vshll.u32 v3, $0x1  }
0x1d5: {  	v3 =	vand.u32 $0x7, v3;
	v4 =	vand.u32 $0xFFFFFFF0, v11  }
0x1d6: {  	v3 =	vor.u32 v3, v4  }
0x1d7: {  	v4 =	vperm.xlane v3, v0;
	_ =	sdelay $0x1  }
0x1d8: {  	v3 =	vperm.xlane v3, v2;
	v4 =	vadd.s32 v1, v4;
	_ =	sdelay $0x1  }
0x1d9: {  	v3 =	vadd.s32 v1, v3;
	_ =	sdelay $0x2  }
0x1da: {  	[tilespmem:s21], [sflag:$0x1] =	stream.indirect_vreg.gather [hbm4b:s2+s3], $0x80, v4, vm0, $0xb8;
	[tilespmem:$0x8080] =	vst v63  }
0x1db: {  	_ = 	snop  }
0x1dc: {  	[tilespmem:s22], [sflag:$0x1] =	stream.indirect_vreg.gather [hbm4b:s2+s3], $0x80, v3, vm0, $0xb8;
	[tilespmem:$0x8080] =	vst v63  }
0x1dd: {  	v3 =	vld [tilespmem:$0x40];
	_ =	sdelay $0x4  }
0x1de: {  	v12 =	vshll.u32 v3, $0x1  }
0x1df: {  	v3 =	vand.u32 $0x7, v3;
	v4 =	vand.u32 $0xFFFFFFF0, v12  }
0x1e0: {  	v3 =	vor.u32 v3, v4  }
0x1e1: {  	v4 =	vperm.xlane v3, v0;
	_ =	sdelay $0x1  }
0x1e2: {  	v3 =	vperm.xlane v3, v2;
	v4 =	vadd.s32 v1, v4;
	_ =	sdelay $0x1  }
0x1e3: {  	v3 =	vadd.s32 v1, v3;
	_ =	sdelay $0x2  }
0x1e4: {  	[tilespmem:s23], [sflag:$0x1] =	stream.indirect_vreg.gather [hbm4b:s2+s3], $0x80, v4, vm0, $0xb8;
	[tilespmem:$0x8080] =	vst v63  }
0x1e5: {  	_ = 	snop  }
0x1e6: {  	[tilespmem:s24], [sflag:$0x1] =	stream.indirect_vreg.gather [hbm4b:s2+s3], $0x80, v3, vm0, $0xb8;
	[tilespmem:$0x8080] =	vst v63  }
0x1e7: {  	v3 =	vld [tilespmem:$0x50];
	_ =	sdelay $0x4  }
0x1e8: {  	v13 =	vshll.u32 v3, $0x1  }
0x1e9: {  	v3 =	vand.u32 $0x7, v3;
	v4 =	vand.u32 $0xFFFFFFF0, v13  }
0x1ea: {  	v3 =	vor.u32 v3, v4  }
0x1eb: {  	v4 =	vperm.xlane v3, v0;
	_ =	sdelay $0x1  }
0x1ec: {  	v3 =	vperm.xlane v3, v2;
	v4 =	vadd.s32 v1, v4;
	_ =	sdelay $0x1  }
0x1ed: {  	v3 =	vadd.s32 v1, v3;
	_ =	sdelay $0x2  }
0x1ee: {  	[tilespmem:s25], [sflag:$0x1] =	stream.indirect_vreg.gather [hbm4b:s2+s3], $0x80, v4, vm0, $0xb8;
	[tilespmem:$0x8080] =	vst v63  }
0x1ef: {  	_ = 	snop  }
0x1f0: {  	[tilespmem:s26], [sflag:$0x1] =	stream.indirect_vreg.gather [hbm4b:s2+s3], $0x80, v3, vm0, $0xb8;
	[tilespmem:$0x8080] =	vst v63  }
0x1f1: {  	v3 =	vld [tilespmem:$0x60];
	_ =	sdelay $0x4  }
0x1f2: {  	v14 =	vshll.u32 v3, $0x1  }
0x1f3: {  	v3 =	vand.u32 $0x7, v3;
	v4 =	vand.u32 $0xFFFFFFF0, v14  }
0x1f4: {  	v3 =	vor.u32 v3, v4  }
0x1f5: {  	v4 =	vperm.xlane v3, v0;
	_ =	sdelay $0x1  }
0x1f6: {  	v3 =	vperm.xlane v3, v2;
	v4 =	vadd.s32 v1, v4;
	_ =	sdelay $0x1  }
0x1f7: {  	v3 =	vadd.s32 v1, v3;
	_ =	sdelay $0x2  }
0x1f8: {  	[tilespmem:s28], [sflag:$0x1] =	stream.indirect_vreg.gather [hbm4b:s2+s3], $0x80, v4, vm0, $0xb8;
	[tilespmem:$0x8080] =	vst v63  }
0x1f9: {  	_ = 	snop  }
0x1fa: {  	[tilespmem:s29], [sflag:$0x1] =	stream.indirect_vreg.gather [hbm4b:s2+s3], $0x80, v3, vm0, $0xb8;
	[tilespmem:$0x8080] =	vst v63  }
0x1fb: {  	v3 =	vld [tilespmem:$0x70];
	_ =	sdelay $0x4  }
0x1fc: {  	v15 =	vshll.u32 v3, $0x1  }
0x1fd: {  	v3 =	vand.u32 $0x7, v3;
	v4 =	vand.u32 $0xFFFFFFF0, v15  }
0x1fe: {  	v3 =	vor.u32 v3, v4  }
0x1ff: {  	v4 =	vperm.xlane v3, v0;
	_ =	sdelay $0x1  }
0x200: {  	v3 =	vperm.xlane v3, v2;
	v4 =	vadd.s32 v1, v4;
	_ =	sdelay $0x1  }
0x201: {  	v3 =	vadd.s32 v1, v3;
	_ =	sdelay $0x2  }
0x202: {  	[tilespmem:s30], [sflag:$0x1] =	stream.indirect_vreg.gather [hbm4b:s2+s3], $0x80, v4, vm0, $0xb8;
	[tilespmem:$0x8080] =	vst v63  }
0x203: {  	_ = 	snop  }
0x204: {  	[tilespmem:s31], [sflag:$0x1] =	stream.indirect_vreg.gather [hbm4b:s2+s3], $0x80, v3, vm0, $0xb8;
	[tilespmem:$0x8080] =	vst v63  }
0x205: {  	_ =	swait.ge [sflag:s1], $0x8000  }
0x206: {  	[sflag:s1] =	ssyncset.done $0x0  }
0x207: {  	s0 =	rddreg [dreg:$0xc];
	[sflag:s1] =	ssyncadd.s32 $0xFFFF8000  }
0x208: {  	[hbm4b:s0+s3] =	stream.linear.scatter [tilespmem:s15], [sflag:$0x2], $0x8000, $0x38;
	[tilespmem:$0x8080] =	vst v63  }
0x209: {  	_ =	swait.ge [sflag:s14], $0x8000  }
0x20a: {  	[sflag:s14] =	ssyncset.done $0x0  }
0x20b: {  	s0 =	rddreg [dreg:$0xd];
	[sflag:s14] =	ssyncadd.s32 $0xFFFF8000  }
0x20c: {  	[tilespmem:s3], [sflag:$0x2] =	stream.linear.gather [hbm4b:s0+s3], $0x80, $0x38;
	[tilespmem:$0x8080] =	vst v63  }
0x20d: {  	_ =	swait.ge [sflag:s14], $0x80  }
0x20e: {  	[sflag:s14] =	ssyncset.done $0x0  }
0x20f: {  	[sflag:s14] =	ssyncadd.s32 $0xFFFFFF80  }
0x210: {  	v3 =	vld [tilespmem:$0x0];
	_ =	sdelay $0x4  }
0x211: {  	v16 =	vshll.u32 v3, $0x1  }
0x212: {  	v3 =	vand.u32 $0x7, v3;
	v4 =	vand.u32 $0xFFFFFFF0, v16  }
0x213: {  	v3 =	vor.u32 v3, v4  }
0x214: {  	v4 =	vperm.xlane v3, v0;
	_ =	sdelay $0x1  }
0x215: {  	v3 =	vperm.xlane v3, v2;
	v4 =	vadd.s32 v1, v4;
	_ =	sdelay $0x1  }
0x216: {  	v3 =	vadd.s32 v1, v3;
	_ =	sdelay $0x2  }
0x217: {  	[tilespmem:s15], [sflag:$0x1] =	stream.indirect_vreg.gather [hbm4b:s2+s3], $0x80, v4, vm0, $0xb8;
	[tilespmem:$0x8080] =	vst v63  }
0x218: {  	_ = 	snop  }
0x219: {  	[tilespmem:s16], [sflag:$0x1] =	stream.indirect_vreg.gather [hbm4b:s2+s3], $0x80, v3, vm0, $0xb8;
	[tilespmem:$0x8080] =	vst v63  }
0x21a: {  	v3 =	vld [tilespmem:$0x10];
	_ =	sdelay $0x4  }
0x21b: {  	v17 =	vshll.u32 v3, $0x1  }
0x21c: {  	v3 =	vand.u32 $0x7, v3;
	v4 =	vand.u32 $0xFFFFFFF0, v17  }
0x21d: {  	v3 =	vor.u32 v3, v4  }
0x21e: {  	v4 =	vperm.xlane v3, v0;
	_ =	sdelay $0x1  }
0x21f: {  	v3 =	vperm.xlane v3, v2;
	v4 =	vadd.s32 v1, v4;
	_ =	sdelay $0x1  }
0x220: {  	v3 =	vadd.s32 v1, v3;
	_ =	sdelay $0x2  }
0x221: {  	[tilespmem:s17], [sflag:$0x1] =	stream.indirect_vreg.gather [hbm4b:s2+s3], $0x80, v4, vm0, $0xb8;
	[tilespmem:$0x8080] =	vst v63  }
0x222: {  	_ = 	snop  }
0x223: {  	[tilespmem:s18], [sflag:$0x1] =	stream.indirect_vreg.gather [hbm4b:s2+s3], $0x80, v3, vm0, $0xb8;
	[tilespmem:$0x8080] =	vst v63  }
0x224: {  	v3 =	vld [tilespmem:$0x20];
	_ =	sdelay $0x4  }
0x225: {  	v18 =	vshll.u32 v3, $0x1  }
0x226: {  	v3 =	vand.u32 $0x7, v3;
	v4 =	vand.u32 $0xFFFFFFF0, v18  }
0x227: {  	v3 =	vor.u32 v3, v4  }
0x228: {  	v4 =	vperm.xlane v3, v0;
	_ =	sdelay $0x1  }
0x229: {  	v3 =	vperm.xlane v3, v2;
	v4 =	vadd.s32 v1, v4;
	_ =	sdelay $0x1  }
0x22a: {  	v3 =	vadd.s32 v1, v3;
	_ =	sdelay $0x2  }
0x22b: {  	[tilespmem:s19], [sflag:$0x1] =	stream.indirect_vreg.gather [hbm4b:s2+s3], $0x80, v4, vm0, $0xb8;
	[tilespmem:$0x8080] =	vst v63  }
0x22c: {  	_ = 	snop  }
0x22d: {  	[tilespmem:s20], [sflag:$0x1] =	stream.indirect_vreg.gather [hbm4b:s2+s3], $0x80, v3, vm0, $0xb8;
	[tilespmem:$0x8080] =	vst v63  }
0x22e: {  	v3 =	vld [tilespmem:$0x30];
	_ =	sdelay $0x4  }
0x22f: {  	v19 =	vshll.u32 v3, $0x1  }
0x230: {  	v3 =	vand.u32 $0x7, v3;
	v4 =	vand.u32 $0xFFFFFFF0, v19  }
0x231: {  	v3 =	vor.u32 v3, v4  }
0x232: {  	v4 =	vperm.xlane v3, v0;
	_ =	sdelay $0x1  }
0x233: {  	v3 =	vperm.xlane v3, v2;
	v4 =	vadd.s32 v1, v4;
	_ =	sdelay $0x1  }
0x234: {  	v3 =	vadd.s32 v1, v3;
	_ =	sdelay $0x2  }
0x235: {  	[tilespmem:s21], [sflag:$0x1] =	stream.indirect_vreg.gather [hbm4b:s2+s3], $0x80, v4, vm0, $0xb8;
	[tilespmem:$0x8080] =	vst v63  }
0x236: {  	_ = 	snop  }
0x237: {  	[tilespmem:s22], [sflag:$0x1] =	stream.indirect_vreg.gather [hbm4b:s2+s3], $0x80, v3, vm0, $0xb8;
	[tilespmem:$0x8080] =	vst v63  }
0x238: {  	v3 =	vld [tilespmem:$0x40];
	_ =	sdelay $0x4  }
0x239: {  	v20 =	vshll.u32 v3, $0x1  }
0x23a: {  	v3 =	vand.u32 $0x7, v3;
	v4 =	vand.u32 $0xFFFFFFF0, v20  }
0x23b: {  	v3 =	vor.u32 v3, v4  }
0x23c: {  	v4 =	vperm.xlane v3, v0;
	_ =	sdelay $0x1  }
0x23d: {  	v3 =	vperm.xlane v3, v2;
	v4 =	vadd.s32 v1, v4;
	_ =	sdelay $0x1  }
0x23e: {  	v3 =	vadd.s32 v1, v3;
	_ =	sdelay $0x2  }
0x23f: {  	[tilespmem:s23], [sflag:$0x1] =	stream.indirect_vreg.gather [hbm4b:s2+s3], $0x80, v4, vm0, $0xb8;
	[tilespmem:$0x8080] =	vst v63  }
0x240: {  	_ = 	snop  }
0x241: {  	[tilespmem:s24], [sflag:$0x1] =	stream.indirect_vreg.gather [hbm4b:s2+s3], $0x80, v3, vm0, $0xb8;
	[tilespmem:$0x8080] =	vst v63  }
0x242: {  	v3 =	vld [tilespmem:$0x50];
	_ =	sdelay $0x4  }
0x243: {  	v21 =	vshll.u32 v3, $0x1  }
0x244: {  	v3 =	vand.u32 $0x7, v3;
	v4 =	vand.u32 $0xFFFFFFF0, v21  }
0x245: {  	v3 =	vor.u32 v3, v4  }
0x246: {  	v4 =	vperm.xlane v3, v0;
	_ =	sdelay $0x1  }
0x247: {  	v3 =	vperm.xlane v3, v2;
	v4 =	vadd.s32 v1, v4;
	_ =	sdelay $0x1  }
0x248: {  	v3 =	vadd.s32 v1, v3;
	_ =	sdelay $0x2  }
0x249: {  	[tilespmem:s25], [sflag:$0x1] =	stream.indirect_vreg.gather [hbm4b:s2+s3], $0x80, v4, vm0, $0xb8;
	[tilespmem:$0x8080] =	vst v63  }
0x24a: {  	_ = 	snop  }
0x24b: {  	[tilespmem:s26], [sflag:$0x1] =	stream.indirect_vreg.gather [hbm4b:s2+s3], $0x80, v3, vm0, $0xb8;
	[tilespmem:$0x8080] =	vst v63  }
0x24c: {  	v3 =	vld [tilespmem:$0x60];
	_ =	sdelay $0x4  }
0x24d: {  	v22 =	vshll.u32 v3, $0x1  }
0x24e: {  	v3 =	vand.u32 $0x7, v3;
	v4 =	vand.u32 $0xFFFFFFF0, v22  }
0x24f: {  	v3 =	vor.u32 v3, v4  }
0x250: {  	v4 =	vperm.xlane v3, v0;
	_ =	sdelay $0x1  }
0x251: {  	v3 =	vperm.xlane v3, v2;
	v4 =	vadd.s32 v1, v4;
	_ =	sdelay $0x1  }
0x252: {  	v3 =	vadd.s32 v1, v3;
	_ =	sdelay $0x2  }
0x253: {  	[tilespmem:s28], [sflag:$0x1] =	stream.indirect_vreg.gather [hbm4b:s2+s3], $0x80, v4, vm0, $0xb8;
	[tilespmem:$0x8080] =	vst v63  }
0x254: {  	_ = 	snop  }
0x255: {  	[tilespmem:s29], [sflag:$0x1] =	stream.indirect_vreg.gather [hbm4b:s2+s3], $0x80, v3, vm0, $0xb8;
	[tilespmem:$0x8080] =	vst v63  }
0x256: {  	v3 =	vld [tilespmem:$0x70];
	_ =	sdelay $0x4  }
0x257: {  	v23 =	vshll.u32 v3, $0x1  }
0x258: {  	v3 =	vand.u32 $0x7, v3;
	v4 =	vand.u32 $0xFFFFFFF0, v23  }
0x259: {  	v3 =	vor.u32 v3, v4  }
0x25a: {  	v4 =	vperm.xlane v3, v0;
	_ =	sdelay $0x1  }
0x25b: {  	v3 =	vperm.xlane v3, v2;
	v4 =	vadd.s32 v1, v4;
	_ =	sdelay $0x1  }
0x25c: {  	v3 =	vadd.s32 v1, v3;
	_ =	sdelay $0x2  }
0x25d: {  	[tilespmem:s30], [sflag:$0x1] =	stream.indirect_vreg.gather [hbm4b:s2+s3], $0x80, v4, vm0, $0xb8;
	[tilespmem:$0x8080] =	vst v63  }
0x25e: {  	_ = 	snop  }
0x25f: {  	[tilespmem:s31], [sflag:$0x1] =	stream.indirect_vreg.gather [hbm4b:s2+s3], $0x80, v3, vm0, $0xb8;
	[tilespmem:$0x8080] =	vst v63  }
0x260: {  	_ =	swait.ge [sflag:s1], $0x8000  }
0x261: {  	[sflag:s1] =	ssyncset.done $0x0  }
0x262: {  	s0 =	rddreg [dreg:$0xe];
	[sflag:s1] =	ssyncadd.s32 $0xFFFF8000  }
0x263: {  	[hbm4b:s0+s3] =	stream.linear.scatter [tilespmem:s15], [sflag:$0x2], $0x8000, $0x38;
	[tilespmem:$0x8080] =	vst v63  }
0x264: {  	_ =	swait.ge [sflag:s14], $0x8000  }
0x265: {  	[sflag:s14] =	ssyncset.done $0x0  }
0x266: {  	s0 =	rddreg [dreg:$0xf];
	[sflag:s14] =	ssyncadd.s32 $0xFFFF8000  }
0x267: {  	[tilespmem:s3], [sflag:$0x2] =	stream.linear.gather [hbm4b:s0+s3], $0x80, $0x38;
	[tilespmem:$0x8080] =	vst v63  }
0x268: {  	_ =	swait.ge [sflag:s14], $0x80  }
0x269: {  	[sflag:s14] =	ssyncset.done $0x0  }
0x26a: {  	[sflag:s14] =	ssyncadd.s32 $0xFFFFFF80  }
0x26b: {  	v3 =	vld [tilespmem:$0x0];
	_ =	sdelay $0x4  }
0x26c: {  	v24 =	vshll.u32 v3, $0x1  }
0x26d: {  	v3 =	vand.u32 $0x7, v3;
	v4 =	vand.u32 $0xFFFFFFF0, v24  }
0x26e: {  	v3 =	vor.u32 v3, v4  }
0x26f: {  	v4 =	vperm.xlane v3, v0;
	_ =	sdelay $0x1  }
0x270: {  	v3 =	vperm.xlane v3, v2;
	v4 =	vadd.s32 v1, v4;
	_ =	sdelay $0x1  }
0x271: {  	v3 =	vadd.s32 v1, v3;
	_ =	sdelay $0x2  }
0x272: {  	[tilespmem:s15], [sflag:$0x1] =	stream.indirect_vreg.gather [hbm4b:s2+s3], $0x80, v4, vm0, $0xb8;
	[tilespmem:$0x8080] =	vst v63  }
0x273: {  	_ = 	snop  }
0x274: {  	[tilespmem:s16], [sflag:$0x1] =	stream.indirect_vreg.gather [hbm4b:s2+s3], $0x80, v3, vm0, $0xb8;
	[tilespmem:$0x8080] =	vst v63  }
0x275: {  	v3 =	vld [tilespmem:$0x10];
	_ =	sdelay $0x4  }
0x276: {  	v25 =	vshll.u32 v3, $0x1  }
0x277: {  	v3 =	vand.u32 $0x7, v3;
	v4 =	vand.u32 $0xFFFFFFF0, v25  }
0x278: {  	v3 =	vor.u32 v3, v4  }
0x279: {  	v4 =	vperm.xlane v3, v0;
	_ =	sdelay $0x1  }
0x27a: {  	v3 =	vperm.xlane v3, v2;
	v4 =	vadd.s32 v1, v4;
	_ =	sdelay $0x1  }
0x27b: {  	v3 =	vadd.s32 v1, v3;
	_ =	sdelay $0x2  }
0x27c: {  	[tilespmem:s17], [sflag:$0x1] =	stream.indirect_vreg.gather [hbm4b:s2+s3], $0x80, v4, vm0, $0xb8;
	[tilespmem:$0x8080] =	vst v63  }
0x27d: {  	_ = 	snop  }
0x27e: {  	[tilespmem:s18], [sflag:$0x1] =	stream.indirect_vreg.gather [hbm4b:s2+s3], $0x80, v3, vm0, $0xb8;
	[tilespmem:$0x8080] =	vst v63  }
0x27f: {  	v3 =	vld [tilespmem:$0x20];
	_ =	sdelay $0x4  }
0x280: {  	v26 =	vshll.u32 v3, $0x1  }
0x281: {  	v3 =	vand.u32 $0x7, v3;
	v4 =	vand.u32 $0xFFFFFFF0, v26  }
0x282: {  	v3 =	vor.u32 v3, v4  }
0x283: {  	v4 =	vperm.xlane v3, v0;
	_ =	sdelay $0x1  }
0x284: {  	v3 =	vperm.xlane v3, v2;
	v4 =	vadd.s32 v1, v4;
	_ =	sdelay $0x1  }
0x285: {  	v3 =	vadd.s32 v1, v3;
	_ =	sdelay $0x2  }
0x286: {  	[tilespmem:s19], [sflag:$0x1] =	stream.indirect_vreg.gather [hbm4b:s2+s3], $0x80, v4, vm0, $0xb8;
	[tilespmem:$0x8080] =	vst v63  }
0x287: {  	_ = 	snop  }
0x288: {  	[tilespmem:s20], [sflag:$0x1] =	stream.indirect_vreg.gather [hbm4b:s2+s3], $0x80, v3, vm0, $0xb8;
	[tilespmem:$0x8080] =	vst v63  }
0x289: {  	v3 =	vld [tilespmem:$0x30];
	_ =	sdelay $0x4  }
0x28a: {  	v27 =	vshll.u32 v3, $0x1  }
0x28b: {  	v3 =	vand.u32 $0x7, v3;
	v4 =	vand.u32 $0xFFFFFFF0, v27  }
0x28c: {  	v3 =	vor.u32 v3, v4  }
0x28d: {  	v4 =	vperm.xlane v3, v0;
	_ =	sdelay $0x1  }
0x28e: {  	v3 =	vperm.xlane v3, v2;
	v4 =	vadd.s32 v1, v4;
	_ =	sdelay $0x1  }
0x28f: {  	v3 =	vadd.s32 v1, v3;
	_ =	sdelay $0x2  }
0x290: {  	[tilespmem:s21], [sflag:$0x1] =	stream.indirect_vreg.gather [hbm4b:s2+s3], $0x80, v4, vm0, $0xb8;
	[tilespmem:$0x8080] =	vst v63  }
0x291: {  	_ = 	snop  }
0x292: {  	[tilespmem:s22], [sflag:$0x1] =	stream.indirect_vreg.gather [hbm4b:s2+s3], $0x80, v3, vm0, $0xb8;
	[tilespmem:$0x8080] =	vst v63  }
0x293: {  	v3 =	vld [tilespmem:$0x40];
	_ =	sdelay $0x4  }
0x294: {  	v28 =	vshll.u32 v3, $0x1  }
0x295: {  	v3 =	vand.u32 $0x7, v3;
	v4 =	vand.u32 $0xFFFFFFF0, v28  }
0x296: {  	v3 =	vor.u32 v3, v4  }
0x297: {  	v4 =	vperm.xlane v3, v0;
	_ =	sdelay $0x1  }
0x298: {  	v3 =	vperm.xlane v3, v2;
	v4 =	vadd.s32 v1, v4;
	_ =	sdelay $0x1  }
0x299: {  	v3 =	vadd.s32 v1, v3;
	_ =	sdelay $0x2  }
0x29a: {  	[tilespmem:s23], [sflag:$0x1] =	stream.indirect_vreg.gather [hbm4b:s2+s3], $0x80, v4, vm0, $0xb8;
	[tilespmem:$0x8080] =	vst v63  }
0x29b: {  	_ = 	snop  }
0x29c: {  	[tilespmem:s24], [sflag:$0x1] =	stream.indirect_vreg.gather [hbm4b:s2+s3], $0x80, v3, vm0, $0xb8;
	[tilespmem:$0x8080] =	vst v63  }
0x29d: {  	v3 =	vld [tilespmem:$0x50];
	_ =	sdelay $0x4  }
0x29e: {  	v29 =	vshll.u32 v3, $0x1  }
0x29f: {  	v3 =	vand.u32 $0x7, v3;
	v4 =	vand.u32 $0xFFFFFFF0, v29  }
0x2a0: {  	v3 =	vor.u32 v3, v4  }
0x2a1: {  	v4 =	vperm.xlane v3, v0;
	_ =	sdelay $0x1  }
0x2a2: {  	v3 =	vperm.xlane v3, v2;
	v4 =	vadd.s32 v1, v4;
	_ =	sdelay $0x1  }
0x2a3: {  	v3 =	vadd.s32 v1, v3;
	_ =	sdelay $0x2  }
0x2a4: {  	[tilespmem:s25], [sflag:$0x1] =	stream.indirect_vreg.gather [hbm4b:s2+s3], $0x80, v4, vm0, $0xb8;
	[tilespmem:$0x8080] =	vst v63  }
0x2a5: {  	_ = 	snop  }
0x2a6: {  	[tilespmem:s26], [sflag:$0x1] =	stream.indirect_vreg.gather [hbm4b:s2+s3], $0x80, v3, vm0, $0xb8;
	[tilespmem:$0x8080] =	vst v63  }
0x2a7: {  	v3 =	vld [tilespmem:$0x60];
	_ =	sdelay $0x4  }
0x2a8: {  	v30 =	vshll.u32 v3, $0x1  }
0x2a9: {  	v3 =	vand.u32 $0x7, v3;
	v4 =	vand.u32 $0xFFFFFFF0, v30  }
0x2aa: {  	v3 =	vor.u32 v3, v4  }
0x2ab: {  	v4 =	vperm.xlane v3, v0;
	_ =	sdelay $0x1  }
0x2ac: {  	v3 =	vperm.xlane v3, v2;
	v4 =	vadd.s32 v1, v4;
	_ =	sdelay $0x1  }
0x2ad: {  	v3 =	vadd.s32 v1, v3;
	_ =	sdelay $0x2  }
0x2ae: {  	[tilespmem:s28], [sflag:$0x1] =	stream.indirect_vreg.gather [hbm4b:s2+s3], $0x80, v4, vm0, $0xb8;
	[tilespmem:$0x8080] =	vst v63  }
0x2af: {  	_ = 	snop  }
0x2b0: {  	[tilespmem:s29], [sflag:$0x1] =	stream.indirect_vreg.gather [hbm4b:s2+s3], $0x80, v3, vm0, $0xb8;
	[tilespmem:$0x8080] =	vst v63  }
0x2b1: {  	v3 =	vld [tilespmem:$0x70];
	_ =	sdelay $0x4  }
0x2b2: {  	v31 =	vshll.u32 v3, $0x1  }
0x2b3: {  	v3 =	vand.u32 $0x7, v3;
	v4 =	vand.u32 $0xFFFFFFF0, v31  }
0x2b4: {  	v3 =	vor.u32 v3, v4  }
0x2b5: {  	v4 =	vperm.xlane v3, v0;
	_ =	sdelay $0x1  }
0x2b6: {  	v3 =	vperm.xlane v3, v2;
	v4 =	vadd.s32 v1, v4;
	_ =	sdelay $0x1  }
0x2b7: {  	v3 =	vadd.s32 v1, v3;
	_ =	sdelay $0x2  }
0x2b8: {  	[tilespmem:s30], [sflag:$0x1] =	stream.indirect_vreg.gather [hbm4b:s2+s3], $0x80, v4, vm0, $0xb8;
	[tilespmem:$0x8080] =	vst v63  }
0x2b9: {  	_ = 	snop  }
0x2ba: {  	[tilespmem:s31], [sflag:$0x1] =	stream.indirect_vreg.gather [hbm4b:s2+s3], $0x80, v3, vm0, $0xb8;
	[tilespmem:$0x8080] =	vst v63  }
0x2bb: {  	_ =	swait.ge [sflag:s1], $0x8000  }
0x2bc: {  	[sflag:s1] =	ssyncset.done $0x0  }
0x2bd: {  	s0 =	rddreg [dreg:$0x10];
	[sflag:s1] =	ssyncadd.s32 $0xFFFF8000  }
0x2be: {  	[hbm4b:s0+s3] =	stream.linear.scatter [tilespmem:s15], [sflag:$0x2], $0x8000, $0x38;
	[tilespmem:$0x8080] =	vst v63  }
0x2bf: {  	_ =	swait.ge [sflag:s14], $0x8000  }
0x2c0: {  	[sflag:s14] =	ssyncset.done $0x0  }
0x2c1: {  	s0 =	rddreg [dreg:$0x11];
	[sflag:s14] =	ssyncadd.s32 $0xFFFF8000  }
0x2c2: {  	[tilespmem:s3], [sflag:$0x2] =	stream.linear.gather [hbm4b:s0+s3], $0x80, $0x38;
	[tilespmem:$0x8080] =	vst v63  }
0x2c3: {  	_ =	swait.ge [sflag:s14], $0x80  }
0x2c4: {  	[sflag:s14] =	ssyncset.done $0x0  }
0x2c5: {  	[sflag:s14] =	ssyncadd.s32 $0xFFFFFF80  }
0x2c6: {  	v3 =	vld [tilespmem:$0x0];
	_ =	sdelay $0x4  }
0x2c7: {  	v32 =	vshll.u32 v3, $0x1  }
0x2c8: {  	v3 =	vand.u32 $0x7, v3;
	v4 =	vand.u32 $0xFFFFFFF0, v32  }
0x2c9: {  	v3 =	vor.u32 v3, v4  }
0x2ca: {  	v4 =	vperm.xlane v3, v0;
	_ =	sdelay $0x1  }
0x2cb: {  	v3 =	vperm.xlane v3, v2;
	v4 =	vadd.s32 v1, v4;
	_ =	sdelay $0x1  }
0x2cc: {  	v3 =	vadd.s32 v1, v3;
	_ =	sdelay $0x2  }
0x2cd: {  	[tilespmem:s15], [sflag:$0x1] =	stream.indirect_vreg.gather [hbm4b:s2+s3], $0x80, v4, vm0, $0xb8;
	[tilespmem:$0x8080] =	vst v63  }
0x2ce: {  	_ = 	snop  }
0x2cf: {  	[tilespmem:s16], [sflag:$0x1] =	stream.indirect_vreg.gather [hbm4b:s2+s3], $0x80, v3, vm0, $0xb8;
	[tilespmem:$0x8080] =	vst v63  }
0x2d0: {  	v3 =	vld [tilespmem:$0x10];
	_ =	sdelay $0x4  }
0x2d1: {  	v33 =	vshll.u32 v3, $0x1  }
0x2d2: {  	v3 =	vand.u32 $0x7, v3;
	v4 =	vand.u32 $0xFFFFFFF0, v33  }
0x2d3: {  	v3 =	vor.u32 v3, v4  }
0x2d4: {  	v4 =	vperm.xlane v3, v0;
	_ =	sdelay $0x1  }
0x2d5: {  	v3 =	vperm.xlane v3, v2;
	v4 =	vadd.s32 v1, v4;
	_ =	sdelay $0x1  }
0x2d6: {  	v3 =	vadd.s32 v1, v3;
	_ =	sdelay $0x2  }
0x2d7: {  	[tilespmem:s17], [sflag:$0x1] =	stream.indirect_vreg.gather [hbm4b:s2+s3], $0x80, v4, vm0, $0xb8;
	[tilespmem:$0x8080] =	vst v63  }
0x2d8: {  	_ = 	snop  }
0x2d9: {  	[tilespmem:s18], [sflag:$0x1] =	stream.indirect_vreg.gather [hbm4b:s2+s3], $0x80, v3, vm0, $0xb8;
	[tilespmem:$0x8080] =	vst v63  }
0x2da: {  	v3 =	vld [tilespmem:$0x20];
	_ =	sdelay $0x4  }
0x2db: {  	v34 =	vshll.u32 v3, $0x1  }
0x2dc: {  	v3 =	vand.u32 $0x7, v3;
	v4 =	vand.u32 $0xFFFFFFF0, v34  }
0x2dd: {  	v3 =	vor.u32 v3, v4  }
0x2de: {  	v4 =	vperm.xlane v3, v0;
	_ =	sdelay $0x1  }
0x2df: {  	v3 =	vperm.xlane v3, v2;
	v4 =	vadd.s32 v1, v4;
	_ =	sdelay $0x1  }
0x2e0: {  	v3 =	vadd.s32 v1, v3;
	_ =	sdelay $0x2  }
0x2e1: {  	[tilespmem:s19], [sflag:$0x1] =	stream.indirect_vreg.gather [hbm4b:s2+s3], $0x80, v4, vm0, $0xb8;
	[tilespmem:$0x8080] =	vst v63  }
0x2e2: {  	_ = 	snop  }
0x2e3: {  	[tilespmem:s20], [sflag:$0x1] =	stream.indirect_vreg.gather [hbm4b:s2+s3], $0x80, v3, vm0, $0xb8;
	[tilespmem:$0x8080] =	vst v63  }
0x2e4: {  	v3 =	vld [tilespmem:$0x30];
	_ =	sdelay $0x4  }
0x2e5: {  	v35 =	vshll.u32 v3, $0x1  }
0x2e6: {  	v3 =	vand.u32 $0x7, v3;
	v4 =	vand.u32 $0xFFFFFFF0, v35  }
0x2e7: {  	v3 =	vor.u32 v3, v4  }
0x2e8: {  	v4 =	vperm.xlane v3, v0;
	_ =	sdelay $0x1  }
0x2e9: {  	v3 =	vperm.xlane v3, v2;
	v4 =	vadd.s32 v1, v4;
	_ =	sdelay $0x1  }
0x2ea: {  	v3 =	vadd.s32 v1, v3;
	_ =	sdelay $0x2  }
0x2eb: {  	[tilespmem:s21], [sflag:$0x1] =	stream.indirect_vreg.gather [hbm4b:s2+s3], $0x80, v4, vm0, $0xb8;
	[tilespmem:$0x8080] =	vst v63  }
0x2ec: {  	_ = 	snop  }
0x2ed: {  	[tilespmem:s22], [sflag:$0x1] =	stream.indirect_vreg.gather [hbm4b:s2+s3], $0x80, v3, vm0, $0xb8;
	[tilespmem:$0x8080] =	vst v63  }
0x2ee: {  	v3 =	vld [tilespmem:$0x40];
	_ =	sdelay $0x4  }
0x2ef: {  	v36 =	vshll.u32 v3, $0x1  }
0x2f0: {  	v3 =	vand.u32 $0x7, v3;
	v4 =	vand.u32 $0xFFFFFFF0, v36  }
0x2f1: {  	v3 =	vor.u32 v3, v4  }
0x2f2: {  	v4 =	vperm.xlane v3, v0;
	_ =	sdelay $0x1  }
0x2f3: {  	v3 =	vperm.xlane v3, v2;
	v4 =	vadd.s32 v1, v4;
	_ =	sdelay $0x1  }
0x2f4: {  	v3 =	vadd.s32 v1, v3;
	_ =	sdelay $0x2  }
0x2f5: {  	[tilespmem:s23], [sflag:$0x1] =	stream.indirect_vreg.gather [hbm4b:s2+s3], $0x80, v4, vm0, $0xb8;
	[tilespmem:$0x8080] =	vst v63  }
0x2f6: {  	_ = 	snop  }
0x2f7: {  	[tilespmem:s24], [sflag:$0x1] =	stream.indirect_vreg.gather [hbm4b:s2+s3], $0x80, v3, vm0, $0xb8;
	[tilespmem:$0x8080] =	vst v63  }
0x2f8: {  	v3 =	vld [tilespmem:$0x50];
	_ =	sdelay $0x4  }
0x2f9: {  	v37 =	vshll.u32 v3, $0x1  }
0x2fa: {  	v3 =	vand.u32 $0x7, v3;
	v4 =	vand.u32 $0xFFFFFFF0, v37  }
0x2fb: {  	v3 =	vor.u32 v3, v4  }
0x2fc: {  	v4 =	vperm.xlane v3, v0;
	_ =	sdelay $0x1  }
0x2fd: {  	v3 =	vperm.xlane v3, v2;
	v4 =	vadd.s32 v1, v4;
	_ =	sdelay $0x1  }
0x2fe: {  	v3 =	vadd.s32 v1, v3;
	_ =	sdelay $0x2  }
0x2ff: {  	[tilespmem:s25], [sflag:$0x1] =	stream.indirect_vreg.gather [hbm4b:s2+s3], $0x80, v4, vm0, $0xb8;
	[tilespmem:$0x8080] =	vst v63  }
0x300: {  	_ = 	snop  }
0x301: {  	[tilespmem:s26], [sflag:$0x1] =	stream.indirect_vreg.gather [hbm4b:s2+s3], $0x80, v3, vm0, $0xb8;
	[tilespmem:$0x8080] =	vst v63  }
0x302: {  	v3 =	vld [tilespmem:$0x60];
	_ =	sdelay $0x4  }
0x303: {  	v38 =	vshll.u32 v3, $0x1  }
0x304: {  	v3 =	vand.u32 $0x7, v3;
	v4 =	vand.u32 $0xFFFFFFF0, v38  }
0x305: {  	v3 =	vor.u32 v3, v4  }
0x306: {  	v4 =	vperm.xlane v3, v0;
	_ =	sdelay $0x1  }
0x307: {  	v3 =	vperm.xlane v3, v2;
	v4 =	vadd.s32 v1, v4;
	_ =	sdelay $0x1  }
0x308: {  	v3 =	vadd.s32 v1, v3;
	_ =	sdelay $0x2  }
0x309: {  	[tilespmem:s28], [sflag:$0x1] =	stream.indirect_vreg.gather [hbm4b:s2+s3], $0x80, v4, vm0, $0xb8;
	[tilespmem:$0x8080] =	vst v63  }
0x30a: {  	_ = 	snop  }
0x30b: {  	[tilespmem:s29], [sflag:$0x1] =	stream.indirect_vreg.gather [hbm4b:s2+s3], $0x80, v3, vm0, $0xb8;
	[tilespmem:$0x8080] =	vst v63  }
0x30c: {  	v3 =	vld [tilespmem:$0x70];
	_ =	sdelay $0x4  }
0x30d: {  	v39 =	vshll.u32 v3, $0x1  }
0x30e: {  	v3 =	vand.u32 $0x7, v3;
	v4 =	vand.u32 $0xFFFFFFF0, v39  }
0x30f: {  	v3 =	vor.u32 v3, v4  }
0x310: {  	v4 =	vperm.xlane v3, v0;
	_ =	sdelay $0x1  }
0x311: {  	v3 =	vperm.xlane v3, v2;
	v4 =	vadd.s32 v1, v4;
	_ =	sdelay $0x1  }
0x312: {  	v3 =	vadd.s32 v1, v3;
	_ =	sdelay $0x2  }
0x313: {  	[tilespmem:s30], [sflag:$0x1] =	stream.indirect_vreg.gather [hbm4b:s2+s3], $0x80, v4, vm0, $0xb8;
	[tilespmem:$0x8080] =	vst v63  }
0x314: {  	_ = 	snop  }
0x315: {  	[tilespmem:s31], [sflag:$0x1] =	stream.indirect_vreg.gather [hbm4b:s2+s3], $0x80, v3, vm0, $0xb8;
	[tilespmem:$0x8080] =	vst v63  }
0x316: {  	_ =	swait.ge [sflag:s1], $0x8000  }
0x317: {  	[sflag:s1] =	ssyncset.done $0x0  }
0x318: {  	s0 =	rddreg [dreg:$0x12];
	[sflag:s1] =	ssyncadd.s32 $0xFFFF8000  }
0x319: {  	[hbm4b:s0+s3] =	stream.linear.scatter [tilespmem:s15], [sflag:$0x2], $0x8000, $0x38;
	[tilespmem:$0x8080] =	vst v63  }
0x31a: {  	_ =	swait.ge [sflag:s14], $0x8000  }
0x31b: {  	[sflag:s14] =	ssyncset.done $0x0  }
0x31c: {  	s0 =	rddreg [dreg:$0x13];
	[sflag:s14] =	ssyncadd.s32 $0xFFFF8000  }
0x31d: {  	[tilespmem:s3], [sflag:$0x2] =	stream.linear.gather [hbm4b:s0+s3], $0x80, $0x38;
	[tilespmem:$0x8080] =	vst v63  }
0x31e: {  	_ =	swait.ge [sflag:s14], $0x80  }
0x31f: {  	[sflag:s14] =	ssyncset.done $0x0  }
0x320: {  	[sflag:s14] =	ssyncadd.s32 $0xFFFFFF80  }
0x321: {  	v3 =	vld [tilespmem:$0x0];
	_ =	sdelay $0x4  }
0x322: {  	v40 =	vshll.u32 v3, $0x1  }
0x323: {  	v3 =	vand.u32 $0x7, v3;
	v4 =	vand.u32 $0xFFFFFFF0, v40  }
0x324: {  	v3 =	vor.u32 v3, v4  }
0x325: {  	v4 =	vperm.xlane v3, v0;
	_ =	sdelay $0x1  }
0x326: {  	v3 =	vperm.xlane v3, v2;
	v4 =	vadd.s32 v1, v4;
	_ =	sdelay $0x1  }
0x327: {  	v3 =	vadd.s32 v1, v3;
	_ =	sdelay $0x2  }
0x328: {  	[tilespmem:s15], [sflag:$0x1] =	stream.indirect_vreg.gather [hbm4b:s2+s3], $0x80, v4, vm0, $0xb8;
	[tilespmem:$0x8080] =	vst v63  }
0x329: {  	_ = 	snop  }
0x32a: {  	[tilespmem:s16], [sflag:$0x1] =	stream.indirect_vreg.gather [hbm4b:s2+s3], $0x80, v3, vm0, $0xb8;
	[tilespmem:$0x8080] =	vst v63  }
0x32b: {  	v3 =	vld [tilespmem:$0x10];
	_ =	sdelay $0x4  }
0x32c: {  	v41 =	vshll.u32 v3, $0x1  }
0x32d: {  	v3 =	vand.u32 $0x7, v3;
	v4 =	vand.u32 $0xFFFFFFF0, v41  }
0x32e: {  	v3 =	vor.u32 v3, v4  }
0x32f: {  	v4 =	vperm.xlane v3, v0;
	_ =	sdelay $0x1  }
0x330: {  	v3 =	vperm.xlane v3, v2;
	v4 =	vadd.s32 v1, v4;
	_ =	sdelay $0x1  }
0x331: {  	v3 =	vadd.s32 v1, v3;
	_ =	sdelay $0x2  }
0x332: {  	[tilespmem:s17], [sflag:$0x1] =	stream.indirect_vreg.gather [hbm4b:s2+s3], $0x80, v4, vm0, $0xb8;
	[tilespmem:$0x8080] =	vst v63  }
0x333: {  	_ = 	snop  }
0x334: {  	[tilespmem:s18], [sflag:$0x1] =	stream.indirect_vreg.gather [hbm4b:s2+s3], $0x80, v3, vm0, $0xb8;
	[tilespmem:$0x8080] =	vst v63  }
0x335: {  	v3 =	vld [tilespmem:$0x20];
	_ =	sdelay $0x4  }
0x336: {  	v42 =	vshll.u32 v3, $0x1  }
0x337: {  	v3 =	vand.u32 $0x7, v3;
	v4 =	vand.u32 $0xFFFFFFF0, v42  }
0x338: {  	v3 =	vor.u32 v3, v4  }
0x339: {  	v4 =	vperm.xlane v3, v0;
	_ =	sdelay $0x1  }
0x33a: {  	v3 =	vperm.xlane v3, v2;
	v4 =	vadd.s32 v1, v4;
	_ =	sdelay $0x1  }
0x33b: {  	v3 =	vadd.s32 v1, v3;
	_ =	sdelay $0x2  }
0x33c: {  	[tilespmem:s19], [sflag:$0x1] =	stream.indirect_vreg.gather [hbm4b:s2+s3], $0x80, v4, vm0, $0xb8;
	[tilespmem:$0x8080] =	vst v63  }
0x33d: {  	_ = 	snop  }
0x33e: {  	[tilespmem:s20], [sflag:$0x1] =	stream.indirect_vreg.gather [hbm4b:s2+s3], $0x80, v3, vm0, $0xb8;
	[tilespmem:$0x8080] =	vst v63  }
0x33f: {  	v3 =	vld [tilespmem:$0x30];
	_ =	sdelay $0x4  }
0x340: {  	v43 =	vshll.u32 v3, $0x1  }
0x341: {  	v3 =	vand.u32 $0x7, v3;
	v4 =	vand.u32 $0xFFFFFFF0, v43  }
0x342: {  	v3 =	vor.u32 v3, v4  }
0x343: {  	v4 =	vperm.xlane v3, v0;
	_ =	sdelay $0x1  }
0x344: {  	v3 =	vperm.xlane v3, v2;
	v4 =	vadd.s32 v1, v4;
	_ =	sdelay $0x1  }
0x345: {  	v3 =	vadd.s32 v1, v3;
	_ =	sdelay $0x2  }
0x346: {  	[tilespmem:s21], [sflag:$0x1] =	stream.indirect_vreg.gather [hbm4b:s2+s3], $0x80, v4, vm0, $0xb8;
	[tilespmem:$0x8080] =	vst v63  }
0x347: {  	_ = 	snop  }
0x348: {  	[tilespmem:s22], [sflag:$0x1] =	stream.indirect_vreg.gather [hbm4b:s2+s3], $0x80, v3, vm0, $0xb8;
	[tilespmem:$0x8080] =	vst v63  }
0x349: {  	v3 =	vld [tilespmem:$0x40];
	_ =	sdelay $0x4  }
0x34a: {  	v44 =	vshll.u32 v3, $0x1  }
0x34b: {  	v3 =	vand.u32 $0x7, v3;
	v4 =	vand.u32 $0xFFFFFFF0, v44  }
0x34c: {  	v3 =	vor.u32 v3, v4  }
0x34d: {  	v4 =	vperm.xlane v3, v0;
	_ =	sdelay $0x1  }
0x34e: {  	v3 =	vperm.xlane v3, v2;
	v4 =	vadd.s32 v1, v4;
	_ =	sdelay $0x1  }
0x34f: {  	v3 =	vadd.s32 v1, v3;
	_ =	sdelay $0x2  }
0x350: {  	[tilespmem:s23], [sflag:$0x1] =	stream.indirect_vreg.gather [hbm4b:s2+s3], $0x80, v4, vm0, $0xb8;
	[tilespmem:$0x8080] =	vst v63  }
0x351: {  	_ = 	snop  }
0x352: {  	[tilespmem:s24], [sflag:$0x1] =	stream.indirect_vreg.gather [hbm4b:s2+s3], $0x80, v3, vm0, $0xb8;
	[tilespmem:$0x8080] =	vst v63  }
0x353: {  	v3 =	vld [tilespmem:$0x50];
	_ =	sdelay $0x4  }
0x354: {  	v45 =	vshll.u32 v3, $0x1  }
0x355: {  	v3 =	vand.u32 $0x7, v3;
	v4 =	vand.u32 $0xFFFFFFF0, v45  }
0x356: {  	v3 =	vor.u32 v3, v4  }
0x357: {  	v4 =	vperm.xlane v3, v0;
	_ =	sdelay $0x1  }
0x358: {  	v3 =	vperm.xlane v3, v2;
	v4 =	vadd.s32 v1, v4;
	_ =	sdelay $0x1  }
0x359: {  	v3 =	vadd.s32 v1, v3;
	_ =	sdelay $0x2  }
0x35a: {  	[tilespmem:s25], [sflag:$0x1] =	stream.indirect_vreg.gather [hbm4b:s2+s3], $0x80, v4, vm0, $0xb8;
	[tilespmem:$0x8080] =	vst v63  }
0x35b: {  	_ = 	snop  }
0x35c: {  	[tilespmem:s26], [sflag:$0x1] =	stream.indirect_vreg.gather [hbm4b:s2+s3], $0x80, v3, vm0, $0xb8;
	[tilespmem:$0x8080] =	vst v63  }
0x35d: {  	v3 =	vld [tilespmem:$0x60];
	_ =	sdelay $0x4  }
0x35e: {  	v46 =	vshll.u32 v3, $0x1  }
0x35f: {  	v3 =	vand.u32 $0x7, v3;
	v4 =	vand.u32 $0xFFFFFFF0, v46  }
0x360: {  	v3 =	vor.u32 v3, v4  }
0x361: {  	v4 =	vperm.xlane v3, v0;
	_ =	sdelay $0x1  }
0x362: {  	v3 =	vperm.xlane v3, v2;
	v4 =	vadd.s32 v1, v4;
	_ =	sdelay $0x1  }
0x363: {  	v3 =	vadd.s32 v1, v3;
	_ =	sdelay $0x2  }
0x364: {  	[tilespmem:s28], [sflag:$0x1] =	stream.indirect_vreg.gather [hbm4b:s2+s3], $0x80, v4, vm0, $0xb8;
	[tilespmem:$0x8080] =	vst v63  }
0x365: {  	_ = 	snop  }
0x366: {  	[tilespmem:s29], [sflag:$0x1] =	stream.indirect_vreg.gather [hbm4b:s2+s3], $0x80, v3, vm0, $0xb8;
	[tilespmem:$0x8080] =	vst v63  }
0x367: {  	v3 =	vld [tilespmem:$0x70];
	_ =	sdelay $0x4  }
0x368: {  	v47 =	vshll.u32 v3, $0x1  }
0x369: {  	v3 =	vand.u32 $0x7, v3;
	v4 =	vand.u32 $0xFFFFFFF0, v47  }
0x36a: {  	v3 =	vor.u32 v3, v4  }
0x36b: {  	v4 =	vperm.xlane v3, v0;
	_ =	sdelay $0x1  }
0x36c: {  	v3 =	vperm.xlane v3, v2;
	v4 =	vadd.s32 v1, v4;
	_ =	sdelay $0x1  }
0x36d: {  	v3 =	vadd.s32 v1, v3;
	_ =	sdelay $0x2  }
0x36e: {  	[tilespmem:s30], [sflag:$0x1] =	stream.indirect_vreg.gather [hbm4b:s2+s3], $0x80, v4, vm0, $0xb8;
	[tilespmem:$0x8080] =	vst v63  }
0x36f: {  	_ = 	snop  }
0x370: {  	[tilespmem:s31], [sflag:$0x1] =	stream.indirect_vreg.gather [hbm4b:s2+s3], $0x80, v3, vm0, $0xb8;
	[tilespmem:$0x8080] =	vst v63  }
0x371: {  	_ =	swait.ge [sflag:s1], $0x8000  }
0x372: {  	[sflag:s1] =	ssyncset.done $0x0  }
0x373: {  	s0 =	rddreg [dreg:$0x14];
	[sflag:s1] =	ssyncadd.s32 $0xFFFF8000  }
0x374: {  	[hbm4b:s0+s3] =	stream.linear.scatter [tilespmem:s15], [sflag:$0x2], $0x8000, $0x38;
	[tilespmem:$0x8080] =	vst v63  }
0x375: {  	_ =	swait.ge [sflag:s14], $0x8000  }
0x376: {  	[sflag:s14] =	ssyncset.done $0x0  }
0x377: {  	s0 =	rddreg [dreg:$0x15];
	[sflag:s14] =	ssyncadd.s32 $0xFFFF8000  }
0x378: {  	[tilespmem:s3], [sflag:$0x2] =	stream.linear.gather [hbm4b:s0+s3], $0x80, $0x38;
	[tilespmem:$0x8080] =	vst v63  }
0x379: {  	_ =	swait.ge [sflag:s14], $0x80  }
0x37a: {  	[sflag:s14] =	ssyncset.done $0x0  }
0x37b: {  	[sflag:s14] =	ssyncadd.s32 $0xFFFFFF80  }
0x37c: {  	v3 =	vld [tilespmem:$0x0];
	_ =	sdelay $0x4  }
0x37d: {  	v48 =	vshll.u32 v3, $0x1  }
0x37e: {  	v3 =	vand.u32 $0x7, v3;
	v4 =	vand.u32 $0xFFFFFFF0, v48  }
0x37f: {  	v3 =	vor.u32 v3, v4  }
0x380: {  	v4 =	vperm.xlane v3, v0;
	_ =	sdelay $0x1  }
0x381: {  	v3 =	vperm.xlane v3, v2;
	v4 =	vadd.s32 v1, v4;
	_ =	sdelay $0x1  }
0x382: {  	v3 =	vadd.s32 v1, v3;
	_ =	sdelay $0x2  }
0x383: {  	[tilespmem:s15], [sflag:$0x1] =	stream.indirect_vreg.gather [hbm4b:s2+s3], $0x80, v4, vm0, $0xb8;
	[tilespmem:$0x8080] =	vst v63  }
0x384: {  	_ = 	snop  }
0x385: {  	[tilespmem:s16], [sflag:$0x1] =	stream.indirect_vreg.gather [hbm4b:s2+s3], $0x80, v3, vm0, $0xb8;
	[tilespmem:$0x8080] =	vst v63  }
0x386: {  	v3 =	vld [tilespmem:$0x10];
	_ =	sdelay $0x4  }
0x387: {  	v49 =	vshll.u32 v3, $0x1  }
0x388: {  	v3 =	vand.u32 $0x7, v3;
	v4 =	vand.u32 $0xFFFFFFF0, v49  }
0x389: {  	v3 =	vor.u32 v3, v4  }
0x38a: {  	v4 =	vperm.xlane v3, v0;
	_ =	sdelay $0x1  }
0x38b: {  	v3 =	vperm.xlane v3, v2;
	v4 =	vadd.s32 v1, v4;
	_ =	sdelay $0x1  }
0x38c: {  	v3 =	vadd.s32 v1, v3;
	_ =	sdelay $0x2  }
0x38d: {  	[tilespmem:s17], [sflag:$0x1] =	stream.indirect_vreg.gather [hbm4b:s2+s3], $0x80, v4, vm0, $0xb8;
	[tilespmem:$0x8080] =	vst v63  }
0x38e: {  	_ = 	snop  }
0x38f: {  	[tilespmem:s18], [sflag:$0x1] =	stream.indirect_vreg.gather [hbm4b:s2+s3], $0x80, v3, vm0, $0xb8;
	[tilespmem:$0x8080] =	vst v63  }
0x390: {  	v3 =	vld [tilespmem:$0x20];
	_ =	sdelay $0x4  }
0x391: {  	v50 =	vshll.u32 v3, $0x1  }
0x392: {  	v3 =	vand.u32 $0x7, v3;
	v4 =	vand.u32 $0xFFFFFFF0, v50  }
0x393: {  	v3 =	vor.u32 v3, v4  }
0x394: {  	v4 =	vperm.xlane v3, v0;
	_ =	sdelay $0x1  }
0x395: {  	v3 =	vperm.xlane v3, v2;
	v4 =	vadd.s32 v1, v4;
	_ =	sdelay $0x1  }
0x396: {  	v3 =	vadd.s32 v1, v3;
	_ =	sdelay $0x2  }
0x397: {  	[tilespmem:s19], [sflag:$0x1] =	stream.indirect_vreg.gather [hbm4b:s2+s3], $0x80, v4, vm0, $0xb8;
	[tilespmem:$0x8080] =	vst v63  }
0x398: {  	_ = 	snop  }
0x399: {  	[tilespmem:s20], [sflag:$0x1] =	stream.indirect_vreg.gather [hbm4b:s2+s3], $0x80, v3, vm0, $0xb8;
	[tilespmem:$0x8080] =	vst v63  }
0x39a: {  	v3 =	vld [tilespmem:$0x30];
	_ =	sdelay $0x4  }
0x39b: {  	v51 =	vshll.u32 v3, $0x1  }
0x39c: {  	v3 =	vand.u32 $0x7, v3;
	v4 =	vand.u32 $0xFFFFFFF0, v51  }
0x39d: {  	v3 =	vor.u32 v3, v4  }
0x39e: {  	v4 =	vperm.xlane v3, v0;
	_ =	sdelay $0x1  }
0x39f: {  	v3 =	vperm.xlane v3, v2;
	v4 =	vadd.s32 v1, v4;
	_ =	sdelay $0x1  }
0x3a0: {  	v3 =	vadd.s32 v1, v3;
	_ =	sdelay $0x2  }
0x3a1: {  	[tilespmem:s21], [sflag:$0x1] =	stream.indirect_vreg.gather [hbm4b:s2+s3], $0x80, v4, vm0, $0xb8;
	[tilespmem:$0x8080] =	vst v63  }
0x3a2: {  	_ = 	snop  }
0x3a3: {  	[tilespmem:s22], [sflag:$0x1] =	stream.indirect_vreg.gather [hbm4b:s2+s3], $0x80, v3, vm0, $0xb8;
	[tilespmem:$0x8080] =	vst v63  }
0x3a4: {  	v3 =	vld [tilespmem:$0x40];
	_ =	sdelay $0x4  }
0x3a5: {  	v52 =	vshll.u32 v3, $0x1  }
0x3a6: {  	v3 =	vand.u32 $0x7, v3;
	v4 =	vand.u32 $0xFFFFFFF0, v52  }
0x3a7: {  	v3 =	vor.u32 v3, v4  }
0x3a8: {  	v4 =	vperm.xlane v3, v0;
	_ =	sdelay $0x1  }
0x3a9: {  	v3 =	vperm.xlane v3, v2;
	v4 =	vadd.s32 v1, v4;
	_ =	sdelay $0x1  }
0x3aa: {  	v3 =	vadd.s32 v1, v3;
	_ =	sdelay $0x2  }
0x3ab: {  	[tilespmem:s23], [sflag:$0x1] =	stream.indirect_vreg.gather [hbm4b:s2+s3], $0x80, v4, vm0, $0xb8;
	[tilespmem:$0x8080] =	vst v63  }
0x3ac: {  	_ = 	snop  }
0x3ad: {  	[tilespmem:s24], [sflag:$0x1] =	stream.indirect_vreg.gather [hbm4b:s2+s3], $0x80, v3, vm0, $0xb8;
	[tilespmem:$0x8080] =	vst v63  }
0x3ae: {  	v3 =	vld [tilespmem:$0x50];
	_ =	sdelay $0x4  }
0x3af: {  	v53 =	vshll.u32 v3, $0x1  }
0x3b0: {  	v3 =	vand.u32 $0x7, v3;
	v4 =	vand.u32 $0xFFFFFFF0, v53  }
0x3b1: {  	v3 =	vor.u32 v3, v4  }
0x3b2: {  	v4 =	vperm.xlane v3, v0;
	_ =	sdelay $0x1  }
0x3b3: {  	v3 =	vperm.xlane v3, v2;
	v4 =	vadd.s32 v1, v4;
	_ =	sdelay $0x1  }
0x3b4: {  	v3 =	vadd.s32 v1, v3;
	_ =	sdelay $0x2  }
0x3b5: {  	[tilespmem:s25], [sflag:$0x1] =	stream.indirect_vreg.gather [hbm4b:s2+s3], $0x80, v4, vm0, $0xb8;
	[tilespmem:$0x8080] =	vst v63  }
0x3b6: {  	_ = 	snop  }
0x3b7: {  	[tilespmem:s26], [sflag:$0x1] =	stream.indirect_vreg.gather [hbm4b:s2+s3], $0x80, v3, vm0, $0xb8;
	[tilespmem:$0x8080] =	vst v63  }
0x3b8: {  	v3 =	vld [tilespmem:$0x60];
	_ =	sdelay $0x4  }
0x3b9: {  	v54 =	vshll.u32 v3, $0x1  }
0x3ba: {  	v3 =	vand.u32 $0x7, v3;
	v4 =	vand.u32 $0xFFFFFFF0, v54  }
0x3bb: {  	v3 =	vor.u32 v3, v4  }
0x3bc: {  	v4 =	vperm.xlane v3, v0;
	_ =	sdelay $0x1  }
0x3bd: {  	v3 =	vperm.xlane v3, v2;
	v4 =	vadd.s32 v1, v4;
	_ =	sdelay $0x1  }
0x3be: {  	v3 =	vadd.s32 v1, v3;
	_ =	sdelay $0x2  }
0x3bf: {  	[tilespmem:s28], [sflag:$0x1] =	stream.indirect_vreg.gather [hbm4b:s2+s3], $0x80, v4, vm0, $0xb8;
	[tilespmem:$0x8080] =	vst v63  }
0x3c0: {  	_ = 	snop  }
0x3c1: {  	[tilespmem:s29], [sflag:$0x1] =	stream.indirect_vreg.gather [hbm4b:s2+s3], $0x80, v3, vm0, $0xb8;
	[tilespmem:$0x8080] =	vst v63  }
0x3c2: {  	v3 =	vld [tilespmem:$0x70];
	_ =	sdelay $0x4  }
0x3c3: {  	v55 =	vshll.u32 v3, $0x1  }
0x3c4: {  	v3 =	vand.u32 $0x7, v3;
	v4 =	vand.u32 $0xFFFFFFF0, v55  }
0x3c5: {  	v3 =	vor.u32 v3, v4  }
0x3c6: {  	v4 =	vperm.xlane v3, v0;
	_ =	sdelay $0x1  }
0x3c7: {  	v3 =	vperm.xlane v3, v2;
	v4 =	vadd.s32 v1, v4;
	_ =	sdelay $0x1  }
0x3c8: {  	v3 =	vadd.s32 v1, v3;
	_ =	sdelay $0x2  }
0x3c9: {  	[tilespmem:s30], [sflag:$0x1] =	stream.indirect_vreg.gather [hbm4b:s2+s3], $0x80, v4, vm0, $0xb8;
	[tilespmem:$0x8080] =	vst v63  }
0x3ca: {  	_ = 	snop  }
0x3cb: {  	[tilespmem:s31], [sflag:$0x1] =	stream.indirect_vreg.gather [hbm4b:s2+s3], $0x80, v3, vm0, $0xb8;
	[tilespmem:$0x8080] =	vst v63  }
0x3cc: {  	_ =	swait.ge [sflag:s1], $0x8000  }
0x3cd: {  	[sflag:s1] =	ssyncset.done $0x0  }
0x3ce: {  	s0 =	rddreg [dreg:$0x16];
	[sflag:s1] =	ssyncadd.s32 $0xFFFF8000  }
0x3cf: {  	[hbm4b:s0+s3] =	stream.linear.scatter [tilespmem:s15], [sflag:$0x2], $0x8000, $0x38;
	[tilespmem:$0x8080] =	vst v63  }
0x3d0: {  	_ =	swait.ge [sflag:s14], $0x8000  }
0x3d1: {  	[sflag:s14] =	ssyncset.done $0x0  }
0x3d2: {  	s0 =	rddreg [dreg:$0x17];
	[sflag:s14] =	ssyncadd.s32 $0xFFFF8000  }
0x3d3: {  	[tilespmem:s3], [sflag:$0x2] =	stream.linear.gather [hbm4b:s0+s3], $0x80, $0x38;
	[tilespmem:$0x8080] =	vst v63  }
0x3d4: {  	_ =	swait.ge [sflag:s14], $0x80  }
0x3d5: {  	[sflag:s14] =	ssyncset.done $0x0  }
0x3d6: {  	[sflag:s14] =	ssyncadd.s32 $0xFFFFFF80  }
0x3d7: {  	v3 =	vld [tilespmem:$0x0];
	_ =	sdelay $0x4  }
0x3d8: {  	v56 =	vshll.u32 v3, $0x1  }
0x3d9: {  	v3 =	vand.u32 $0x7, v3;
	v4 =	vand.u32 $0xFFFFFFF0, v56  }
0x3da: {  	v3 =	vor.u32 v3, v4  }
0x3db: {  	v4 =	vperm.xlane v3, v0;
	_ =	sdelay $0x1  }
0x3dc: {  	v3 =	vperm.xlane v3, v2;
	v4 =	vadd.s32 v1, v4;
	_ =	sdelay $0x1  }
0x3dd: {  	v3 =	vadd.s32 v1, v3;
	_ =	sdelay $0x2  }
0x3de: {  	[tilespmem:s15], [sflag:$0x1] =	stream.indirect_vreg.gather [hbm4b:s2+s3], $0x80, v4, vm0, $0xb8;
	[tilespmem:$0x8080] =	vst v63  }
0x3df: {  	_ = 	snop  }
0x3e0: {  	[tilespmem:s16], [sflag:$0x1] =	stream.indirect_vreg.gather [hbm4b:s2+s3], $0x80, v3, vm0, $0xb8;
	[tilespmem:$0x8080] =	vst v63  }
0x3e1: {  	v3 =	vld [tilespmem:$0x10];
	_ =	sdelay $0x4  }
0x3e2: {  	v57 =	vshll.u32 v3, $0x1  }
0x3e3: {  	v3 =	vand.u32 $0x7, v3;
	v4 =	vand.u32 $0xFFFFFFF0, v57  }
0x3e4: {  	v3 =	vor.u32 v3, v4  }
0x3e5: {  	v4 =	vperm.xlane v3, v0;
	_ =	sdelay $0x1  }
0x3e6: {  	v3 =	vperm.xlane v3, v2;
	v4 =	vadd.s32 v1, v4;
	_ =	sdelay $0x1  }
0x3e7: {  	v3 =	vadd.s32 v1, v3;
	_ =	sdelay $0x2  }
0x3e8: {  	[tilespmem:s17], [sflag:$0x1] =	stream.indirect_vreg.gather [hbm4b:s2+s3], $0x80, v4, vm0, $0xb8;
	[tilespmem:$0x8080] =	vst v63  }
0x3e9: {  	_ = 	snop  }
0x3ea: {  	[tilespmem:s18], [sflag:$0x1] =	stream.indirect_vreg.gather [hbm4b:s2+s3], $0x80, v3, vm0, $0xb8;
	[tilespmem:$0x8080] =	vst v63  }
0x3eb: {  	v3 =	vld [tilespmem:$0x20];
	_ =	sdelay $0x4  }
0x3ec: {  	v58 =	vshll.u32 v3, $0x1  }
0x3ed: {  	v3 =	vand.u32 $0x7, v3;
	v4 =	vand.u32 $0xFFFFFFF0, v58  }
0x3ee: {  	v3 =	vor.u32 v3, v4  }
0x3ef: {  	v4 =	vperm.xlane v3, v0;
	_ =	sdelay $0x1  }
0x3f0: {  	v3 =	vperm.xlane v3, v2;
	v4 =	vadd.s32 v1, v4;
	_ =	sdelay $0x1  }
0x3f1: {  	v3 =	vadd.s32 v1, v3;
	_ =	sdelay $0x2  }
0x3f2: {  	[tilespmem:s19], [sflag:$0x1] =	stream.indirect_vreg.gather [hbm4b:s2+s3], $0x80, v4, vm0, $0xb8;
	[tilespmem:$0x8080] =	vst v63  }
0x3f3: {  	_ = 	snop  }
0x3f4: {  	[tilespmem:s20], [sflag:$0x1] =	stream.indirect_vreg.gather [hbm4b:s2+s3], $0x80, v3, vm0, $0xb8;
	[tilespmem:$0x8080] =	vst v63  }
0x3f5: {  	v3 =	vld [tilespmem:$0x30];
	_ =	sdelay $0x4  }
0x3f6: {  	v59 =	vshll.u32 v3, $0x1  }
0x3f7: {  	v3 =	vand.u32 $0x7, v3;
	v4 =	vand.u32 $0xFFFFFFF0, v59  }
0x3f8: {  	v3 =	vor.u32 v3, v4  }
0x3f9: {  	v4 =	vperm.xlane v3, v0;
	_ =	sdelay $0x1  }
0x3fa: {  	v3 =	vperm.xlane v3, v2;
	v4 =	vadd.s32 v1, v4;
	_ =	sdelay $0x1  }
0x3fb: {  	v3 =	vadd.s32 v1, v3;
	_ =	sdelay $0x2  }
0x3fc: {  	[tilespmem:s21], [sflag:$0x1] =	stream.indirect_vreg.gather [hbm4b:s2+s3], $0x80, v4, vm0, $0xb8;
	[tilespmem:$0x8080] =	vst v63  }
0x3fd: {  	_ = 	snop  }
0x3fe: {  	[tilespmem:s22], [sflag:$0x1] =	stream.indirect_vreg.gather [hbm4b:s2+s3], $0x80, v3, vm0, $0xb8;
	[tilespmem:$0x8080] =	vst v63  }
0x3ff: {  	v3 =	vld [tilespmem:$0x40];
	_ =	sdelay $0x4  }
0x400: {  	v60 =	vshll.u32 v3, $0x1  }
0x401: {  	v3 =	vand.u32 $0x7, v3;
	v4 =	vand.u32 $0xFFFFFFF0, v60  }
0x402: {  	v3 =	vor.u32 v3, v4  }
0x403: {  	v4 =	vperm.xlane v3, v0;
	_ =	sdelay $0x1  }
0x404: {  	v3 =	vperm.xlane v3, v2;
	v4 =	vadd.s32 v1, v4;
	_ =	sdelay $0x1  }
0x405: {  	v3 =	vadd.s32 v1, v3;
	_ =	sdelay $0x2  }
0x406: {  	[tilespmem:s23], [sflag:$0x1] =	stream.indirect_vreg.gather [hbm4b:s2+s3], $0x80, v4, vm0, $0xb8;
	[tilespmem:$0x8080] =	vst v63  }
0x407: {  	_ = 	snop  }
0x408: {  	[tilespmem:s24], [sflag:$0x1] =	stream.indirect_vreg.gather [hbm4b:s2+s3], $0x80, v3, vm0, $0xb8;
	[tilespmem:$0x8080] =	vst v63  }
0x409: {  	v3 =	vld [tilespmem:$0x50];
	_ =	sdelay $0x4  }
0x40a: {  	v61 =	vshll.u32 v3, $0x1  }
0x40b: {  	v3 =	vand.u32 $0x7, v3;
	v4 =	vand.u32 $0xFFFFFFF0, v61  }
0x40c: {  	v3 =	vor.u32 v3, v4  }
0x40d: {  	v4 =	vperm.xlane v3, v0;
	_ =	sdelay $0x1  }
0x40e: {  	v3 =	vperm.xlane v3, v2;
	v4 =	vadd.s32 v1, v4;
	_ =	sdelay $0x1  }
0x40f: {  	v3 =	vadd.s32 v1, v3;
	_ =	sdelay $0x2  }
0x410: {  	[tilespmem:s25], [sflag:$0x1] =	stream.indirect_vreg.gather [hbm4b:s2+s3], $0x80, v4, vm0, $0xb8;
	[tilespmem:$0x8080] =	vst v63  }
0x411: {  	_ = 	snop  }
0x412: {  	[tilespmem:s26], [sflag:$0x1] =	stream.indirect_vreg.gather [hbm4b:s2+s3], $0x80, v3, vm0, $0xb8;
	[tilespmem:$0x8080] =	vst v63  }
0x413: {  	v3 =	vld [tilespmem:$0x60];
	_ =	sdelay $0x4  }
0x414: {  	v62 =	vshll.u32 v3, $0x1  }
0x415: {  	v3 =	vand.u32 $0x7, v3;
	v4 =	vand.u32 $0xFFFFFFF0, v62  }
0x416: {  	v3 =	vor.u32 v3, v4  }
0x417: {  	v4 =	vperm.xlane v3, v0;
	_ =	sdelay $0x1  }
0x418: {  	v3 =	vperm.xlane v3, v2;
	v4 =	vadd.s32 v1, v4;
	_ =	sdelay $0x1  }
0x419: {  	v3 =	vadd.s32 v1, v3;
	_ =	sdelay $0x2  }
0x41a: {  	[tilespmem:s28], [sflag:$0x1] =	stream.indirect_vreg.gather [hbm4b:s2+s3], $0x80, v4, vm0, $0xb8;
	[tilespmem:$0x8080] =	vst v63  }
0x41b: {  	_ = 	snop  }
0x41c: {  	[tilespmem:s29], [sflag:$0x1] =	stream.indirect_vreg.gather [hbm4b:s2+s3], $0x80, v3, vm0, $0xb8;
	[tilespmem:$0x8080] =	vst v63  }
0x41d: {  	v3 =	vld [tilespmem:$0x70];
	_ =	sdelay $0x4  }
0x41e: {  	v63 =	vshll.u32 v3, $0x1  }
0x41f: {  	v3 =	vand.u32 $0x7, v3;
	v4 =	vand.u32 $0xFFFFFFF0, v63  }
0x420: {  	v3 =	vor.u32 v3, v4  }
0x421: {  	v4 =	vperm.xlane v3, v0;
	_ =	sdelay $0x1  }
0x422: {  	v3 =	vperm.xlane v3, v2;
	v4 =	vadd.s32 v1, v4;
	_ =	sdelay $0x1  }
0x423: {  	v3 =	vadd.s32 v1, v3;
	_ =	sdelay $0x2  }
0x424: {  	[tilespmem:s30], [sflag:$0x1] =	stream.indirect_vreg.gather [hbm4b:s2+s3], $0x80, v4, vm0, $0xb8;
	[tilespmem:$0x8080] =	vst v63  }
0x425: {  	_ = 	snop  }
0x426: {  	[tilespmem:s31], [sflag:$0x1] =	stream.indirect_vreg.gather [hbm4b:s2+s3], $0x80, v3, vm0, $0xb8;
	[tilespmem:$0x8080] =	vst v63  }
0x427: {  	_ =	swait.ge [sflag:s1], $0x8000  }
0x428: {  	[sflag:s1] =	ssyncset.done $0x0  }
0x429: {  	s0 =	rddreg [dreg:$0x18];
	[sflag:s1] =	ssyncadd.s32 $0xFFFF8000  }
0x42a: {  	[hbm4b:s0+s3] =	stream.linear.scatter [tilespmem:s15], [sflag:$0x2], $0x8000, $0x38;
	[tilespmem:$0x8080] =	vst v63  }
0x42b: {  	_ =	swait.ge [sflag:s14], $0x8000  }
0x42c: {  	[sflag:s14] =	ssyncset.done $0x0  }
0x42d: {  	s0 =	rddreg [dreg:$0x19];
	[sflag:s14] =	ssyncadd.s32 $0xFFFF8000  }
0x42e: {  	[tilespmem:s3], [sflag:$0x2] =	stream.linear.gather [hbm4b:s0+s3], $0x80, $0x38;
	[tilespmem:$0x8080] =	vst v63  }
0x42f: {  	_ =	swait.ge [sflag:s14], $0x80  }
0x430: {  	[sflag:s14] =	ssyncset.done $0x0  }
0x431: {  	[sflag:s14] =	ssyncadd.s32 $0xFFFFFF80  }
0x432: {  	v3 =	vld [tilespmem:$0x0];
	_ =	sdelay $0x4  }
0x433: {  	v8 =	vshll.u32 v3, $0x1  }
0x434: {  	v3 =	vand.u32 $0x7, v3;
	v4 =	vand.u32 $0xFFFFFFF0, v8  }
0x435: {  	v3 =	vor.u32 v3, v4  }
0x436: {  	v4 =	vperm.xlane v3, v0;
	_ =	sdelay $0x1  }
0x437: {  	v3 =	vperm.xlane v3, v2;
	v4 =	vadd.s32 v1, v4;
	_ =	sdelay $0x1  }
0x438: {  	v3 =	vadd.s32 v1, v3;
	_ =	sdelay $0x2  }
0x439: {  	[tilespmem:s15], [sflag:$0x1] =	stream.indirect_vreg.gather [hbm4b:s2+s3], $0x80, v4, vm0, $0xb8;
	[tilespmem:$0x8080] =	vst v63  }
0x43a: {  	_ = 	snop  }
0x43b: {  	[tilespmem:s16], [sflag:$0x1] =	stream.indirect_vreg.gather [hbm4b:s2+s3], $0x80, v3, vm0, $0xb8;
	[tilespmem:$0x8080] =	vst v63  }
0x43c: {  	v3 =	vld [tilespmem:$0x10];
	_ =	sdelay $0x4  }
0x43d: {  	v9 =	vshll.u32 v3, $0x1  }
0x43e: {  	v3 =	vand.u32 $0x7, v3;
	v4 =	vand.u32 $0xFFFFFFF0, v9  }
0x43f: {  	v3 =	vor.u32 v3, v4  }
0x440: {  	v4 =	vperm.xlane v3, v0;
	_ =	sdelay $0x1  }
0x441: {  	v3 =	vperm.xlane v3, v2;
	v4 =	vadd.s32 v1, v4;
	_ =	sdelay $0x1  }
0x442: {  	v3 =	vadd.s32 v1, v3;
	_ =	sdelay $0x2  }
0x443: {  	[tilespmem:s17], [sflag:$0x1] =	stream.indirect_vreg.gather [hbm4b:s2+s3], $0x80, v4, vm0, $0xb8;
	[tilespmem:$0x8080] =	vst v63  }
0x444: {  	_ = 	snop  }
0x445: {  	[tilespmem:s18], [sflag:$0x1] =	stream.indirect_vreg.gather [hbm4b:s2+s3], $0x80, v3, vm0, $0xb8;
	[tilespmem:$0x8080] =	vst v63  }
0x446: {  	v3 =	vld [tilespmem:$0x20];
	_ =	sdelay $0x4  }
0x447: {  	v10 =	vshll.u32 v3, $0x1  }
0x448: {  	v3 =	vand.u32 $0x7, v3;
	v4 =	vand.u32 $0xFFFFFFF0, v10  }
0x449: {  	v3 =	vor.u32 v3, v4  }
0x44a: {  	v4 =	vperm.xlane v3, v0;
	_ =	sdelay $0x1  }
0x44b: {  	v3 =	vperm.xlane v3, v2;
	v4 =	vadd.s32 v1, v4;
	_ =	sdelay $0x1  }
0x44c: {  	v3 =	vadd.s32 v1, v3;
	_ =	sdelay $0x2  }
0x44d: {  	[tilespmem:s19], [sflag:$0x1] =	stream.indirect_vreg.gather [hbm4b:s2+s3], $0x80, v4, vm0, $0xb8;
	[tilespmem:$0x8080] =	vst v63  }
0x44e: {  	_ = 	snop  }
0x44f: {  	[tilespmem:s20], [sflag:$0x1] =	stream.indirect_vreg.gather [hbm4b:s2+s3], $0x80, v3, vm0, $0xb8;
	[tilespmem:$0x8080] =	vst v63  }
0x450: {  	v3 =	vld [tilespmem:$0x30];
	_ =	sdelay $0x4  }
0x451: {  	v11 =	vshll.u32 v3, $0x1  }
0x452: {  	v3 =	vand.u32 $0x7, v3;
	v4 =	vand.u32 $0xFFFFFFF0, v11  }
0x453: {  	v3 =	vor.u32 v3, v4  }
0x454: {  	v4 =	vperm.xlane v3, v0;
	_ =	sdelay $0x1  }
0x455: {  	v3 =	vperm.xlane v3, v2;
	v4 =	vadd.s32 v1, v4;
	_ =	sdelay $0x1  }
0x456: {  	v3 =	vadd.s32 v1, v3;
	_ =	sdelay $0x2  }
0x457: {  	[tilespmem:s21], [sflag:$0x1] =	stream.indirect_vreg.gather [hbm4b:s2+s3], $0x80, v4, vm0, $0xb8;
	[tilespmem:$0x8080] =	vst v63  }
0x458: {  	_ = 	snop  }
0x459: {  	[tilespmem:s22], [sflag:$0x1] =	stream.indirect_vreg.gather [hbm4b:s2+s3], $0x80, v3, vm0, $0xb8;
	[tilespmem:$0x8080] =	vst v63  }
0x45a: {  	v3 =	vld [tilespmem:$0x40];
	_ =	sdelay $0x4  }
0x45b: {  	v12 =	vshll.u32 v3, $0x1  }
0x45c: {  	v3 =	vand.u32 $0x7, v3;
	v4 =	vand.u32 $0xFFFFFFF0, v12  }
0x45d: {  	v3 =	vor.u32 v3, v4  }
0x45e: {  	v4 =	vperm.xlane v3, v0;
	_ =	sdelay $0x1  }
0x45f: {  	v3 =	vperm.xlane v3, v2;
	v4 =	vadd.s32 v1, v4;
	_ =	sdelay $0x1  }
0x460: {  	v3 =	vadd.s32 v1, v3;
	_ =	sdelay $0x2  }
0x461: {  	[tilespmem:s23], [sflag:$0x1] =	stream.indirect_vreg.gather [hbm4b:s2+s3], $0x80, v4, vm0, $0xb8;
	[tilespmem:$0x8080] =	vst v63  }
0x462: {  	_ = 	snop  }
0x463: {  	[tilespmem:s24], [sflag:$0x1] =	stream.indirect_vreg.gather [hbm4b:s2+s3], $0x80, v3, vm0, $0xb8;
	[tilespmem:$0x8080] =	vst v63  }
0x464: {  	v3 =	vld [tilespmem:$0x50];
	_ =	sdelay $0x4  }
0x465: {  	v13 =	vshll.u32 v3, $0x1  }
0x466: {  	v3 =	vand.u32 $0x7, v3;
	v4 =	vand.u32 $0xFFFFFFF0, v13  }
0x467: {  	v3 =	vor.u32 v3, v4  }
0x468: {  	v4 =	vperm.xlane v3, v0;
	_ =	sdelay $0x1  }
0x469: {  	v3 =	vperm.xlane v3, v2;
	v4 =	vadd.s32 v1, v4;
	_ =	sdelay $0x1  }
0x46a: {  	v3 =	vadd.s32 v1, v3;
	_ =	sdelay $0x2  }
0x46b: {  	[tilespmem:s25], [sflag:$0x1] =	stream.indirect_vreg.gather [hbm4b:s2+s3], $0x80, v4, vm0, $0xb8;
	[tilespmem:$0x8080] =	vst v63  }
0x46c: {  	_ = 	snop  }
0x46d: {  	[tilespmem:s26], [sflag:$0x1] =	stream.indirect_vreg.gather [hbm4b:s2+s3], $0x80, v3, vm0, $0xb8;
	[tilespmem:$0x8080] =	vst v63  }
0x46e: {  	v3 =	vld [tilespmem:$0x60];
	_ =	sdelay $0x4  }
0x46f: {  	v14 =	vshll.u32 v3, $0x1  }
0x470: {  	v3 =	vand.u32 $0x7, v3;
	v4 =	vand.u32 $0xFFFFFFF0, v14  }
0x471: {  	v3 =	vor.u32 v3, v4  }
0x472: {  	v4 =	vperm.xlane v3, v0;
	_ =	sdelay $0x1  }
0x473: {  	v3 =	vperm.xlane v3, v2;
	v4 =	vadd.s32 v1, v4;
	_ =	sdelay $0x1  }
0x474: {  	v3 =	vadd.s32 v1, v3;
	_ =	sdelay $0x2  }
0x475: {  	[tilespmem:s28], [sflag:$0x1] =	stream.indirect_vreg.gather [hbm4b:s2+s3], $0x80, v4, vm0, $0xb8;
	[tilespmem:$0x8080] =	vst v63  }
0x476: {  	_ = 	snop  }
0x477: {  	[tilespmem:s29], [sflag:$0x1] =	stream.indirect_vreg.gather [hbm4b:s2+s3], $0x80, v3, vm0, $0xb8;
	[tilespmem:$0x8080] =	vst v63  }
0x478: {  	v3 =	vld [tilespmem:$0x70];
	_ =	sdelay $0x4  }
0x479: {  	v15 =	vshll.u32 v3, $0x1  }
0x47a: {  	v3 =	vand.u32 $0x7, v3;
	v4 =	vand.u32 $0xFFFFFFF0, v15  }
0x47b: {  	v3 =	vor.u32 v3, v4  }
0x47c: {  	v4 =	vperm.xlane v3, v0;
	_ =	sdelay $0x1  }
0x47d: {  	v3 =	vperm.xlane v3, v2;
	v4 =	vadd.s32 v1, v4;
	_ =	sdelay $0x1  }
0x47e: {  	v3 =	vadd.s32 v1, v3;
	_ =	sdelay $0x2  }
0x47f: {  	[tilespmem:s30], [sflag:$0x1] =	stream.indirect_vreg.gather [hbm4b:s2+s3], $0x80, v4, vm0, $0xb8;
	[tilespmem:$0x8080] =	vst v63  }
0x480: {  	_ = 	snop  }
0x481: {  	[tilespmem:s31], [sflag:$0x1] =	stream.indirect_vreg.gather [hbm4b:s2+s3], $0x80, v3, vm0, $0xb8;
	[tilespmem:$0x8080] =	vst v63  }
0x482: {  	_ =	swait.ge [sflag:s1], $0x8000  }
0x483: {  	[sflag:s1] =	ssyncset.done $0x0  }
0x484: {  	s0 =	rddreg [dreg:$0x1a];
	[sflag:s1] =	ssyncadd.s32 $0xFFFF8000  }
0x485: {  	[hbm4b:s0+s3] =	stream.linear.scatter [tilespmem:s15], [sflag:$0x2], $0x8000, $0x38;
	[tilespmem:$0x8080] =	vst v63  }
0x486: {  	_ =	swait.ge [sflag:s14], $0x8000  }
0x487: {  	[sflag:s14] =	ssyncset.done $0x0  }
0x488: {  	s0 =	rddreg [dreg:$0x1b];
	[sflag:s14] =	ssyncadd.s32 $0xFFFF8000  }
0x489: {  	[tilespmem:s3], [sflag:$0x2] =	stream.linear.gather [hbm4b:s0+s3], $0x80, $0x38;
	[tilespmem:$0x8080] =	vst v63  }
0x48a: {  	_ =	swait.ge [sflag:s14], $0x80  }
0x48b: {  	[sflag:s14] =	ssyncset.done $0x0  }
0x48c: {  	[sflag:s14] =	ssyncadd.s32 $0xFFFFFF80  }
0x48d: {  	v3 =	vld [tilespmem:$0x0];
	_ =	sdelay $0x4  }
0x48e: {  	v16 =	vshll.u32 v3, $0x1  }
0x48f: {  	v3 =	vand.u32 $0x7, v3;
	v4 =	vand.u32 $0xFFFFFFF0, v16  }
0x490: {  	v3 =	vor.u32 v3, v4  }
0x491: {  	v4 =	vperm.xlane v3, v0;
	_ =	sdelay $0x1  }
0x492: {  	v3 =	vperm.xlane v3, v2;
	v4 =	vadd.s32 v1, v4;
	_ =	sdelay $0x1  }
0x493: {  	v3 =	vadd.s32 v1, v3;
	_ =	sdelay $0x2  }
0x494: {  	[tilespmem:s15], [sflag:$0x1] =	stream.indirect_vreg.gather [hbm4b:s2+s3], $0x80, v4, vm0, $0xb8;
	[tilespmem:$0x8080] =	vst v63  }
0x495: {  	_ = 	snop  }
0x496: {  	[tilespmem:s16], [sflag:$0x1] =	stream.indirect_vreg.gather [hbm4b:s2+s3], $0x80, v3, vm0, $0xb8;
	[tilespmem:$0x8080] =	vst v63  }
0x497: {  	v3 =	vld [tilespmem:$0x10];
	_ =	sdelay $0x4  }
0x498: {  	v17 =	vshll.u32 v3, $0x1  }
0x499: {  	v3 =	vand.u32 $0x7, v3;
	v4 =	vand.u32 $0xFFFFFFF0, v17  }
0x49a: {  	v3 =	vor.u32 v3, v4  }
0x49b: {  	v4 =	vperm.xlane v3, v0;
	_ =	sdelay $0x1  }
0x49c: {  	v3 =	vperm.xlane v3, v2;
	v4 =	vadd.s32 v1, v4;
	_ =	sdelay $0x1  }
0x49d: {  	v3 =	vadd.s32 v1, v3;
	_ =	sdelay $0x2  }
0x49e: {  	[tilespmem:s17], [sflag:$0x1] =	stream.indirect_vreg.gather [hbm4b:s2+s3], $0x80, v4, vm0, $0xb8;
	[tilespmem:$0x8080] =	vst v63  }
0x49f: {  	_ = 	snop  }
0x4a0: {  	[tilespmem:s18], [sflag:$0x1] =	stream.indirect_vreg.gather [hbm4b:s2+s3], $0x80, v3, vm0, $0xb8;
	[tilespmem:$0x8080] =	vst v63  }
0x4a1: {  	v3 =	vld [tilespmem:$0x20];
	_ =	sdelay $0x4  }
0x4a2: {  	v18 =	vshll.u32 v3, $0x1  }
0x4a3: {  	v3 =	vand.u32 $0x7, v3;
	v4 =	vand.u32 $0xFFFFFFF0, v18  }
0x4a4: {  	v3 =	vor.u32 v3, v4  }
0x4a5: {  	v4 =	vperm.xlane v3, v0;
	_ =	sdelay $0x1  }
0x4a6: {  	v3 =	vperm.xlane v3, v2;
	v4 =	vadd.s32 v1, v4;
	_ =	sdelay $0x1  }
0x4a7: {  	v3 =	vadd.s32 v1, v3;
	_ =	sdelay $0x2  }
0x4a8: {  	[tilespmem:s19], [sflag:$0x1] =	stream.indirect_vreg.gather [hbm4b:s2+s3], $0x80, v4, vm0, $0xb8;
	[tilespmem:$0x8080] =	vst v63  }
0x4a9: {  	_ = 	snop  }
0x4aa: {  	[tilespmem:s20], [sflag:$0x1] =	stream.indirect_vreg.gather [hbm4b:s2+s3], $0x80, v3, vm0, $0xb8;
	[tilespmem:$0x8080] =	vst v63  }
0x4ab: {  	v3 =	vld [tilespmem:$0x30];
	_ =	sdelay $0x4  }
0x4ac: {  	v19 =	vshll.u32 v3, $0x1  }
0x4ad: {  	v3 =	vand.u32 $0x7, v3;
	v4 =	vand.u32 $0xFFFFFFF0, v19  }
0x4ae: {  	v3 =	vor.u32 v3, v4  }
0x4af: {  	v4 =	vperm.xlane v3, v0;
	_ =	sdelay $0x1  }
0x4b0: {  	v3 =	vperm.xlane v3, v2;
	v4 =	vadd.s32 v1, v4;
	_ =	sdelay $0x1  }
0x4b1: {  	v3 =	vadd.s32 v1, v3;
	_ =	sdelay $0x2  }
0x4b2: {  	[tilespmem:s21], [sflag:$0x1] =	stream.indirect_vreg.gather [hbm4b:s2+s3], $0x80, v4, vm0, $0xb8;
	[tilespmem:$0x8080] =	vst v63  }
0x4b3: {  	_ = 	snop  }
0x4b4: {  	[tilespmem:s22], [sflag:$0x1] =	stream.indirect_vreg.gather [hbm4b:s2+s3], $0x80, v3, vm0, $0xb8;
	[tilespmem:$0x8080] =	vst v63  }
0x4b5: {  	v3 =	vld [tilespmem:$0x40];
	_ =	sdelay $0x4  }
0x4b6: {  	v20 =	vshll.u32 v3, $0x1  }
0x4b7: {  	v3 =	vand.u32 $0x7, v3;
	v4 =	vand.u32 $0xFFFFFFF0, v20  }
0x4b8: {  	v3 =	vor.u32 v3, v4  }
0x4b9: {  	v4 =	vperm.xlane v3, v0;
	_ =	sdelay $0x1  }
0x4ba: {  	v3 =	vperm.xlane v3, v2;
	v4 =	vadd.s32 v1, v4;
	_ =	sdelay $0x1  }
0x4bb: {  	v3 =	vadd.s32 v1, v3;
	_ =	sdelay $0x2  }
0x4bc: {  	[tilespmem:s23], [sflag:$0x1] =	stream.indirect_vreg.gather [hbm4b:s2+s3], $0x80, v4, vm0, $0xb8;
	[tilespmem:$0x8080] =	vst v63  }
0x4bd: {  	_ = 	snop  }
0x4be: {  	[tilespmem:s24], [sflag:$0x1] =	stream.indirect_vreg.gather [hbm4b:s2+s3], $0x80, v3, vm0, $0xb8;
	[tilespmem:$0x8080] =	vst v63  }
0x4bf: {  	v3 =	vld [tilespmem:$0x50];
	_ =	sdelay $0x4  }
0x4c0: {  	v21 =	vshll.u32 v3, $0x1  }
0x4c1: {  	v3 =	vand.u32 $0x7, v3;
	v4 =	vand.u32 $0xFFFFFFF0, v21  }
0x4c2: {  	v3 =	vor.u32 v3, v4  }
0x4c3: {  	v4 =	vperm.xlane v3, v0;
	_ =	sdelay $0x1  }
0x4c4: {  	v3 =	vperm.xlane v3, v2;
	v4 =	vadd.s32 v1, v4;
	_ =	sdelay $0x1  }
0x4c5: {  	v3 =	vadd.s32 v1, v3;
	_ =	sdelay $0x2  }
0x4c6: {  	[tilespmem:s25], [sflag:$0x1] =	stream.indirect_vreg.gather [hbm4b:s2+s3], $0x80, v4, vm0, $0xb8;
	[tilespmem:$0x8080] =	vst v63  }
0x4c7: {  	_ = 	snop  }
0x4c8: {  	[tilespmem:s26], [sflag:$0x1] =	stream.indirect_vreg.gather [hbm4b:s2+s3], $0x80, v3, vm0, $0xb8;
	[tilespmem:$0x8080] =	vst v63  }
0x4c9: {  	v3 =	vld [tilespmem:$0x60];
	_ =	sdelay $0x4  }
0x4ca: {  	v22 =	vshll.u32 v3, $0x1  }
0x4cb: {  	v3 =	vand.u32 $0x7, v3;
	v4 =	vand.u32 $0xFFFFFFF0, v22  }
0x4cc: {  	v3 =	vor.u32 v3, v4  }
0x4cd: {  	v4 =	vperm.xlane v3, v0;
	_ =	sdelay $0x1  }
0x4ce: {  	v3 =	vperm.xlane v3, v2;
	v4 =	vadd.s32 v1, v4;
	_ =	sdelay $0x1  }
0x4cf: {  	v3 =	vadd.s32 v1, v3;
	_ =	sdelay $0x2  }
0x4d0: {  	[tilespmem:s28], [sflag:$0x1] =	stream.indirect_vreg.gather [hbm4b:s2+s3], $0x80, v4, vm0, $0xb8;
	[tilespmem:$0x8080] =	vst v63  }
0x4d1: {  	_ = 	snop  }
0x4d2: {  	[tilespmem:s29], [sflag:$0x1] =	stream.indirect_vreg.gather [hbm4b:s2+s3], $0x80, v3, vm0, $0xb8;
	[tilespmem:$0x8080] =	vst v63  }
0x4d3: {  	v3 =	vld [tilespmem:$0x70];
	_ =	sdelay $0x4  }
0x4d4: {  	v23 =	vshll.u32 v3, $0x1  }
0x4d5: {  	v3 =	vand.u32 $0x7, v3;
	v4 =	vand.u32 $0xFFFFFFF0, v23  }
0x4d6: {  	v3 =	vor.u32 v3, v4  }
0x4d7: {  	v4 =	vperm.xlane v3, v0;
	_ =	sdelay $0x1  }
0x4d8: {  	v3 =	vperm.xlane v3, v2;
	v4 =	vadd.s32 v1, v4;
	_ =	sdelay $0x1  }
0x4d9: {  	v3 =	vadd.s32 v1, v3;
	_ =	sdelay $0x2  }
0x4da: {  	[tilespmem:s30], [sflag:$0x1] =	stream.indirect_vreg.gather [hbm4b:s2+s3], $0x80, v4, vm0, $0xb8;
	[tilespmem:$0x8080] =	vst v63  }
0x4db: {  	_ = 	snop  }
0x4dc: {  	[tilespmem:s31], [sflag:$0x1] =	stream.indirect_vreg.gather [hbm4b:s2+s3], $0x80, v3, vm0, $0xb8;
	[tilespmem:$0x8080] =	vst v63  }
0x4dd: {  	_ =	swait.ge [sflag:s1], $0x8000  }
0x4de: {  	[sflag:s1] =	ssyncset.done $0x0  }
0x4df: {  	s0 =	rddreg [dreg:$0x1c];
	[sflag:s1] =	ssyncadd.s32 $0xFFFF8000  }
0x4e0: {  	[hbm4b:s0+s3] =	stream.linear.scatter [tilespmem:s15], [sflag:$0x2], $0x8000, $0x38;
	[tilespmem:$0x8080] =	vst v63  }
0x4e1: {  	_ =	swait.ge [sflag:s14], $0x8000  }
0x4e2: {  	[sflag:s14] =	ssyncset.done $0x0  }
0x4e3: {  	s0 =	rddreg [dreg:$0x1d];
	[sflag:s14] =	ssyncadd.s32 $0xFFFF8000  }
0x4e4: {  	[tilespmem:s3], [sflag:$0x2] =	stream.linear.gather [hbm4b:s0+s3], $0x80, $0x38;
	[tilespmem:$0x8080] =	vst v63  }
0x4e5: {  	_ =	swait.ge [sflag:s14], $0x80  }
0x4e6: {  	[sflag:s14] =	ssyncset.done $0x0  }
0x4e7: {  	[sflag:s14] =	ssyncadd.s32 $0xFFFFFF80  }
0x4e8: {  	v3 =	vld [tilespmem:$0x0];
	_ =	sdelay $0x4  }
0x4e9: {  	v24 =	vshll.u32 v3, $0x1  }
0x4ea: {  	v3 =	vand.u32 $0x7, v3;
	v4 =	vand.u32 $0xFFFFFFF0, v24  }
0x4eb: {  	v3 =	vor.u32 v3, v4  }
0x4ec: {  	v4 =	vperm.xlane v3, v0;
	_ =	sdelay $0x1  }
0x4ed: {  	v3 =	vperm.xlane v3, v2;
	v4 =	vadd.s32 v1, v4;
	_ =	sdelay $0x1  }
0x4ee: {  	v3 =	vadd.s32 v1, v3;
	_ =	sdelay $0x2  }
0x4ef: {  	[tilespmem:s15], [sflag:$0x1] =	stream.indirect_vreg.gather [hbm4b:s2+s3], $0x80, v4, vm0, $0xb8;
	[tilespmem:$0x8080] =	vst v63  }
0x4f0: {  	_ = 	snop  }
0x4f1: {  	[tilespmem:s16], [sflag:$0x1] =	stream.indirect_vreg.gather [hbm4b:s2+s3], $0x80, v3, vm0, $0xb8;
	[tilespmem:$0x8080] =	vst v63  }
0x4f2: {  	v3 =	vld [tilespmem:$0x10];
	_ =	sdelay $0x4  }
0x4f3: {  	v25 =	vshll.u32 v3, $0x1  }
0x4f4: {  	v3 =	vand.u32 $0x7, v3;
	v4 =	vand.u32 $0xFFFFFFF0, v25  }
0x4f5: {  	v3 =	vor.u32 v3, v4  }
0x4f6: {  	v4 =	vperm.xlane v3, v0;
	_ =	sdelay $0x1  }
0x4f7: {  	v3 =	vperm.xlane v3, v2;
	v4 =	vadd.s32 v1, v4;
	_ =	sdelay $0x1  }
0x4f8: {  	v3 =	vadd.s32 v1, v3;
	_ =	sdelay $0x2  }
0x4f9: {  	[tilespmem:s17], [sflag:$0x1] =	stream.indirect_vreg.gather [hbm4b:s2+s3], $0x80, v4, vm0, $0xb8;
	[tilespmem:$0x8080] =	vst v63  }
0x4fa: {  	_ = 	snop  }
0x4fb: {  	[tilespmem:s18], [sflag:$0x1] =	stream.indirect_vreg.gather [hbm4b:s2+s3], $0x80, v3, vm0, $0xb8;
	[tilespmem:$0x8080] =	vst v63  }
0x4fc: {  	v3 =	vld [tilespmem:$0x20];
	_ =	sdelay $0x4  }
0x4fd: {  	v26 =	vshll.u32 v3, $0x1  }
0x4fe: {  	v3 =	vand.u32 $0x7, v3;
	v4 =	vand.u32 $0xFFFFFFF0, v26  }
0x4ff: {  	v3 =	vor.u32 v3, v4  }
0x500: {  	v4 =	vperm.xlane v3, v0;
	_ =	sdelay $0x1  }
0x501: {  	v3 =	vperm.xlane v3, v2;
	v4 =	vadd.s32 v1, v4;
	_ =	sdelay $0x1  }
0x502: {  	v3 =	vadd.s32 v1, v3;
	_ =	sdelay $0x2  }
0x503: {  	[tilespmem:s19], [sflag:$0x1] =	stream.indirect_vreg.gather [hbm4b:s2+s3], $0x80, v4, vm0, $0xb8;
	[tilespmem:$0x8080] =	vst v63  }
0x504: {  	_ = 	snop  }
0x505: {  	[tilespmem:s20], [sflag:$0x1] =	stream.indirect_vreg.gather [hbm4b:s2+s3], $0x80, v3, vm0, $0xb8;
	[tilespmem:$0x8080] =	vst v63  }
0x506: {  	v3 =	vld [tilespmem:$0x30];
	_ =	sdelay $0x4  }
0x507: {  	v27 =	vshll.u32 v3, $0x1  }
0x508: {  	v3 =	vand.u32 $0x7, v3;
	v4 =	vand.u32 $0xFFFFFFF0, v27  }
0x509: {  	v3 =	vor.u32 v3, v4  }
0x50a: {  	v4 =	vperm.xlane v3, v0;
	_ =	sdelay $0x1  }
0x50b: {  	v3 =	vperm.xlane v3, v2;
	v4 =	vadd.s32 v1, v4;
	_ =	sdelay $0x1  }
0x50c: {  	v3 =	vadd.s32 v1, v3;
	_ =	sdelay $0x2  }
0x50d: {  	[tilespmem:s21], [sflag:$0x1] =	stream.indirect_vreg.gather [hbm4b:s2+s3], $0x80, v4, vm0, $0xb8;
	[tilespmem:$0x8080] =	vst v63  }
0x50e: {  	_ = 	snop  }
0x50f: {  	[tilespmem:s22], [sflag:$0x1] =	stream.indirect_vreg.gather [hbm4b:s2+s3], $0x80, v3, vm0, $0xb8;
	[tilespmem:$0x8080] =	vst v63  }
0x510: {  	v3 =	vld [tilespmem:$0x40];
	_ =	sdelay $0x4  }
0x511: {  	v28 =	vshll.u32 v3, $0x1  }
0x512: {  	v3 =	vand.u32 $0x7, v3;
	v4 =	vand.u32 $0xFFFFFFF0, v28  }
0x513: {  	v3 =	vor.u32 v3, v4  }
0x514: {  	v4 =	vperm.xlane v3, v0;
	_ =	sdelay $0x1  }
0x515: {  	v3 =	vperm.xlane v3, v2;
	v4 =	vadd.s32 v1, v4;
	_ =	sdelay $0x1  }
0x516: {  	v3 =	vadd.s32 v1, v3;
	_ =	sdelay $0x2  }
0x517: {  	[tilespmem:s23], [sflag:$0x1] =	stream.indirect_vreg.gather [hbm4b:s2+s3], $0x80, v4, vm0, $0xb8;
	[tilespmem:$0x8080] =	vst v63  }
0x518: {  	_ = 	snop  }
0x519: {  	[tilespmem:s24], [sflag:$0x1] =	stream.indirect_vreg.gather [hbm4b:s2+s3], $0x80, v3, vm0, $0xb8;
	[tilespmem:$0x8080] =	vst v63  }
0x51a: {  	v3 =	vld [tilespmem:$0x50];
	_ =	sdelay $0x4  }
0x51b: {  	v29 =	vshll.u32 v3, $0x1  }
0x51c: {  	v3 =	vand.u32 $0x7, v3;
	v4 =	vand.u32 $0xFFFFFFF0, v29  }
0x51d: {  	v3 =	vor.u32 v3, v4  }
0x51e: {  	v4 =	vperm.xlane v3, v0;
	_ =	sdelay $0x1  }
0x51f: {  	v3 =	vperm.xlane v3, v2;
	v4 =	vadd.s32 v1, v4;
	_ =	sdelay $0x1  }
0x520: {  	v3 =	vadd.s32 v1, v3;
	_ =	sdelay $0x2  }
0x521: {  	[tilespmem:s25], [sflag:$0x1] =	stream.indirect_vreg.gather [hbm4b:s2+s3], $0x80, v4, vm0, $0xb8;
	[tilespmem:$0x8080] =	vst v63  }
0x522: {  	_ = 	snop  }
0x523: {  	[tilespmem:s26], [sflag:$0x1] =	stream.indirect_vreg.gather [hbm4b:s2+s3], $0x80, v3, vm0, $0xb8;
	[tilespmem:$0x8080] =	vst v63  }
0x524: {  	v3 =	vld [tilespmem:$0x60];
	_ =	sdelay $0x4  }
0x525: {  	v30 =	vshll.u32 v3, $0x1  }
0x526: {  	v3 =	vand.u32 $0x7, v3;
	v4 =	vand.u32 $0xFFFFFFF0, v30  }
0x527: {  	v3 =	vor.u32 v3, v4  }
0x528: {  	v4 =	vperm.xlane v3, v0;
	_ =	sdelay $0x1  }
0x529: {  	v3 =	vperm.xlane v3, v2;
	v4 =	vadd.s32 v1, v4;
	_ =	sdelay $0x1  }
0x52a: {  	v3 =	vadd.s32 v1, v3;
	_ =	sdelay $0x2  }
0x52b: {  	[tilespmem:s28], [sflag:$0x1] =	stream.indirect_vreg.gather [hbm4b:s2+s3], $0x80, v4, vm0, $0xb8;
	[tilespmem:$0x8080] =	vst v63  }
0x52c: {  	_ = 	snop  }
0x52d: {  	[tilespmem:s29], [sflag:$0x1] =	stream.indirect_vreg.gather [hbm4b:s2+s3], $0x80, v3, vm0, $0xb8;
	[tilespmem:$0x8080] =	vst v63  }
0x52e: {  	v3 =	vld [tilespmem:$0x70];
	_ =	sdelay $0x4  }
0x52f: {  	v31 =	vshll.u32 v3, $0x1  }
0x530: {  	v3 =	vand.u32 $0x7, v3;
	v4 =	vand.u32 $0xFFFFFFF0, v31  }
0x531: {  	v3 =	vor.u32 v3, v4  }
0x532: {  	v4 =	vperm.xlane v3, v0;
	_ =	sdelay $0x1  }
0x533: {  	v3 =	vperm.xlane v3, v2;
	v4 =	vadd.s32 v1, v4;
	_ =	sdelay $0x1  }
0x534: {  	v3 =	vadd.s32 v1, v3;
	_ =	sdelay $0x2  }
0x535: {  	[tilespmem:s30], [sflag:$0x1] =	stream.indirect_vreg.gather [hbm4b:s2+s3], $0x80, v4, vm0, $0xb8;
	[tilespmem:$0x8080] =	vst v63  }
0x536: {  	_ = 	snop  }
0x537: {  	[tilespmem:s31], [sflag:$0x1] =	stream.indirect_vreg.gather [hbm4b:s2+s3], $0x80, v3, vm0, $0xb8;
	[tilespmem:$0x8080] =	vst v63  }
0x538: {  	_ =	swait.ge [sflag:s1], $0x8000  }
0x539: {  	[sflag:s1] =	ssyncset.done $0x0  }
0x53a: {  	s0 =	rddreg [dreg:$0x1e];
	[sflag:s1] =	ssyncadd.s32 $0xFFFF8000  }
0x53b: {  	[hbm4b:s0+s3] =	stream.linear.scatter [tilespmem:s15], [sflag:$0x2], $0x8000, $0x38;
	[tilespmem:$0x8080] =	vst v63  }
0x53c: {  	_ =	swait.ge [sflag:s14], $0x8000  }
0x53d: {  	[sflag:s14] =	ssyncset.done $0x0  }
0x53e: {  	s0 =	rddreg [dreg:$0x1f];
	[sflag:s14] =	ssyncadd.s32 $0xFFFF8000  }
0x53f: {  	[tilespmem:s3], [sflag:$0x2] =	stream.linear.gather [hbm4b:s0+s3], $0x80, $0x38;
	[tilespmem:$0x8080] =	vst v63  }
0x540: {  	_ =	swait.ge [sflag:s14], $0x80  }
0x541: {  	[sflag:s14] =	ssyncset.done $0x0  }
0x542: {  	[sflag:s14] =	ssyncadd.s32 $0xFFFFFF80  }
0x543: {  	v3 =	vld [tilespmem:$0x0];
	_ =	sdelay $0x4  }
0x544: {  	v32 =	vshll.u32 v3, $0x1  }
0x545: {  	v3 =	vand.u32 $0x7, v3;
	v4 =	vand.u32 $0xFFFFFFF0, v32  }
0x546: {  	v3 =	vor.u32 v3, v4  }
0x547: {  	v4 =	vperm.xlane v3, v0;
	_ =	sdelay $0x1  }
0x548: {  	v3 =	vperm.xlane v3, v2;
	v4 =	vadd.s32 v1, v4;
	_ =	sdelay $0x1  }
0x549: {  	v3 =	vadd.s32 v1, v3;
	_ =	sdelay $0x2  }
0x54a: {  	[tilespmem:s15], [sflag:$0x1] =	stream.indirect_vreg.gather [hbm4b:s2+s3], $0x80, v4, vm0, $0xb8;
	[tilespmem:$0x8080] =	vst v63  }
0x54b: {  	_ = 	snop  }
0x54c: {  	[tilespmem:s16], [sflag:$0x1] =	stream.indirect_vreg.gather [hbm4b:s2+s3], $0x80, v3, vm0, $0xb8;
	[tilespmem:$0x8080] =	vst v63  }
0x54d: {  	v3 =	vld [tilespmem:$0x10];
	_ =	sdelay $0x4  }
0x54e: {  	v33 =	vshll.u32 v3, $0x1  }
0x54f: {  	v3 =	vand.u32 $0x7, v3;
	v4 =	vand.u32 $0xFFFFFFF0, v33  }
0x550: {  	v3 =	vor.u32 v3, v4  }
0x551: {  	v4 =	vperm.xlane v3, v0;
	_ =	sdelay $0x1  }
0x552: {  	v3 =	vperm.xlane v3, v2;
	v4 =	vadd.s32 v1, v4;
	_ =	sdelay $0x1  }
0x553: {  	v3 =	vadd.s32 v1, v3;
	_ =	sdelay $0x2  }
0x554: {  	[tilespmem:s17], [sflag:$0x1] =	stream.indirect_vreg.gather [hbm4b:s2+s3], $0x80, v4, vm0, $0xb8;
	[tilespmem:$0x8080] =	vst v63  }
0x555: {  	_ = 	snop  }
0x556: {  	[tilespmem:s18], [sflag:$0x1] =	stream.indirect_vreg.gather [hbm4b:s2+s3], $0x80, v3, vm0, $0xb8;
	[tilespmem:$0x8080] =	vst v63  }
0x557: {  	v3 =	vld [tilespmem:$0x20];
	_ =	sdelay $0x4  }
0x558: {  	v34 =	vshll.u32 v3, $0x1  }
0x559: {  	v3 =	vand.u32 $0x7, v3;
	v4 =	vand.u32 $0xFFFFFFF0, v34  }
0x55a: {  	v3 =	vor.u32 v3, v4  }
0x55b: {  	v4 =	vperm.xlane v3, v0;
	_ =	sdelay $0x1  }
0x55c: {  	v3 =	vperm.xlane v3, v2;
	v4 =	vadd.s32 v1, v4;
	_ =	sdelay $0x1  }
0x55d: {  	v3 =	vadd.s32 v1, v3;
	_ =	sdelay $0x2  }
0x55e: {  	[tilespmem:s19], [sflag:$0x1] =	stream.indirect_vreg.gather [hbm4b:s2+s3], $0x80, v4, vm0, $0xb8;
	[tilespmem:$0x8080] =	vst v63  }
0x55f: {  	_ = 	snop  }
0x560: {  	[tilespmem:s20], [sflag:$0x1] =	stream.indirect_vreg.gather [hbm4b:s2+s3], $0x80, v3, vm0, $0xb8;
	[tilespmem:$0x8080] =	vst v63  }
0x561: {  	v3 =	vld [tilespmem:$0x30];
	_ =	sdelay $0x4  }
0x562: {  	v35 =	vshll.u32 v3, $0x1  }
0x563: {  	v3 =	vand.u32 $0x7, v3;
	v4 =	vand.u32 $0xFFFFFFF0, v35  }
0x564: {  	v3 =	vor.u32 v3, v4  }
0x565: {  	v4 =	vperm.xlane v3, v0;
	_ =	sdelay $0x1  }
0x566: {  	v3 =	vperm.xlane v3, v2;
	v4 =	vadd.s32 v1, v4;
	_ =	sdelay $0x1  }
0x567: {  	v3 =	vadd.s32 v1, v3;
	_ =	sdelay $0x2  }
0x568: {  	[tilespmem:s21], [sflag:$0x1] =	stream.indirect_vreg.gather [hbm4b:s2+s3], $0x80, v4, vm0, $0xb8;
	[tilespmem:$0x8080] =	vst v63  }
0x569: {  	_ = 	snop  }
0x56a: {  	[tilespmem:s22], [sflag:$0x1] =	stream.indirect_vreg.gather [hbm4b:s2+s3], $0x80, v3, vm0, $0xb8;
	[tilespmem:$0x8080] =	vst v63  }
0x56b: {  	v3 =	vld [tilespmem:$0x40];
	_ =	sdelay $0x4  }
0x56c: {  	v36 =	vshll.u32 v3, $0x1  }
0x56d: {  	v3 =	vand.u32 $0x7, v3;
	v4 =	vand.u32 $0xFFFFFFF0, v36  }
0x56e: {  	v3 =	vor.u32 v3, v4  }
0x56f: {  	v4 =	vperm.xlane v3, v0;
	_ =	sdelay $0x1  }
0x570: {  	v3 =	vperm.xlane v3, v2;
	v4 =	vadd.s32 v1, v4;
	_ =	sdelay $0x1  }
0x571: {  	v3 =	vadd.s32 v1, v3;
	_ =	sdelay $0x2  }
0x572: {  	[tilespmem:s23], [sflag:$0x1] =	stream.indirect_vreg.gather [hbm4b:s2+s3], $0x80, v4, vm0, $0xb8;
	[tilespmem:$0x8080] =	vst v63  }
0x573: {  	_ = 	snop  }
0x574: {  	[tilespmem:s24], [sflag:$0x1] =	stream.indirect_vreg.gather [hbm4b:s2+s3], $0x80, v3, vm0, $0xb8;
	[tilespmem:$0x8080] =	vst v63  }
0x575: {  	v3 =	vld [tilespmem:$0x50];
	_ =	sdelay $0x4  }
0x576: {  	v37 =	vshll.u32 v3, $0x1  }
0x577: {  	v3 =	vand.u32 $0x7, v3;
	v4 =	vand.u32 $0xFFFFFFF0, v37  }
0x578: {  	v3 =	vor.u32 v3, v4  }
0x579: {  	v4 =	vperm.xlane v3, v0;
	_ =	sdelay $0x1  }
0x57a: {  	v3 =	vperm.xlane v3, v2;
	v4 =	vadd.s32 v1, v4;
	_ =	sdelay $0x1  }
0x57b: {  	v3 =	vadd.s32 v1, v3;
	_ =	sdelay $0x2  }
0x57c: {  	[tilespmem:s25], [sflag:$0x1] =	stream.indirect_vreg.gather [hbm4b:s2+s3], $0x80, v4, vm0, $0xb8;
	[tilespmem:$0x8080] =	vst v63  }
0x57d: {  	_ = 	snop  }
0x57e: {  	[tilespmem:s26], [sflag:$0x1] =	stream.indirect_vreg.gather [hbm4b:s2+s3], $0x80, v3, vm0, $0xb8;
	[tilespmem:$0x8080] =	vst v63  }
0x57f: {  	v3 =	vld [tilespmem:$0x60];
	_ =	sdelay $0x4  }
0x580: {  	v38 =	vshll.u32 v3, $0x1  }
0x581: {  	v3 =	vand.u32 $0x7, v3;
	v4 =	vand.u32 $0xFFFFFFF0, v38  }
0x582: {  	v3 =	vor.u32 v3, v4  }
0x583: {  	v4 =	vperm.xlane v3, v0;
	_ =	sdelay $0x1  }
0x584: {  	v3 =	vperm.xlane v3, v2;
	v4 =	vadd.s32 v1, v4;
	_ =	sdelay $0x1  }
0x585: {  	v3 =	vadd.s32 v1, v3;
	_ =	sdelay $0x2  }
0x586: {  	[tilespmem:s28], [sflag:$0x1] =	stream.indirect_vreg.gather [hbm4b:s2+s3], $0x80, v4, vm0, $0xb8;
	[tilespmem:$0x8080] =	vst v63  }
0x587: {  	_ = 	snop  }
0x588: {  	[tilespmem:s29], [sflag:$0x1] =	stream.indirect_vreg.gather [hbm4b:s2+s3], $0x80, v3, vm0, $0xb8;
	[tilespmem:$0x8080] =	vst v63  }
0x589: {  	v3 =	vld [tilespmem:$0x70];
	_ =	sdelay $0x4  }
0x58a: {  	v39 =	vshll.u32 v3, $0x1  }
0x58b: {  	v3 =	vand.u32 $0x7, v3;
	v4 =	vand.u32 $0xFFFFFFF0, v39  }
0x58c: {  	v3 =	vor.u32 v3, v4  }
0x58d: {  	v4 =	vperm.xlane v3, v0;
	_ =	sdelay $0x1  }
0x58e: {  	v3 =	vperm.xlane v3, v2;
	v4 =	vadd.s32 v1, v4;
	_ =	sdelay $0x1  }
0x58f: {  	v3 =	vadd.s32 v1, v3;
	_ =	sdelay $0x2  }
0x590: {  	[tilespmem:s30], [sflag:$0x1] =	stream.indirect_vreg.gather [hbm4b:s2+s3], $0x80, v4, vm0, $0xb8;
	[tilespmem:$0x8080] =	vst v63  }
0x591: {  	_ = 	snop  }
0x592: {  	[tilespmem:s31], [sflag:$0x1] =	stream.indirect_vreg.gather [hbm4b:s2+s3], $0x80, v3, vm0, $0xb8;
	[tilespmem:$0x8080] =	vst v63  }
0x593: {  	_ =	swait.ge [sflag:s1], $0x8000  }
0x594: {  	s0 =	sld [smem:$0x7F2]  }
0x595: {  	[sflag:s1] =	ssyncset.done $0x0  }
0x596: {  	[sflag:s1] =	ssyncadd.s32 $0xFFFF8000  }
0x597: {  	[hbm4b:s0+s3] =	stream.linear.scatter [tilespmem:s15], [sflag:$0x2], $0x8000, $0x38;
	[tilespmem:$0x8080] =	vst v63  }
0x598: {  	_ =	swait.ge [sflag:s14], $0x8000  }
0x599: {  	s0 =	sld [smem:$0x7F3]  }
0x59a: {  	[sflag:s14] =	ssyncset.done $0x0  }
0x59b: {  	[sflag:s14] =	ssyncadd.s32 $0xFFFF8000  }
0x59c: {  	[tilespmem:s3], [sflag:$0x2] =	stream.linear.gather [hbm4b:s0+s3], $0x80, $0x38;
	[tilespmem:$0x8080] =	vst v63  }
0x59d: {  	_ =	swait.ge [sflag:s14], $0x80  }
0x59e: {  	[sflag:s14] =	ssyncset.done $0x0  }
0x59f: {  	[sflag:s14] =	ssyncadd.s32 $0xFFFFFF80  }
0x5a0: {  	v3 =	vld [tilespmem:$0x0];
	_ =	sdelay $0x4  }
0x5a1: {  	v40 =	vshll.u32 v3, $0x1  }
0x5a2: {  	v3 =	vand.u32 $0x7, v3;
	v4 =	vand.u32 $0xFFFFFFF0, v40  }
0x5a3: {  	v3 =	vor.u32 v3, v4  }
0x5a4: {  	v4 =	vperm.xlane v3, v0;
	_ =	sdelay $0x1  }
0x5a5: {  	v3 =	vperm.xlane v3, v2;
	v4 =	vadd.s32 v1, v4;
	_ =	sdelay $0x1  }
0x5a6: {  	v3 =	vadd.s32 v1, v3;
	_ =	sdelay $0x2  }
0x5a7: {  	[tilespmem:s15], [sflag:$0x1] =	stream.indirect_vreg.gather [hbm4b:s2+s3], $0x80, v4, vm0, $0xb8;
	[tilespmem:$0x8080] =	vst v63  }
0x5a8: {  	_ = 	snop  }
0x5a9: {  	[tilespmem:s16], [sflag:$0x1] =	stream.indirect_vreg.gather [hbm4b:s2+s3], $0x80, v3, vm0, $0xb8;
	[tilespmem:$0x8080] =	vst v63  }
0x5aa: {  	v3 =	vld [tilespmem:$0x10];
	_ =	sdelay $0x4  }
0x5ab: {  	v41 =	vshll.u32 v3, $0x1  }
0x5ac: {  	v3 =	vand.u32 $0x7, v3;
	v4 =	vand.u32 $0xFFFFFFF0, v41  }
0x5ad: {  	v3 =	vor.u32 v3, v4  }
0x5ae: {  	v4 =	vperm.xlane v3, v0;
	_ =	sdelay $0x1  }
0x5af: {  	v3 =	vperm.xlane v3, v2;
	v4 =	vadd.s32 v1, v4;
	_ =	sdelay $0x1  }
0x5b0: {  	v3 =	vadd.s32 v1, v3;
	_ =	sdelay $0x2  }
0x5b1: {  	[tilespmem:s17], [sflag:$0x1] =	stream.indirect_vreg.gather [hbm4b:s2+s3], $0x80, v4, vm0, $0xb8;
	[tilespmem:$0x8080] =	vst v63  }
0x5b2: {  	_ = 	snop  }
0x5b3: {  	[tilespmem:s18], [sflag:$0x1] =	stream.indirect_vreg.gather [hbm4b:s2+s3], $0x80, v3, vm0, $0xb8;
	[tilespmem:$0x8080] =	vst v63  }
0x5b4: {  	v3 =	vld [tilespmem:$0x20];
	_ =	sdelay $0x4  }
0x5b5: {  	v42 =	vshll.u32 v3, $0x1  }
0x5b6: {  	v3 =	vand.u32 $0x7, v3;
	v4 =	vand.u32 $0xFFFFFFF0, v42  }
0x5b7: {  	v3 =	vor.u32 v3, v4  }
0x5b8: {  	v4 =	vperm.xlane v3, v0;
	_ =	sdelay $0x1  }
0x5b9: {  	v3 =	vperm.xlane v3, v2;
	v4 =	vadd.s32 v1, v4;
	_ =	sdelay $0x1  }
0x5ba: {  	v3 =	vadd.s32 v1, v3;
	_ =	sdelay $0x2  }
0x5bb: {  	[tilespmem:s19], [sflag:$0x1] =	stream.indirect_vreg.gather [hbm4b:s2+s3], $0x80, v4, vm0, $0xb8;
	[tilespmem:$0x8080] =	vst v63  }
0x5bc: {  	_ = 	snop  }
0x5bd: {  	[tilespmem:s20], [sflag:$0x1] =	stream.indirect_vreg.gather [hbm4b:s2+s3], $0x80, v3, vm0, $0xb8;
	[tilespmem:$0x8080] =	vst v63  }
0x5be: {  	v3 =	vld [tilespmem:$0x30];
	_ =	sdelay $0x4  }
0x5bf: {  	v43 =	vshll.u32 v3, $0x1  }
0x5c0: {  	v3 =	vand.u32 $0x7, v3;
	v4 =	vand.u32 $0xFFFFFFF0, v43  }
0x5c1: {  	v3 =	vor.u32 v3, v4  }
0x5c2: {  	v4 =	vperm.xlane v3, v0;
	_ =	sdelay $0x1  }
0x5c3: {  	v3 =	vperm.xlane v3, v2;
	v4 =	vadd.s32 v1, v4;
	_ =	sdelay $0x1  }
0x5c4: {  	v3 =	vadd.s32 v1, v3;
	_ =	sdelay $0x2  }
0x5c5: {  	[tilespmem:s21], [sflag:$0x1] =	stream.indirect_vreg.gather [hbm4b:s2+s3], $0x80, v4, vm0, $0xb8;
	[tilespmem:$0x8080] =	vst v63  }
0x5c6: {  	_ = 	snop  }
0x5c7: {  	[tilespmem:s22], [sflag:$0x1] =	stream.indirect_vreg.gather [hbm4b:s2+s3], $0x80, v3, vm0, $0xb8;
	[tilespmem:$0x8080] =	vst v63  }
0x5c8: {  	v3 =	vld [tilespmem:$0x40];
	_ =	sdelay $0x4  }
0x5c9: {  	v44 =	vshll.u32 v3, $0x1  }
0x5ca: {  	v3 =	vand.u32 $0x7, v3;
	v4 =	vand.u32 $0xFFFFFFF0, v44  }
0x5cb: {  	v3 =	vor.u32 v3, v4  }
0x5cc: {  	v4 =	vperm.xlane v3, v0;
	_ =	sdelay $0x1  }
0x5cd: {  	v3 =	vperm.xlane v3, v2;
	v4 =	vadd.s32 v1, v4;
	_ =	sdelay $0x1  }
0x5ce: {  	v3 =	vadd.s32 v1, v3;
	_ =	sdelay $0x2  }
0x5cf: {  	[tilespmem:s23], [sflag:$0x1] =	stream.indirect_vreg.gather [hbm4b:s2+s3], $0x80, v4, vm0, $0xb8;
	[tilespmem:$0x8080] =	vst v63  }
0x5d0: {  	_ = 	snop  }
0x5d1: {  	[tilespmem:s24], [sflag:$0x1] =	stream.indirect_vreg.gather [hbm4b:s2+s3], $0x80, v3, vm0, $0xb8;
	[tilespmem:$0x8080] =	vst v63  }
0x5d2: {  	v3 =	vld [tilespmem:$0x50];
	_ =	sdelay $0x4  }
0x5d3: {  	v45 =	vshll.u32 v3, $0x1  }
0x5d4: {  	v3 =	vand.u32 $0x7, v3;
	v4 =	vand.u32 $0xFFFFFFF0, v45  }
0x5d5: {  	v3 =	vor.u32 v3, v4  }
0x5d6: {  	v4 =	vperm.xlane v3, v0;
	_ =	sdelay $0x1  }
0x5d7: {  	v3 =	vperm.xlane v3, v2;
	v4 =	vadd.s32 v1, v4;
	_ =	sdelay $0x1  }
0x5d8: {  	v3 =	vadd.s32 v1, v3;
	_ =	sdelay $0x2  }
0x5d9: {  	[tilespmem:s25], [sflag:$0x1] =	stream.indirect_vreg.gather [hbm4b:s2+s3], $0x80, v4, vm0, $0xb8;
	[tilespmem:$0x8080] =	vst v63  }
0x5da: {  	_ = 	snop  }
0x5db: {  	[tilespmem:s26], [sflag:$0x1] =	stream.indirect_vreg.gather [hbm4b:s2+s3], $0x80, v3, vm0, $0xb8;
	[tilespmem:$0x8080] =	vst v63  }
0x5dc: {  	v3 =	vld [tilespmem:$0x60];
	_ =	sdelay $0x4  }
0x5dd: {  	v46 =	vshll.u32 v3, $0x1  }
0x5de: {  	v3 =	vand.u32 $0x7, v3;
	v4 =	vand.u32 $0xFFFFFFF0, v46  }
0x5df: {  	v3 =	vor.u32 v3, v4  }
0x5e0: {  	v4 =	vperm.xlane v3, v0;
	_ =	sdelay $0x1  }
0x5e1: {  	v3 =	vperm.xlane v3, v2;
	v4 =	vadd.s32 v1, v4;
	_ =	sdelay $0x1  }
0x5e2: {  	v3 =	vadd.s32 v1, v3;
	_ =	sdelay $0x2  }
0x5e3: {  	[tilespmem:s28], [sflag:$0x1] =	stream.indirect_vreg.gather [hbm4b:s2+s3], $0x80, v4, vm0, $0xb8;
	[tilespmem:$0x8080] =	vst v63  }
0x5e4: {  	_ = 	snop  }
0x5e5: {  	[tilespmem:s29], [sflag:$0x1] =	stream.indirect_vreg.gather [hbm4b:s2+s3], $0x80, v3, vm0, $0xb8;
	[tilespmem:$0x8080] =	vst v63  }
0x5e6: {  	v3 =	vld [tilespmem:$0x70];
	_ =	sdelay $0x4  }
0x5e7: {  	v47 =	vshll.u32 v3, $0x1  }
0x5e8: {  	v3 =	vand.u32 $0x7, v3;
	v4 =	vand.u32 $0xFFFFFFF0, v47  }
0x5e9: {  	v3 =	vor.u32 v3, v4  }
0x5ea: {  	v4 =	vperm.xlane v3, v0;
	_ =	sdelay $0x1  }
0x5eb: {  	v3 =	vperm.xlane v3, v2;
	v4 =	vadd.s32 v1, v4;
	_ =	sdelay $0x1  }
0x5ec: {  	v3 =	vadd.s32 v1, v3;
	_ =	sdelay $0x2  }
0x5ed: {  	[tilespmem:s30], [sflag:$0x1] =	stream.indirect_vreg.gather [hbm4b:s2+s3], $0x80, v4, vm0, $0xb8;
	[tilespmem:$0x8080] =	vst v63  }
0x5ee: {  	_ = 	snop  }
0x5ef: {  	[tilespmem:s31], [sflag:$0x1] =	stream.indirect_vreg.gather [hbm4b:s2+s3], $0x80, v3, vm0, $0xb8;
	[tilespmem:$0x8080] =	vst v63  }
0x5f0: {  	_ =	swait.ge [sflag:s1], $0x8000  }
0x5f1: {  	s0 =	sld [smem:$0x7F4]  }
0x5f2: {  	[sflag:s1] =	ssyncset.done $0x0  }
0x5f3: {  	[sflag:s1] =	ssyncadd.s32 $0xFFFF8000  }
0x5f4: {  	[hbm4b:s0+s3] =	stream.linear.scatter [tilespmem:s15], [sflag:$0x2], $0x8000, $0x38;
	[tilespmem:$0x8080] =	vst v63  }
0x5f5: {  	_ =	swait.ge [sflag:s14], $0x8000  }
0x5f6: {  	s0 =	sld [smem:$0x7F5]  }
0x5f7: {  	[sflag:s14] =	ssyncset.done $0x0  }
0x5f8: {  	[sflag:s14] =	ssyncadd.s32 $0xFFFF8000  }
0x5f9: {  	[tilespmem:s3], [sflag:$0x2] =	stream.linear.gather [hbm4b:s0+s3], $0x80, $0x38;
	[tilespmem:$0x8080] =	vst v63  }
0x5fa: {  	_ =	swait.ge [sflag:s14], $0x80  }
0x5fb: {  	[sflag:s14] =	ssyncset.done $0x0  }
0x5fc: {  	[sflag:s14] =	ssyncadd.s32 $0xFFFFFF80  }
0x5fd: {  	v3 =	vld [tilespmem:$0x0];
	_ =	sdelay $0x4  }
0x5fe: {  	v48 =	vshll.u32 v3, $0x1  }
0x5ff: {  	v3 =	vand.u32 $0x7, v3;
	v4 =	vand.u32 $0xFFFFFFF0, v48  }
0x600: {  	v3 =	vor.u32 v3, v4  }
0x601: {  	v4 =	vperm.xlane v3, v0;
	_ =	sdelay $0x1  }
0x602: {  	v3 =	vperm.xlane v3, v2;
	v4 =	vadd.s32 v1, v4;
	_ =	sdelay $0x1  }
0x603: {  	v3 =	vadd.s32 v1, v3;
	_ =	sdelay $0x2  }
0x604: {  	[tilespmem:s15], [sflag:$0x1] =	stream.indirect_vreg.gather [hbm4b:s2+s3], $0x80, v4, vm0, $0xb8;
	[tilespmem:$0x8080] =	vst v63  }
0x605: {  	_ = 	snop  }
0x606: {  	[tilespmem:s16], [sflag:$0x1] =	stream.indirect_vreg.gather [hbm4b:s2+s3], $0x80, v3, vm0, $0xb8;
	[tilespmem:$0x8080] =	vst v63  }
0x607: {  	v3 =	vld [tilespmem:$0x10];
	_ =	sdelay $0x4  }
0x608: {  	v49 =	vshll.u32 v3, $0x1  }
0x609: {  	v3 =	vand.u32 $0x7, v3;
	v4 =	vand.u32 $0xFFFFFFF0, v49  }
0x60a: {  	v3 =	vor.u32 v3, v4  }
0x60b: {  	v4 =	vperm.xlane v3, v0;
	_ =	sdelay $0x1  }
0x60c: {  	v3 =	vperm.xlane v3, v2;
	v4 =	vadd.s32 v1, v4;
	_ =	sdelay $0x1  }
0x60d: {  	v3 =	vadd.s32 v1, v3;
	_ =	sdelay $0x2  }
0x60e: {  	[tilespmem:s17], [sflag:$0x1] =	stream.indirect_vreg.gather [hbm4b:s2+s3], $0x80, v4, vm0, $0xb8;
	[tilespmem:$0x8080] =	vst v63  }
0x60f: {  	_ = 	snop  }
0x610: {  	[tilespmem:s18], [sflag:$0x1] =	stream.indirect_vreg.gather [hbm4b:s2+s3], $0x80, v3, vm0, $0xb8;
	[tilespmem:$0x8080] =	vst v63  }
0x611: {  	v3 =	vld [tilespmem:$0x20];
	_ =	sdelay $0x4  }
0x612: {  	v50 =	vshll.u32 v3, $0x1  }
0x613: {  	v3 =	vand.u32 $0x7, v3;
	v4 =	vand.u32 $0xFFFFFFF0, v50  }
0x614: {  	v3 =	vor.u32 v3, v4  }
0x615: {  	v4 =	vperm.xlane v3, v0;
	_ =	sdelay $0x1  }
0x616: {  	v3 =	vperm.xlane v3, v2;
	v4 =	vadd.s32 v1, v4;
	_ =	sdelay $0x1  }
0x617: {  	v3 =	vadd.s32 v1, v3;
	_ =	sdelay $0x2  }
0x618: {  	[tilespmem:s19], [sflag:$0x1] =	stream.indirect_vreg.gather [hbm4b:s2+s3], $0x80, v4, vm0, $0xb8;
	[tilespmem:$0x8080] =	vst v63  }
0x619: {  	_ = 	snop  }
0x61a: {  	[tilespmem:s20], [sflag:$0x1] =	stream.indirect_vreg.gather [hbm4b:s2+s3], $0x80, v3, vm0, $0xb8;
	[tilespmem:$0x8080] =	vst v63  }
0x61b: {  	v3 =	vld [tilespmem:$0x30];
	_ =	sdelay $0x4  }
0x61c: {  	v51 =	vshll.u32 v3, $0x1  }
0x61d: {  	v3 =	vand.u32 $0x7, v3;
	v4 =	vand.u32 $0xFFFFFFF0, v51  }
0x61e: {  	v3 =	vor.u32 v3, v4  }
0x61f: {  	v4 =	vperm.xlane v3, v0;
	_ =	sdelay $0x1  }
0x620: {  	v3 =	vperm.xlane v3, v2;
	v4 =	vadd.s32 v1, v4;
	_ =	sdelay $0x1  }
0x621: {  	v3 =	vadd.s32 v1, v3;
	_ =	sdelay $0x2  }
0x622: {  	[tilespmem:s21], [sflag:$0x1] =	stream.indirect_vreg.gather [hbm4b:s2+s3], $0x80, v4, vm0, $0xb8;
	[tilespmem:$0x8080] =	vst v63  }
0x623: {  	_ = 	snop  }
0x624: {  	[tilespmem:s22], [sflag:$0x1] =	stream.indirect_vreg.gather [hbm4b:s2+s3], $0x80, v3, vm0, $0xb8;
	[tilespmem:$0x8080] =	vst v63  }
0x625: {  	v3 =	vld [tilespmem:$0x40];
	_ =	sdelay $0x4  }
0x626: {  	v52 =	vshll.u32 v3, $0x1  }
0x627: {  	v3 =	vand.u32 $0x7, v3;
	v4 =	vand.u32 $0xFFFFFFF0, v52  }
0x628: {  	v3 =	vor.u32 v3, v4  }
0x629: {  	v4 =	vperm.xlane v3, v0;
	_ =	sdelay $0x1  }
0x62a: {  	v3 =	vperm.xlane v3, v2;
	v4 =	vadd.s32 v1, v4;
	_ =	sdelay $0x1  }
0x62b: {  	v3 =	vadd.s32 v1, v3;
	_ =	sdelay $0x2  }
0x62c: {  	[tilespmem:s23], [sflag:$0x1] =	stream.indirect_vreg.gather [hbm4b:s2+s3], $0x80, v4, vm0, $0xb8;
	[tilespmem:$0x8080] =	vst v63  }
0x62d: {  	_ = 	snop  }
0x62e: {  	[tilespmem:s24], [sflag:$0x1] =	stream.indirect_vreg.gather [hbm4b:s2+s3], $0x80, v3, vm0, $0xb8;
	[tilespmem:$0x8080] =	vst v63  }
0x62f: {  	v3 =	vld [tilespmem:$0x50];
	_ =	sdelay $0x4  }
0x630: {  	v53 =	vshll.u32 v3, $0x1  }
0x631: {  	v3 =	vand.u32 $0x7, v3;
	v4 =	vand.u32 $0xFFFFFFF0, v53  }
0x632: {  	v3 =	vor.u32 v3, v4  }
0x633: {  	v4 =	vperm.xlane v3, v0;
	_ =	sdelay $0x1  }
0x634: {  	v3 =	vperm.xlane v3, v2;
	v4 =	vadd.s32 v1, v4;
	_ =	sdelay $0x1  }
0x635: {  	v3 =	vadd.s32 v1, v3;
	_ =	sdelay $0x2  }
0x636: {  	[tilespmem:s25], [sflag:$0x1] =	stream.indirect_vreg.gather [hbm4b:s2+s3], $0x80, v4, vm0, $0xb8;
	[tilespmem:$0x8080] =	vst v63  }
0x637: {  	_ = 	snop  }
0x638: {  	[tilespmem:s26], [sflag:$0x1] =	stream.indirect_vreg.gather [hbm4b:s2+s3], $0x80, v3, vm0, $0xb8;
	[tilespmem:$0x8080] =	vst v63  }
0x639: {  	v3 =	vld [tilespmem:$0x60];
	_ =	sdelay $0x4  }
0x63a: {  	v54 =	vshll.u32 v3, $0x1  }
0x63b: {  	v3 =	vand.u32 $0x7, v3;
	v4 =	vand.u32 $0xFFFFFFF0, v54  }
0x63c: {  	v3 =	vor.u32 v3, v4  }
0x63d: {  	v4 =	vperm.xlane v3, v0;
	_ =	sdelay $0x1  }
0x63e: {  	v3 =	vperm.xlane v3, v2;
	v4 =	vadd.s32 v1, v4;
	_ =	sdelay $0x1  }
0x63f: {  	v3 =	vadd.s32 v1, v3;
	_ =	sdelay $0x2  }
0x640: {  	[tilespmem:s28], [sflag:$0x1] =	stream.indirect_vreg.gather [hbm4b:s2+s3], $0x80, v4, vm0, $0xb8;
	[tilespmem:$0x8080] =	vst v63  }
0x641: {  	_ = 	snop  }
0x642: {  	[tilespmem:s29], [sflag:$0x1] =	stream.indirect_vreg.gather [hbm4b:s2+s3], $0x80, v3, vm0, $0xb8;
	[tilespmem:$0x8080] =	vst v63  }
0x643: {  	v3 =	vld [tilespmem:$0x70];
	_ =	sdelay $0x4  }
0x644: {  	v55 =	vshll.u32 v3, $0x1  }
0x645: {  	v3 =	vand.u32 $0x7, v3;
	v4 =	vand.u32 $0xFFFFFFF0, v55  }
0x646: {  	v3 =	vor.u32 v3, v4  }
0x647: {  	v4 =	vperm.xlane v3, v0;
	_ =	sdelay $0x1  }
0x648: {  	v3 =	vperm.xlane v3, v2;
	v4 =	vadd.s32 v1, v4;
	_ =	sdelay $0x1  }
0x649: {  	v3 =	vadd.s32 v1, v3;
	_ =	sdelay $0x2  }
0x64a: {  	[tilespmem:s30], [sflag:$0x1] =	stream.indirect_vreg.gather [hbm4b:s2+s3], $0x80, v4, vm0, $0xb8;
	[tilespmem:$0x8080] =	vst v63  }
0x64b: {  	_ = 	snop  }
0x64c: {  	[tilespmem:s31], [sflag:$0x1] =	stream.indirect_vreg.gather [hbm4b:s2+s3], $0x80, v3, vm0, $0xb8;
	[tilespmem:$0x8080] =	vst v63  }
0x64d: {  	_ =	swait.ge [sflag:s1], $0x8000  }
0x64e: {  	s0 =	sld [smem:$0x7F6]  }
0x64f: {  	[sflag:s1] =	ssyncset.done $0x0  }
0x650: {  	[sflag:s1] =	ssyncadd.s32 $0xFFFF8000  }
0x651: {  	[hbm4b:s0+s3] =	stream.linear.scatter [tilespmem:s15], [sflag:$0x2], $0x8000, $0x38;
	[tilespmem:$0x8080] =	vst v63  }
0x652: {  	_ =	swait.ge [sflag:s14], $0x8000  }
0x653: {  	s0 =	sld [smem:$0x7F7]  }
0x654: {  	[sflag:s14] =	ssyncset.done $0x0  }
0x655: {  	[sflag:s14] =	ssyncadd.s32 $0xFFFF8000  }
0x656: {  	[tilespmem:s3], [sflag:$0x2] =	stream.linear.gather [hbm4b:s0+s3], $0x80, $0x38;
	[tilespmem:$0x8080] =	vst v63  }
0x657: {  	_ =	swait.ge [sflag:s14], $0x80  }
0x658: {  	[sflag:s14] =	ssyncset.done $0x0  }
0x659: {  	[sflag:s14] =	ssyncadd.s32 $0xFFFFFF80  }
0x65a: {  	v3 =	vld [tilespmem:$0x0];
	_ =	sdelay $0x4  }
0x65b: {  	v56 =	vshll.u32 v3, $0x1  }
0x65c: {  	v3 =	vand.u32 $0x7, v3;
	v4 =	vand.u32 $0xFFFFFFF0, v56  }
0x65d: {  	v3 =	vor.u32 v3, v4  }
0x65e: {  	v4 =	vperm.xlane v3, v0;
	_ =	sdelay $0x1  }
0x65f: {  	v3 =	vperm.xlane v3, v2;
	v4 =	vadd.s32 v1, v4;
	_ =	sdelay $0x1  }
0x660: {  	v3 =	vadd.s32 v1, v3;
	_ =	sdelay $0x2  }
0x661: {  	[tilespmem:s15], [sflag:$0x1] =	stream.indirect_vreg.gather [hbm4b:s2+s3], $0x80, v4, vm0, $0xb8;
	[tilespmem:$0x8080] =	vst v63  }
0x662: {  	_ = 	snop  }
0x663: {  	[tilespmem:s16], [sflag:$0x1] =	stream.indirect_vreg.gather [hbm4b:s2+s3], $0x80, v3, vm0, $0xb8;
	[tilespmem:$0x8080] =	vst v63  }
0x664: {  	v3 =	vld [tilespmem:$0x10];
	_ =	sdelay $0x4  }
0x665: {  	v57 =	vshll.u32 v3, $0x1  }
0x666: {  	v3 =	vand.u32 $0x7, v3;
	v4 =	vand.u32 $0xFFFFFFF0, v57  }
0x667: {  	v3 =	vor.u32 v3, v4  }
0x668: {  	v4 =	vperm.xlane v3, v0;
	_ =	sdelay $0x1  }
0x669: {  	v3 =	vperm.xlane v3, v2;
	v4 =	vadd.s32 v1, v4;
	_ =	sdelay $0x1  }
0x66a: {  	v3 =	vadd.s32 v1, v3;
	_ =	sdelay $0x2  }
0x66b: {  	[tilespmem:s17], [sflag:$0x1] =	stream.indirect_vreg.gather [hbm4b:s2+s3], $0x80, v4, vm0, $0xb8;
	[tilespmem:$0x8080] =	vst v63  }
0x66c: {  	_ = 	snop  }
0x66d: {  	[tilespmem:s18], [sflag:$0x1] =	stream.indirect_vreg.gather [hbm4b:s2+s3], $0x80, v3, vm0, $0xb8;
	[tilespmem:$0x8080] =	vst v63  }
0x66e: {  	v3 =	vld [tilespmem:$0x20];
	_ =	sdelay $0x4  }
0x66f: {  	v58 =	vshll.u32 v3, $0x1  }
0x670: {  	v3 =	vand.u32 $0x7, v3;
	v4 =	vand.u32 $0xFFFFFFF0, v58  }
0x671: {  	v3 =	vor.u32 v3, v4  }
0x672: {  	v4 =	vperm.xlane v3, v0;
	_ =	sdelay $0x1  }
0x673: {  	v3 =	vperm.xlane v3, v2;
	v4 =	vadd.s32 v1, v4;
	_ =	sdelay $0x1  }
0x674: {  	v3 =	vadd.s32 v1, v3;
	_ =	sdelay $0x2  }
0x675: {  	[tilespmem:s19], [sflag:$0x1] =	stream.indirect_vreg.gather [hbm4b:s2+s3], $0x80, v4, vm0, $0xb8;
	[tilespmem:$0x8080] =	vst v63  }
0x676: {  	_ = 	snop  }
0x677: {  	[tilespmem:s20], [sflag:$0x1] =	stream.indirect_vreg.gather [hbm4b:s2+s3], $0x80, v3, vm0, $0xb8;
	[tilespmem:$0x8080] =	vst v63  }
0x678: {  	v3 =	vld [tilespmem:$0x30];
	_ =	sdelay $0x4  }
0x679: {  	v59 =	vshll.u32 v3, $0x1  }
0x67a: {  	v3 =	vand.u32 $0x7, v3;
	v4 =	vand.u32 $0xFFFFFFF0, v59  }
0x67b: {  	v3 =	vor.u32 v3, v4  }
0x67c: {  	v4 =	vperm.xlane v3, v0;
	_ =	sdelay $0x1  }
0x67d: {  	v3 =	vperm.xlane v3, v2;
	v4 =	vadd.s32 v1, v4;
	_ =	sdelay $0x1  }
0x67e: {  	v3 =	vadd.s32 v1, v3;
	_ =	sdelay $0x2  }
0x67f: {  	[tilespmem:s21], [sflag:$0x1] =	stream.indirect_vreg.gather [hbm4b:s2+s3], $0x80, v4, vm0, $0xb8;
	[tilespmem:$0x8080] =	vst v63  }
0x680: {  	_ = 	snop  }
0x681: {  	[tilespmem:s22], [sflag:$0x1] =	stream.indirect_vreg.gather [hbm4b:s2+s3], $0x80, v3, vm0, $0xb8;
	[tilespmem:$0x8080] =	vst v63  }
0x682: {  	v3 =	vld [tilespmem:$0x40];
	_ =	sdelay $0x4  }
0x683: {  	v60 =	vshll.u32 v3, $0x1  }
0x684: {  	v3 =	vand.u32 $0x7, v3;
	v4 =	vand.u32 $0xFFFFFFF0, v60  }
0x685: {  	v3 =	vor.u32 v3, v4  }
0x686: {  	v4 =	vperm.xlane v3, v0;
	_ =	sdelay $0x1  }
0x687: {  	v3 =	vperm.xlane v3, v2;
	v4 =	vadd.s32 v1, v4;
	_ =	sdelay $0x1  }
0x688: {  	v3 =	vadd.s32 v1, v3;
	_ =	sdelay $0x2  }
0x689: {  	[tilespmem:s23], [sflag:$0x1] =	stream.indirect_vreg.gather [hbm4b:s2+s3], $0x80, v4, vm0, $0xb8;
	[tilespmem:$0x8080] =	vst v63  }
0x68a: {  	_ = 	snop  }
0x68b: {  	[tilespmem:s24], [sflag:$0x1] =	stream.indirect_vreg.gather [hbm4b:s2+s3], $0x80, v3, vm0, $0xb8;
	[tilespmem:$0x8080] =	vst v63  }
0x68c: {  	v3 =	vld [tilespmem:$0x50];
	_ =	sdelay $0x4  }
0x68d: {  	v61 =	vshll.u32 v3, $0x1  }
0x68e: {  	v3 =	vand.u32 $0x7, v3;
	v4 =	vand.u32 $0xFFFFFFF0, v61  }
0x68f: {  	v3 =	vor.u32 v3, v4  }
0x690: {  	v4 =	vperm.xlane v3, v0;
	_ =	sdelay $0x1  }
0x691: {  	v3 =	vperm.xlane v3, v2;
	v4 =	vadd.s32 v1, v4;
	_ =	sdelay $0x1  }
0x692: {  	v3 =	vadd.s32 v1, v3;
	_ =	sdelay $0x2  }
0x693: {  	[tilespmem:s25], [sflag:$0x1] =	stream.indirect_vreg.gather [hbm4b:s2+s3], $0x80, v4, vm0, $0xb8;
	[tilespmem:$0x8080] =	vst v63  }
0x694: {  	_ = 	snop  }
0x695: {  	[tilespmem:s26], [sflag:$0x1] =	stream.indirect_vreg.gather [hbm4b:s2+s3], $0x80, v3, vm0, $0xb8;
	[tilespmem:$0x8080] =	vst v63  }
0x696: {  	v3 =	vld [tilespmem:$0x60];
	_ =	sdelay $0x4  }
0x697: {  	v62 =	vshll.u32 v3, $0x1  }
0x698: {  	v3 =	vand.u32 $0x7, v3;
	v4 =	vand.u32 $0xFFFFFFF0, v62  }
0x699: {  	v3 =	vor.u32 v3, v4  }
0x69a: {  	v4 =	vperm.xlane v3, v0;
	_ =	sdelay $0x1  }
0x69b: {  	v3 =	vperm.xlane v3, v2;
	v4 =	vadd.s32 v1, v4;
	_ =	sdelay $0x1  }
0x69c: {  	v3 =	vadd.s32 v1, v3;
	_ =	sdelay $0x2  }
0x69d: {  	[tilespmem:s28], [sflag:$0x1] =	stream.indirect_vreg.gather [hbm4b:s2+s3], $0x80, v4, vm0, $0xb8;
	[tilespmem:$0x8080] =	vst v63  }
0x69e: {  	_ = 	snop  }
0x69f: {  	[tilespmem:s29], [sflag:$0x1] =	stream.indirect_vreg.gather [hbm4b:s2+s3], $0x80, v3, vm0, $0xb8;
	[tilespmem:$0x8080] =	vst v63  }
0x6a0: {  	v3 =	vld [tilespmem:$0x70];
	_ =	sdelay $0x4  }
0x6a1: {  	v63 =	vshll.u32 v3, $0x1  }
0x6a2: {  	v3 =	vand.u32 $0x7, v3;
	v4 =	vand.u32 $0xFFFFFFF0, v63  }
0x6a3: {  	v3 =	vor.u32 v3, v4  }
0x6a4: {  	v4 =	vperm.xlane v3, v0;
	_ =	sdelay $0x1  }
0x6a5: {  	v3 =	vperm.xlane v3, v2;
	v4 =	vadd.s32 v1, v4;
	_ =	sdelay $0x1  }
0x6a6: {  	v3 =	vadd.s32 v1, v3;
	_ =	sdelay $0x2  }
0x6a7: {  	[tilespmem:s30], [sflag:$0x1] =	stream.indirect_vreg.gather [hbm4b:s2+s3], $0x80, v4, vm0, $0xb8;
	[tilespmem:$0x8080] =	vst v63  }
0x6a8: {  	_ = 	snop  }
0x6a9: {  	[tilespmem:s31], [sflag:$0x1] =	stream.indirect_vreg.gather [hbm4b:s2+s3], $0x80, v3, vm0, $0xb8;
	[tilespmem:$0x8080] =	vst v63  }
0x6aa: {  	_ =	swait.ge [sflag:s1], $0x8000  }
0x6ab: {  	s0 =	sld [smem:$0x7F8]  }
0x6ac: {  	[sflag:s1] =	ssyncset.done $0x0  }
0x6ad: {  	[sflag:s1] =	ssyncadd.s32 $0xFFFF8000  }
0x6ae: {  	[hbm4b:s0+s3] =	stream.linear.scatter [tilespmem:s15], [sflag:$0x2], $0x8000, $0x38;
	[tilespmem:$0x8080] =	vst v63  }
0x6af: {  	_ =	swait.ge [sflag:s14], $0x8000  }
0x6b0: {  	s0 =	sld [smem:$0x7F9]  }
0x6b1: {  	[sflag:s14] =	ssyncset.done $0x0  }
0x6b2: {  	[sflag:s14] =	ssyncadd.s32 $0xFFFF8000  }
0x6b3: {  	[tilespmem:s3], [sflag:$0x2] =	stream.linear.gather [hbm4b:s0+s3], $0x80, $0x38;
	[tilespmem:$0x8080] =	vst v63  }
0x6b4: {  	_ =	swait.ge [sflag:s14], $0x80  }
0x6b5: {  	[sflag:s14] =	ssyncset.done $0x0  }
0x6b6: {  	[sflag:s14] =	ssyncadd.s32 $0xFFFFFF80  }
0x6b7: {  	v3 =	vld [tilespmem:$0x0];
	_ =	sdelay $0x4  }
0x6b8: {  	v8 =	vshll.u32 v3, $0x1  }
0x6b9: {  	v3 =	vand.u32 $0x7, v3;
	v4 =	vand.u32 $0xFFFFFFF0, v8  }
0x6ba: {  	v3 =	vor.u32 v3, v4  }
0x6bb: {  	v4 =	vperm.xlane v3, v0;
	_ =	sdelay $0x1  }
0x6bc: {  	v3 =	vperm.xlane v3, v2;
	v4 =	vadd.s32 v1, v4;
	_ =	sdelay $0x1  }
0x6bd: {  	v3 =	vadd.s32 v1, v3;
	_ =	sdelay $0x2  }
0x6be: {  	[tilespmem:s15], [sflag:$0x1] =	stream.indirect_vreg.gather [hbm4b:s2+s3], $0x80, v4, vm0, $0xb8;
	[tilespmem:$0x8080] =	vst v63  }
0x6bf: {  	_ = 	snop  }
0x6c0: {  	[tilespmem:s16], [sflag:$0x1] =	stream.indirect_vreg.gather [hbm4b:s2+s3], $0x80, v3, vm0, $0xb8;
	[tilespmem:$0x8080] =	vst v63  }
0x6c1: {  	v3 =	vld [tilespmem:$0x10];
	_ =	sdelay $0x4  }
0x6c2: {  	v9 =	vshll.u32 v3, $0x1  }
0x6c3: {  	v3 =	vand.u32 $0x7, v3;
	v4 =	vand.u32 $0xFFFFFFF0, v9  }
0x6c4: {  	v3 =	vor.u32 v3, v4  }
0x6c5: {  	v4 =	vperm.xlane v3, v0;
	_ =	sdelay $0x1  }
0x6c6: {  	v3 =	vperm.xlane v3, v2;
	v4 =	vadd.s32 v1, v4;
	_ =	sdelay $0x1  }
0x6c7: {  	v3 =	vadd.s32 v1, v3;
	_ =	sdelay $0x2  }
0x6c8: {  	[tilespmem:s17], [sflag:$0x1] =	stream.indirect_vreg.gather [hbm4b:s2+s3], $0x80, v4, vm0, $0xb8;
	[tilespmem:$0x8080] =	vst v63  }
0x6c9: {  	_ = 	snop  }
0x6ca: {  	[tilespmem:s18], [sflag:$0x1] =	stream.indirect_vreg.gather [hbm4b:s2+s3], $0x80, v3, vm0, $0xb8;
	[tilespmem:$0x8080] =	vst v63  }
0x6cb: {  	v3 =	vld [tilespmem:$0x20];
	_ =	sdelay $0x4  }
0x6cc: {  	v10 =	vshll.u32 v3, $0x1  }
0x6cd: {  	v3 =	vand.u32 $0x7, v3;
	v4 =	vand.u32 $0xFFFFFFF0, v10  }
0x6ce: {  	v3 =	vor.u32 v3, v4  }
0x6cf: {  	v4 =	vperm.xlane v3, v0;
	_ =	sdelay $0x1  }
0x6d0: {  	v3 =	vperm.xlane v3, v2;
	v4 =	vadd.s32 v1, v4;
	_ =	sdelay $0x1  }
0x6d1: {  	v3 =	vadd.s32 v1, v3;
	_ =	sdelay $0x2  }
0x6d2: {  	[tilespmem:s19], [sflag:$0x1] =	stream.indirect_vreg.gather [hbm4b:s2+s3], $0x80, v4, vm0, $0xb8;
	[tilespmem:$0x8080] =	vst v63  }
0x6d3: {  	_ = 	snop  }
0x6d4: {  	[tilespmem:s20], [sflag:$0x1] =	stream.indirect_vreg.gather [hbm4b:s2+s3], $0x80, v3, vm0, $0xb8;
	[tilespmem:$0x8080] =	vst v63  }
0x6d5: {  	v3 =	vld [tilespmem:$0x30];
	_ =	sdelay $0x4  }
0x6d6: {  	v11 =	vshll.u32 v3, $0x1  }
0x6d7: {  	v3 =	vand.u32 $0x7, v3;
	v4 =	vand.u32 $0xFFFFFFF0, v11  }
0x6d8: {  	v3 =	vor.u32 v3, v4  }
0x6d9: {  	v4 =	vperm.xlane v3, v0;
	_ =	sdelay $0x1  }
0x6da: {  	v3 =	vperm.xlane v3, v2;
	v4 =	vadd.s32 v1, v4;
	_ =	sdelay $0x1  }
0x6db: {  	v3 =	vadd.s32 v1, v3;
	_ =	sdelay $0x2  }
0x6dc: {  	[tilespmem:s21], [sflag:$0x1] =	stream.indirect_vreg.gather [hbm4b:s2+s3], $0x80, v4, vm0, $0xb8;
	[tilespmem:$0x8080] =	vst v63  }
0x6dd: {  	_ = 	snop  }
0x6de: {  	[tilespmem:s22], [sflag:$0x1] =	stream.indirect_vreg.gather [hbm4b:s2+s3], $0x80, v3, vm0, $0xb8;
	[tilespmem:$0x8080] =	vst v63  }
0x6df: {  	v3 =	vld [tilespmem:$0x40];
	_ =	sdelay $0x4  }
0x6e0: {  	v12 =	vshll.u32 v3, $0x1  }
0x6e1: {  	v3 =	vand.u32 $0x7, v3;
	v4 =	vand.u32 $0xFFFFFFF0, v12  }
0x6e2: {  	v3 =	vor.u32 v3, v4  }
0x6e3: {  	v4 =	vperm.xlane v3, v0;
	_ =	sdelay $0x1  }
0x6e4: {  	v3 =	vperm.xlane v3, v2;
	v4 =	vadd.s32 v1, v4;
	_ =	sdelay $0x1  }
0x6e5: {  	v3 =	vadd.s32 v1, v3;
	_ =	sdelay $0x2  }
0x6e6: {  	[tilespmem:s23], [sflag:$0x1] =	stream.indirect_vreg.gather [hbm4b:s2+s3], $0x80, v4, vm0, $0xb8;
	[tilespmem:$0x8080] =	vst v63  }
0x6e7: {  	_ = 	snop  }
0x6e8: {  	[tilespmem:s24], [sflag:$0x1] =	stream.indirect_vreg.gather [hbm4b:s2+s3], $0x80, v3, vm0, $0xb8;
	[tilespmem:$0x8080] =	vst v63  }
0x6e9: {  	v3 =	vld [tilespmem:$0x50];
	_ =	sdelay $0x4  }
0x6ea: {  	v13 =	vshll.u32 v3, $0x1  }
0x6eb: {  	v3 =	vand.u32 $0x7, v3;
	v4 =	vand.u32 $0xFFFFFFF0, v13  }
0x6ec: {  	v3 =	vor.u32 v3, v4  }
0x6ed: {  	v4 =	vperm.xlane v3, v0;
	_ =	sdelay $0x1  }
0x6ee: {  	v3 =	vperm.xlane v3, v2;
	v4 =	vadd.s32 v1, v4;
	_ =	sdelay $0x1  }
0x6ef: {  	v3 =	vadd.s32 v1, v3;
	_ =	sdelay $0x2  }
0x6f0: {  	[tilespmem:s25], [sflag:$0x1] =	stream.indirect_vreg.gather [hbm4b:s2+s3], $0x80, v4, vm0, $0xb8;
	[tilespmem:$0x8080] =	vst v63  }
0x6f1: {  	_ = 	snop  }
0x6f2: {  	[tilespmem:s26], [sflag:$0x1] =	stream.indirect_vreg.gather [hbm4b:s2+s3], $0x80, v3, vm0, $0xb8;
	[tilespmem:$0x8080] =	vst v63  }
0x6f3: {  	v3 =	vld [tilespmem:$0x60];
	_ =	sdelay $0x4  }
0x6f4: {  	v14 =	vshll.u32 v3, $0x1  }
0x6f5: {  	v3 =	vand.u32 $0x7, v3;
	v4 =	vand.u32 $0xFFFFFFF0, v14  }
0x6f6: {  	v3 =	vor.u32 v3, v4  }
0x6f7: {  	v4 =	vperm.xlane v3, v0;
	_ =	sdelay $0x1  }
0x6f8: {  	v3 =	vperm.xlane v3, v2;
	v4 =	vadd.s32 v1, v4;
	_ =	sdelay $0x1  }
0x6f9: {  	v3 =	vadd.s32 v1, v3;
	_ =	sdelay $0x2  }
0x6fa: {  	[tilespmem:s28], [sflag:$0x1] =	stream.indirect_vreg.gather [hbm4b:s2+s3], $0x80, v4, vm0, $0xb8;
	[tilespmem:$0x8080] =	vst v63  }
0x6fb: {  	_ = 	snop  }
0x6fc: {  	[tilespmem:s29], [sflag:$0x1] =	stream.indirect_vreg.gather [hbm4b:s2+s3], $0x80, v3, vm0, $0xb8;
	[tilespmem:$0x8080] =	vst v63  }
0x6fd: {  	v3 =	vld [tilespmem:$0x70];
	_ =	sdelay $0x4  }
0x6fe: {  	v15 =	vshll.u32 v3, $0x1  }
0x6ff: {  	v3 =	vand.u32 $0x7, v3;
	v4 =	vand.u32 $0xFFFFFFF0, v15  }
0x700: {  	v3 =	vor.u32 v3, v4  }
0x701: {  	v4 =	vperm.xlane v3, v0;
	_ =	sdelay $0x1  }
0x702: {  	v3 =	vperm.xlane v3, v2;
	v4 =	vadd.s32 v1, v4;
	_ =	sdelay $0x1  }
0x703: {  	v3 =	vadd.s32 v1, v3;
	_ =	sdelay $0x2  }
0x704: {  	[tilespmem:s30], [sflag:$0x1] =	stream.indirect_vreg.gather [hbm4b:s2+s3], $0x80, v4, vm0, $0xb8;
	[tilespmem:$0x8080] =	vst v63  }
0x705: {  	_ = 	snop  }
0x706: {  	[tilespmem:s31], [sflag:$0x1] =	stream.indirect_vreg.gather [hbm4b:s2+s3], $0x80, v3, vm0, $0xb8;
	[tilespmem:$0x8080] =	vst v63  }
0x707: {  	_ =	swait.ge [sflag:s1], $0x8000  }
0x708: {  	s0 =	sld [smem:$0x7FA]  }
0x709: {  	[sflag:s1] =	ssyncset.done $0x0  }
0x70a: {  	[sflag:s1] =	ssyncadd.s32 $0xFFFF8000  }
0x70b: {  	[hbm4b:s0+s3] =	stream.linear.scatter [tilespmem:s15], [sflag:$0x2], $0x8000, $0x38;
	[tilespmem:$0x8080] =	vst v63  }
0x70c: {  	_ =	swait.ge [sflag:s14], $0x8000  }
0x70d: {  	s0 =	sld [smem:$0x7FB]  }
0x70e: {  	[sflag:s14] =	ssyncset.done $0x0  }
0x70f: {  	[sflag:s14] =	ssyncadd.s32 $0xFFFF8000  }
0x710: {  	[tilespmem:s3], [sflag:$0x2] =	stream.linear.gather [hbm4b:s0+s3], $0x80, $0x38;
	[tilespmem:$0x8080] =	vst v63  }
0x711: {  	_ =	swait.ge [sflag:s14], $0x80  }
0x712: {  	[sflag:s14] =	ssyncset.done $0x0  }
0x713: {  	[sflag:s14] =	ssyncadd.s32 $0xFFFFFF80  }
0x714: {  	v3 =	vld [tilespmem:$0x0];
	_ =	sdelay $0x4  }
0x715: {  	v16 =	vshll.u32 v3, $0x1  }
0x716: {  	v3 =	vand.u32 $0x7, v3;
	v4 =	vand.u32 $0xFFFFFFF0, v16  }
0x717: {  	v3 =	vor.u32 v3, v4  }
0x718: {  	v4 =	vperm.xlane v3, v0;
	_ =	sdelay $0x1  }
0x719: {  	v3 =	vperm.xlane v3, v2;
	v4 =	vadd.s32 v1, v4;
	_ =	sdelay $0x1  }
0x71a: {  	v3 =	vadd.s32 v1, v3;
	_ =	sdelay $0x2  }
0x71b: {  	[tilespmem:s15], [sflag:$0x1] =	stream.indirect_vreg.gather [hbm4b:s2+s3], $0x80, v4, vm0, $0xb8;
	[tilespmem:$0x8080] =	vst v63  }
0x71c: {  	_ = 	snop  }
0x71d: {  	[tilespmem:s16], [sflag:$0x1] =	stream.indirect_vreg.gather [hbm4b:s2+s3], $0x80, v3, vm0, $0xb8;
	[tilespmem:$0x8080] =	vst v63  }
0x71e: {  	v3 =	vld [tilespmem:$0x10];
	_ =	sdelay $0x4  }
0x71f: {  	v17 =	vshll.u32 v3, $0x1  }
0x720: {  	v3 =	vand.u32 $0x7, v3;
	v4 =	vand.u32 $0xFFFFFFF0, v17  }
0x721: {  	v3 =	vor.u32 v3, v4  }
0x722: {  	v4 =	vperm.xlane v3, v0;
	_ =	sdelay $0x1  }
0x723: {  	v3 =	vperm.xlane v3, v2;
	v4 =	vadd.s32 v1, v4;
	_ =	sdelay $0x1  }
0x724: {  	v3 =	vadd.s32 v1, v3;
	_ =	sdelay $0x2  }
0x725: {  	[tilespmem:s17], [sflag:$0x1] =	stream.indirect_vreg.gather [hbm4b:s2+s3], $0x80, v4, vm0, $0xb8;
	[tilespmem:$0x8080] =	vst v63  }
0x726: {  	_ = 	snop  }
0x727: {  	[tilespmem:s18], [sflag:$0x1] =	stream.indirect_vreg.gather [hbm4b:s2+s3], $0x80, v3, vm0, $0xb8;
	[tilespmem:$0x8080] =	vst v63  }
0x728: {  	v3 =	vld [tilespmem:$0x20];
	_ =	sdelay $0x4  }
0x729: {  	v18 =	vshll.u32 v3, $0x1  }
0x72a: {  	v3 =	vand.u32 $0x7, v3;
	v4 =	vand.u32 $0xFFFFFFF0, v18  }
0x72b: {  	v3 =	vor.u32 v3, v4  }
0x72c: {  	v4 =	vperm.xlane v3, v0;
	_ =	sdelay $0x1  }
0x72d: {  	v3 =	vperm.xlane v3, v2;
	v4 =	vadd.s32 v1, v4;
	_ =	sdelay $0x1  }
0x72e: {  	v3 =	vadd.s32 v1, v3;
	_ =	sdelay $0x2  }
0x72f: {  	[tilespmem:s19], [sflag:$0x1] =	stream.indirect_vreg.gather [hbm4b:s2+s3], $0x80, v4, vm0, $0xb8;
	[tilespmem:$0x8080] =	vst v63  }
0x730: {  	_ = 	snop  }
0x731: {  	[tilespmem:s20], [sflag:$0x1] =	stream.indirect_vreg.gather [hbm4b:s2+s3], $0x80, v3, vm0, $0xb8;
	[tilespmem:$0x8080] =	vst v63  }
0x732: {  	v3 =	vld [tilespmem:$0x30];
	_ =	sdelay $0x4  }
0x733: {  	v19 =	vshll.u32 v3, $0x1  }
0x734: {  	v3 =	vand.u32 $0x7, v3;
	v4 =	vand.u32 $0xFFFFFFF0, v19  }
0x735: {  	v3 =	vor.u32 v3, v4  }
0x736: {  	v4 =	vperm.xlane v3, v0;
	_ =	sdelay $0x1  }
0x737: {  	v3 =	vperm.xlane v3, v2;
	v4 =	vadd.s32 v1, v4;
	_ =	sdelay $0x1  }
0x738: {  	v3 =	vadd.s32 v1, v3;
	_ =	sdelay $0x2  }
0x739: {  	[tilespmem:s21], [sflag:$0x1] =	stream.indirect_vreg.gather [hbm4b:s2+s3], $0x80, v4, vm0, $0xb8;
	[tilespmem:$0x8080] =	vst v63  }
0x73a: {  	_ = 	snop  }
0x73b: {  	[tilespmem:s22], [sflag:$0x1] =	stream.indirect_vreg.gather [hbm4b:s2+s3], $0x80, v3, vm0, $0xb8;
	[tilespmem:$0x8080] =	vst v63  }
0x73c: {  	v3 =	vld [tilespmem:$0x40];
	_ =	sdelay $0x4  }
0x73d: {  	v20 =	vshll.u32 v3, $0x1  }
0x73e: {  	v3 =	vand.u32 $0x7, v3;
	v4 =	vand.u32 $0xFFFFFFF0, v20  }
0x73f: {  	v3 =	vor.u32 v3, v4  }
0x740: {  	v4 =	vperm.xlane v3, v0;
	_ =	sdelay $0x1  }
0x741: {  	v3 =	vperm.xlane v3, v2;
	v4 =	vadd.s32 v1, v4;
	_ =	sdelay $0x1  }
0x742: {  	v3 =	vadd.s32 v1, v3;
	_ =	sdelay $0x2  }
0x743: {  	[tilespmem:s23], [sflag:$0x1] =	stream.indirect_vreg.gather [hbm4b:s2+s3], $0x80, v4, vm0, $0xb8;
	[tilespmem:$0x8080] =	vst v63  }
0x744: {  	_ = 	snop  }
0x745: {  	[tilespmem:s24], [sflag:$0x1] =	stream.indirect_vreg.gather [hbm4b:s2+s3], $0x80, v3, vm0, $0xb8;
	[tilespmem:$0x8080] =	vst v63  }
0x746: {  	v3 =	vld [tilespmem:$0x50];
	_ =	sdelay $0x4  }
0x747: {  	v21 =	vshll.u32 v3, $0x1  }
0x748: {  	v3 =	vand.u32 $0x7, v3;
	v4 =	vand.u32 $0xFFFFFFF0, v21  }
0x749: {  	v3 =	vor.u32 v3, v4  }
0x74a: {  	v4 =	vperm.xlane v3, v0;
	_ =	sdelay $0x1  }
0x74b: {  	v3 =	vperm.xlane v3, v2;
	v4 =	vadd.s32 v1, v4;
	_ =	sdelay $0x1  }
0x74c: {  	v3 =	vadd.s32 v1, v3;
	_ =	sdelay $0x2  }
0x74d: {  	[tilespmem:s25], [sflag:$0x1] =	stream.indirect_vreg.gather [hbm4b:s2+s3], $0x80, v4, vm0, $0xb8;
	[tilespmem:$0x8080] =	vst v63  }
0x74e: {  	_ = 	snop  }
0x74f: {  	[tilespmem:s26], [sflag:$0x1] =	stream.indirect_vreg.gather [hbm4b:s2+s3], $0x80, v3, vm0, $0xb8;
	[tilespmem:$0x8080] =	vst v63  }
0x750: {  	v3 =	vld [tilespmem:$0x60];
	_ =	sdelay $0x4  }
0x751: {  	v22 =	vshll.u32 v3, $0x1  }
0x752: {  	v3 =	vand.u32 $0x7, v3;
	v4 =	vand.u32 $0xFFFFFFF0, v22  }
0x753: {  	v3 =	vor.u32 v3, v4  }
0x754: {  	v4 =	vperm.xlane v3, v0;
	_ =	sdelay $0x1  }
0x755: {  	v3 =	vperm.xlane v3, v2;
	v4 =	vadd.s32 v1, v4;
	_ =	sdelay $0x1  }
0x756: {  	v3 =	vadd.s32 v1, v3;
	_ =	sdelay $0x2  }
0x757: {  	[tilespmem:s28], [sflag:$0x1] =	stream.indirect_vreg.gather [hbm4b:s2+s3], $0x80, v4, vm0, $0xb8;
	[tilespmem:$0x8080] =	vst v63  }
0x758: {  	_ = 	snop  }
0x759: {  	[tilespmem:s29], [sflag:$0x1] =	stream.indirect_vreg.gather [hbm4b:s2+s3], $0x80, v3, vm0, $0xb8;
	[tilespmem:$0x8080] =	vst v63  }
0x75a: {  	v3 =	vld [tilespmem:$0x70];
	_ =	sdelay $0x4  }
0x75b: {  	v23 =	vshll.u32 v3, $0x1  }
0x75c: {  	v3 =	vand.u32 $0x7, v3;
	v4 =	vand.u32 $0xFFFFFFF0, v23  }
0x75d: {  	v3 =	vor.u32 v3, v4  }
0x75e: {  	v4 =	vperm.xlane v3, v0;
	_ =	sdelay $0x1  }
0x75f: {  	v3 =	vperm.xlane v3, v2;
	v4 =	vadd.s32 v1, v4;
	_ =	sdelay $0x1  }
0x760: {  	v3 =	vadd.s32 v1, v3;
	_ =	sdelay $0x2  }
0x761: {  	[tilespmem:s30], [sflag:$0x1] =	stream.indirect_vreg.gather [hbm4b:s2+s3], $0x80, v4, vm0, $0xb8;
	[tilespmem:$0x8080] =	vst v63  }
0x762: {  	_ = 	snop  }
0x763: {  	[tilespmem:s31], [sflag:$0x1] =	stream.indirect_vreg.gather [hbm4b:s2+s3], $0x80, v3, vm0, $0xb8;
	[tilespmem:$0x8080] =	vst v63  }
0x764: {  	_ =	swait.ge [sflag:s1], $0x8000  }
0x765: {  	s0 =	sld [smem:$0x7FC]  }
0x766: {  	[sflag:s1] =	ssyncset.done $0x0  }
0x767: {  	[sflag:s1] =	ssyncadd.s32 $0xFFFF8000  }
0x768: {  	[hbm4b:s0+s3] =	stream.linear.scatter [tilespmem:s15], [sflag:$0x2], $0x8000, $0x38;
	[tilespmem:$0x8080] =	vst v63  }
0x769: {  	_ =	swait.ge [sflag:s14], $0x8000  }
0x76a: {  	s0 =	sld [smem:$0x7FD]  }
0x76b: {  	[sflag:s14] =	ssyncset.done $0x0  }
0x76c: {  	[sflag:s14] =	ssyncadd.s32 $0xFFFF8000  }
0x76d: {  	[tilespmem:s3], [sflag:$0x2] =	stream.linear.gather [hbm4b:s0+s3], $0x80, $0x38;
	[tilespmem:$0x8080] =	vst v63  }
0x76e: {  	_ =	swait.ge [sflag:s14], $0x80  }
0x76f: {  	[sflag:s14] =	ssyncset.done $0x0  }
0x770: {  	[sflag:s14] =	ssyncadd.s32 $0xFFFFFF80  }
0x771: {  	v3 =	vld [tilespmem:$0x0];
	_ =	sdelay $0x4  }
0x772: {  	v24 =	vshll.u32 v3, $0x1  }
0x773: {  	v3 =	vand.u32 $0x7, v3;
	v4 =	vand.u32 $0xFFFFFFF0, v24  }
0x774: {  	v3 =	vor.u32 v3, v4  }
0x775: {  	v4 =	vperm.xlane v3, v0;
	_ =	sdelay $0x1  }
0x776: {  	v3 =	vperm.xlane v3, v2;
	v4 =	vadd.s32 v1, v4;
	_ =	sdelay $0x1  }
0x777: {  	v3 =	vadd.s32 v1, v3;
	_ =	sdelay $0x2  }
0x778: {  	[tilespmem:s15], [sflag:$0x1] =	stream.indirect_vreg.gather [hbm4b:s2+s3], $0x80, v4, vm0, $0xb8;
	[tilespmem:$0x8080] =	vst v63  }
0x779: {  	_ = 	snop  }
0x77a: {  	[tilespmem:s16], [sflag:$0x1] =	stream.indirect_vreg.gather [hbm4b:s2+s3], $0x80, v3, vm0, $0xb8;
	[tilespmem:$0x8080] =	vst v63  }
0x77b: {  	v3 =	vld [tilespmem:$0x10];
	_ =	sdelay $0x4  }
0x77c: {  	v25 =	vshll.u32 v3, $0x1  }
0x77d: {  	v3 =	vand.u32 $0x7, v3;
	v4 =	vand.u32 $0xFFFFFFF0, v25  }
0x77e: {  	v3 =	vor.u32 v3, v4  }
0x77f: {  	v4 =	vperm.xlane v3, v0;
	_ =	sdelay $0x1  }
0x780: {  	v3 =	vperm.xlane v3, v2;
	v4 =	vadd.s32 v1, v4;
	_ =	sdelay $0x1  }
0x781: {  	v3 =	vadd.s32 v1, v3;
	_ =	sdelay $0x2  }
0x782: {  	[tilespmem:s17], [sflag:$0x1] =	stream.indirect_vreg.gather [hbm4b:s2+s3], $0x80, v4, vm0, $0xb8;
	[tilespmem:$0x8080] =	vst v63  }
0x783: {  	_ = 	snop  }
0x784: {  	[tilespmem:s18], [sflag:$0x1] =	stream.indirect_vreg.gather [hbm4b:s2+s3], $0x80, v3, vm0, $0xb8;
	[tilespmem:$0x8080] =	vst v63  }
0x785: {  	v3 =	vld [tilespmem:$0x20];
	_ =	sdelay $0x4  }
0x786: {  	v26 =	vshll.u32 v3, $0x1  }
0x787: {  	v3 =	vand.u32 $0x7, v3;
	v4 =	vand.u32 $0xFFFFFFF0, v26  }
0x788: {  	v3 =	vor.u32 v3, v4  }
0x789: {  	v4 =	vperm.xlane v3, v0;
	_ =	sdelay $0x1  }
0x78a: {  	v3 =	vperm.xlane v3, v2;
	v4 =	vadd.s32 v1, v4;
	_ =	sdelay $0x1  }
0x78b: {  	v3 =	vadd.s32 v1, v3;
	_ =	sdelay $0x2  }
0x78c: {  	[tilespmem:s19], [sflag:$0x1] =	stream.indirect_vreg.gather [hbm4b:s2+s3], $0x80, v4, vm0, $0xb8;
	[tilespmem:$0x8080] =	vst v63  }
0x78d: {  	_ = 	snop  }
0x78e: {  	[tilespmem:s20], [sflag:$0x1] =	stream.indirect_vreg.gather [hbm4b:s2+s3], $0x80, v3, vm0, $0xb8;
	[tilespmem:$0x8080] =	vst v63  }
0x78f: {  	v3 =	vld [tilespmem:$0x30];
	_ =	sdelay $0x4  }
0x790: {  	v27 =	vshll.u32 v3, $0x1  }
0x791: {  	v3 =	vand.u32 $0x7, v3;
	v4 =	vand.u32 $0xFFFFFFF0, v27  }
0x792: {  	v3 =	vor.u32 v3, v4  }
0x793: {  	v4 =	vperm.xlane v3, v0;
	_ =	sdelay $0x1  }
0x794: {  	v3 =	vperm.xlane v3, v2;
	v4 =	vadd.s32 v1, v4;
	_ =	sdelay $0x1  }
0x795: {  	v3 =	vadd.s32 v1, v3;
	_ =	sdelay $0x2  }
0x796: {  	[tilespmem:s21], [sflag:$0x1] =	stream.indirect_vreg.gather [hbm4b:s2+s3], $0x80, v4, vm0, $0xb8;
	[tilespmem:$0x8080] =	vst v63  }
0x797: {  	_ = 	snop  }
0x798: {  	[tilespmem:s22], [sflag:$0x1] =	stream.indirect_vreg.gather [hbm4b:s2+s3], $0x80, v3, vm0, $0xb8;
	[tilespmem:$0x8080] =	vst v63  }
0x799: {  	v3 =	vld [tilespmem:$0x40];
	_ =	sdelay $0x4  }
0x79a: {  	v28 =	vshll.u32 v3, $0x1  }
0x79b: {  	v3 =	vand.u32 $0x7, v3;
	v4 =	vand.u32 $0xFFFFFFF0, v28  }
0x79c: {  	v3 =	vor.u32 v3, v4  }
0x79d: {  	v4 =	vperm.xlane v3, v0;
	_ =	sdelay $0x1  }
0x79e: {  	v3 =	vperm.xlane v3, v2;
	v4 =	vadd.s32 v1, v4;
	_ =	sdelay $0x1  }
0x79f: {  	v3 =	vadd.s32 v1, v3;
	_ =	sdelay $0x2  }
0x7a0: {  	[tilespmem:s23], [sflag:$0x1] =	stream.indirect_vreg.gather [hbm4b:s2+s3], $0x80, v4, vm0, $0xb8;
	[tilespmem:$0x8080] =	vst v63  }
0x7a1: {  	_ = 	snop  }
0x7a2: {  	[tilespmem:s24], [sflag:$0x1] =	stream.indirect_vreg.gather [hbm4b:s2+s3], $0x80, v3, vm0, $0xb8;
	[tilespmem:$0x8080] =	vst v63  }
0x7a3: {  	v3 =	vld [tilespmem:$0x50];
	_ =	sdelay $0x4  }
0x7a4: {  	v29 =	vshll.u32 v3, $0x1  }
0x7a5: {  	v3 =	vand.u32 $0x7, v3;
	v4 =	vand.u32 $0xFFFFFFF0, v29  }
0x7a6: {  	v3 =	vor.u32 v3, v4  }
0x7a7: {  	v4 =	vperm.xlane v3, v0;
	_ =	sdelay $0x1  }
0x7a8: {  	v3 =	vperm.xlane v3, v2;
	v4 =	vadd.s32 v1, v4;
	_ =	sdelay $0x1  }
0x7a9: {  	v3 =	vadd.s32 v1, v3;
	_ =	sdelay $0x2  }
0x7aa: {  	[tilespmem:s25], [sflag:$0x1] =	stream.indirect_vreg.gather [hbm4b:s2+s3], $0x80, v4, vm0, $0xb8;
	[tilespmem:$0x8080] =	vst v63  }
0x7ab: {  	_ = 	snop  }
0x7ac: {  	[tilespmem:s26], [sflag:$0x1] =	stream.indirect_vreg.gather [hbm4b:s2+s3], $0x80, v3, vm0, $0xb8;
	[tilespmem:$0x8080] =	vst v63  }
0x7ad: {  	v3 =	vld [tilespmem:$0x60];
	_ =	sdelay $0x4  }
0x7ae: {  	v30 =	vshll.u32 v3, $0x1  }
0x7af: {  	v3 =	vand.u32 $0x7, v3;
	v4 =	vand.u32 $0xFFFFFFF0, v30  }
0x7b0: {  	v3 =	vor.u32 v3, v4  }
0x7b1: {  	v4 =	vperm.xlane v3, v0;
	_ =	sdelay $0x1  }
0x7b2: {  	v3 =	vperm.xlane v3, v2;
	v4 =	vadd.s32 v1, v4;
	_ =	sdelay $0x1  }
0x7b3: {  	v3 =	vadd.s32 v1, v3;
	_ =	sdelay $0x2  }
0x7b4: {  	[tilespmem:s28], [sflag:$0x1] =	stream.indirect_vreg.gather [hbm4b:s2+s3], $0x80, v4, vm0, $0xb8;
	[tilespmem:$0x8080] =	vst v63  }
0x7b5: {  	_ = 	snop  }
0x7b6: {  	[tilespmem:s29], [sflag:$0x1] =	stream.indirect_vreg.gather [hbm4b:s2+s3], $0x80, v3, vm0, $0xb8;
	[tilespmem:$0x8080] =	vst v63  }
0x7b7: {  	v3 =	vld [tilespmem:$0x70];
	_ =	sdelay $0x4  }
0x7b8: {  	v31 =	vshll.u32 v3, $0x1  }
0x7b9: {  	v3 =	vand.u32 $0x7, v3;
	v4 =	vand.u32 $0xFFFFFFF0, v31  }
0x7ba: {  	v3 =	vor.u32 v3, v4  }
0x7bb: {  	v4 =	vperm.xlane v3, v0;
	_ =	sdelay $0x1  }
0x7bc: {  	v3 =	vperm.xlane v3, v2;
	v4 =	vadd.s32 v1, v4;
	_ =	sdelay $0x1  }
0x7bd: {  	v3 =	vadd.s32 v1, v3;
	_ =	sdelay $0x2  }
0x7be: {  	[tilespmem:s30], [sflag:$0x1] =	stream.indirect_vreg.gather [hbm4b:s2+s3], $0x80, v4, vm0, $0xb8;
	[tilespmem:$0x8080] =	vst v63  }
0x7bf: {  	_ = 	snop  }
0x7c0: {  	[tilespmem:s31], [sflag:$0x1] =	stream.indirect_vreg.gather [hbm4b:s2+s3], $0x80, v3, vm0, $0xb8;
	[tilespmem:$0x8080] =	vst v63  }
0x7c1: {  	_ =	swait.ge [sflag:s1], $0x8000  }
0x7c2: {  	[sflag:s1] =	ssyncset.done $0x0  }
0x7c3: {  	[sflag:s1] =	ssyncadd.s32 $0xFFFF8000  }
0x7c4: {  	[hbm4b:s4+s3] =	stream.linear.scatter [tilespmem:s15], [sflag:$0x2], $0x8000, $0x38;
	[tilespmem:$0x8080] =	vst v63  }
0x7c5: {  	_ =	swait.ge [sflag:s14], $0x8000  }
0x7c6: {  	[sflag:s14] =	ssyncset.done $0x0  }
0x7c7: {  	[sflag:s14] =	ssyncadd.s32 $0xFFFF8000  }
0x7c8: {  	[tilespmem:s3], [sflag:$0x2] =	stream.linear.gather [hbm4b:s5+s3], $0x80, $0x38;
	[tilespmem:$0x8080] =	vst v63  }
0x7c9: {  	_ =	swait.ge [sflag:s14], $0x80  }
0x7ca: {  	[sflag:s14] =	ssyncset.done $0x0  }
0x7cb: {  	[sflag:s14] =	ssyncadd.s32 $0xFFFFFF80  }
0x7cc: {  	v3 =	vld [tilespmem:$0x0];
	_ =	sdelay $0x4  }
0x7cd: {  	v32 =	vshll.u32 v3, $0x1  }
0x7ce: {  	v3 =	vand.u32 $0x7, v3;
	v4 =	vand.u32 $0xFFFFFFF0, v32  }
0x7cf: {  	v3 =	vor.u32 v3, v4  }
0x7d0: {  	v4 =	vperm.xlane v3, v0;
	_ =	sdelay $0x1  }
0x7d1: {  	v3 =	vperm.xlane v3, v2;
	v4 =	vadd.s32 v1, v4;
	_ =	sdelay $0x1  }
0x7d2: {  	v3 =	vadd.s32 v1, v3;
	_ =	sdelay $0x2  }
0x7d3: {  	[tilespmem:s15], [sflag:$0x1] =	stream.indirect_vreg.gather [hbm4b:s2+s3], $0x80, v4, vm0, $0xb8;
	[tilespmem:$0x8080] =	vst v63  }
0x7d4: {  	_ = 	snop  }
0x7d5: {  	[tilespmem:s16], [sflag:$0x1] =	stream.indirect_vreg.gather [hbm4b:s2+s3], $0x80, v3, vm0, $0xb8;
	[tilespmem:$0x8080] =	vst v63  }
0x7d6: {  	v3 =	vld [tilespmem:$0x10];
	_ =	sdelay $0x4  }
0x7d7: {  	v33 =	vshll.u32 v3, $0x1  }
0x7d8: {  	v3 =	vand.u32 $0x7, v3;
	v4 =	vand.u32 $0xFFFFFFF0, v33  }
0x7d9: {  	v3 =	vor.u32 v3, v4  }
0x7da: {  	v4 =	vperm.xlane v3, v0;
	_ =	sdelay $0x1  }
0x7db: {  	v3 =	vperm.xlane v3, v2;
	v4 =	vadd.s32 v1, v4;
	_ =	sdelay $0x1  }
0x7dc: {  	v3 =	vadd.s32 v1, v3;
	_ =	sdelay $0x2  }
0x7dd: {  	[tilespmem:s17], [sflag:$0x1] =	stream.indirect_vreg.gather [hbm4b:s2+s3], $0x80, v4, vm0, $0xb8;
	[tilespmem:$0x8080] =	vst v63  }
0x7de: {  	_ = 	snop  }
0x7df: {  	[tilespmem:s18], [sflag:$0x1] =	stream.indirect_vreg.gather [hbm4b:s2+s3], $0x80, v3, vm0, $0xb8;
	[tilespmem:$0x8080] =	vst v63  }
0x7e0: {  	v3 =	vld [tilespmem:$0x20];
	_ =	sdelay $0x4  }
0x7e1: {  	v34 =	vshll.u32 v3, $0x1  }
0x7e2: {  	v3 =	vand.u32 $0x7, v3;
	v4 =	vand.u32 $0xFFFFFFF0, v34  }
0x7e3: {  	v3 =	vor.u32 v3, v4  }
0x7e4: {  	v4 =	vperm.xlane v3, v0;
	_ =	sdelay $0x1  }
0x7e5: {  	v3 =	vperm.xlane v3, v2;
	v4 =	vadd.s32 v1, v4;
	_ =	sdelay $0x1  }
0x7e6: {  	v3 =	vadd.s32 v1, v3;
	_ =	sdelay $0x2  }
0x7e7: {  	[tilespmem:s19], [sflag:$0x1] =	stream.indirect_vreg.gather [hbm4b:s2+s3], $0x80, v4, vm0, $0xb8;
	[tilespmem:$0x8080] =	vst v63  }
0x7e8: {  	_ = 	snop  }
0x7e9: {  	[tilespmem:s20], [sflag:$0x1] =	stream.indirect_vreg.gather [hbm4b:s2+s3], $0x80, v3, vm0, $0xb8;
	[tilespmem:$0x8080] =	vst v63  }
0x7ea: {  	v3 =	vld [tilespmem:$0x30];
	_ =	sdelay $0x4  }
0x7eb: {  	v35 =	vshll.u32 v3, $0x1  }
0x7ec: {  	v3 =	vand.u32 $0x7, v3;
	v4 =	vand.u32 $0xFFFFFFF0, v35  }
0x7ed: {  	v3 =	vor.u32 v3, v4  }
0x7ee: {  	v4 =	vperm.xlane v3, v0;
	_ =	sdelay $0x1  }
0x7ef: {  	v3 =	vperm.xlane v3, v2;
	v4 =	vadd.s32 v1, v4;
	_ =	sdelay $0x1  }
0x7f0: {  	v3 =	vadd.s32 v1, v3;
	_ =	sdelay $0x2  }
0x7f1: {  	[tilespmem:s21], [sflag:$0x1] =	stream.indirect_vreg.gather [hbm4b:s2+s3], $0x80, v4, vm0, $0xb8;
	[tilespmem:$0x8080] =	vst v63  }
0x7f2: {  	_ = 	snop  }
0x7f3: {  	[tilespmem:s22], [sflag:$0x1] =	stream.indirect_vreg.gather [hbm4b:s2+s3], $0x80, v3, vm0, $0xb8;
	[tilespmem:$0x8080] =	vst v63  }
0x7f4: {  	v3 =	vld [tilespmem:$0x40];
	_ =	sdelay $0x4  }
0x7f5: {  	v36 =	vshll.u32 v3, $0x1  }
0x7f6: {  	v3 =	vand.u32 $0x7, v3;
	v4 =	vand.u32 $0xFFFFFFF0, v36  }
0x7f7: {  	v3 =	vor.u32 v3, v4  }
0x7f8: {  	v4 =	vperm.xlane v3, v0;
	_ =	sdelay $0x1  }
0x7f9: {  	v3 =	vperm.xlane v3, v2;
	v4 =	vadd.s32 v1, v4;
	_ =	sdelay $0x1  }
0x7fa: {  	v3 =	vadd.s32 v1, v3;
	_ =	sdelay $0x2  }
0x7fb: {  	[tilespmem:s23], [sflag:$0x1] =	stream.indirect_vreg.gather [hbm4b:s2+s3], $0x80, v4, vm0, $0xb8;
	[tilespmem:$0x8080] =	vst v63  }
0x7fc: {  	_ = 	snop  }
0x7fd: {  	[tilespmem:s24], [sflag:$0x1] =	stream.indirect_vreg.gather [hbm4b:s2+s3], $0x80, v3, vm0, $0xb8;
	[tilespmem:$0x8080] =	vst v63  }
0x7fe: {  	v3 =	vld [tilespmem:$0x50];
	_ =	sdelay $0x4  }
0x7ff: {  	v37 =	vshll.u32 v3, $0x1  }
0x800: {  	v3 =	vand.u32 $0x7, v3;
	v4 =	vand.u32 $0xFFFFFFF0, v37  }
0x801: {  	v3 =	vor.u32 v3, v4  }
0x802: {  	v4 =	vperm.xlane v3, v0;
	_ =	sdelay $0x1  }
0x803: {  	v3 =	vperm.xlane v3, v2;
	v4 =	vadd.s32 v1, v4;
	_ =	sdelay $0x1  }
0x804: {  	v3 =	vadd.s32 v1, v3;
	_ =	sdelay $0x2  }
0x805: {  	[tilespmem:s25], [sflag:$0x1] =	stream.indirect_vreg.gather [hbm4b:s2+s3], $0x80, v4, vm0, $0xb8;
	[tilespmem:$0x8080] =	vst v63  }
0x806: {  	_ = 	snop  }
0x807: {  	[tilespmem:s26], [sflag:$0x1] =	stream.indirect_vreg.gather [hbm4b:s2+s3], $0x80, v3, vm0, $0xb8;
	[tilespmem:$0x8080] =	vst v63  }
0x808: {  	v3 =	vld [tilespmem:$0x60];
	_ =	sdelay $0x4  }
0x809: {  	v38 =	vshll.u32 v3, $0x1  }
0x80a: {  	v3 =	vand.u32 $0x7, v3;
	v4 =	vand.u32 $0xFFFFFFF0, v38  }
0x80b: {  	v3 =	vor.u32 v3, v4  }
0x80c: {  	v4 =	vperm.xlane v3, v0;
	_ =	sdelay $0x1  }
0x80d: {  	v3 =	vperm.xlane v3, v2;
	v4 =	vadd.s32 v1, v4;
	_ =	sdelay $0x1  }
0x80e: {  	v3 =	vadd.s32 v1, v3;
	_ =	sdelay $0x2  }
0x80f: {  	[tilespmem:s28], [sflag:$0x1] =	stream.indirect_vreg.gather [hbm4b:s2+s3], $0x80, v4, vm0, $0xb8;
	[tilespmem:$0x8080] =	vst v63  }
0x810: {  	_ = 	snop  }
0x811: {  	[tilespmem:s29], [sflag:$0x1] =	stream.indirect_vreg.gather [hbm4b:s2+s3], $0x80, v3, vm0, $0xb8;
	[tilespmem:$0x8080] =	vst v63  }
0x812: {  	v3 =	vld [tilespmem:$0x70];
	_ =	sdelay $0x4  }
0x813: {  	v39 =	vshll.u32 v3, $0x1  }
0x814: {  	v3 =	vand.u32 $0x7, v3;
	v4 =	vand.u32 $0xFFFFFFF0, v39  }
0x815: {  	v3 =	vor.u32 v3, v4  }
0x816: {  	v4 =	vperm.xlane v3, v0;
	_ =	sdelay $0x1  }
0x817: {  	v3 =	vperm.xlane v3, v2;
	v4 =	vadd.s32 v1, v4;
	_ =	sdelay $0x1  }
0x818: {  	v3 =	vadd.s32 v1, v3;
	_ =	sdelay $0x2  }
0x819: {  	[tilespmem:s30], [sflag:$0x1] =	stream.indirect_vreg.gather [hbm4b:s2+s3], $0x80, v4, vm0, $0xb8;
	[tilespmem:$0x8080] =	vst v63  }
0x81a: {  	_ = 	snop  }
0x81b: {  	[tilespmem:s31], [sflag:$0x1] =	stream.indirect_vreg.gather [hbm4b:s2+s3], $0x80, v3, vm0, $0xb8;
	[tilespmem:$0x8080] =	vst v63  }
0x81c: {  	_ =	swait.ge [sflag:s1], $0x8000  }
0x81d: {  	[sflag:s1] =	ssyncset.done $0x0  }
0x81e: {  	[sflag:s1] =	ssyncadd.s32 $0xFFFF8000  }
0x81f: {  	[hbm4b:s6+s3] =	stream.linear.scatter [tilespmem:s15], [sflag:$0x2], $0x8000, $0x38;
	[tilespmem:$0x8080] =	vst v63  }
0x820: {  	_ =	swait.ge [sflag:s14], $0x8000  }
0x821: {  	[sflag:s14] =	ssyncset.done $0x0  }
0x822: {  	[sflag:s14] =	ssyncadd.s32 $0xFFFF8000  }
0x823: {  	[tilespmem:s3], [sflag:$0x2] =	stream.linear.gather [hbm4b:s7+s3], $0x80, $0x38;
	[tilespmem:$0x8080] =	vst v63  }
0x824: {  	_ =	swait.ge [sflag:s14], $0x80  }
0x825: {  	[sflag:s14] =	ssyncset.done $0x0  }
0x826: {  	[sflag:s14] =	ssyncadd.s32 $0xFFFFFF80  }
0x827: {  	v3 =	vld [tilespmem:$0x0];
	_ =	sdelay $0x4  }
0x828: {  	v40 =	vshll.u32 v3, $0x1  }
0x829: {  	v3 =	vand.u32 $0x7, v3;
	v4 =	vand.u32 $0xFFFFFFF0, v40  }
0x82a: {  	v3 =	vor.u32 v3, v4  }
0x82b: {  	v4 =	vperm.xlane v3, v0;
	_ =	sdelay $0x1  }
0x82c: {  	v3 =	vperm.xlane v3, v2;
	v4 =	vadd.s32 v1, v4;
	_ =	sdelay $0x1  }
0x82d: {  	v3 =	vadd.s32 v1, v3;
	_ =	sdelay $0x2  }
0x82e: {  	[tilespmem:s15], [sflag:$0x1] =	stream.indirect_vreg.gather [hbm4b:s2+s3], $0x80, v4, vm0, $0xb8;
	[tilespmem:$0x8080] =	vst v63  }
0x82f: {  	_ = 	snop  }
0x830: {  	[tilespmem:s16], [sflag:$0x1] =	stream.indirect_vreg.gather [hbm4b:s2+s3], $0x80, v3, vm0, $0xb8;
	[tilespmem:$0x8080] =	vst v63  }
0x831: {  	v3 =	vld [tilespmem:$0x10];
	_ =	sdelay $0x4  }
0x832: {  	v41 =	vshll.u32 v3, $0x1  }
0x833: {  	v3 =	vand.u32 $0x7, v3;
	v4 =	vand.u32 $0xFFFFFFF0, v41  }
0x834: {  	v3 =	vor.u32 v3, v4  }
0x835: {  	v4 =	vperm.xlane v3, v0;
	_ =	sdelay $0x1  }
0x836: {  	v3 =	vperm.xlane v3, v2;
	v4 =	vadd.s32 v1, v4;
	_ =	sdelay $0x1  }
0x837: {  	v3 =	vadd.s32 v1, v3;
	_ =	sdelay $0x2  }
0x838: {  	[tilespmem:s17], [sflag:$0x1] =	stream.indirect_vreg.gather [hbm4b:s2+s3], $0x80, v4, vm0, $0xb8;
	[tilespmem:$0x8080] =	vst v63  }
0x839: {  	_ = 	snop  }
0x83a: {  	[tilespmem:s18], [sflag:$0x1] =	stream.indirect_vreg.gather [hbm4b:s2+s3], $0x80, v3, vm0, $0xb8;
	[tilespmem:$0x8080] =	vst v63  }
0x83b: {  	v3 =	vld [tilespmem:$0x20];
	_ =	sdelay $0x4  }
0x83c: {  	v42 =	vshll.u32 v3, $0x1  }
0x83d: {  	v3 =	vand.u32 $0x7, v3;
	v4 =	vand.u32 $0xFFFFFFF0, v42  }
0x83e: {  	v3 =	vor.u32 v3, v4  }
0x83f: {  	v4 =	vperm.xlane v3, v0;
	_ =	sdelay $0x1  }
0x840: {  	v3 =	vperm.xlane v3, v2;
	v4 =	vadd.s32 v1, v4;
	_ =	sdelay $0x1  }
0x841: {  	v3 =	vadd.s32 v1, v3;
	_ =	sdelay $0x2  }
0x842: {  	[tilespmem:s19], [sflag:$0x1] =	stream.indirect_vreg.gather [hbm4b:s2+s3], $0x80, v4, vm0, $0xb8;
	[tilespmem:$0x8080] =	vst v63  }
0x843: {  	_ = 	snop  }
0x844: {  	[tilespmem:s20], [sflag:$0x1] =	stream.indirect_vreg.gather [hbm4b:s2+s3], $0x80, v3, vm0, $0xb8;
	[tilespmem:$0x8080] =	vst v63  }
0x845: {  	v3 =	vld [tilespmem:$0x30];
	_ =	sdelay $0x4  }
0x846: {  	v43 =	vshll.u32 v3, $0x1  }
0x847: {  	v3 =	vand.u32 $0x7, v3;
	v4 =	vand.u32 $0xFFFFFFF0, v43  }
0x848: {  	v3 =	vor.u32 v3, v4  }
0x849: {  	v4 =	vperm.xlane v3, v0;
	_ =	sdelay $0x1  }
0x84a: {  	v3 =	vperm.xlane v3, v2;
	v4 =	vadd.s32 v1, v4;
	_ =	sdelay $0x1  }
0x84b: {  	v3 =	vadd.s32 v1, v3;
	_ =	sdelay $0x2  }
0x84c: {  	[tilespmem:s21], [sflag:$0x1] =	stream.indirect_vreg.gather [hbm4b:s2+s3], $0x80, v4, vm0, $0xb8;
	[tilespmem:$0x8080] =	vst v63  }
0x84d: {  	_ = 	snop  }
0x84e: {  	[tilespmem:s22], [sflag:$0x1] =	stream.indirect_vreg.gather [hbm4b:s2+s3], $0x80, v3, vm0, $0xb8;
	[tilespmem:$0x8080] =	vst v63  }
0x84f: {  	v3 =	vld [tilespmem:$0x40];
	_ =	sdelay $0x4  }
0x850: {  	v44 =	vshll.u32 v3, $0x1  }
0x851: {  	v3 =	vand.u32 $0x7, v3;
	v4 =	vand.u32 $0xFFFFFFF0, v44  }
0x852: {  	v3 =	vor.u32 v3, v4  }
0x853: {  	v4 =	vperm.xlane v3, v0;
	_ =	sdelay $0x1  }
0x854: {  	v3 =	vperm.xlane v3, v2;
	v4 =	vadd.s32 v1, v4;
	_ =	sdelay $0x1  }
0x855: {  	v3 =	vadd.s32 v1, v3;
	_ =	sdelay $0x2  }
0x856: {  	[tilespmem:s23], [sflag:$0x1] =	stream.indirect_vreg.gather [hbm4b:s2+s3], $0x80, v4, vm0, $0xb8;
	[tilespmem:$0x8080] =	vst v63  }
0x857: {  	_ = 	snop  }
0x858: {  	[tilespmem:s24], [sflag:$0x1] =	stream.indirect_vreg.gather [hbm4b:s2+s3], $0x80, v3, vm0, $0xb8;
	[tilespmem:$0x8080] =	vst v63  }
0x859: {  	v3 =	vld [tilespmem:$0x50];
	_ =	sdelay $0x4  }
0x85a: {  	v45 =	vshll.u32 v3, $0x1  }
0x85b: {  	v3 =	vand.u32 $0x7, v3;
	v4 =	vand.u32 $0xFFFFFFF0, v45  }
0x85c: {  	v3 =	vor.u32 v3, v4  }
0x85d: {  	v4 =	vperm.xlane v3, v0;
	_ =	sdelay $0x1  }
0x85e: {  	v3 =	vperm.xlane v3, v2;
	v4 =	vadd.s32 v1, v4;
	_ =	sdelay $0x1  }
0x85f: {  	v3 =	vadd.s32 v1, v3;
	_ =	sdelay $0x2  }
0x860: {  	[tilespmem:s25], [sflag:$0x1] =	stream.indirect_vreg.gather [hbm4b:s2+s3], $0x80, v4, vm0, $0xb8;
	[tilespmem:$0x8080] =	vst v63  }
0x861: {  	_ = 	snop  }
0x862: {  	[tilespmem:s26], [sflag:$0x1] =	stream.indirect_vreg.gather [hbm4b:s2+s3], $0x80, v3, vm0, $0xb8;
	[tilespmem:$0x8080] =	vst v63  }
0x863: {  	v3 =	vld [tilespmem:$0x60];
	_ =	sdelay $0x4  }
0x864: {  	v46 =	vshll.u32 v3, $0x1  }
0x865: {  	v3 =	vand.u32 $0x7, v3;
	v4 =	vand.u32 $0xFFFFFFF0, v46  }
0x866: {  	v3 =	vor.u32 v3, v4  }
0x867: {  	v4 =	vperm.xlane v3, v0;
	_ =	sdelay $0x1  }
0x868: {  	v3 =	vperm.xlane v3, v2;
	v4 =	vadd.s32 v1, v4;
	_ =	sdelay $0x1  }
0x869: {  	v3 =	vadd.s32 v1, v3;
	_ =	sdelay $0x2  }
0x86a: {  	[tilespmem:s28], [sflag:$0x1] =	stream.indirect_vreg.gather [hbm4b:s2+s3], $0x80, v4, vm0, $0xb8;
	[tilespmem:$0x8080] =	vst v63  }
0x86b: {  	_ = 	snop  }
0x86c: {  	[tilespmem:s29], [sflag:$0x1] =	stream.indirect_vreg.gather [hbm4b:s2+s3], $0x80, v3, vm0, $0xb8;
	[tilespmem:$0x8080] =	vst v63  }
0x86d: {  	v3 =	vld [tilespmem:$0x70];
	_ =	sdelay $0x4  }
0x86e: {  	v47 =	vshll.u32 v3, $0x1  }
0x86f: {  	v3 =	vand.u32 $0x7, v3;
	v4 =	vand.u32 $0xFFFFFFF0, v47  }
0x870: {  	v3 =	vor.u32 v3, v4  }
0x871: {  	v4 =	vperm.xlane v3, v0;
	_ =	sdelay $0x1  }
0x872: {  	v3 =	vperm.xlane v3, v2;
	v4 =	vadd.s32 v1, v4;
	_ =	sdelay $0x1  }
0x873: {  	v3 =	vadd.s32 v1, v3;
	_ =	sdelay $0x2  }
0x874: {  	[tilespmem:s30], [sflag:$0x1] =	stream.indirect_vreg.gather [hbm4b:s2+s3], $0x80, v4, vm0, $0xb8;
	[tilespmem:$0x8080] =	vst v63  }
0x875: {  	_ = 	snop  }
0x876: {  	[tilespmem:s31], [sflag:$0x1] =	stream.indirect_vreg.gather [hbm4b:s2+s3], $0x80, v3, vm0, $0xb8;
	[tilespmem:$0x8080] =	vst v63  }
0x877: {  	_ =	swait.ge [sflag:s1], $0x8000  }
0x878: {  	[sflag:s1] =	ssyncset.done $0x0  }
0x879: {  	[sflag:s1] =	ssyncadd.s32 $0xFFFF8000  }
0x87a: {  	[hbm4b:s8+s3] =	stream.linear.scatter [tilespmem:s15], [sflag:$0x2], $0x8000, $0x38;
	[tilespmem:$0x8080] =	vst v63  }
0x87b: {  	_ =	swait.ge [sflag:s14], $0x8000  }
0x87c: {  	[sflag:s14] =	ssyncset.done $0x0  }
0x87d: {  	[sflag:s14] =	ssyncadd.s32 $0xFFFF8000  }
0x87e: {  	[tilespmem:s3], [sflag:$0x2] =	stream.linear.gather [hbm4b:s9+s3], $0x80, $0x38;
	[tilespmem:$0x8080] =	vst v63  }
0x87f: {  	_ =	swait.ge [sflag:s14], $0x80  }
0x880: {  	[sflag:s14] =	ssyncset.done $0x0  }
0x881: {  	[sflag:s14] =	ssyncadd.s32 $0xFFFFFF80  }
0x882: {  	v3 =	vld [tilespmem:$0x0];
	_ =	sdelay $0x4  }
0x883: {  	v48 =	vshll.u32 v3, $0x1  }
0x884: {  	v3 =	vand.u32 $0x7, v3;
	v4 =	vand.u32 $0xFFFFFFF0, v48  }
0x885: {  	v3 =	vor.u32 v3, v4  }
0x886: {  	v4 =	vperm.xlane v3, v0;
	_ =	sdelay $0x1  }
0x887: {  	v3 =	vperm.xlane v3, v2;
	v4 =	vadd.s32 v1, v4;
	_ =	sdelay $0x1  }
0x888: {  	v3 =	vadd.s32 v1, v3;
	_ =	sdelay $0x2  }
0x889: {  	[tilespmem:s15], [sflag:$0x1] =	stream.indirect_vreg.gather [hbm4b:s2+s3], $0x80, v4, vm0, $0xb8;
	[tilespmem:$0x8080] =	vst v63  }
0x88a: {  	_ = 	snop  }
0x88b: {  	[tilespmem:s16], [sflag:$0x1] =	stream.indirect_vreg.gather [hbm4b:s2+s3], $0x80, v3, vm0, $0xb8;
	[tilespmem:$0x8080] =	vst v63  }
0x88c: {  	v3 =	vld [tilespmem:$0x10];
	_ =	sdelay $0x4  }
0x88d: {  	v49 =	vshll.u32 v3, $0x1  }
0x88e: {  	v3 =	vand.u32 $0x7, v3;
	v4 =	vand.u32 $0xFFFFFFF0, v49  }
0x88f: {  	v3 =	vor.u32 v3, v4  }
0x890: {  	v4 =	vperm.xlane v3, v0;
	_ =	sdelay $0x1  }
0x891: {  	v3 =	vperm.xlane v3, v2;
	v4 =	vadd.s32 v1, v4;
	_ =	sdelay $0x1  }
0x892: {  	v3 =	vadd.s32 v1, v3;
	_ =	sdelay $0x2  }
0x893: {  	[tilespmem:s17], [sflag:$0x1] =	stream.indirect_vreg.gather [hbm4b:s2+s3], $0x80, v4, vm0, $0xb8;
	[tilespmem:$0x8080] =	vst v63  }
0x894: {  	_ = 	snop  }
0x895: {  	[tilespmem:s18], [sflag:$0x1] =	stream.indirect_vreg.gather [hbm4b:s2+s3], $0x80, v3, vm0, $0xb8;
	[tilespmem:$0x8080] =	vst v63  }
0x896: {  	v3 =	vld [tilespmem:$0x20];
	_ =	sdelay $0x4  }
0x897: {  	v50 =	vshll.u32 v3, $0x1  }
0x898: {  	v3 =	vand.u32 $0x7, v3;
	v4 =	vand.u32 $0xFFFFFFF0, v50  }
0x899: {  	v3 =	vor.u32 v3, v4  }
0x89a: {  	v4 =	vperm.xlane v3, v0;
	_ =	sdelay $0x1  }
0x89b: {  	v3 =	vperm.xlane v3, v2;
	v4 =	vadd.s32 v1, v4;
	_ =	sdelay $0x1  }
0x89c: {  	v3 =	vadd.s32 v1, v3;
	_ =	sdelay $0x2  }
0x89d: {  	[tilespmem:s19], [sflag:$0x1] =	stream.indirect_vreg.gather [hbm4b:s2+s3], $0x80, v4, vm0, $0xb8;
	[tilespmem:$0x8080] =	vst v63  }
0x89e: {  	_ = 	snop  }
0x89f: {  	[tilespmem:s20], [sflag:$0x1] =	stream.indirect_vreg.gather [hbm4b:s2+s3], $0x80, v3, vm0, $0xb8;
	[tilespmem:$0x8080] =	vst v63  }
0x8a0: {  	v3 =	vld [tilespmem:$0x30];
	_ =	sdelay $0x4  }
0x8a1: {  	v51 =	vshll.u32 v3, $0x1  }
0x8a2: {  	v3 =	vand.u32 $0x7, v3;
	v4 =	vand.u32 $0xFFFFFFF0, v51  }
0x8a3: {  	v3 =	vor.u32 v3, v4  }
0x8a4: {  	v4 =	vperm.xlane v3, v0;
	_ =	sdelay $0x1  }
0x8a5: {  	v3 =	vperm.xlane v3, v2;
	v4 =	vadd.s32 v1, v4;
	_ =	sdelay $0x1  }
0x8a6: {  	v3 =	vadd.s32 v1, v3;
	_ =	sdelay $0x2  }
0x8a7: {  	[tilespmem:s21], [sflag:$0x1] =	stream.indirect_vreg.gather [hbm4b:s2+s3], $0x80, v4, vm0, $0xb8;
	[tilespmem:$0x8080] =	vst v63  }
0x8a8: {  	_ = 	snop  }
0x8a9: {  	[tilespmem:s22], [sflag:$0x1] =	stream.indirect_vreg.gather [hbm4b:s2+s3], $0x80, v3, vm0, $0xb8;
	[tilespmem:$0x8080] =	vst v63  }
0x8aa: {  	v3 =	vld [tilespmem:$0x40];
	_ =	sdelay $0x4  }
0x8ab: {  	v52 =	vshll.u32 v3, $0x1  }
0x8ac: {  	v3 =	vand.u32 $0x7, v3;
	v4 =	vand.u32 $0xFFFFFFF0, v52  }
0x8ad: {  	v3 =	vor.u32 v3, v4  }
0x8ae: {  	v4 =	vperm.xlane v3, v0;
	_ =	sdelay $0x1  }
0x8af: {  	v3 =	vperm.xlane v3, v2;
	v4 =	vadd.s32 v1, v4;
	_ =	sdelay $0x1  }
0x8b0: {  	v3 =	vadd.s32 v1, v3;
	_ =	sdelay $0x2  }
0x8b1: {  	[tilespmem:s23], [sflag:$0x1] =	stream.indirect_vreg.gather [hbm4b:s2+s3], $0x80, v4, vm0, $0xb8;
	[tilespmem:$0x8080] =	vst v63  }
0x8b2: {  	_ = 	snop  }
0x8b3: {  	[tilespmem:s24], [sflag:$0x1] =	stream.indirect_vreg.gather [hbm4b:s2+s3], $0x80, v3, vm0, $0xb8;
	[tilespmem:$0x8080] =	vst v63  }
0x8b4: {  	v3 =	vld [tilespmem:$0x50];
	_ =	sdelay $0x4  }
0x8b5: {  	v53 =	vshll.u32 v3, $0x1  }
0x8b6: {  	v3 =	vand.u32 $0x7, v3;
	v4 =	vand.u32 $0xFFFFFFF0, v53  }
0x8b7: {  	v3 =	vor.u32 v3, v4  }
0x8b8: {  	v4 =	vperm.xlane v3, v0;
	_ =	sdelay $0x1  }
0x8b9: {  	v3 =	vperm.xlane v3, v2;
	v4 =	vadd.s32 v1, v4;
	_ =	sdelay $0x1  }
0x8ba: {  	v3 =	vadd.s32 v1, v3;
	_ =	sdelay $0x2  }
0x8bb: {  	[tilespmem:s25], [sflag:$0x1] =	stream.indirect_vreg.gather [hbm4b:s2+s3], $0x80, v4, vm0, $0xb8;
	[tilespmem:$0x8080] =	vst v63  }
0x8bc: {  	_ = 	snop  }
0x8bd: {  	[tilespmem:s26], [sflag:$0x1] =	stream.indirect_vreg.gather [hbm4b:s2+s3], $0x80, v3, vm0, $0xb8;
	[tilespmem:$0x8080] =	vst v63  }
0x8be: {  	v3 =	vld [tilespmem:$0x60];
	_ =	sdelay $0x4  }
0x8bf: {  	v54 =	vshll.u32 v3, $0x1  }
0x8c0: {  	v3 =	vand.u32 $0x7, v3;
	v4 =	vand.u32 $0xFFFFFFF0, v54  }
0x8c1: {  	v3 =	vor.u32 v3, v4  }
0x8c2: {  	v4 =	vperm.xlane v3, v0;
	_ =	sdelay $0x1  }
0x8c3: {  	v3 =	vperm.xlane v3, v2;
	v4 =	vadd.s32 v1, v4;
	_ =	sdelay $0x1  }
0x8c4: {  	v3 =	vadd.s32 v1, v3;
	_ =	sdelay $0x2  }
0x8c5: {  	[tilespmem:s28], [sflag:$0x1] =	stream.indirect_vreg.gather [hbm4b:s2+s3], $0x80, v4, vm0, $0xb8;
	[tilespmem:$0x8080] =	vst v63  }
0x8c6: {  	_ = 	snop  }
0x8c7: {  	[tilespmem:s29], [sflag:$0x1] =	stream.indirect_vreg.gather [hbm4b:s2+s3], $0x80, v3, vm0, $0xb8;
	[tilespmem:$0x8080] =	vst v63  }
0x8c8: {  	v3 =	vld [tilespmem:$0x70];
	_ =	sdelay $0x4  }
0x8c9: {  	v55 =	vshll.u32 v3, $0x1  }
0x8ca: {  	v3 =	vand.u32 $0x7, v3;
	v4 =	vand.u32 $0xFFFFFFF0, v55  }
0x8cb: {  	v3 =	vor.u32 v3, v4  }
0x8cc: {  	v4 =	vperm.xlane v3, v0;
	_ =	sdelay $0x1  }
0x8cd: {  	v3 =	vperm.xlane v3, v2;
	v4 =	vadd.s32 v1, v4;
	_ =	sdelay $0x1  }
0x8ce: {  	v3 =	vadd.s32 v1, v3;
	_ =	sdelay $0x2  }
0x8cf: {  	[tilespmem:s30], [sflag:$0x1] =	stream.indirect_vreg.gather [hbm4b:s2+s3], $0x80, v4, vm0, $0xb8;
	[tilespmem:$0x8080] =	vst v63  }
0x8d0: {  	_ = 	snop  }
0x8d1: {  	[tilespmem:s31], [sflag:$0x1] =	stream.indirect_vreg.gather [hbm4b:s2+s3], $0x80, v3, vm0, $0xb8;
	[tilespmem:$0x8080] =	vst v63  }
0x8d2: {  	_ =	swait.ge [sflag:s1], $0x8000  }
0x8d3: {  	[sflag:s1] =	ssyncset.done $0x0  }
0x8d4: {  	[sflag:s1] =	ssyncadd.s32 $0xFFFF8000  }
0x8d5: {  	[hbm4b:s10+s3] =	stream.linear.scatter [tilespmem:s15], [sflag:$0x2], $0x8000, $0x38;
	[tilespmem:$0x8080] =	vst v63  }
0x8d6: {  	_ =	swait.ge [sflag:s14], $0x8000  }
0x8d7: {  	[sflag:s14] =	ssyncset.done $0x0  }
0x8d8: {  	[sflag:s14] =	ssyncadd.s32 $0xFFFF8000  }
0x8d9: {  	[tilespmem:s3], [sflag:$0x2] =	stream.linear.gather [hbm4b:s11+s3], $0x80, $0x38;
	[tilespmem:$0x8080] =	vst v63  }
0x8da: {  	_ =	swait.ge [sflag:s14], $0x80  }
0x8db: {  	[sflag:s14] =	ssyncset.done $0x0  }
0x8dc: {  	[sflag:s14] =	ssyncadd.s32 $0xFFFFFF80  }
0x8dd: {  	v3 =	vld [tilespmem:$0x0];
	_ =	sdelay $0x4  }
0x8de: {  	v56 =	vshll.u32 v3, $0x1  }
0x8df: {  	v3 =	vand.u32 $0x7, v3;
	v4 =	vand.u32 $0xFFFFFFF0, v56  }
0x8e0: {  	v3 =	vor.u32 v3, v4  }
0x8e1: {  	v4 =	vperm.xlane v3, v0;
	_ =	sdelay $0x1  }
0x8e2: {  	v3 =	vperm.xlane v3, v2;
	v4 =	vadd.s32 v1, v4;
	_ =	sdelay $0x1  }
0x8e3: {  	v3 =	vadd.s32 v1, v3;
	_ =	sdelay $0x2  }
0x8e4: {  	[tilespmem:s15], [sflag:$0x1] =	stream.indirect_vreg.gather [hbm4b:s2+s3], $0x80, v4, vm0, $0xb8;
	[tilespmem:$0x8080] =	vst v63  }
0x8e5: {  	_ = 	snop  }
0x8e6: {  	[tilespmem:s16], [sflag:$0x1] =	stream.indirect_vreg.gather [hbm4b:s2+s3], $0x80, v3, vm0, $0xb8;
	[tilespmem:$0x8080] =	vst v63  }
0x8e7: {  	v3 =	vld [tilespmem:$0x10];
	_ =	sdelay $0x4  }
0x8e8: {  	v57 =	vshll.u32 v3, $0x1  }
0x8e9: {  	v3 =	vand.u32 $0x7, v3;
	v4 =	vand.u32 $0xFFFFFFF0, v57  }
0x8ea: {  	v3 =	vor.u32 v3, v4  }
0x8eb: {  	v4 =	vperm.xlane v3, v0;
	_ =	sdelay $0x1  }
0x8ec: {  	v3 =	vperm.xlane v3, v2;
	v4 =	vadd.s32 v1, v4;
	_ =	sdelay $0x1  }
0x8ed: {  	v3 =	vadd.s32 v1, v3;
	_ =	sdelay $0x2  }
0x8ee: {  	[tilespmem:s17], [sflag:$0x1] =	stream.indirect_vreg.gather [hbm4b:s2+s3], $0x80, v4, vm0, $0xb8;
	[tilespmem:$0x8080] =	vst v63  }
0x8ef: {  	_ = 	snop  }
0x8f0: {  	[tilespmem:s18], [sflag:$0x1] =	stream.indirect_vreg.gather [hbm4b:s2+s3], $0x80, v3, vm0, $0xb8;
	[tilespmem:$0x8080] =	vst v63  }
0x8f1: {  	v3 =	vld [tilespmem:$0x20];
	_ =	sdelay $0x4  }
0x8f2: {  	v58 =	vshll.u32 v3, $0x1  }
0x8f3: {  	v3 =	vand.u32 $0x7, v3;
	v4 =	vand.u32 $0xFFFFFFF0, v58  }
0x8f4: {  	v3 =	vor.u32 v3, v4  }
0x8f5: {  	v4 =	vperm.xlane v3, v0;
	_ =	sdelay $0x1  }
0x8f6: {  	v3 =	vperm.xlane v3, v2;
	v4 =	vadd.s32 v1, v4;
	_ =	sdelay $0x1  }
0x8f7: {  	v3 =	vadd.s32 v1, v3;
	_ =	sdelay $0x2  }
0x8f8: {  	[tilespmem:s19], [sflag:$0x1] =	stream.indirect_vreg.gather [hbm4b:s2+s3], $0x80, v4, vm0, $0xb8;
	[tilespmem:$0x8080] =	vst v63  }
0x8f9: {  	_ = 	snop  }
0x8fa: {  	[tilespmem:s20], [sflag:$0x1] =	stream.indirect_vreg.gather [hbm4b:s2+s3], $0x80, v3, vm0, $0xb8;
	[tilespmem:$0x8080] =	vst v63  }
0x8fb: {  	v3 =	vld [tilespmem:$0x30];
	_ =	sdelay $0x4  }
0x8fc: {  	v59 =	vshll.u32 v3, $0x1  }
0x8fd: {  	v3 =	vand.u32 $0x7, v3;
	v4 =	vand.u32 $0xFFFFFFF0, v59  }
0x8fe: {  	v3 =	vor.u32 v3, v4  }
0x8ff: {  	v4 =	vperm.xlane v3, v0;
	_ =	sdelay $0x1  }
0x900: {  	v3 =	vperm.xlane v3, v2;
	v4 =	vadd.s32 v1, v4;
	_ =	sdelay $0x1  }
0x901: {  	v3 =	vadd.s32 v1, v3;
	_ =	sdelay $0x2  }
0x902: {  	[tilespmem:s21], [sflag:$0x1] =	stream.indirect_vreg.gather [hbm4b:s2+s3], $0x80, v4, vm0, $0xb8;
	[tilespmem:$0x8080] =	vst v63  }
0x903: {  	_ = 	snop  }
0x904: {  	[tilespmem:s22], [sflag:$0x1] =	stream.indirect_vreg.gather [hbm4b:s2+s3], $0x80, v3, vm0, $0xb8;
	[tilespmem:$0x8080] =	vst v63  }
0x905: {  	v3 =	vld [tilespmem:$0x40];
	_ =	sdelay $0x4  }
0x906: {  	v60 =	vshll.u32 v3, $0x1  }
0x907: {  	v3 =	vand.u32 $0x7, v3;
	v4 =	vand.u32 $0xFFFFFFF0, v60  }
0x908: {  	v3 =	vor.u32 v3, v4  }
0x909: {  	v4 =	vperm.xlane v3, v0;
	_ =	sdelay $0x1  }
0x90a: {  	v3 =	vperm.xlane v3, v2;
	v4 =	vadd.s32 v1, v4;
	_ =	sdelay $0x1  }
0x90b: {  	v3 =	vadd.s32 v1, v3;
	_ =	sdelay $0x2  }
0x90c: {  	[tilespmem:s23], [sflag:$0x1] =	stream.indirect_vreg.gather [hbm4b:s2+s3], $0x80, v4, vm0, $0xb8;
	[tilespmem:$0x8080] =	vst v63  }
0x90d: {  	_ = 	snop  }
0x90e: {  	[tilespmem:s24], [sflag:$0x1] =	stream.indirect_vreg.gather [hbm4b:s2+s3], $0x80, v3, vm0, $0xb8;
	[tilespmem:$0x8080] =	vst v63  }
0x90f: {  	v3 =	vld [tilespmem:$0x50];
	_ =	sdelay $0x4  }
0x910: {  	v61 =	vshll.u32 v3, $0x1  }
0x911: {  	v3 =	vand.u32 $0x7, v3;
	v4 =	vand.u32 $0xFFFFFFF0, v61  }
0x912: {  	v3 =	vor.u32 v3, v4  }
0x913: {  	v4 =	vperm.xlane v3, v0;
	_ =	sdelay $0x1  }
0x914: {  	v3 =	vperm.xlane v3, v2;
	v4 =	vadd.s32 v1, v4;
	_ =	sdelay $0x1  }
0x915: {  	v3 =	vadd.s32 v1, v3;
	_ =	sdelay $0x2  }
0x916: {  	[tilespmem:s25], [sflag:$0x1] =	stream.indirect_vreg.gather [hbm4b:s2+s3], $0x80, v4, vm0, $0xb8;
	[tilespmem:$0x8080] =	vst v63  }
0x917: {  	_ = 	snop  }
0x918: {  	[tilespmem:s26], [sflag:$0x1] =	stream.indirect_vreg.gather [hbm4b:s2+s3], $0x80, v3, vm0, $0xb8;
	[tilespmem:$0x8080] =	vst v63  }
0x919: {  	v3 =	vld [tilespmem:$0x60];
	_ =	sdelay $0x4  }
0x91a: {  	v62 =	vshll.u32 v3, $0x1  }
0x91b: {  	v3 =	vand.u32 $0x7, v3;
	v4 =	vand.u32 $0xFFFFFFF0, v62  }
0x91c: {  	v3 =	vor.u32 v3, v4  }
0x91d: {  	v4 =	vperm.xlane v3, v0;
	_ =	sdelay $0x1  }
0x91e: {  	v3 =	vperm.xlane v3, v2;
	v4 =	vadd.s32 v1, v4;
	_ =	sdelay $0x1  }
0x91f: {  	v3 =	vadd.s32 v1, v3;
	_ =	sdelay $0x2  }
0x920: {  	[tilespmem:s28], [sflag:$0x1] =	stream.indirect_vreg.gather [hbm4b:s2+s3], $0x80, v4, vm0, $0xb8;
	[tilespmem:$0x8080] =	vst v63  }
0x921: {  	_ = 	snop  }
0x922: {  	[tilespmem:s29], [sflag:$0x1] =	stream.indirect_vreg.gather [hbm4b:s2+s3], $0x80, v3, vm0, $0xb8;
	[tilespmem:$0x8080] =	vst v63  }
0x923: {  	v3 =	vld [tilespmem:$0x70];
	_ =	sdelay $0x4  }
0x924: {  	v63 =	vshll.u32 v3, $0x1  }
0x925: {  	v3 =	vand.u32 $0x7, v3;
	v4 =	vand.u32 $0xFFFFFFF0, v63  }
0x926: {  	v3 =	vor.u32 v3, v4  }
0x927: {  	v4 =	vperm.xlane v3, v0;
	_ =	sdelay $0x1  }
0x928: {  	v3 =	vperm.xlane v3, v2;
	v4 =	vadd.s32 v1, v4;
	_ =	sdelay $0x1  }
0x929: {  	v3 =	vadd.s32 v1, v3;
	_ =	sdelay $0x2  }
0x92a: {  	[tilespmem:s30], [sflag:$0x1] =	stream.indirect_vreg.gather [hbm4b:s2+s3], $0x80, v4, vm0, $0xb8;
	[tilespmem:$0x8080] =	vst v63  }
0x92b: {  	_ = 	snop  }
0x92c: {  	[tilespmem:s31], [sflag:$0x1] =	stream.indirect_vreg.gather [hbm4b:s2+s3], $0x80, v3, vm0, $0xb8;
	[tilespmem:$0x8080] =	vst v63  }
0x92d: {  	_ =	swait.ge [sflag:s1], $0x8000  }
0x92e: {  	p0 =	sne.s32 s13, $0x1;
	[sflag:s1] =	ssyncset.done $0x0  }
.Ltmp0:
0x92f: {  	[sflag:s1] =	ssyncadd.s32 $0xFFFF8000;
	(pc) =	sbr.rel @p0 .LBB2_1-.Ltmp0, $4  }
0x930: {  	[hbm4b:s12+s3] =	stream.linear.scatter [tilespmem:s15], [sflag:$0x2], $0x8000, $0x38;
	[tilespmem:$0x8080] =	vst v63  }
0x931: {  	_ =	swait.ge [sflag:s14], $0x8000  }
0x932: {  	[sflag:s14] =	ssyncset.done $0x0  }
0x933: {  	s13 =	sadd.s32 $0xFFFFFFFF, s13;
	[sflag:s14] =	ssyncadd.s32 $0xFFFF8000  }
0x934: {  	_ =	sfence.sel $0x180000  }
0x935: {  	[bflag:$0x0] =	sbarrier.arrive $0xFFFF  }
0x936: {  	_ =	strace $0x9000004A  }
0x937: {  	s0 =	stileid.u32;
	[bflag:$0x2] =	sbarrier.arrive $0xFFFF  }
0x938: {  	p0 =	sne.s32 s0, $0x0;
	s0 =	rddreg [dreg:$0x2]  }
0x939: {  	s0 =	sadd.s32 @!p0 $0x100000, s0  }
0x93a: {  	[sflag:s0] =	ssyncadd.tile.s32 @!p0 $0x1;
	_ =	shalt  }
.Lfunc_end2:
_tile_overlayer_lowered:
.L_overlay_start_2:
0x93b: {  	(tag) =	ssettag $0x2  }
0x93c: {  	s0 =	rddreg [dreg:$0x0];
	s2 =	stileid.u32  }
0x93d: {  	s1 =	rddreg [dreg:$0x1];
	p0 =	sne.s32 s2, $0x0  }
0x93e: {  	s3 =	rddreg [dreg:$0x2];
	[bflag:$0x3] =	sbarrier.arrive $0xFFFF;
	s2 =	simm.s32 @!p0 $0x1C02  }
0x93f: {  	[timem:s3], [sflag:s2] =	dma.local @!p0 [hbm:s0], s1  }
0x940: {  	s0 =	simm.s32 @!p0 $0x2  }
0x941: {  	_ =	swait.ge @!p0 [sflag:s0], s1  }
0x942: {  	s1 =	ssub.s32 @!p0 $0x0, s1;
	[sflag:s0] =	ssyncset.done @!p0 $0x0  }
0x943: {  	[sflag:s0] =	ssyncadd.s32 @!p0 s1  }
0x944: {  	[bflag:$0x3] =	sbarrier.arrive $0xFFFF  }
0x945: {  	_ =	shalt  }

// kernel: kernel.7.cloned.1.call-start
scs
__scs_entry_jumppad:
0x0: {  	(pc) =	sbr.rel $0x88, $3  }
0x1: {  	(tag) =	ssettag $0x0;
	lr =	simm.s32 $0x1  }
0x2: {  	[smem:$0x3F9F] =	sst lr;
	_ =	strace $0xD0000000  }
0x3: {  	_ = 	snop  }
0x4: {  	_ = 	snop  }
0x5: {  	_ = 	snop  }
0x6: {  	_ = 	snop  }
0x7: {  	_ = 	snop  }
__scs_overlays_trampoline_lowered:
0x8: {  	[smem:$0x3FAE] =	sst s0  }
0x9: {  	[smem:$0x3FAF] =	sst s1  }
0xa: {  	[smem:$0x3FB0] =	sst s2  }
0xb: {  	[smem:$0x3FB1] =	sst s3  }
0xc: {  	[smem:$0x3FB2] =	sst s4  }
0xd: {  	[smem:$0x3FB3] =	sst s5  }
0xe: {  	[smem:$0x3FB4] =	sst s6  }
0xf: {  	[smem:$0x3FB5] =	sst s7  }
0x10: {  	[smem:$0x3FB6] =	sst s8  }
0x11: {  	[smem:$0x3FB7] =	sst s9;
	s0 =	simm.s32 @!p0 $0x0  }
0x12: {  	s1 =	sld [smem:$0x3F9D];
	s0 =	simm.s32 @p0 $0x1  }
0x13: {  	[smem:$0x3FB8] =	sst s0;
	s0 =	simm.s32 @!p1 $0x0  }
0x14: {  	s2 =	sld [smem:$0x3F9C];
	s0 =	simm.s32 @p1 $0x1  }
0x15: {  	[smem:$0x3FB9] =	sst s0;
	s0 =	simm.s32 @!p2 $0x0  }
0x16: {  	s3 =	sld [smem:$0x3FDB];
	s0 =	simm.s32 @p2 $0x1  }
0x17: {  	s4 =	simm.s32 $0x1BF5;
	[smem:$0x3FBB] =	sst s0  }
0x18: {  	s0 =	sld [smem:$0x3F9E];
	_ =	swait.ge [sflag:s4], $0x0  }
0x19: {  	s7 =	sld [smem:$0x3F9F]  }
0x1a: {  	s8 =	sadd.s32 $0xFFFFE003, lr  }
0x1b: {  	s9 =	sadd.s32 $0xFFFFFEF7, lr;
	s5 =	simm.s32 $0xFFFFFFFF;
	p2 =	slt.u32 s8, $0xFFFFF086  }
0x1c: {  	p1 =	slt.u32 s9, $0xF7A;
	s5 =	simm.s32 @!p2 $0x0  }
0x1d: {  	s5 =	simm.s32 @p1 $0x1;
	p0 =	seq.s32 s7, s2  }
0x1e: {  	s7 =	smul.u32 @!p0 $0xF7A, s2;
	p2 =	seq.s32 @!p0 s5, $0x0  }
0x1f: {  	s9 =	smul.u32 $0xF7A, s1;
	s8 =	simm.s32 @!p0 $0x1BF5;
	p2 =	por !p2, p0  }
0x20: {  	[sflag:s8] =	ssyncset.s32 @!p0 $0xFFFFF086;
	s6 =	sadd.s32 @!p0 s3, s7;
	s7 =	simm.s32 @!p0 $0x108  }
0x21: {  	s3 =	sadd.s32 s3, s9;
	s6 =	sadd.s32 @!p0 $0x88, s6;
	s7 =	simm.s32 @p2 $0x1082  }
0x22: {  	[simem:s7], [sflag:s8] =	dma.local @!p0 [hbm:s6], $0xF7A  }
0x23: {  	s9 =	sor.u32 $0xD0000000, s2;
	s6 =	simm.s32 $0x108;
	_ =	swait.ge @!p0 [sflag:s8], $0x0  }
0x24: {  	s3 =	sadd.s32 $0x88, s3;
	s6 =	simm.s32 @!p1 $0x1082;
	[sflag:s4] =	ssyncset.s32 $0xFFFFF086  }
0x25: {  	[simem:s6], [sflag:s4] =	dma.local [hbm:s3], $0xF7A  }
0x26: {  	[smem:$0x3F9F] =	sst s1;
	(tag) =	ssettag s2;
	_ =	strace s9  }
0x27: {  	s1 =	sld [smem:$0x3FAF]  }
0x28: {  	s2 =	sld [smem:$0x3FB0]  }
0x29: {  	s4 =	sld [smem:$0x3FB2]  }
0x2a: {  	p0 =	seq.s32 s5, $0x0;
	s5 =	sld [smem:$0x3FB3]  }
0x2b: {  	s6 =	sld [smem:$0x3FB4]  }
0x2c: {  	s7 =	sld [smem:$0x3FB5]  }
0x2d: {  	s3 =	simm.s32 $0x108;
	s8 =	sld [smem:$0x3FB6]  }
0x2e: {  	s3 =	simm.s32 @!p0 $0x1082;
	s9 =	sld [smem:$0x3FB7]  }
0x2f: {  	lr =	sadd.s32 s0, s3;
	s0 =	sld [smem:$0x3FAE]  }
0x30: {  	s3 =	sld [smem:$0x3FB1]  }
0x31: {  	[smem:$0x3FBA] =	sst s10  }
0x32: {  	s10 =	sld [smem:$0x3FB8];
	_ =	sdelay $0x3  }
0x33: {  	p0 =	seq.s32 s10, $0x1;
	s10 =	sld [smem:$0x3FBA];
	_ =	sdelay $0x3  }
0x34: {  	[smem:$0x3FBA] =	sst s10  }
0x35: {  	s10 =	sld [smem:$0x3FB9];
	_ =	sdelay $0x3  }
0x36: {  	p1 =	seq.s32 s10, $0x1;
	s10 =	sld [smem:$0x3FBA];
	_ =	sdelay $0x3  }
0x37: {  	[smem:$0x3FBA] =	sst s10  }
0x38: {  	s10 =	sld [smem:$0x3FBB]  }
0x39: {  	_ = 	snop;
	(pc) =	sbr.ind lr, $3  }
0x3a: {  	_ = 	snop  }
0x3b: {  	_ = 	snop  }
0x3c: {  	p2 =	seq.s32 s10, $0x1;
	s10 =	sld [smem:$0x3FBA]  }
0x3d: {  	_ =	shalt  }
0x3e: {  	_ =	shalt  }
0x3f: {  	_ =	shalt  }
0x40: {  	_ =	shalt  }
0x41: {  	_ =	shalt  }
0x42: {  	_ =	shalt  }
0x43: {  	_ =	shalt  }
0x44: {  	_ =	shalt  }
0x45: {  	_ =	shalt  }
0x46: {  	_ =	shalt  }
0x47: {  	_ =	shalt  }
0x48: {  	_ =	shalt  }
0x49: {  	_ =	shalt  }
0x4a: {  	_ =	shalt  }
0x4b: {  	_ =	shalt  }
0x4c: {  	_ =	shalt  }
0x4d: {  	_ =	shalt  }
0x4e: {  	_ =	shalt  }
0x4f: {  	_ =	shalt  }
0x50: {  	_ =	shalt  }
0x51: {  	_ =	shalt  }
0x52: {  	_ =	shalt  }
0x53: {  	_ =	shalt  }
0x54: {  	_ =	shalt  }
0x55: {  	_ =	shalt  }
0x56: {  	_ =	shalt  }
0x57: {  	_ =	shalt  }
0x58: {  	_ =	shalt  }
0x59: {  	_ =	shalt  }
0x5a: {  	_ =	shalt  }
0x5b: {  	_ =	shalt  }
0x5c: {  	_ =	shalt  }
0x5d: {  	_ =	shalt  }
0x5e: {  	_ =	shalt  }
0x5f: {  	_ =	shalt  }
0x60: {  	_ =	shalt  }
0x61: {  	_ =	shalt  }
0x62: {  	_ =	shalt  }
0x63: {  	_ =	shalt  }
0x64: {  	_ =	shalt  }
0x65: {  	_ =	shalt  }
0x66: {  	_ =	shalt  }
0x67: {  	_ =	shalt  }
0x68: {  	_ =	shalt  }
0x69: {  	_ =	shalt  }
0x6a: {  	_ =	shalt  }
0x6b: {  	_ =	shalt  }
0x6c: {  	_ =	shalt  }
0x6d: {  	_ =	shalt  }
0x6e: {  	_ =	shalt  }
0x6f: {  	_ =	shalt  }
0x70: {  	_ =	shalt  }
0x71: {  	_ =	shalt  }
0x72: {  	_ =	shalt  }
0x73: {  	_ =	shalt  }
0x74: {  	_ =	shalt  }
0x75: {  	_ =	shalt  }
0x76: {  	_ =	shalt  }
0x77: {  	_ =	shalt  }
0x78: {  	_ =	shalt  }
0x79: {  	_ =	shalt  }
0x7a: {  	_ =	shalt  }
0x7b: {  	_ =	shalt  }
0x7c: {  	_ =	shalt  }
0x7d: {  	_ =	shalt  }
0x7e: {  	_ =	shalt  }
0x7f: {  	_ =	shalt  }
0x80: {  	_ =	shalt  }
0x81: {  	_ =	shalt  }
0x82: {  	_ =	shalt  }
0x83: {  	_ =	shalt  }
0x84: {  	_ =	shalt  }
0x85: {  	_ =	shalt  }
0x86: {  	_ =	shalt  }
0x87: {  	_ =	shalt  }
.Lfunc_end0:
.L_simem_size_0:
called_computation_lowered:
.L_overlay_start_0:
0x88: {  	s2 =	sld [smem:$0x3FD9]  }
0x89: {  	s3 =	sld [smem:$0x3FFE];
	_ =	sdelay $0x1  }
0x8a: {  	s1 =	srdreg.scid  }
0x8b: {  	s0 =	sand.u32 $0x1, s1  }
0x8c: {  	s18 =	sshll.u32 s0, $0xA;
	s2 =	sadd.s32 s3, s2  }
0x8d: {  	s2 =	sadd.s32 s2, s18  }
0x8e: {  	[smem:$0x3FC6] =	sst s2  }
0x8f: {  	_ = 	snop  }
0x90: {  	s2 =	sld [smem:$0x3FC9]  }
0x91: {  	s19 =	sld [smem:$0x3FC8]  }
0x92: {  	s4 =	sld [smem:$0x3FD0];
	(tm) =	ssettm $0x1  }
0x93: {  	s5 =	sld [smem:$0x3FFB];
	_ =	sdelay $0x3  }
0x94: {  	_ =	strace s5  }
0x95: {  	s5 =	sld [smem:$0x3FFC];
	_ =	sdelay $0x3  }
0x96: {  	_ =	strace s5  }
0x97: {  	s5 =	sld [smem:$0x3FFD];
	_ =	sdelay $0x3  }
0x98: {  	_ =	strace s5  }
0x99: {  	_ =	strace $0x8FFFFFFF  }
0x9a: {  	s20 =	sld [smem:$0x3FDB];
	_ =	sdelay $0x1  }
0x9b: {  	s6 =	simm.s32 $_scs_section_size  }
0x9c: {  	s7 =	simm.s32 $_size__tile_overlayer_lowered;
	s8 =	simm.s32 $_tile_overlayer_lowered  }
0x9d: {  	s23 =	simm.s32 $0x1BFF;
	s22 =	sshll.u32 s8, $0x1;
	s5 =	sadd.s32 s6, s20  }
0x9e: {  	s9 =	simm.s32 $0x0;
	s21 =	sshll.u32 s7, $0x1;
	s7 =	sadd.s32 s22, s5  }
0x9f: {  	[timem:s9], [sflag:s23] =	dma.local [hbm:s7], s21  }
0xa0: {  	_ =	swait.ge [sflag:s23], s21  }
0xa1: {  	s6 =	ssub.s32 $0x0, s21;
	[sflag:s23] =	ssyncset.done $0x0  }
0xa2: {  	[sflag:s23] =	ssyncadd.s32 s6;
	_ =	sdelay $0x1  }
0xa3: {  	s24 =	simm.s32 $0x1B8B  }
0xa4: {  	_ =	swait.ge [sflag:s24], $0x1  }
0xa5: {  	[sflag:s24] =	ssyncset.done $0x0  }
0xa6: {  	s25 =	simm.s32 $0x1B8E;
	[sflag:s24] =	ssyncadd.s32 $0xFFFFFFFF  }
0xa7: {  	s26 =	simm.s32 $execute0_lowered;
	[smem:$0x3FD2] =	sst s25  }
0xa8: {  	s6 =	sshll.u32 s26, $0x1;
	_ =	strace $0x80000046;
	[dreg:$0x1] =	wrdreg $0xFFFFFFFF  }
0xa9: {  	s28 =	simm.s32 $_size_execute0_lowered;
	s5 =	sadd.s32 s5, s6;
	[dreg:$0x0] =	wrdreg $0x0  }
0xaa: {  	s6 =	sshll.u32 s28, $0x1;
	[dreg:$0x2] =	wrdreg s5  }
0xab: {  	[dreg:$0x3] =	wrdreg s6  }
0xac: {  	[dreg:$0x4] =	wrdreg $0xC0  }
0xad: {  	_ =	task [dreg:s9], $0x5FFFF  }
0xae: {  	[dreg:$0x1] =	wrdreg $0xFFFFFFFF  }
0xaf: {  	[dreg:$0x0] =	wrdreg $0x60  }
0xb0: {  	[dreg:$0x2] =	wrdreg s2  }
0xb1: {  	[dreg:$0x3] =	wrdreg s19  }
0xb2: {  	[dreg:$0x4] =	wrdreg s4  }
0xb3: {  	[dreg:$0x5] =	wrdreg $0x9  }
0xb4: {  	_ =	task.clear_ibuf [dreg:s9], $0x6FFFF;
	_ =	strace $0x90000046  }
0xb5: {  	s29 =	simm.s32 $0x9;
	_ =	strace $0x80000048  }
0xb6: {  	_ =	swait.ge [sflag:s29], $0x1  }
0xb7: {  	[sflag:s29] =	ssyncadd.s32 $0xFFFFFFFF  }
0xb8: {  	_ =	strace $0x90000048  }
0xb9: {  	_ =	sfence  }
0xba: {  	s30 =	sld [smem:$0x0];
	_ =	sdelay $0x2  }
0xbb: {  	s31 =	sshll.u32 s1, $0xD;
	s1 =	sshrl.u32 s1, $0x2  }
0xbc: {  	s3 =	sand.u32 $0x4000, s31;
	s1 =	sadd.s32 s1, s30  }
0xbd: {  	s0 =	sor.u32 s3, s0;
	s1 =	sshll.u32 s1, $0x11  }
0xbe: {  	s0 =	sor.u32 s1, s0  }
0xbf: {  	s0 =	sadd.s32 $0x8F2B, s0  }
0xc0: {  	[sflag:s0] =	ssyncadd.remote.s32 $0x1  }
0xc1: {  	_ =	sfence.sel $0xFFFF  }
0xc2: {  	[dreg:$0x0] =	wrdreg $0xFFFFFFFF;
	(pc) =	sbr.abs _section_cstart, $3  }
0xc3: {  	[dreg:$0x1] =	wrdreg $0xFFFFFFFF  }
0xc4: {  	_ =	task.clear_ibuf [dreg:s9], $0x2FFFF;
	_ =	strace $0x9FFFFFFF  }
0xc5: {  	(tm) =	ssettm $0x7FFFFFFF  }
tec
execute0_lowered:
.L_overlay_start_1:
0x0: {  	(tag) =	ssettag $0x1  }
0x1: {  	s1 =	rddreg [dreg:$0x0]  }
0x2: {  	s4 =	rddreg [dreg:$0x1]  }
0x3: {  	s5 =	rddreg [dreg:$0x2]  }
0x4: {  	s0 =	rddreg [dreg:$0x3];
	s3 =	simm.s32 $0x0;
	s6 =	srdreg.scid  }
0x5: {  	s2 =	stileid.u32;
	s10 =	simm.s32 $0x1080;
	s11 =	simm.s32 $0x1880  }
0x6: {  	s12 =	simm.s32 $0x1;
	[smem:$0x7FF] =	sst s3;
	s6 =	sand.u32 $0x1, s6  }
0x7: {  	s8 =	sshll.u32 s2, $0x6;
	s7 =	ssub.s32 $0x2, s6;
	s6 =	sshll.u32 s6, $0x5  }
0x8: {  	_ =	strace $0x80000047;
	s9 =	sshrl.u32 s7, $0x1;
	s6 =	sor.u32 s6, s8  }
0x9: {  	v2 =	vlaneseq.u32;
	s7 =	ssub.s32 s7, s9;
	s8 =	sshrl.u32 s6, $0x3;
	s6 =	sshll.u32 s6, $0x5  }
0xa: {  	vm0 =	vmmov $0xffff;
	v1 =	vshrl.u32 v2, $0x3;
	s9 =	simm.s32 $0x880;
	s4 =	sadd.s32 s4, s8;
	s5 =	sadd.s32 s5, s6  }
0xb: {  	v0 =	vand.u32 $0x7, v2;
	v2 =	vor.u32 $0x8, v2;
	v1 =	vmul.u32 $0x8, v1;
	s6 =	smax.u32 s7, $0x1;
	s7 =	simm.s32 $0x2;
	s8 =	simm.s32 $0x80  }
.LBB2_1:
0xc: {  	[tilespmem:s3], [sflag:$0x2] =	stream.linear.gather [hbm4b:s4+s3], $0x20, $0x38;
	[tilespmem:$0x2080] =	vst v63  }
0xd: {  	_ =	swait.ge [sflag:s7], $0x20  }
0xe: {  	[sflag:s7] =	ssyncset.done $0x0  }
0xf: {  	[sflag:s7] =	ssyncadd.s32 $0xFFFFFFE0  }
0x10: {  	v3 =	vld [tilespmem:$0x0];
	_ =	sdelay $0x4  }
0x11: {  	v4 =	vshll.u32 v3, $0x1  }
0x12: {  	v3 =	vand.u32 $0x7, v3;
	v4 =	vand.u32 $0xFFFFFFF0, v4  }
0x13: {  	v3 =	vor.u32 v3, v4  }
0x14: {  	v4 =	vperm.xlane v3, v0;
	_ =	sdelay $0x1  }
0x15: {  	v3 =	vperm.xlane v3, v2;
	v4 =	vadd.s32 v1, v4;
	_ =	sdelay $0x1  }
0x16: {  	v3 =	vadd.s32 v1, v3;
	_ =	sdelay $0x2  }
0x17: {  	[tilespmem:s8], [sflag:$0x1] =	stream.indirect_vreg.gather [hbm4b:s1+s3], $0x80, v4, vm0, $0xb8;
	[tilespmem:$0x2080] =	vst v63  }
0x18: {  	_ = 	snop  }
0x19: {  	[tilespmem:s9], [sflag:$0x1] =	stream.indirect_vreg.gather [hbm4b:s1+s3], $0x80, v3, vm0, $0xb8;
	[tilespmem:$0x2080] =	vst v63  }
0x1a: {  	v3 =	vld [tilespmem:$0x10];
	_ =	sdelay $0x4  }
0x1b: {  	v63 =	vshll.u32 v3, $0x1  }
0x1c: {  	v3 =	vand.u32 $0x7, v3;
	v4 =	vand.u32 $0xFFFFFFF0, v63  }
0x1d: {  	v3 =	vor.u32 v3, v4  }
0x1e: {  	v4 =	vperm.xlane v3, v0;
	_ =	sdelay $0x1  }
0x1f: {  	v3 =	vperm.xlane v3, v2;
	v4 =	vadd.s32 v1, v4;
	_ =	sdelay $0x1  }
0x20: {  	v3 =	vadd.s32 v1, v3;
	_ =	sdelay $0x2  }
0x21: {  	[tilespmem:s10], [sflag:$0x1] =	stream.indirect_vreg.gather [hbm4b:s1+s3], $0x80, v4, vm0, $0xb8;
	[tilespmem:$0x2080] =	vst v63  }
0x22: {  	_ = 	snop  }
0x23: {  	[tilespmem:s11], [sflag:$0x1] =	stream.indirect_vreg.gather [hbm4b:s1+s3], $0x80, v3, vm0, $0xb8;
	[tilespmem:$0x2080] =	vst v63  }
0x24: {  	_ =	swait.ge [sflag:s12], $0x2000  }
0x25: {  	p0 =	sne.s32 s6, $0x1;
	[sflag:s12] =	ssyncset.done $0x0  }
.Ltmp0:
0x26: {  	[sflag:s12] =	ssyncadd.s32 $0xFFFFE000;
	(pc) =	sbr.rel @p0 .LBB2_1-.Ltmp0, $4  }
0x27: {  	[hbm4b:s5+s3] =	stream.linear.scatter [tilespmem:s8], [sflag:$0x2], $0x2000, $0x38;
	[tilespmem:$0x2080] =	vst v63  }
0x28: {  	_ =	swait.ge [sflag:s7], $0x2000  }
0x29: {  	[sflag:s7] =	ssyncset.done $0x0  }
0x2a: {  	s6 =	sadd.s32 $0xFFFFFFFF, s6;
	[sflag:s7] =	ssyncadd.s32 $0xFFFFE000  }
0x2b: {  	_ =	sfence.sel $0x180000  }
0x2c: {  	[bflag:$0x0] =	sbarrier.arrive $0xFFFF  }
0x2d: {  	p0 =	sne.s32 s2, $0x0;
	_ =	strace $0x90000047  }
0x2e: {  	s0 =	sadd.s32 @!p0 $0x100000, s0;
	[bflag:$0x2] =	sbarrier.arrive $0xFFFF  }
0x2f: {  	[sflag:s0] =	ssyncadd.tile.s32 @!p0 $0x1;
	_ =	shalt  }
.Lfunc_end2:
_tile_overlayer_lowered:
.L_overlay_start_2:
0x30: {  	(tag) =	ssettag $0x2  }
0x31: {  	s0 =	rddreg [dreg:$0x0];
	s2 =	stileid.u32  }
0x32: {  	s1 =	rddreg [dreg:$0x1];
	p0 =	sne.s32 s2, $0x0  }
0x33: {  	s3 =	rddreg [dreg:$0x2];
	[bflag:$0x3] =	sbarrier.arrive $0xFFFF;
	s2 =	simm.s32 @!p0 $0x1C02  }
0x34: {  	[timem:s3], [sflag:s2] =	dma.local @!p0 [hbm:s0], s1  }
0x35: {  	s0 =	simm.s32 @!p0 $0x2  }
0x36: {  	_ =	swait.ge @!p0 [sflag:s0], s1  }
0x37: {  	s1 =	ssub.s32 @!p0 $0x0, s1;
	[sflag:s0] =	ssyncset.done @!p0 $0x0  }
0x38: {  	[sflag:s0] =	ssyncadd.s32 @!p0 s1  }
0x39: {  	[bflag:$0x3] =	sbarrier.arrive $0xFFFF  }
0x3a: {  	_ =	shalt  }

</sc_bundles>
